<compile_context>
chip_gen: v7x
topology: tpu7x:2x2x1
jax: 0.10.2.dev20260603
libtpu: 0.0.44.dev20260713+nightly
codegen_flags: <defaults>
</compile_context>

<pallas_src>
import functools

import jax
import jax.numpy as jnp
from jax import lax
from jax.experimental import pallas as pl
from jax.experimental.pallas import tpu as pltpu
from jax.experimental.pallas import tpu_sc as plsc

NC = 2
NS = 16
NW = NC * NS
LANES = 16

CH = 16
NBUF = 2
NACC = 2


def _sc_gather_reduce(idx_flat, pw, feats, n_pad, R, L, c_chunks):
  D = feats.shape[1]
  rpc = CH * R
  n_dc = D // LANES
  mesh = plsc.VectorSubcoreMesh(
      core_axis_name="c", subcore_axis_name="s",
      num_cores=NC, num_subcores=NS)

  @functools.partial(
      pl.kernel,
      out_type=jax.ShapeDtypeStruct((n_pad, D), jnp.float32),
      mesh=mesh,
      scratch_types=[
          pltpu.VMEM((L, D), jnp.float32),
          [pltpu.VMEM((rpc,), jnp.int32)] * NBUF,
          [pltpu.VMEM((rpc, D), jnp.float32)] * NBUF,
          [pltpu.VMEM((CH, D), jnp.float32)] * NACC,
          [pltpu.SemaphoreType.DMA] * NBUF,
          [pltpu.SemaphoreType.DMA] * NBUF,
          pltpu.SemaphoreType.DMA,
      ],
  )
  def sc_kernel(idx_hbm, pw_hbm, feats_hbm, acc_hbm,
                pw_v, idxs, rows, accs, isems, gsems, ssem):
    cid = lax.axis_index("c")
    sid = lax.axis_index("s")
    c0, c1 = c_chunks
    base_chunk = jnp.where(cid == 0, sid * c0, NS * c0 + sid * c1)
    my_chunks = jnp.where(cid == 0, c0, c1)
    n_outer = my_chunks // NBUF
    base_node = base_chunk * CH
    pltpu.sync_copy(pw_hbm, pw_v)

    def idx_load(c, b):
      return pltpu.make_async_copy(
          idx_hbm.at[pl.ds((base_chunk + c) * CH * R, rpc)], idxs[b], isems[b])

    def idx_start(c, b):
      idx_load(c, b).start()

    def idx_wait(c, b):
      idx_load(c, b).wait()

    def gather(b):
      return pltpu.make_async_copy(
          feats_hbm.at[idxs[b]], rows[b], gsems[b])

    def store(c, a):
      return pltpu.make_async_copy(
          accs[a], acc_hbm.at[pl.ds(base_node + c * CH, CH), :], ssem)

    for b in range(NBUF):
      idx_start(b, b)
    idx_wait(0, 0)
    gather(0).start()

    def outer(i, carry):
      for b in range(NBUF):
        j = i * NBUF + b
        b2 = (b + 1) % NBUF
        a = b % NACC
        gather(b).wait()
        @pl.when(i < n_outer - 1)
        def _refill():
          idx_start(j + NBUF, b)
        if b == 0:
          idx_wait(j + 1, b2)
          gather(b2).start()
        else:
          @pl.when(i < n_outer - 1)
          def _fire():
            idx_wait(j + 1, b2)
            gather(b2).start()
        @pl.when(i > 0)
        def _drain():
          store(j - NACC, a).wait()

        for dc in range(n_dc):
          dsl = pl.ds(dc * LANES, LANES)
          w_regs = [pw_v[l, dsl] for l in range(L)]

          def t_body(t, c2, _b=b, _a=a, _dsl=dsl, _w=w_regs):
            r0 = t * R
            x = rows[_b][r0, _dsl] * _w[0]
            for r in range(1, R):
              x = x + rows[_b][r0 + r, _dsl] * _w[r % L]
            accs[_a][t, _dsl] = x
            return c2

          lax.fori_loop(0, CH, t_body, 0)

        store(j, a).start()
      return carry

    lax.fori_loop(0, n_outer, outer, 0)
    for b in range(NACC):
      store(my_chunks - NACC + b, b).wait()

  return sc_kernel(idx_flat, pw, feats)


def _tc_matmul_relu(acc, wt, n_out):
  D = wt.shape[0]
  blk = 2000
  grid = n_out // blk

  def mm_body(x_ref, wt_ref, o_ref):
    o_ref[...] = jnp.maximum(
        jnp.dot(x_ref[...], wt_ref[...], preferred_element_type=jnp.float32),
        0.0)

  return pl.pallas_call(
      mm_body,
      grid=(grid,),
      in_specs=[
          pl.BlockSpec((blk, D), lambda i: (i, 0)),
          pl.BlockSpec((D, D), lambda i: (0, 0)),
      ],
      out_specs=pl.BlockSpec((blk, D), lambda i: (i, 0)),
      out_shape=jax.ShapeDtypeStruct((n_out, D), jnp.float32),
  )(acc, wt)


def kernel(feats, paths, init_feats, flag, path_weight1, path_weight2, W):
  del init_feats
  N, D = feats.shape
  P, _, L = paths.shape
  R = P * L

  if path_weight1.shape[1] == L:
    pw = jnp.where(flag == 1, path_weight1,
                   path_weight1 + 0.0 * path_weight2.sum())
  else:
    pw = jnp.where(flag == 1, path_weight2,
                   path_weight2 + 0.0 * path_weight1.sum())
  pw = (pw[0] * (1.0 / P)).astype(jnp.float32)

  total_chunks = -(-(-(-N // (NS * CH))) // NBUF) * NBUF
  c0 = (total_chunks * 119 // 200) // NBUF * NBUF
  c1 = total_chunks - c0
  n_pad = NS * total_chunks * CH

  idx = jnp.transpose(paths, (1, 0, 2)).reshape(N, R)
  idx = jnp.pad(idx, ((0, n_pad - N), (0, 0)))
  idx_flat = idx.reshape(-1)

  acc = _sc_gather_reduce(idx_flat, pw, feats, n_pad, R, L, (c0, c1))
  return _tc_matmul_relu(acc, W.T, N)

# --- scband reference (transcript-rebuilt; emitter-appended) ---
"""Pipeline reference for scband-path-gcnlayer-81449759801398 (READ-ONLY COPY).

The authoritative reference and input builder live on the scoring server;
editing this copy changes nothing except your own understanding.
"""

import jax, jax.numpy as jnp
import numpy as np

N = 50000
D = 128
P = 2
L1 = 4
L2 = 6

def setup_inputs(seed: int = 0) -> dict:
    key = jax.random.key(seed)
    k1, k2, k3, k4, k5, k6 = jax.random.split(key, 6)
    feats = jax.random.normal(k1, (N, D), dtype=jnp.float32)
    paths = jax.random.randint(k2, (P, N, L1), 0, N, dtype=jnp.int32)
    init_feats = jax.random.normal(k3, (N, D), dtype=jnp.float32)
    # learned parameters (xavier_normal-ish scaling)
    path_weight1 = jax.random.normal(k4, (1, L1, D), dtype=jnp.float32) * (1.414 * (2.0 / (L1 + D)) ** 0.5)
    path_weight2 = jax.random.normal(k5, (1, L2, D), dtype=jnp.float32) * (1.414 * (2.0 / (L2 + D)) ** 0.5)
    W = jax.random.normal(k6, (D, D), dtype=jnp.float32) * (1.414 * (2.0 / (D + D)) ** 0.5)
    return {
        "feats": feats,
        "paths": paths,
        "init_feats": init_feats,
        "flag": 1,
        "path_weight1": path_weight1,
        "path_weight2": path_weight2,
        "W": W,
    }

def reference(feats, paths, init_feats, flag, path_weight1, path_weight2, W):
    # feats: (N, D); paths: (P, N, L); path_weight*: (1, L, D); W: (D, D) for fc (no bias)
    if path_weight1.shape[1] == paths.shape[-1]:
        pw = jnp.where(flag == 1, path_weight1,
                       path_weight1 + 0.0 * path_weight2.sum())
    else:
        pw = jnp.where(flag == 1, path_weight2,
                       path_weight2 + 0.0 * path_weight1.sum())
    # gather: feats[paths] -> (P, N, L, D)
    gathered = jnp.take(feats, paths, axis=0)
    # per-path weighted sum over path positions, then mean over paths
    per_path = (gathered * pw[None]).sum(axis=2)  # (P, N, D)
    results = per_path.mean(axis=0)               # (N, D)
    out = results @ W.T
    return jax.nn.relu(out)

if __name__ == "__main__":
    import jax
    _d = setup_inputs()
    print(jax.jit(kernel)(*tuple(_d.values())))

</pallas_src>

<mosaic_0001>
#map = affine_map<(d0, d1) -> (0)>
#map1 = affine_map<(d0, d1) -> (0, 0)>
module attributes {stable_mosaic.version = 14 : i64} {
  func.func @sc_kernel(%arg0: i32, %arg1: i32, %arg2: memref<401408xi32, #tpu.memory_space<hbm>>, %arg3: memref<4x128xf32, #tpu.memory_space<hbm>>, %arg4: memref<50000x128xf32, #tpu.memory_space<hbm>>, %arg5: memref<50176x128xf32, #tpu.memory_space<hbm>>, %arg6: memref<4x128xf32, #tpu.memory_space<vmem>>, %arg7: memref<128xi32, #tpu.memory_space<vmem>>, %arg8: memref<128xi32, #tpu.memory_space<vmem>>, %arg9: memref<128x128xf32, #tpu.memory_space<vmem>>, %arg10: memref<128x128xf32, #tpu.memory_space<vmem>>, %arg11: memref<16x128xf32, #tpu.memory_space<vmem>>, %arg12: memref<16x128xf32, #tpu.memory_space<vmem>>, %arg13: memref<!tpu.dma_semaphore, #tpu.memory_space<semaphore_mem>>, %arg14: memref<!tpu.dma_semaphore, #tpu.memory_space<semaphore_mem>>, %arg15: memref<!tpu.dma_semaphore, #tpu.memory_space<semaphore_mem>>, %arg16: memref<!tpu.dma_semaphore, #tpu.memory_space<semaphore_mem>>, %arg17: memref<!tpu.dma_semaphore, #tpu.memory_space<semaphore_mem>>) attributes {dimension_semantics = [#tpu.dimension_semantics<core_parallel>, #tpu.dimension_semantics<subcore_parallel>], iteration_bounds = array<i64: 2, 16>, scalar_prefetch = 0 : i64, scratch_operands = 12 : i64, tpu.core_type = #tpu.core_type<sc_vector_subcore>, window_params = [{transform_indices = #map}, {transform_indices = #map1}, {transform_indices = #map1}, {transform_indices = #map1}]} {
    %eq3A = arith.constant 0 : i32
    %eq3A_0 = arith.cmpi eq, %arg0, %eq3A : i32
    %mul3A = arith.constant 116 : i32
    %mul3A_1 = arith.muli %arg1, %mul3A : i32
    %mul3A_2 = arith.constant 80 : i32
    %mul3A_3 = arith.muli %arg1, %mul3A_2 : i32
    %add3A = arith.constant 1856 : i32
    %add3A_4 = arith.addi %add3A, %mul3A_3 : i32
    %select_n3A = arith.select %eq3A_0, %mul3A_1, %add3A_4 : i32
    %eq3A_5 = arith.constant 0 : i32
    %eq3A_6 = arith.cmpi eq, %arg0, %eq3A_5 : i32
    %jit3A = arith.constant 116 : i32
    %jit3A_7 = arith.constant 80 : i32
    %select_n3A_8 = arith.select %eq3A_6, %jit3A, %jit3A_7 : i32
    %jit3A_9 = arith.constant 2 : i32
    %div3A = arith.divsi %select_n3A_8, %jit3A_9 : i32
    %sign3A = arith.constant 0 : i32
    %sign3A_10 = arith.cmpi sgt, %select_n3A_8, %sign3A : i32
    %sign3A_11 = arith.extui %sign3A_10 : i1 to i32
    %sign3A_12 = arith.constant 0 : i32
    %sign3A_13 = arith.cmpi slt, %select_n3A_8, %sign3A_12 : i32
    %sign3A_14 = arith.extui %sign3A_13 : i1 to i32
    %sign3A_15 = arith.subi %sign3A_11, %sign3A_14 : i32
    %sign3A_16 = arith.constant 0 : i32
    %sign3A_17 = arith.cmpi sgt, %jit3A_9, %sign3A_16 : i32
    %sign3A_18 = arith.extui %sign3A_17 : i1 to i32
    %sign3A_19 = arith.constant 0 : i32
    %sign3A_20 = arith.cmpi slt, %jit3A_9, %sign3A_19 : i32
    %sign3A_21 = arith.extui %sign3A_20 : i1 to i32
    %sign3A_22 = arith.subi %sign3A_18, %sign3A_21 : i32
    %ne3A = arith.cmpi ne, %sign3A_15, %sign3A_22 : i32
    %rem3A = arith.remsi %select_n3A_8, %jit3A_9 : i32
    %ne3A_23 = arith.constant 0 : i32
    %ne3A_24 = arith.cmpi ne, %rem3A, %ne3A_23 : i32
    %and3A = arith.andi %ne3A, %ne3A_24 : i1
    %sub3A = arith.constant 1 : i32
    %sub3A_25 = arith.subi %div3A, %sub3A : i32
    %select_n3A_26 = arith.select %and3A, %sub3A_25, %div3A : i32
    %mul3A_27 = arith.constant 16 : i32
    %mul3A_28 = arith.muli %select_n3A, %mul3A_27 : i32
    "tpu.region"() ({
      %run_scoped3A = tpu.sem_alloc : memref<!tpu.dma_semaphore, #tpu.memory_space<semaphore_mem>>
      tpu.enqueue_dma source(%arg3 : memref<4x128xf32, #tpu.memory_space<hbm>>) target(%arg6 : memref<4x128xf32, #tpu.memory_space<vmem>>) target_semaphore(%run_scoped3A : memref<!tpu.dma_semaphore, #tpu.memory_space<semaphore_mem>>)
      tpu.wait_dma2 semaphore(%run_scoped3A : memref<!tpu.dma_semaphore, #tpu.memory_space<semaphore_mem>>) src(%arg3 : memref<4x128xf32, #tpu.memory_space<hbm>>) dst(%arg6 : memref<4x128xf32, #tpu.memory_space<vmem>>)
      tpu.yield
    }) : () -> ()
    %add3A_29 = arith.constant 0 : i32
    %add3A_30 = arith.addi %select_n3A, %add3A_29 : i32
    %mul3A_31 = arith.constant 16 : i32
    %mul3A_32 = arith.muli %add3A_30, %mul3A_31 : i32
    %mul3A_33 = arith.constant 8 : i32
    %mul3A_34 = arith.muli %mul3A_32, %mul3A_33 : i32
    %dma_start3A = tpu.memref_slice %arg2[%mul3A_34] : memref<401408xi32, #tpu.memory_space<hbm>> -> memref<128xi32, #tpu.memory_space<hbm>>
    %dma_start3A_35 = tpu.memref_slice %arg2[%mul3A_34] : memref<401408xi32, #tpu.memory_space<hbm>> -> memref<128xi32, #tpu.memory_space<hbm>>
    tpu.enqueue_dma source(%dma_start3A_35 : memref<128xi32, #tpu.memory_space<hbm>>) target(%arg7 : memref<128xi32, #tpu.memory_space<vmem>>) target_semaphore(%arg13 : memref<!tpu.dma_semaphore, #tpu.memory_space<semaphore_mem>>)
    %add3A_36 = arith.constant 1 : i32
    %add3A_37 = arith.addi %select_n3A, %add3A_36 : i32
    %mul3A_38 = arith.constant 16 : i32
    %mul3A_39 = arith.muli %add3A_37, %mul3A_38 : i32
    %mul3A_40 = arith.constant 8 : i32
    %mul3A_41 = arith.muli %mul3A_39, %mul3A_40 : i32
    %dma_start3A_42 = tpu.memref_slice %arg2[%mul3A_41] : memref<401408xi32, #tpu.memory_space<hbm>> -> memref<128xi32, #tpu.memory_space<hbm>>
    %dma_start3A_43 = tpu.memref_slice %arg2[%mul3A_41] : memref<401408xi32, #tpu.memory_space<hbm>> -> memref<128xi32, #tpu.memory_space<hbm>>
    tpu.enqueue_dma source(%dma_start3A_43 : memref<128xi32, #tpu.memory_space<hbm>>) target(%arg8 : memref<128xi32, #tpu.memory_space<vmem>>) target_semaphore(%arg14 : memref<!tpu.dma_semaphore, #tpu.memory_space<semaphore_mem>>)
    %add3A_44 = arith.constant 0 : i32
    %add3A_45 = arith.addi %select_n3A, %add3A_44 : i32
    %mul3A_46 = arith.constant 16 : i32
    %mul3A_47 = arith.muli %add3A_45, %mul3A_46 : i32
    %mul3A_48 = arith.constant 8 : i32
    %mul3A_49 = arith.muli %mul3A_47, %mul3A_48 : i32
    %dma_wait3A = tpu.memref_slice %arg2[%mul3A_49] : memref<401408xi32, #tpu.memory_space<hbm>> -> memref<128xi32, #tpu.memory_space<hbm>>
    %dma_wait3A_50 = tpu.memref_slice %arg2[%mul3A_49] : memref<401408xi32, #tpu.memory_space<hbm>> -> memref<128xi32, #tpu.memory_space<hbm>>
    tpu.wait_dma2 semaphore(%arg13 : memref<!tpu.dma_semaphore, #tpu.memory_space<semaphore_mem>>) src(%dma_wait3A_50 : memref<128xi32, #tpu.memory_space<hbm>>) dst(%arg7 : memref<128xi32, #tpu.memory_space<vmem>>)
    %dma_start3A_51 = arith.constant 0 : i32
    %dma_start3A_52 = arith.constant 0 : i32
    %dma_start3A_53 = tpu.memref_slice %arg4[%dma_start3A_51, %dma_start3A_52] : memref<50000x128xf32, #tpu.memory_space<hbm>> -> memref<50000x128xf32, #tpu.memory_space<hbm>>
    tpu.enqueue_indirect_dma source(%dma_start3A_53 : memref<50000x128xf32, #tpu.memory_space<hbm>>) target(%arg9 : memref<128x128xf32, #tpu.memory_space<vmem>>) offsets(%arg7 : memref<128xi32, #tpu.memory_space<vmem>>) semaphore(%arg15 : memref<!tpu.dma_semaphore, #tpu.memory_space<semaphore_mem>>)
    %while3A = arith.constant 0 : i32
    %while3A_54 = arith.constant 0 : i32
    %while3A_55 = arith.subi %select_n3A_26, %while3A_54 : i32
    %while3A_56 = arith.addi %while3A_54, %while3A_55 : i32
    %while3A_57 = arith.constant 1 : i32
    %while3A_58 = arith.divsi %while3A_55, %while3A_57 : i32
    %while3A_59 = arith.muli %while3A_58, %while3A_57 : i32
    %while3A_60 = arith.addi %while3A_54, %while3A_59 : i32
    %while3A_61 = arith.constant 1 : i32
    scf.for %while3A_85 = %while3A_54 to %while3A_60 step %while3A_61  : i32 {
      %mul3A_86 = arith.constant 2 : i32
      %mul3A_87 = arith.muli %while3A_85, %mul3A_86 : i32
      %add3A_88 = arith.constant 0 : i32
      %add3A_89 = arith.addi %mul3A_87, %add3A_88 : i32
      %dma_wait3A_90 = arith.constant 0 : i32
      %dma_wait3A_91 = arith.constant 0 : i32
      %dma_wait3A_92 = tpu.memref_slice %arg4[%dma_wait3A_90, %dma_wait3A_91] : memref<50000x128xf32, #tpu.memory_space<hbm>> -> memref<50000x128xf32, #tpu.memory_space<hbm>>
      tpu.wait_indirect_dma semaphore(%arg15 : memref<!tpu.dma_semaphore, #tpu.memory_space<semaphore_mem>>) src(%dma_wait3A_92 : memref<50000x128xf32, #tpu.memory_space<hbm>>) dst(%arg9 : memref<128x128xf32, #tpu.memory_space<vmem>>)
      %sub3A_93 = arith.constant 1 : i32
      %sub3A_94 = arith.subi %select_n3A_26, %sub3A_93 : i32
      %lt3A = arith.cmpi slt, %while3A_85, %sub3A_94 : i32
      %convert_element_type3A = arith.extui %lt3A : i1 to i32
      %cond3A = arith.constant 0 : i32
      %cond3A_95 = arith.cmpi ne, %convert_element_type3A, %cond3A : i32
      scf.if %cond3A_95 {
        %add3A_564 = arith.constant 2 : i32
        %add3A_565 = arith.addi %add3A_89, %add3A_564 : i32
        %add3A_566 = arith.addi %select_n3A, %add3A_565 : i32
        %mul3A_567 = arith.constant 16 : i32
        %mul3A_568 = arith.muli %add3A_566, %mul3A_567 : i32
        %mul3A_569 = arith.constant 8 : i32
        %mul3A_570 = arith.muli %mul3A_568, %mul3A_569 : i32
        %dma_start3A_571 = tpu.memref_slice %arg2[%mul3A_570] : memref<401408xi32, #tpu.memory_space<hbm>> -> memref<128xi32, #tpu.memory_space<hbm>>
        %dma_start3A_572 = tpu.memref_slice %arg2[%mul3A_570] : memref<401408xi32, #tpu.memory_space<hbm>> -> memref<128xi32, #tpu.memory_space<hbm>>
        tpu.enqueue_dma source(%dma_start3A_572 : memref<128xi32, #tpu.memory_space<hbm>>) target(%arg7 : memref<128xi32, #tpu.memory_space<vmem>>) target_semaphore(%arg13 : memref<!tpu.dma_semaphore, #tpu.memory_space<semaphore_mem>>)
      } else {
      }
      %add3A_96 = arith.constant 1 : i32
      %add3A_97 = arith.addi %add3A_89, %add3A_96 : i32
      %add3A_98 = arith.addi %select_n3A, %add3A_97 : i32
      %mul3A_99 = arith.constant 16 : i32
      %mul3A_100 = arith.muli %add3A_98, %mul3A_99 : i32
      %mul3A_101 = arith.constant 8 : i32
      %mul3A_102 = arith.muli %mul3A_100, %mul3A_101 : i32
      %dma_wait3A_103 = tpu.memref_slice %arg2[%mul3A_102] : memref<401408xi32, #tpu.memory_space<hbm>> -> memref<128xi32, #tpu.memory_space<hbm>>
      %dma_wait3A_104 = tpu.memref_slice %arg2[%mul3A_102] : memref<401408xi32, #tpu.memory_space<hbm>> -> memref<128xi32, #tpu.memory_space<hbm>>
      tpu.wait_dma2 semaphore(%arg14 : memref<!tpu.dma_semaphore, #tpu.memory_space<semaphore_mem>>) src(%dma_wait3A_104 : memref<128xi32, #tpu.memory_space<hbm>>) dst(%arg8 : memref<128xi32, #tpu.memory_space<vmem>>)
      %dma_start3A_105 = arith.constant 0 : i32
      %dma_start3A_106 = arith.constant 0 : i32
      %dma_start3A_107 = tpu.memref_slice %arg4[%dma_start3A_105, %dma_start3A_106] : memref<50000x128xf32, #tpu.memory_space<hbm>> -> memref<50000x128xf32, #tpu.memory_space<hbm>>
      tpu.enqueue_indirect_dma source(%dma_start3A_107 : memref<50000x128xf32, #tpu.memory_space<hbm>>) target(%arg10 : memref<128x128xf32, #tpu.memory_space<vmem>>) offsets(%arg8 : memref<128xi32, #tpu.memory_space<vmem>>) semaphore(%arg16 : memref<!tpu.dma_semaphore, #tpu.memory_space<semaphore_mem>>)
      %gt3A = arith.constant 0 : i32
      %gt3A_108 = arith.cmpi sgt, %while3A_85, %gt3A : i32
      %convert_element_type3A_109 = arith.extui %gt3A_108 : i1 to i32
      %cond3A_110 = arith.constant 0 : i32
      %cond3A_111 = arith.cmpi ne, %convert_element_type3A_109, %cond3A_110 : i32
      scf.if %cond3A_111 {
        %sub3A_564 = arith.constant 2 : i32
        %sub3A_565 = arith.subi %add3A_89, %sub3A_564 : i32
        %mul3A_566 = arith.constant 16 : i32
        %mul3A_567 = arith.muli %sub3A_565, %mul3A_566 : i32
        %add3A_568 = arith.addi %mul3A_28, %mul3A_567 : i32
        %dma_wait3A_569 = arith.constant 0 : i32
        %dma_wait3A_570 = tpu.memref_slice %arg5[%add3A_568, %dma_wait3A_569] : memref<50176x128xf32, #tpu.memory_space<hbm>> -> memref<16x128xf32, #tpu.memory_space<hbm>>
        %dma_wait3A_571 = arith.constant 0 : i32
        %dma_wait3A_572 = tpu.memref_slice %arg5[%add3A_568, %dma_wait3A_571] : memref<50176x128xf32, #tpu.memory_space<hbm>> -> memref<16x128xf32, #tpu.memory_space<hbm>>
        tpu.wait_dma2 semaphore(%arg17 : memref<!tpu.dma_semaphore, #tpu.memory_space<semaphore_mem>>) src(%arg11 : memref<16x128xf32, #tpu.memory_space<vmem>>) dst(%dma_wait3A_572 : memref<16x128xf32, #tpu.memory_space<hbm>>)
      } else {
      }
      %get3A = arith.constant 0 : i32
      %get3A_112 = arith.index_cast %get3A : i32 to index
      %get3A_113 = arith.constant 0 : index
      %get3A_114 = tpu.vector_load %arg6[%get3A_112, %get3A_113] {strides = array<i32>} : memref<4x128xf32, #tpu.memory_space<vmem>>, vector<1x16xf32>,
      %get3A_115 = vector.shape_cast %get3A_114 : vector<1x16xf32> to vector<16xf32>
      %get3A_116 = arith.constant 1 : i32
      %get3A_117 = arith.index_cast %get3A_116 : i32 to index
      %get3A_118 = arith.constant 0 : index
      %get3A_119 = tpu.vector_load %arg6[%get3A_117, %get3A_118] {strides = array<i32>} : memref<4x128xf32, #tpu.memory_space<vmem>>, vector<1x16xf32>,
      %get3A_120 = vector.shape_cast %get3A_119 : vector<1x16xf32> to vector<16xf32>
      %get3A_121 = arith.constant 2 : i32
      %get3A_122 = arith.index_cast %get3A_121 : i32 to index
      %get3A_123 = arith.constant 0 : index
      %get3A_124 = tpu.vector_load %arg6[%get3A_122, %get3A_123] {strides = array<i32>} : memref<4x128xf32, #tpu.memory_space<vmem>>, vector<1x16xf32>,
      %get3A_125 = vector.shape_cast %get3A_124 : vector<1x16xf32> to vector<16xf32>
      %get3A_126 = arith.constant 3 : i32
      %get3A_127 = arith.index_cast %get3A_126 : i32 to index
      %get3A_128 = arith.constant 0 : index
      %get3A_129 = tpu.vector_load %arg6[%get3A_127, %get3A_128] {strides = array<i32>} : memref<4x128xf32, #tpu.memory_space<vmem>>, vector<1x16xf32>,
      %get3A_130 = vector.shape_cast %get3A_129 : vector<1x16xf32> to vector<16xf32>
      %scan3A = arith.constant 0 : i32
      %scan3A_131 = arith.constant 0 : i32
      %scan3A_132 = arith.constant 16 : i32
      %scan3A_133 = arith.addi %scan3A_131, %scan3A_132 : i32
      %scan3A_134 = arith.constant 1 : i32
      scf.for %scan3A_564 = %scan3A_131 to %scan3A_133 step %scan3A_134  : i32 {
        %mul3A_565 = arith.constant 8 : i32
        %mul3A_566 = arith.muli %scan3A_564, %mul3A_565 : i32
        %get3A_567 = arith.index_cast %mul3A_566 : i32 to index
        %get3A_568 = arith.constant 0 : index
        %get3A_569 = tpu.vector_load %arg9[%get3A_567, %get3A_568] {strides = array<i32>} : memref<128x128xf32, #tpu.memory_space<vmem>>, vector<1x16xf32>,
        %get3A_570 = vector.shape_cast %get3A_569 : vector<1x16xf32> to vector<16xf32>
        %mul3A_571 = arith.mulf %get3A_570, %get3A_115 : vector<16xf32>
        %add3A_572 = arith.constant 1 : i32
        %add3A_573 = arith.addi %mul3A_566, %add3A_572 : i32
        %get3A_574 = arith.index_cast %add3A_573 : i32 to index
        %get3A_575 = arith.constant 0 : index
        %get3A_576 = tpu.vector_load %arg9[%get3A_574, %get3A_575] {strides = array<i32>} : memref<128x128xf32, #tpu.memory_space<vmem>>, vector<1x16xf32>,
        %get3A_577 = vector.shape_cast %get3A_576 : vector<1x16xf32> to vector<16xf32>
        %mul3A_578 = arith.mulf %get3A_577, %get3A_120 : vector<16xf32>
        %add3A_579 = arith.addf %mul3A_571, %mul3A_578 : vector<16xf32>
        %add3A_580 = arith.constant 2 : i32
        %add3A_581 = arith.addi %mul3A_566, %add3A_580 : i32
        %get3A_582 = arith.index_cast %add3A_581 : i32 to index
        %get3A_583 = arith.constant 0 : index
        %get3A_584 = tpu.vector_load %arg9[%get3A_582, %get3A_583] {strides = array<i32>} : memref<128x128xf32, #tpu.memory_space<vmem>>, vector<1x16xf32>,
        %get3A_585 = vector.shape_cast %get3A_584 : vector<1x16xf32> to vector<16xf32>
        %mul3A_586 = arith.mulf %get3A_585, %get3A_125 : vector<16xf32>
        %add3A_587 = arith.addf %add3A_579, %mul3A_586 : vector<16xf32>
        %add3A_588 = arith.constant 3 : i32
        %add3A_589 = arith.addi %mul3A_566, %add3A_588 : i32
        %get3A_590 = arith.index_cast %add3A_589 : i32 to index
        %get3A_591 = arith.constant 0 : index
        %get3A_592 = tpu.vector_load %arg9[%get3A_590, %get3A_591] {strides = array<i32>} : memref<128x128xf32, #tpu.memory_space<vmem>>, vector<1x16xf32>,
        %get3A_593 = vector.shape_cast %get3A_592 : vector<1x16xf32> to vector<16xf32>
        %mul3A_594 = arith.mulf %get3A_593, %get3A_130 : vector<16xf32>
        %add3A_595 = arith.addf %add3A_587, %mul3A_594 : vector<16xf32>
        %add3A_596 = arith.constant 4 : i32
        %add3A_597 = arith.addi %mul3A_566, %add3A_596 : i32
        %get3A_598 = arith.index_cast %add3A_597 : i32 to index
        %get3A_599 = arith.constant 0 : index
        %get3A_600 = tpu.vector_load %arg9[%get3A_598, %get3A_599] {strides = array<i32>} : memref<128x128xf32, #tpu.memory_space<vmem>>, vector<1x16xf32>,
        %get3A_601 = vector.shape_cast %get3A_600 : vector<1x16xf32> to vector<16xf32>
        %mul3A_602 = arith.mulf %get3A_601, %get3A_115 : vector<16xf32>
        %add3A_603 = arith.addf %add3A_595, %mul3A_602 : vector<16xf32>
        %add3A_604 = arith.constant 5 : i32
        %add3A_605 = arith.addi %mul3A_566, %add3A_604 : i32
        %get3A_606 = arith.index_cast %add3A_605 : i32 to index
        %get3A_607 = arith.constant 0 : index
        %get3A_608 = tpu.vector_load %arg9[%get3A_606, %get3A_607] {strides = array<i32>} : memref<128x128xf32, #tpu.memory_space<vmem>>, vector<1x16xf32>,
        %get3A_609 = vector.shape_cast %get3A_608 : vector<1x16xf32> to vector<16xf32>
        %mul3A_610 = arith.mulf %get3A_609, %get3A_120 : vector<16xf32>
        %add3A_611 = arith.addf %add3A_603, %mul3A_610 : vector<16xf32>
        %add3A_612 = arith.constant 6 : i32
        %add3A_613 = arith.addi %mul3A_566, %add3A_612 : i32
        %get3A_614 = arith.index_cast %add3A_613 : i32 to index
        %get3A_615 = arith.constant 0 : index
        %get3A_616 = tpu.vector_load %arg9[%get3A_614, %get3A_615] {strides = array<i32>} : memref<128x128xf32, #tpu.memory_space<vmem>>, vector<1x16xf32>,
        %get3A_617 = vector.shape_cast %get3A_616 : vector<1x16xf32> to vector<16xf32>
        %mul3A_618 = arith.mulf %get3A_617, %get3A_125 : vector<16xf32>
        %add3A_619 = arith.addf %add3A_611, %mul3A_618 : vector<16xf32>
        %add3A_620 = arith.constant 7 : i32
        %add3A_621 = arith.addi %mul3A_566, %add3A_620 : i32
        %get3A_622 = arith.index_cast %add3A_621 : i32 to index
        %get3A_623 = arith.constant 0 : index
        %get3A_624 = tpu.vector_load %arg9[%get3A_622, %get3A_623] {strides = array<i32>} : memref<128x128xf32, #tpu.memory_space<vmem>>, vector<1x16xf32>,
        %get3A_625 = vector.shape_cast %get3A_624 : vector<1x16xf32> to vector<16xf32>
        %mul3A_626 = arith.mulf %get3A_625, %get3A_130 : vector<16xf32>
        %add3A_627 = arith.addf %add3A_619, %mul3A_626 : vector<16xf32>
        %swap3A = arith.index_cast %scan3A_564 : i32 to index
        %swap3A_628 = arith.constant 0 : index
        %swap3A_629 = tpu.vector_load %arg11[%swap3A, %swap3A_628] {strides = array<i32>} : memref<16x128xf32, #tpu.memory_space<vmem>>, vector<1x16xf32>,
        %swap3A_630 = vector.shape_cast %swap3A_629 : vector<1x16xf32> to vector<16xf32>
        %swap3A_631 = vector.shape_cast %add3A_627 : vector<16xf32> to vector<1x16xf32>
        tpu.vector_store %arg11[%swap3A, %swap3A_628], %swap3A_631 {strides = array<i32>} : memref<16x128xf32, #tpu.memory_space<vmem>>, vector<1x16xf32>,
      }
      %scan3A_135 = arith.constant 16 : i32
      %get3A_136 = arith.constant 0 : i32
      %get3A_137 = arith.index_cast %get3A_136 : i32 to index
      %get3A_138 = arith.constant 16 : index
      %get3A_139 = tpu.vector_load %arg6[%get3A_137, %get3A_138] {strides = array<i32>} : memref<4x128xf32, #tpu.memory_space<vmem>>, vector<1x16xf32>,
      %get3A_140 = vector.shape_cast %get3A_139 : vector<1x16xf32> to vector<16xf32>
      %get3A_141 = arith.constant 1 : i32
      %get3A_142 = arith.index_cast %get3A_141 : i32 to index
      %get3A_143 = arith.constant 16 : index
      %get3A_144 = tpu.vector_load %arg6[%get3A_142, %get3A_143] {strides = array<i32>} : memref<4x128xf32, #tpu.memory_space<vmem>>, vector<1x16xf32>,
      %get3A_145 = vector.shape_cast %get3A_144 : vector<1x16xf32> to vector<16xf32>
      %get3A_146 = arith.constant 2 : i32
      %get3A_147 = arith.index_cast %get3A_146 : i32 to index
      %get3A_148 = arith.constant 16 : index
      %get3A_149 = tpu.vector_load %arg6[%get3A_147, %get3A_148] {strides = array<i32>} : memref<4x128xf32, #tpu.memory_space<vmem>>, vector<1x16xf32>,
      %get3A_150 = vector.shape_cast %get3A_149 : vector<1x16xf32> to vector<16xf32>
      %get3A_151 = arith.constant 3 : i32
      %get3A_152 = arith.index_cast %get3A_151 : i32 to index
      %get3A_153 = arith.constant 16 : index
      %get3A_154 = tpu.vector_load %arg6[%get3A_152, %get3A_153] {strides = array<i32>} : memref<4x128xf32, #tpu.memory_space<vmem>>, vector<1x16xf32>,
      %get3A_155 = vector.shape_cast %get3A_154 : vector<1x16xf32> to vector<16xf32>
      %scan3A_156 = arith.constant 0 : i32
      %scan3A_157 = arith.constant 0 : i32
      %scan3A_158 = arith.constant 16 : i32
      %scan3A_159 = arith.addi %scan3A_157, %scan3A_158 : i32
      %scan3A_160 = arith.constant 1 : i32
      scf.for %scan3A_564 = %scan3A_157 to %scan3A_159 step %scan3A_160  : i32 {
        %mul3A_565 = arith.constant 8 : i32
        %mul3A_566 = arith.muli %scan3A_564, %mul3A_565 : i32
        %get3A_567 = arith.index_cast %mul3A_566 : i32 to index
        %get3A_568 = arith.constant 16 : index
        %get3A_569 = tpu.vector_load %arg9[%get3A_567, %get3A_568] {strides = array<i32>} : memref<128x128xf32, #tpu.memory_space<vmem>>, vector<1x16xf32>,
        %get3A_570 = vector.shape_cast %get3A_569 : vector<1x16xf32> to vector<16xf32>
        %mul3A_571 = arith.mulf %get3A_570, %get3A_140 : vector<16xf32>
        %add3A_572 = arith.constant 1 : i32
        %add3A_573 = arith.addi %mul3A_566, %add3A_572 : i32
        %get3A_574 = arith.index_cast %add3A_573 : i32 to index
        %get3A_575 = arith.constant 16 : index
        %get3A_576 = tpu.vector_load %arg9[%get3A_574, %get3A_575] {strides = array<i32>} : memref<128x128xf32, #tpu.memory_space<vmem>>, vector<1x16xf32>,
        %get3A_577 = vector.shape_cast %get3A_576 : vector<1x16xf32> to vector<16xf32>
        %mul3A_578 = arith.mulf %get3A_577, %get3A_145 : vector<16xf32>
        %add3A_579 = arith.addf %mul3A_571, %mul3A_578 : vector<16xf32>
        %add3A_580 = arith.constant 2 : i32
        %add3A_581 = arith.addi %mul3A_566, %add3A_580 : i32
        %get3A_582 = arith.index_cast %add3A_581 : i32 to index
        %get3A_583 = arith.constant 16 : index
        %get3A_584 = tpu.vector_load %arg9[%get3A_582, %get3A_583] {strides = array<i32>} : memref<128x128xf32, #tpu.memory_space<vmem>>, vector<1x16xf32>,
        %get3A_585 = vector.shape_cast %get3A_584 : vector<1x16xf32> to vector<16xf32>
        %mul3A_586 = arith.mulf %get3A_585, %get3A_150 : vector<16xf32>
        %add3A_587 = arith.addf %add3A_579, %mul3A_586 : vector<16xf32>
        %add3A_588 = arith.constant 3 : i32
        %add3A_589 = arith.addi %mul3A_566, %add3A_588 : i32
        %get3A_590 = arith.index_cast %add3A_589 : i32 to index
        %get3A_591 = arith.constant 16 : index
        %get3A_592 = tpu.vector_load %arg9[%get3A_590, %get3A_591] {strides = array<i32>} : memref<128x128xf32, #tpu.memory_space<vmem>>, vector<1x16xf32>,
        %get3A_593 = vector.shape_cast %get3A_592 : vector<1x16xf32> to vector<16xf32>
        %mul3A_594 = arith.mulf %get3A_593, %get3A_155 : vector<16xf32>
        %add3A_595 = arith.addf %add3A_587, %mul3A_594 : vector<16xf32>
        %add3A_596 = arith.constant 4 : i32
        %add3A_597 = arith.addi %mul3A_566, %add3A_596 : i32
        %get3A_598 = arith.index_cast %add3A_597 : i32 to index
        %get3A_599 = arith.constant 16 : index
        %get3A_600 = tpu.vector_load %arg9[%get3A_598, %get3A_599] {strides = array<i32>} : memref<128x128xf32, #tpu.memory_space<vmem>>, vector<1x16xf32>,
        %get3A_601 = vector.shape_cast %get3A_600 : vector<1x16xf32> to vector<16xf32>
        %mul3A_602 = arith.mulf %get3A_601, %get3A_140 : vector<16xf32>
        %add3A_603 = arith.addf %add3A_595, %mul3A_602 : vector<16xf32>
        %add3A_604 = arith.constant 5 : i32
        %add3A_605 = arith.addi %mul3A_566, %add3A_604 : i32
        %get3A_606 = arith.index_cast %add3A_605 : i32 to index
        %get3A_607 = arith.constant 16 : index
        %get3A_608 = tpu.vector_load %arg9[%get3A_606, %get3A_607] {strides = array<i32>} : memref<128x128xf32, #tpu.memory_space<vmem>>, vector<1x16xf32>,
        %get3A_609 = vector.shape_cast %get3A_608 : vector<1x16xf32> to vector<16xf32>
        %mul3A_610 = arith.mulf %get3A_609, %get3A_145 : vector<16xf32>
        %add3A_611 = arith.addf %add3A_603, %mul3A_610 : vector<16xf32>
        %add3A_612 = arith.constant 6 : i32
        %add3A_613 = arith.addi %mul3A_566, %add3A_612 : i32
        %get3A_614 = arith.index_cast %add3A_613 : i32 to index
        %get3A_615 = arith.constant 16 : index
        %get3A_616 = tpu.vector_load %arg9[%get3A_614, %get3A_615] {strides = array<i32>} : memref<128x128xf32, #tpu.memory_space<vmem>>, vector<1x16xf32>,
        %get3A_617 = vector.shape_cast %get3A_616 : vector<1x16xf32> to vector<16xf32>
        %mul3A_618 = arith.mulf %get3A_617, %get3A_150 : vector<16xf32>
        %add3A_619 = arith.addf %add3A_611, %mul3A_618 : vector<16xf32>
        %add3A_620 = arith.constant 7 : i32
        %add3A_621 = arith.addi %mul3A_566, %add3A_620 : i32
        %get3A_622 = arith.index_cast %add3A_621 : i32 to index
        %get3A_623 = arith.constant 16 : index
        %get3A_624 = tpu.vector_load %arg9[%get3A_622, %get3A_623] {strides = array<i32>} : memref<128x128xf32, #tpu.memory_space<vmem>>, vector<1x16xf32>,
        %get3A_625 = vector.shape_cast %get3A_624 : vector<1x16xf32> to vector<16xf32>
        %mul3A_626 = arith.mulf %get3A_625, %get3A_155 : vector<16xf32>
        %add3A_627 = arith.addf %add3A_619, %mul3A_626 : vector<16xf32>
        %swap3A = arith.index_cast %scan3A_564 : i32 to index
        %swap3A_628 = arith.constant 16 : index
        %swap3A_629 = tpu.vector_load %arg11[%swap3A, %swap3A_628] {strides = array<i32>} : memref<16x128xf32, #tpu.memory_space<vmem>>, vector<1x16xf32>,
        %swap3A_630 = vector.shape_cast %swap3A_629 : vector<1x16xf32> to vector<16xf32>
        %swap3A_631 = vector.shape_cast %add3A_627 : vector<16xf32> to vector<1x16xf32>
        tpu.vector_store %arg11[%swap3A, %swap3A_628], %swap3A_631 {strides = array<i32>} : memref<16x128xf32, #tpu.memory_space<vmem>>, vector<1x16xf32>,
      }
      %scan3A_161 = arith.constant 16 : i32
      %get3A_162 = arith.constant 0 : i32
      %get3A_163 = arith.index_cast %get3A_162 : i32 to index
      %get3A_164 = arith.constant 32 : index
      %get3A_165 = tpu.vector_load %arg6[%get3A_163, %get3A_164] {strides = array<i32>} : memref<4x128xf32, #tpu.memory_space<vmem>>, vector<1x16xf32>,
      %get3A_166 = vector.shape_cast %get3A_165 : vector<1x16xf32> to vector<16xf32>
      %get3A_167 = arith.constant 1 : i32
      %get3A_168 = arith.index_cast %get3A_167 : i32 to index
      %get3A_169 = arith.constant 32 : index
      %get3A_170 = tpu.vector_load %arg6[%get3A_168, %get3A_169] {strides = array<i32>} : memref<4x128xf32, #tpu.memory_space<vmem>>, vector<1x16xf32>,
      %get3A_171 = vector.shape_cast %get3A_170 : vector<1x16xf32> to vector<16xf32>
      %get3A_172 = arith.constant 2 : i32
      %get3A_173 = arith.index_cast %get3A_172 : i32 to index
      %get3A_174 = arith.constant 32 : index
      %get3A_175 = tpu.vector_load %arg6[%get3A_173, %get3A_174] {strides = array<i32>} : memref<4x128xf32, #tpu.memory_space<vmem>>, vector<1x16xf32>,
      %get3A_176 = vector.shape_cast %get3A_175 : vector<1x16xf32> to vector<16xf32>
      %get3A_177 = arith.constant 3 : i32
      %get3A_178 = arith.index_cast %get3A_177 : i32 to index
      %get3A_179 = arith.constant 32 : index
      %get3A_180 = tpu.vector_load %arg6[%get3A_178, %get3A_179] {strides = array<i32>} : memref<4x128xf32, #tpu.memory_space<vmem>>, vector<1x16xf32>,
      %get3A_181 = vector.shape_cast %get3A_180 : vector<1x16xf32> to vector<16xf32>
      %scan3A_182 = arith.constant 0 : i32
      %scan3A_183 = arith.constant 0 : i32
      %scan3A_184 = arith.constant 16 : i32
      %scan3A_185 = arith.addi %scan3A_183, %scan3A_184 : i32
      %scan3A_186 = arith.constant 1 : i32
      scf.for %scan3A_564 = %scan3A_183 to %scan3A_185 step %scan3A_186  : i32 {
        %mul3A_565 = arith.constant 8 : i32
        %mul3A_566 = arith.muli %scan3A_564, %mul3A_565 : i32
        %get3A_567 = arith.index_cast %mul3A_566 : i32 to index
        %get3A_568 = arith.constant 32 : index
        %get3A_569 = tpu.vector_load %arg9[%get3A_567, %get3A_568] {strides = array<i32>} : memref<128x128xf32, #tpu.memory_space<vmem>>, vector<1x16xf32>,
        %get3A_570 = vector.shape_cast %get3A_569 : vector<1x16xf32> to vector<16xf32>
        %mul3A_571 = arith.mulf %get3A_570, %get3A_166 : vector<16xf32>
        %add3A_572 = arith.constant 1 : i32
        %add3A_573 = arith.addi %mul3A_566, %add3A_572 : i32
        %get3A_574 = arith.index_cast %add3A_573 : i32 to index
        %get3A_575 = arith.constant 32 : index
        %get3A_576 = tpu.vector_load %arg9[%get3A_574, %get3A_575] {strides = array<i32>} : memref<128x128xf32, #tpu.memory_space<vmem>>, vector<1x16xf32>,
        %get3A_577 = vector.shape_cast %get3A_576 : vector<1x16xf32> to vector<16xf32>
        %mul3A_578 = arith.mulf %get3A_577, %get3A_171 : vector<16xf32>
        %add3A_579 = arith.addf %mul3A_571, %mul3A_578 : vector<16xf32>
        %add3A_580 = arith.constant 2 : i32
        %add3A_581 = arith.addi %mul3A_566, %add3A_580 : i32
        %get3A_582 = arith.index_cast %add3A_581 : i32 to index
        %get3A_583 = arith.constant 32 : index
        %get3A_584 = tpu.vector_load %arg9[%get3A_582, %get3A_583] {strides = array<i32>} : memref<128x128xf32, #tpu.memory_space<vmem>>, vector<1x16xf32>,
        %get3A_585 = vector.shape_cast %get3A_584 : vector<1x16xf32> to vector<16xf32>
        %mul3A_586 = arith.mulf %get3A_585, %get3A_176 : vector<16xf32>
        %add3A_587 = arith.addf %add3A_579, %mul3A_586 : vector<16xf32>
        %add3A_588 = arith.constant 3 : i32
        %add3A_589 = arith.addi %mul3A_566, %add3A_588 : i32
        %get3A_590 = arith.index_cast %add3A_589 : i32 to index
        %get3A_591 = arith.constant 32 : index
        %get3A_592 = tpu.vector_load %arg9[%get3A_590, %get3A_591] {strides = array<i32>} : memref<128x128xf32, #tpu.memory_space<vmem>>, vector<1x16xf32>,
        %get3A_593 = vector.shape_cast %get3A_592 : vector<1x16xf32> to vector<16xf32>
        %mul3A_594 = arith.mulf %get3A_593, %get3A_181 : vector<16xf32>
        %add3A_595 = arith.addf %add3A_587, %mul3A_594 : vector<16xf32>
        %add3A_596 = arith.constant 4 : i32
        %add3A_597 = arith.addi %mul3A_566, %add3A_596 : i32
        %get3A_598 = arith.index_cast %add3A_597 : i32 to index
        %get3A_599 = arith.constant 32 : index
        %get3A_600 = tpu.vector_load %arg9[%get3A_598, %get3A_599] {strides = array<i32>} : memref<128x128xf32, #tpu.memory_space<vmem>>, vector<1x16xf32>,
        %get3A_601 = vector.shape_cast %get3A_600 : vector<1x16xf32> to vector<16xf32>
        %mul3A_602 = arith.mulf %get3A_601, %get3A_166 : vector<16xf32>
        %add3A_603 = arith.addf %add3A_595, %mul3A_602 : vector<16xf32>
        %add3A_604 = arith.constant 5 : i32
        %add3A_605 = arith.addi %mul3A_566, %add3A_604 : i32
        %get3A_606 = arith.index_cast %add3A_605 : i32 to index
        %get3A_607 = arith.constant 32 : index
        %get3A_608 = tpu.vector_load %arg9[%get3A_606, %get3A_607] {strides = array<i32>} : memref<128x128xf32, #tpu.memory_space<vmem>>, vector<1x16xf32>,
        %get3A_609 = vector.shape_cast %get3A_608 : vector<1x16xf32> to vector<16xf32>
        %mul3A_610 = arith.mulf %get3A_609, %get3A_171 : vector<16xf32>
        %add3A_611 = arith.addf %add3A_603, %mul3A_610 : vector<16xf32>
        %add3A_612 = arith.constant 6 : i32
        %add3A_613 = arith.addi %mul3A_566, %add3A_612 : i32
        %get3A_614 = arith.index_cast %add3A_613 : i32 to index
        %get3A_615 = arith.constant 32 : index
        %get3A_616 = tpu.vector_load %arg9[%get3A_614, %get3A_615] {strides = array<i32>} : memref<128x128xf32, #tpu.memory_space<vmem>>, vector<1x16xf32>,
        %get3A_617 = vector.shape_cast %get3A_616 : vector<1x16xf32> to vector<16xf32>
        %mul3A_618 = arith.mulf %get3A_617, %get3A_176 : vector<16xf32>
        %add3A_619 = arith.addf %add3A_611, %mul3A_618 : vector<16xf32>
        %add3A_620 = arith.constant 7 : i32
        %add3A_621 = arith.addi %mul3A_566, %add3A_620 : i32
        %get3A_622 = arith.index_cast %add3A_621 : i32 to index
        %get3A_623 = arith.constant 32 : index
        %get3A_624 = tpu.vector_load %arg9[%get3A_622, %get3A_623] {strides = array<i32>} : memref<128x128xf32, #tpu.memory_space<vmem>>, vector<1x16xf32>,
        %get3A_625 = vector.shape_cast %get3A_624 : vector<1x16xf32> to vector<16xf32>
        %mul3A_626 = arith.mulf %get3A_625, %get3A_181 : vector<16xf32>
        %add3A_627 = arith.addf %add3A_619, %mul3A_626 : vector<16xf32>
        %swap3A = arith.index_cast %scan3A_564 : i32 to index
        %swap3A_628 = arith.constant 32 : index
        %swap3A_629 = tpu.vector_load %arg11[%swap3A, %swap3A_628] {strides = array<i32>} : memref<16x128xf32, #tpu.memory_space<vmem>>, vector<1x16xf32>,
        %swap3A_630 = vector.shape_cast %swap3A_629 : vector<1x16xf32> to vector<16xf32>
        %swap3A_631 = vector.shape_cast %add3A_627 : vector<16xf32> to vector<1x16xf32>
        tpu.vector_store %arg11[%swap3A, %swap3A_628], %swap3A_631 {strides = array<i32>} : memref<16x128xf32, #tpu.memory_space<vmem>>, vector<1x16xf32>,
      }
      %scan3A_187 = arith.constant 16 : i32
      %get3A_188 = arith.constant 0 : i32
      %get3A_189 = arith.index_cast %get3A_188 : i32 to index
      %get3A_190 = arith.constant 48 : index
      %get3A_191 = tpu.vector_load %arg6[%get3A_189, %get3A_190] {strides = array<i32>} : memref<4x128xf32, #tpu.memory_space<vmem>>, vector<1x16xf32>,
      %get3A_192 = vector.shape_cast %get3A_191 : vector<1x16xf32> to vector<16xf32>
      %get3A_193 = arith.constant 1 : i32
      %get3A_194 = arith.index_cast %get3A_193 : i32 to index
      %get3A_195 = arith.constant 48 : index
      %get3A_196 = tpu.vector_load %arg6[%get3A_194, %get3A_195] {strides = array<i32>} : memref<4x128xf32, #tpu.memory_space<vmem>>, vector<1x16xf32>,
      %get3A_197 = vector.shape_cast %get3A_196 : vector<1x16xf32> to vector<16xf32>
      %get3A_198 = arith.constant 2 : i32
      %get3A_199 = arith.index_cast %get3A_198 : i32 to index
      %get3A_200 = arith.constant 48 : index
      %get3A_201 = tpu.vector_load %arg6[%get3A_199, %get3A_200] {strides = array<i32>} : memref<4x128xf32, #tpu.memory_space<vmem>>, vector<1x16xf32>,
      %get3A_202 = vector.shape_cast %get3A_201 : vector<1x16xf32> to vector<16xf32>
      %get3A_203 = arith.constant 3 : i32
      %get3A_204 = arith.index_cast %get3A_203 : i32 to index
      %get3A_205 = arith.constant 48 : index
      %get3A_206 = tpu.vector_load %arg6[%get3A_204, %get3A_205] {strides = array<i32>} : memref<4x128xf32, #tpu.memory_space<vmem>>, vector<1x16xf32>,
      %get3A_207 = vector.shape_cast %get3A_206 : vector<1x16xf32> to vector<16xf32>
      %scan3A_208 = arith.constant 0 : i32
      %scan3A_209 = arith.constant 0 : i32
      %scan3A_210 = arith.constant 16 : i32
      %scan3A_211 = arith.addi %scan3A_209, %scan3A_210 : i32
      %scan3A_212 = arith.constant 1 : i32
      scf.for %scan3A_564 = %scan3A_209 to %scan3A_211 step %scan3A_212  : i32 {
        %mul3A_565 = arith.constant 8 : i32
        %mul3A_566 = arith.muli %scan3A_564, %mul3A_565 : i32
        %get3A_567 = arith.index_cast %mul3A_566 : i32 to index
        %get3A_568 = arith.constant 48 : index
        %get3A_569 = tpu.vector_load %arg9[%get3A_567, %get3A_568] {strides = array<i32>} : memref<128x128xf32, #tpu.memory_space<vmem>>, vector<1x16xf32>,
        %get3A_570 = vector.shape_cast %get3A_569 : vector<1x16xf32> to vector<16xf32>
        %mul3A_571 = arith.mulf %get3A_570, %get3A_192 : vector<16xf32>
        %add3A_572 = arith.constant 1 : i32
        %add3A_573 = arith.addi %mul3A_566, %add3A_572 : i32
        %get3A_574 = arith.index_cast %add3A_573 : i32 to index
        %get3A_575 = arith.constant 48 : index
        %get3A_576 = tpu.vector_load %arg9[%get3A_574, %get3A_575] {strides = array<i32>} : memref<128x128xf32, #tpu.memory_space<vmem>>, vector<1x16xf32>,
        %get3A_577 = vector.shape_cast %get3A_576 : vector<1x16xf32> to vector<16xf32>
        %mul3A_578 = arith.mulf %get3A_577, %get3A_197 : vector<16xf32>
        %add3A_579 = arith.addf %mul3A_571, %mul3A_578 : vector<16xf32>
        %add3A_580 = arith.constant 2 : i32
        %add3A_581 = arith.addi %mul3A_566, %add3A_580 : i32
        %get3A_582 = arith.index_cast %add3A_581 : i32 to index
        %get3A_583 = arith.constant 48 : index
        %get3A_584 = tpu.vector_load %arg9[%get3A_582, %get3A_583] {strides = array<i32>} : memref<128x128xf32, #tpu.memory_space<vmem>>, vector<1x16xf32>,
        %get3A_585 = vector.shape_cast %get3A_584 : vector<1x16xf32> to vector<16xf32>
        %mul3A_586 = arith.mulf %get3A_585, %get3A_202 : vector<16xf32>
        %add3A_587 = arith.addf %add3A_579, %mul3A_586 : vector<16xf32>
        %add3A_588 = arith.constant 3 : i32
        %add3A_589 = arith.addi %mul3A_566, %add3A_588 : i32
        %get3A_590 = arith.index_cast %add3A_589 : i32 to index
        %get3A_591 = arith.constant 48 : index
        %get3A_592 = tpu.vector_load %arg9[%get3A_590, %get3A_591] {strides = array<i32>} : memref<128x128xf32, #tpu.memory_space<vmem>>, vector<1x16xf32>,
        %get3A_593 = vector.shape_cast %get3A_592 : vector<1x16xf32> to vector<16xf32>
        %mul3A_594 = arith.mulf %get3A_593, %get3A_207 : vector<16xf32>
        %add3A_595 = arith.addf %add3A_587, %mul3A_594 : vector<16xf32>
        %add3A_596 = arith.constant 4 : i32
        %add3A_597 = arith.addi %mul3A_566, %add3A_596 : i32
        %get3A_598 = arith.index_cast %add3A_597 : i32 to index
        %get3A_599 = arith.constant 48 : index
        %get3A_600 = tpu.vector_load %arg9[%get3A_598, %get3A_599] {strides = array<i32>} : memref<128x128xf32, #tpu.memory_space<vmem>>, vector<1x16xf32>,
        %get3A_601 = vector.shape_cast %get3A_600 : vector<1x16xf32> to vector<16xf32>
        %mul3A_602 = arith.mulf %get3A_601, %get3A_192 : vector<16xf32>
        %add3A_603 = arith.addf %add3A_595, %mul3A_602 : vector<16xf32>
        %add3A_604 = arith.constant 5 : i32
        %add3A_605 = arith.addi %mul3A_566, %add3A_604 : i32
        %get3A_606 = arith.index_cast %add3A_605 : i32 to index
        %get3A_607 = arith.constant 48 : index
        %get3A_608 = tpu.vector_load %arg9[%get3A_606, %get3A_607] {strides = array<i32>} : memref<128x128xf32, #tpu.memory_space<vmem>>, vector<1x16xf32>,
        %get3A_609 = vector.shape_cast %get3A_608 : vector<1x16xf32> to vector<16xf32>
        %mul3A_610 = arith.mulf %get3A_609, %get3A_197 : vector<16xf32>
        %add3A_611 = arith.addf %add3A_603, %mul3A_610 : vector<16xf32>
        %add3A_612 = arith.constant 6 : i32
        %add3A_613 = arith.addi %mul3A_566, %add3A_612 : i32
        %get3A_614 = arith.index_cast %add3A_613 : i32 to index
        %get3A_615 = arith.constant 48 : index
        %get3A_616 = tpu.vector_load %arg9[%get3A_614, %get3A_615] {strides = array<i32>} : memref<128x128xf32, #tpu.memory_space<vmem>>, vector<1x16xf32>,
        %get3A_617 = vector.shape_cast %get3A_616 : vector<1x16xf32> to vector<16xf32>
        %mul3A_618 = arith.mulf %get3A_617, %get3A_202 : vector<16xf32>
        %add3A_619 = arith.addf %add3A_611, %mul3A_618 : vector<16xf32>
        %add3A_620 = arith.constant 7 : i32
        %add3A_621 = arith.addi %mul3A_566, %add3A_620 : i32
        %get3A_622 = arith.index_cast %add3A_621 : i32 to index
        %get3A_623 = arith.constant 48 : index
        %get3A_624 = tpu.vector_load %arg9[%get3A_622, %get3A_623] {strides = array<i32>} : memref<128x128xf32, #tpu.memory_space<vmem>>, vector<1x16xf32>,
        %get3A_625 = vector.shape_cast %get3A_624 : vector<1x16xf32> to vector<16xf32>
        %mul3A_626 = arith.mulf %get3A_625, %get3A_207 : vector<16xf32>
        %add3A_627 = arith.addf %add3A_619, %mul3A_626 : vector<16xf32>
        %swap3A = arith.index_cast %scan3A_564 : i32 to index
        %swap3A_628 = arith.constant 48 : index
        %swap3A_629 = tpu.vector_load %arg11[%swap3A, %swap3A_628] {strides = array<i32>} : memref<16x128xf32, #tpu.memory_space<vmem>>, vector<1x16xf32>,
        %swap3A_630 = vector.shape_cast %swap3A_629 : vector<1x16xf32> to vector<16xf32>
        %swap3A_631 = vector.shape_cast %add3A_627 : vector<16xf32> to vector<1x16xf32>
        tpu.vector_store %arg11[%swap3A, %swap3A_628], %swap3A_631 {strides = array<i32>} : memref<16x128xf32, #tpu.memory_space<vmem>>, vector<1x16xf32>,
      }
      %scan3A_213 = arith.constant 16 : i32
      %get3A_214 = arith.constant 0 : i32
      %get3A_215 = arith.index_cast %get3A_214 : i32 to index
      %get3A_216 = arith.constant 64 : index
      %get3A_217 = tpu.vector_load %arg6[%get3A_215, %get3A_216] {strides = array<i32>} : memref<4x128xf32, #tpu.memory_space<vmem>>, vector<1x16xf32>,
      %get3A_218 = vector.shape_cast %get3A_217 : vector<1x16xf32> to vector<16xf32>
      %get3A_219 = arith.constant 1 : i32
      %get3A_220 = arith.index_cast %get3A_219 : i32 to index
      %get3A_221 = arith.constant 64 : index
      %get3A_222 = tpu.vector_load %arg6[%get3A_220, %get3A_221] {strides = array<i32>} : memref<4x128xf32, #tpu.memory_space<vmem>>, vector<1x16xf32>,
      %get3A_223 = vector.shape_cast %get3A_222 : vector<1x16xf32> to vector<16xf32>
      %get3A_224 = arith.constant 2 : i32
      %get3A_225 = arith.index_cast %get3A_224 : i32 to index
      %get3A_226 = arith.constant 64 : index
      %get3A_227 = tpu.vector_load %arg6[%get3A_225, %get3A_226] {strides = array<i32>} : memref<4x128xf32, #tpu.memory_space<vmem>>, vector<1x16xf32>,
      %get3A_228 = vector.shape_cast %get3A_227 : vector<1x16xf32> to vector<16xf32>
      %get3A_229 = arith.constant 3 : i32
      %get3A_230 = arith.index_cast %get3A_229 : i32 to index
      %get3A_231 = arith.constant 64 : index
      %get3A_232 = tpu.vector_load %arg6[%get3A_230, %get3A_231] {strides = array<i32>} : memref<4x128xf32, #tpu.memory_space<vmem>>, vector<1x16xf32>,
      %get3A_233 = vector.shape_cast %get3A_232 : vector<1x16xf32> to vector<16xf32>
      %scan3A_234 = arith.constant 0 : i32
      %scan3A_235 = arith.constant 0 : i32
      %scan3A_236 = arith.constant 16 : i32
      %scan3A_237 = arith.addi %scan3A_235, %scan3A_236 : i32
      %scan3A_238 = arith.constant 1 : i32
      scf.for %scan3A_564 = %scan3A_235 to %scan3A_237 step %scan3A_238  : i32 {
        %mul3A_565 = arith.constant 8 : i32
        %mul3A_566 = arith.muli %scan3A_564, %mul3A_565 : i32
        %get3A_567 = arith.index_cast %mul3A_566 : i32 to index
        %get3A_568 = arith.constant 64 : index
        %get3A_569 = tpu.vector_load %arg9[%get3A_567, %get3A_568] {strides = array<i32>} : memref<128x128xf32, #tpu.memory_space<vmem>>, vector<1x16xf32>,
        %get3A_570 = vector.shape_cast %get3A_569 : vector<1x16xf32> to vector<16xf32>
        %mul3A_571 = arith.mulf %get3A_570, %get3A_218 : vector<16xf32>
        %add3A_572 = arith.constant 1 : i32
        %add3A_573 = arith.addi %mul3A_566, %add3A_572 : i32
        %get3A_574 = arith.index_cast %add3A_573 : i32 to index
        %get3A_575 = arith.constant 64 : index
        %get3A_576 = tpu.vector_load %arg9[%get3A_574, %get3A_575] {strides = array<i32>} : memref<128x128xf32, #tpu.memory_space<vmem>>, vector<1x16xf32>,
        %get3A_577 = vector.shape_cast %get3A_576 : vector<1x16xf32> to vector<16xf32>
        %mul3A_578 = arith.mulf %get3A_577, %get3A_223 : vector<16xf32>
        %add3A_579 = arith.addf %mul3A_571, %mul3A_578 : vector<16xf32>
        %add3A_580 = arith.constant 2 : i32
        %add3A_581 = arith.addi %mul3A_566, %add3A_580 : i32
        %get3A_582 = arith.index_cast %add3A_581 : i32 to index
        %get3A_583 = arith.constant 64 : index
        %get3A_584 = tpu.vector_load %arg9[%get3A_582, %get3A_583] {strides = array<i32>} : memref<128x128xf32, #tpu.memory_space<vmem>>, vector<1x16xf32>,
        %get3A_585 = vector.shape_cast %get3A_584 : vector<1x16xf32> to vector<16xf32>
        %mul3A_586 = arith.mulf %get3A_585, %get3A_228 : vector<16xf32>
        %add3A_587 = arith.addf %add3A_579, %mul3A_586 : vector<16xf32>
        %add3A_588 = arith.constant 3 : i32
        %add3A_589 = arith.addi %mul3A_566, %add3A_588 : i32
        %get3A_590 = arith.index_cast %add3A_589 : i32 to index
        %get3A_591 = arith.constant 64 : index
        %get3A_592 = tpu.vector_load %arg9[%get3A_590, %get3A_591] {strides = array<i32>} : memref<128x128xf32, #tpu.memory_space<vmem>>, vector<1x16xf32>,
        %get3A_593 = vector.shape_cast %get3A_592 : vector<1x16xf32> to vector<16xf32>
        %mul3A_594 = arith.mulf %get3A_593, %get3A_233 : vector<16xf32>
        %add3A_595 = arith.addf %add3A_587, %mul3A_594 : vector<16xf32>
        %add3A_596 = arith.constant 4 : i32
        %add3A_597 = arith.addi %mul3A_566, %add3A_596 : i32
        %get3A_598 = arith.index_cast %add3A_597 : i32 to index
        %get3A_599 = arith.constant 64 : index
        %get3A_600 = tpu.vector_load %arg9[%get3A_598, %get3A_599] {strides = array<i32>} : memref<128x128xf32, #tpu.memory_space<vmem>>, vector<1x16xf32>,
        %get3A_601 = vector.shape_cast %get3A_600 : vector<1x16xf32> to vector<16xf32>
        %mul3A_602 = arith.mulf %get3A_601, %get3A_218 : vector<16xf32>
        %add3A_603 = arith.addf %add3A_595, %mul3A_602 : vector<16xf32>
        %add3A_604 = arith.constant 5 : i32
        %add3A_605 = arith.addi %mul3A_566, %add3A_604 : i32
        %get3A_606 = arith.index_cast %add3A_605 : i32 to index
        %get3A_607 = arith.constant 64 : index
        %get3A_608 = tpu.vector_load %arg9[%get3A_606, %get3A_607] {strides = array<i32>} : memref<128x128xf32, #tpu.memory_space<vmem>>, vector<1x16xf32>,
        %get3A_609 = vector.shape_cast %get3A_608 : vector<1x16xf32> to vector<16xf32>
        %mul3A_610 = arith.mulf %get3A_609, %get3A_223 : vector<16xf32>
        %add3A_611 = arith.addf %add3A_603, %mul3A_610 : vector<16xf32>
        %add3A_612 = arith.constant 6 : i32
        %add3A_613 = arith.addi %mul3A_566, %add3A_612 : i32
        %get3A_614 = arith.index_cast %add3A_613 : i32 to index
        %get3A_615 = arith.constant 64 : index
        %get3A_616 = tpu.vector_load %arg9[%get3A_614, %get3A_615] {strides = array<i32>} : memref<128x128xf32, #tpu.memory_space<vmem>>, vector<1x16xf32>,
        %get3A_617 = vector.shape_cast %get3A_616 : vector<1x16xf32> to vector<16xf32>
        %mul3A_618 = arith.mulf %get3A_617, %get3A_228 : vector<16xf32>
        %add3A_619 = arith.addf %add3A_611, %mul3A_618 : vector<16xf32>
        %add3A_620 = arith.constant 7 : i32
        %add3A_621 = arith.addi %mul3A_566, %add3A_620 : i32
        %get3A_622 = arith.index_cast %add3A_621 : i32 to index
        %get3A_623 = arith.constant 64 : index
        %get3A_624 = tpu.vector_load %arg9[%get3A_622, %get3A_623] {strides = array<i32>} : memref<128x128xf32, #tpu.memory_space<vmem>>, vector<1x16xf32>,
        %get3A_625 = vector.shape_cast %get3A_624 : vector<1x16xf32> to vector<16xf32>
        %mul3A_626 = arith.mulf %get3A_625, %get3A_233 : vector<16xf32>
        %add3A_627 = arith.addf %add3A_619, %mul3A_626 : vector<16xf32>
        %swap3A = arith.index_cast %scan3A_564 : i32 to index
        %swap3A_628 = arith.constant 64 : index
        %swap3A_629 = tpu.vector_load %arg11[%swap3A, %swap3A_628] {strides = array<i32>} : memref<16x128xf32, #tpu.memory_space<vmem>>, vector<1x16xf32>,
        %swap3A_630 = vector.shape_cast %swap3A_629 : vector<1x16xf32> to vector<16xf32>
        %swap3A_631 = vector.shape_cast %add3A_627 : vector<16xf32> to vector<1x16xf32>
        tpu.vector_store %arg11[%swap3A, %swap3A_628], %swap3A_631 {strides = array<i32>} : memref<16x128xf32, #tpu.memory_space<vmem>>, vector<1x16xf32>,
      }
      %scan3A_239 = arith.constant 16 : i32
      %get3A_240 = arith.constant 0 : i32
      %get3A_241 = arith.index_cast %get3A_240 : i32 to index
      %get3A_242 = arith.constant 80 : index
      %get3A_243 = tpu.vector_load %arg6[%get3A_241, %get3A_242] {strides = array<i32>} : memref<4x128xf32, #tpu.memory_space<vmem>>, vector<1x16xf32>,
      %get3A_244 = vector.shape_cast %get3A_243 : vector<1x16xf32> to vector<16xf32>
      %get3A_245 = arith.constant 1 : i32
      %get3A_246 = arith.index_cast %get3A_245 : i32 to index
      %get3A_247 = arith.constant 80 : index
      %get3A_248 = tpu.vector_load %arg6[%get3A_246, %get3A_247] {strides = array<i32>} : memref<4x128xf32, #tpu.memory_space<vmem>>, vector<1x16xf32>,
      %get3A_249 = vector.shape_cast %get3A_248 : vector<1x16xf32> to vector<16xf32>
      %get3A_250 = arith.constant 2 : i32
      %get3A_251 = arith.index_cast %get3A_250 : i32 to index
      %get3A_252 = arith.constant 80 : index
      %get3A_253 = tpu.vector_load %arg6[%get3A_251, %get3A_252] {strides = array<i32>} : memref<4x128xf32, #tpu.memory_space<vmem>>, vector<1x16xf32>,
      %get3A_254 = vector.shape_cast %get3A_253 : vector<1x16xf32> to vector<16xf32>
      %get3A_255 = arith.constant 3 : i32
      %get3A_256 = arith.index_cast %get3A_255 : i32 to index
      %get3A_257 = arith.constant 80 : index
      %get3A_258 = tpu.vector_load %arg6[%get3A_256, %get3A_257] {strides = array<i32>} : memref<4x128xf32, #tpu.memory_space<vmem>>, vector<1x16xf32>,
      %get3A_259 = vector.shape_cast %get3A_258 : vector<1x16xf32> to vector<16xf32>
      %scan3A_260 = arith.constant 0 : i32
      %scan3A_261 = arith.constant 0 : i32
      %scan3A_262 = arith.constant 16 : i32
      %scan3A_263 = arith.addi %scan3A_261, %scan3A_262 : i32
      %scan3A_264 = arith.constant 1 : i32
      scf.for %scan3A_564 = %scan3A_261 to %scan3A_263 step %scan3A_264  : i32 {
        %mul3A_565 = arith.constant 8 : i32
        %mul3A_566 = arith.muli %scan3A_564, %mul3A_565 : i32
        %get3A_567 = arith.index_cast %mul3A_566 : i32 to index
        %get3A_568 = arith.constant 80 : index
        %get3A_569 = tpu.vector_load %arg9[%get3A_567, %get3A_568] {strides = array<i32>} : memref<128x128xf32, #tpu.memory_space<vmem>>, vector<1x16xf32>,
        %get3A_570 = vector.shape_cast %get3A_569 : vector<1x16xf32> to vector<16xf32>
        %mul3A_571 = arith.mulf %get3A_570, %get3A_244 : vector<16xf32>
        %add3A_572 = arith.constant 1 : i32
        %add3A_573 = arith.addi %mul3A_566, %add3A_572 : i32
        %get3A_574 = arith.index_cast %add3A_573 : i32 to index
        %get3A_575 = arith.constant 80 : index
        %get3A_576 = tpu.vector_load %arg9[%get3A_574, %get3A_575] {strides = array<i32>} : memref<128x128xf32, #tpu.memory_space<vmem>>, vector<1x16xf32>,
        %get3A_577 = vector.shape_cast %get3A_576 : vector<1x16xf32> to vector<16xf32>
        %mul3A_578 = arith.mulf %get3A_577, %get3A_249 : vector<16xf32>
        %add3A_579 = arith.addf %mul3A_571, %mul3A_578 : vector<16xf32>
        %add3A_580 = arith.constant 2 : i32
        %add3A_581 = arith.addi %mul3A_566, %add3A_580 : i32
        %get3A_582 = arith.index_cast %add3A_581 : i32 to index
        %get3A_583 = arith.constant 80 : index
        %get3A_584 = tpu.vector_load %arg9[%get3A_582, %get3A_583] {strides = array<i32>} : memref<128x128xf32, #tpu.memory_space<vmem>>, vector<1x16xf32>,
        %get3A_585 = vector.shape_cast %get3A_584 : vector<1x16xf32> to vector<16xf32>
        %mul3A_586 = arith.mulf %get3A_585, %get3A_254 : vector<16xf32>
        %add3A_587 = arith.addf %add3A_579, %mul3A_586 : vector<16xf32>
        %add3A_588 = arith.constant 3 : i32
        %add3A_589 = arith.addi %mul3A_566, %add3A_588 : i32
        %get3A_590 = arith.index_cast %add3A_589 : i32 to index
        %get3A_591 = arith.constant 80 : index
        %get3A_592 = tpu.vector_load %arg9[%get3A_590, %get3A_591] {strides = array<i32>} : memref<128x128xf32, #tpu.memory_space<vmem>>, vector<1x16xf32>,
        %get3A_593 = vector.shape_cast %get3A_592 : vector<1x16xf32> to vector<16xf32>
        %mul3A_594 = arith.mulf %get3A_593, %get3A_259 : vector<16xf32>
        %add3A_595 = arith.addf %add3A_587, %mul3A_594 : vector<16xf32>
        %add3A_596 = arith.constant 4 : i32
        %add3A_597 = arith.addi %mul3A_566, %add3A_596 : i32
        %get3A_598 = arith.index_cast %add3A_597 : i32 to index
        %get3A_599 = arith.constant 80 : index
        %get3A_600 = tpu.vector_load %arg9[%get3A_598, %get3A_599] {strides = array<i32>} : memref<128x128xf32, #tpu.memory_space<vmem>>, vector<1x16xf32>,
        %get3A_601 = vector.shape_cast %get3A_600 : vector<1x16xf32> to vector<16xf32>
        %mul3A_602 = arith.mulf %get3A_601, %get3A_244 : vector<16xf32>
        %add3A_603 = arith.addf %add3A_595, %mul3A_602 : vector<16xf32>
        %add3A_604 = arith.constant 5 : i32
        %add3A_605 = arith.addi %mul3A_566, %add3A_604 : i32
        %get3A_606 = arith.index_cast %add3A_605 : i32 to index
        %get3A_607 = arith.constant 80 : index
        %get3A_608 = tpu.vector_load %arg9[%get3A_606, %get3A_607] {strides = array<i32>} : memref<128x128xf32, #tpu.memory_space<vmem>>, vector<1x16xf32>,
        %get3A_609 = vector.shape_cast %get3A_608 : vector<1x16xf32> to vector<16xf32>
        %mul3A_610 = arith.mulf %get3A_609, %get3A_249 : vector<16xf32>
        %add3A_611 = arith.addf %add3A_603, %mul3A_610 : vector<16xf32>
        %add3A_612 = arith.constant 6 : i32
        %add3A_613 = arith.addi %mul3A_566, %add3A_612 : i32
        %get3A_614 = arith.index_cast %add3A_613 : i32 to index
        %get3A_615 = arith.constant 80 : index
        %get3A_616 = tpu.vector_load %arg9[%get3A_614, %get3A_615] {strides = array<i32>} : memref<128x128xf32, #tpu.memory_space<vmem>>, vector<1x16xf32>,
        %get3A_617 = vector.shape_cast %get3A_616 : vector<1x16xf32> to vector<16xf32>
        %mul3A_618 = arith.mulf %get3A_617, %get3A_254 : vector<16xf32>
        %add3A_619 = arith.addf %add3A_611, %mul3A_618 : vector<16xf32>
        %add3A_620 = arith.constant 7 : i32
        %add3A_621 = arith.addi %mul3A_566, %add3A_620 : i32
        %get3A_622 = arith.index_cast %add3A_621 : i32 to index
        %get3A_623 = arith.constant 80 : index
        %get3A_624 = tpu.vector_load %arg9[%get3A_622, %get3A_623] {strides = array<i32>} : memref<128x128xf32, #tpu.memory_space<vmem>>, vector<1x16xf32>,
        %get3A_625 = vector.shape_cast %get3A_624 : vector<1x16xf32> to vector<16xf32>
        %mul3A_626 = arith.mulf %get3A_625, %get3A_259 : vector<16xf32>
        %add3A_627 = arith.addf %add3A_619, %mul3A_626 : vector<16xf32>
        %swap3A = arith.index_cast %scan3A_564 : i32 to index
        %swap3A_628 = arith.constant 80 : index
        %swap3A_629 = tpu.vector_load %arg11[%swap3A, %swap3A_628] {strides = array<i32>} : memref<16x128xf32, #tpu.memory_space<vmem>>, vector<1x16xf32>,
        %swap3A_630 = vector.shape_cast %swap3A_629 : vector<1x16xf32> to vector<16xf32>
        %swap3A_631 = vector.shape_cast %add3A_627 : vector<16xf32> to vector<1x16xf32>
        tpu.vector_store %arg11[%swap3A, %swap3A_628], %swap3A_631 {strides = array<i32>} : memref<16x128xf32, #tpu.memory_space<vmem>>, vector<1x16xf32>,
      }
      %scan3A_265 = arith.constant 16 : i32
      %get3A_266 = arith.constant 0 : i32
      %get3A_267 = arith.index_cast %get3A_266 : i32 to index
      %get3A_268 = arith.constant 96 : index
      %get3A_269 = tpu.vector_load %arg6[%get3A_267, %get3A_268] {strides = array<i32>} : memref<4x128xf32, #tpu.memory_space<vmem>>, vector<1x16xf32>,
      %get3A_270 = vector.shape_cast %get3A_269 : vector<1x16xf32> to vector<16xf32>
      %get3A_271 = arith.constant 1 : i32
      %get3A_272 = arith.index_cast %get3A_271 : i32 to index
      %get3A_273 = arith.constant 96 : index
      %get3A_274 = tpu.vector_load %arg6[%get3A_272, %get3A_273] {strides = array<i32>} : memref<4x128xf32, #tpu.memory_space<vmem>>, vector<1x16xf32>,
      %get3A_275 = vector.shape_cast %get3A_274 : vector<1x16xf32> to vector<16xf32>
      %get3A_276 = arith.constant 2 : i32
      %get3A_277 = arith.index_cast %get3A_276 : i32 to index
      %get3A_278 = arith.constant 96 : index
      %get3A_279 = tpu.vector_load %arg6[%get3A_277, %get3A_278] {strides = array<i32>} : memref<4x128xf32, #tpu.memory_space<vmem>>, vector<1x16xf32>,
      %get3A_280 = vector.shape_cast %get3A_279 : vector<1x16xf32> to vector<16xf32>
      %get3A_281 = arith.constant 3 : i32
      %get3A_282 = arith.index_cast %get3A_281 : i32 to index
      %get3A_283 = arith.constant 96 : index
      %get3A_284 = tpu.vector_load %arg6[%get3A_282, %get3A_283] {strides = array<i32>} : memref<4x128xf32, #tpu.memory_space<vmem>>, vector<1x16xf32>,
      %get3A_285 = vector.shape_cast %get3A_284 : vector<1x16xf32> to vector<16xf32>
      %scan3A_286 = arith.constant 0 : i32
      %scan3A_287 = arith.constant 0 : i32
      %scan3A_288 = arith.constant 16 : i32
      %scan3A_289 = arith.addi %scan3A_287, %scan3A_288 : i32
      %scan3A_290 = arith.constant 1 : i32
      scf.for %scan3A_564 = %scan3A_287 to %scan3A_289 step %scan3A_290  : i32 {
        %mul3A_565 = arith.constant 8 : i32
        %mul3A_566 = arith.muli %scan3A_564, %mul3A_565 : i32
        %get3A_567 = arith.index_cast %mul3A_566 : i32 to index
        %get3A_568 = arith.constant 96 : index
        %get3A_569 = tpu.vector_load %arg9[%get3A_567, %get3A_568] {strides = array<i32>} : memref<128x128xf32, #tpu.memory_space<vmem>>, vector<1x16xf32>,
        %get3A_570 = vector.shape_cast %get3A_569 : vector<1x16xf32> to vector<16xf32>
        %mul3A_571 = arith.mulf %get3A_570, %get3A_270 : vector<16xf32>
        %add3A_572 = arith.constant 1 : i32
        %add3A_573 = arith.addi %mul3A_566, %add3A_572 : i32
        %get3A_574 = arith.index_cast %add3A_573 : i32 to index
        %get3A_575 = arith.constant 96 : index
        %get3A_576 = tpu.vector_load %arg9[%get3A_574, %get3A_575] {strides = array<i32>} : memref<128x128xf32, #tpu.memory_space<vmem>>, vector<1x16xf32>,
        %get3A_577 = vector.shape_cast %get3A_576 : vector<1x16xf32> to vector<16xf32>
        %mul3A_578 = arith.mulf %get3A_577, %get3A_275 : vector<16xf32>
        %add3A_579 = arith.addf %mul3A_571, %mul3A_578 : vector<16xf32>
        %add3A_580 = arith.constant 2 : i32
        %add3A_581 = arith.addi %mul3A_566, %add3A_580 : i32
        %get3A_582 = arith.index_cast %add3A_581 : i32 to index
        %get3A_583 = arith.constant 96 : index
        %get3A_584 = tpu.vector_load %arg9[%get3A_582, %get3A_583] {strides = array<i32>} : memref<128x128xf32, #tpu.memory_space<vmem>>, vector<1x16xf32>,
        %get3A_585 = vector.shape_cast %get3A_584 : vector<1x16xf32> to vector<16xf32>
        %mul3A_586 = arith.mulf %get3A_585, %get3A_280 : vector<16xf32>
        %add3A_587 = arith.addf %add3A_579, %mul3A_586 : vector<16xf32>
        %add3A_588 = arith.constant 3 : i32
        %add3A_589 = arith.addi %mul3A_566, %add3A_588 : i32
        %get3A_590 = arith.index_cast %add3A_589 : i32 to index
        %get3A_591 = arith.constant 96 : index
        %get3A_592 = tpu.vector_load %arg9[%get3A_590, %get3A_591] {strides = array<i32>} : memref<128x128xf32, #tpu.memory_space<vmem>>, vector<1x16xf32>,
        %get3A_593 = vector.shape_cast %get3A_592 : vector<1x16xf32> to vector<16xf32>
        %mul3A_594 = arith.mulf %get3A_593, %get3A_285 : vector<16xf32>
        %add3A_595 = arith.addf %add3A_587, %mul3A_594 : vector<16xf32>
        %add3A_596 = arith.constant 4 : i32
        %add3A_597 = arith.addi %mul3A_566, %add3A_596 : i32
        %get3A_598 = arith.index_cast %add3A_597 : i32 to index
        %get3A_599 = arith.constant 96 : index
        %get3A_600 = tpu.vector_load %arg9[%get3A_598, %get3A_599] {strides = array<i32>} : memref<128x128xf32, #tpu.memory_space<vmem>>, vector<1x16xf32>,
        %get3A_601 = vector.shape_cast %get3A_600 : vector<1x16xf32> to vector<16xf32>
        %mul3A_602 = arith.mulf %get3A_601, %get3A_270 : vector<16xf32>
        %add3A_603 = arith.addf %add3A_595, %mul3A_602 : vector<16xf32>
        %add3A_604 = arith.constant 5 : i32
        %add3A_605 = arith.addi %mul3A_566, %add3A_604 : i32
        %get3A_606 = arith.index_cast %add3A_605 : i32 to index
        %get3A_607 = arith.constant 96 : index
        %get3A_608 = tpu.vector_load %arg9[%get3A_606, %get3A_607] {strides = array<i32>} : memref<128x128xf32, #tpu.memory_space<vmem>>, vector<1x16xf32>,
        %get3A_609 = vector.shape_cast %get3A_608 : vector<1x16xf32> to vector<16xf32>
        %mul3A_610 = arith.mulf %get3A_609, %get3A_275 : vector<16xf32>
        %add3A_611 = arith.addf %add3A_603, %mul3A_610 : vector<16xf32>
        %add3A_612 = arith.constant 6 : i32
        %add3A_613 = arith.addi %mul3A_566, %add3A_612 : i32
        %get3A_614 = arith.index_cast %add3A_613 : i32 to index
        %get3A_615 = arith.constant 96 : index
        %get3A_616 = tpu.vector_load %arg9[%get3A_614, %get3A_615] {strides = array<i32>} : memref<128x128xf32, #tpu.memory_space<vmem>>, vector<1x16xf32>,
        %get3A_617 = vector.shape_cast %get3A_616 : vector<1x16xf32> to vector<16xf32>
        %mul3A_618 = arith.mulf %get3A_617, %get3A_280 : vector<16xf32>
        %add3A_619 = arith.addf %add3A_611, %mul3A_618 : vector<16xf32>
        %add3A_620 = arith.constant 7 : i32
        %add3A_621 = arith.addi %mul3A_566, %add3A_620 : i32
        %get3A_622 = arith.index_cast %add3A_621 : i32 to index
        %get3A_623 = arith.constant 96 : index
        %get3A_624 = tpu.vector_load %arg9[%get3A_622, %get3A_623] {strides = array<i32>} : memref<128x128xf32, #tpu.memory_space<vmem>>, vector<1x16xf32>,
        %get3A_625 = vector.shape_cast %get3A_624 : vector<1x16xf32> to vector<16xf32>
        %mul3A_626 = arith.mulf %get3A_625, %get3A_285 : vector<16xf32>
        %add3A_627 = arith.addf %add3A_619, %mul3A_626 : vector<16xf32>
        %swap3A = arith.index_cast %scan3A_564 : i32 to index
        %swap3A_628 = arith.constant 96 : index
        %swap3A_629 = tpu.vector_load %arg11[%swap3A, %swap3A_628] {strides = array<i32>} : memref<16x128xf32, #tpu.memory_space<vmem>>, vector<1x16xf32>,
        %swap3A_630 = vector.shape_cast %swap3A_629 : vector<1x16xf32> to vector<16xf32>
        %swap3A_631 = vector.shape_cast %add3A_627 : vector<16xf32> to vector<1x16xf32>
        tpu.vector_store %arg11[%swap3A, %swap3A_628], %swap3A_631 {strides = array<i32>} : memref<16x128xf32, #tpu.memory_space<vmem>>, vector<1x16xf32>,
      }
      %scan3A_291 = arith.constant 16 : i32
      %get3A_292 = arith.constant 0 : i32
      %get3A_293 = arith.index_cast %get3A_292 : i32 to index
      %get3A_294 = arith.constant 112 : index
      %get3A_295 = tpu.vector_load %arg6[%get3A_293, %get3A_294] {strides = array<i32>} : memref<4x128xf32, #tpu.memory_space<vmem>>, vector<1x16xf32>,
      %get3A_296 = vector.shape_cast %get3A_295 : vector<1x16xf32> to vector<16xf32>
      %get3A_297 = arith.constant 1 : i32
      %get3A_298 = arith.index_cast %get3A_297 : i32 to index
      %get3A_299 = arith.constant 112 : index
      %get3A_300 = tpu.vector_load %arg6[%get3A_298, %get3A_299] {strides = array<i32>} : memref<4x128xf32, #tpu.memory_space<vmem>>, vector<1x16xf32>,
      %get3A_301 = vector.shape_cast %get3A_300 : vector<1x16xf32> to vector<16xf32>
      %get3A_302 = arith.constant 2 : i32
      %get3A_303 = arith.index_cast %get3A_302 : i32 to index
      %get3A_304 = arith.constant 112 : index
      %get3A_305 = tpu.vector_load %arg6[%get3A_303, %get3A_304] {strides = array<i32>} : memref<4x128xf32, #tpu.memory_space<vmem>>, vector<1x16xf32>,
      %get3A_306 = vector.shape_cast %get3A_305 : vector<1x16xf32> to vector<16xf32>
      %get3A_307 = arith.constant 3 : i32
      %get3A_308 = arith.index_cast %get3A_307 : i32 to index
      %get3A_309 = arith.constant 112 : index
      %get3A_310 = tpu.vector_load %arg6[%get3A_308, %get3A_309] {strides = array<i32>} : memref<4x128xf32, #tpu.memory_space<vmem>>, vector<1x16xf32>,
      %get3A_311 = vector.shape_cast %get3A_310 : vector<1x16xf32> to vector<16xf32>
      %scan3A_312 = arith.constant 0 : i32
      %scan3A_313 = arith.constant 0 : i32
      %scan3A_314 = arith.constant 16 : i32
      %scan3A_315 = arith.addi %scan3A_313, %scan3A_314 : i32
      %scan3A_316 = arith.constant 1 : i32
      scf.for %scan3A_564 = %scan3A_313 to %scan3A_315 step %scan3A_316  : i32 {
        %mul3A_565 = arith.constant 8 : i32
        %mul3A_566 = arith.muli %scan3A_564, %mul3A_565 : i32
        %get3A_567 = arith.index_cast %mul3A_566 : i32 to index
        %get3A_568 = arith.constant 112 : index
        %get3A_569 = tpu.vector_load %arg9[%get3A_567, %get3A_568] {strides = array<i32>} : memref<128x128xf32, #tpu.memory_space<vmem>>, vector<1x16xf32>,
        %get3A_570 = vector.shape_cast %get3A_569 : vector<1x16xf32> to vector<16xf32>
        %mul3A_571 = arith.mulf %get3A_570, %get3A_296 : vector<16xf32>
        %add3A_572 = arith.constant 1 : i32
        %add3A_573 = arith.addi %mul3A_566, %add3A_572 : i32
        %get3A_574 = arith.index_cast %add3A_573 : i32 to index
        %get3A_575 = arith.constant 112 : index
        %get3A_576 = tpu.vector_load %arg9[%get3A_574, %get3A_575] {strides = array<i32>} : memref<128x128xf32, #tpu.memory_space<vmem>>, vector<1x16xf32>,
        %get3A_577 = vector.shape_cast %get3A_576 : vector<1x16xf32> to vector<16xf32>
        %mul3A_578 = arith.mulf %get3A_577, %get3A_301 : vector<16xf32>
        %add3A_579 = arith.addf %mul3A_571, %mul3A_578 : vector<16xf32>
        %add3A_580 = arith.constant 2 : i32
        %add3A_581 = arith.addi %mul3A_566, %add3A_580 : i32
        %get3A_582 = arith.index_cast %add3A_581 : i32 to index
        %get3A_583 = arith.constant 112 : index
        %get3A_584 = tpu.vector_load %arg9[%get3A_582, %get3A_583] {strides = array<i32>} : memref<128x128xf32, #tpu.memory_space<vmem>>, vector<1x16xf32>,
        %get3A_585 = vector.shape_cast %get3A_584 : vector<1x16xf32> to vector<16xf32>
        %mul3A_586 = arith.mulf %get3A_585, %get3A_306 : vector<16xf32>
        %add3A_587 = arith.addf %add3A_579, %mul3A_586 : vector<16xf32>
        %add3A_588 = arith.constant 3 : i32
        %add3A_589 = arith.addi %mul3A_566, %add3A_588 : i32
        %get3A_590 = arith.index_cast %add3A_589 : i32 to index
        %get3A_591 = arith.constant 112 : index
        %get3A_592 = tpu.vector_load %arg9[%get3A_590, %get3A_591] {strides = array<i32>} : memref<128x128xf32, #tpu.memory_space<vmem>>, vector<1x16xf32>,
        %get3A_593 = vector.shape_cast %get3A_592 : vector<1x16xf32> to vector<16xf32>
        %mul3A_594 = arith.mulf %get3A_593, %get3A_311 : vector<16xf32>
        %add3A_595 = arith.addf %add3A_587, %mul3A_594 : vector<16xf32>
        %add3A_596 = arith.constant 4 : i32
        %add3A_597 = arith.addi %mul3A_566, %add3A_596 : i32
        %get3A_598 = arith.index_cast %add3A_597 : i32 to index
        %get3A_599 = arith.constant 112 : index
        %get3A_600 = tpu.vector_load %arg9[%get3A_598, %get3A_599] {strides = array<i32>} : memref<128x128xf32, #tpu.memory_space<vmem>>, vector<1x16xf32>,
        %get3A_601 = vector.shape_cast %get3A_600 : vector<1x16xf32> to vector<16xf32>
        %mul3A_602 = arith.mulf %get3A_601, %get3A_296 : vector<16xf32>
        %add3A_603 = arith.addf %add3A_595, %mul3A_602 : vector<16xf32>
        %add3A_604 = arith.constant 5 : i32
        %add3A_605 = arith.addi %mul3A_566, %add3A_604 : i32
        %get3A_606 = arith.index_cast %add3A_605 : i32 to index
        %get3A_607 = arith.constant 112 : index
        %get3A_608 = tpu.vector_load %arg9[%get3A_606, %get3A_607] {strides = array<i32>} : memref<128x128xf32, #tpu.memory_space<vmem>>, vector<1x16xf32>,
        %get3A_609 = vector.shape_cast %get3A_608 : vector<1x16xf32> to vector<16xf32>
        %mul3A_610 = arith.mulf %get3A_609, %get3A_301 : vector<16xf32>
        %add3A_611 = arith.addf %add3A_603, %mul3A_610 : vector<16xf32>
        %add3A_612 = arith.constant 6 : i32
        %add3A_613 = arith.addi %mul3A_566, %add3A_612 : i32
        %get3A_614 = arith.index_cast %add3A_613 : i32 to index
        %get3A_615 = arith.constant 112 : index
        %get3A_616 = tpu.vector_load %arg9[%get3A_614, %get3A_615] {strides = array<i32>} : memref<128x128xf32, #tpu.memory_space<vmem>>, vector<1x16xf32>,
        %get3A_617 = vector.shape_cast %get3A_616 : vector<1x16xf32> to vector<16xf32>
        %mul3A_618 = arith.mulf %get3A_617, %get3A_306 : vector<16xf32>
        %add3A_619 = arith.addf %add3A_611, %mul3A_618 : vector<16xf32>
        %add3A_620 = arith.constant 7 : i32
        %add3A_621 = arith.addi %mul3A_566, %add3A_620 : i32
        %get3A_622 = arith.index_cast %add3A_621 : i32 to index
        %get3A_623 = arith.constant 112 : index
        %get3A_624 = tpu.vector_load %arg9[%get3A_622, %get3A_623] {strides = array<i32>} : memref<128x128xf32, #tpu.memory_space<vmem>>, vector<1x16xf32>,
        %get3A_625 = vector.shape_cast %get3A_624 : vector<1x16xf32> to vector<16xf32>
        %mul3A_626 = arith.mulf %get3A_625, %get3A_311 : vector<16xf32>
        %add3A_627 = arith.addf %add3A_619, %mul3A_626 : vector<16xf32>
        %swap3A = arith.index_cast %scan3A_564 : i32 to index
        %swap3A_628 = arith.constant 112 : index
        %swap3A_629 = tpu.vector_load %arg11[%swap3A, %swap3A_628] {strides = array<i32>} : memref<16x128xf32, #tpu.memory_space<vmem>>, vector<1x16xf32>,
        %swap3A_630 = vector.shape_cast %swap3A_629 : vector<1x16xf32> to vector<16xf32>
        %swap3A_631 = vector.shape_cast %add3A_627 : vector<16xf32> to vector<1x16xf32>
        tpu.vector_store %arg11[%swap3A, %swap3A_628], %swap3A_631 {strides = array<i32>} : memref<16x128xf32, #tpu.memory_space<vmem>>, vector<1x16xf32>,
      }
      %scan3A_317 = arith.constant 16 : i32
      %mul3A_318 = arith.constant 16 : i32
      %mul3A_319 = arith.muli %add3A_89, %mul3A_318 : i32
      %add3A_320 = arith.addi %mul3A_28, %mul3A_319 : i32
      %dma_start3A_321 = arith.constant 0 : i32
      %dma_start3A_322 = tpu.memref_slice %arg5[%add3A_320, %dma_start3A_321] : memref<50176x128xf32, #tpu.memory_space<hbm>> -> memref<16x128xf32, #tpu.memory_space<hbm>>
      %dma_start3A_323 = arith.constant 0 : i32
      %dma_start3A_324 = tpu.memref_slice %arg5[%add3A_320, %dma_start3A_323] : memref<50176x128xf32, #tpu.memory_space<hbm>> -> memref<16x128xf32, #tpu.memory_space<hbm>>
      tpu.enqueue_dma source(%arg11 : memref<16x128xf32, #tpu.memory_space<vmem>>) target(%dma_start3A_324 : memref<16x128xf32, #tpu.memory_space<hbm>>) target_semaphore(%arg17 : memref<!tpu.dma_semaphore, #tpu.memory_space<semaphore_mem>>)
      %mul3A_325 = arith.constant 2 : i32
      %mul3A_326 = arith.muli %while3A_85, %mul3A_325 : i32
      %add3A_327 = arith.constant 1 : i32
      %add3A_328 = arith.addi %mul3A_326, %add3A_327 : i32
      %dma_wait3A_329 = arith.constant 0 : i32
      %dma_wait3A_330 = arith.constant 0 : i32
      %dma_wait3A_331 = tpu.memref_slice %arg4[%dma_wait3A_329, %dma_wait3A_330] : memref<50000x128xf32, #tpu.memory_space<hbm>> -> memref<50000x128xf32, #tpu.memory_space<hbm>>
      tpu.wait_indirect_dma semaphore(%arg16 : memref<!tpu.dma_semaphore, #tpu.memory_space<semaphore_mem>>) src(%dma_wait3A_331 : memref<50000x128xf32, #tpu.memory_space<hbm>>) dst(%arg10 : memref<128x128xf32, #tpu.memory_space<vmem>>)
      %sub3A_332 = arith.constant 1 : i32
      %sub3A_333 = arith.subi %select_n3A_26, %sub3A_332 : i32
      %lt3A_334 = arith.cmpi slt, %while3A_85, %sub3A_333 : i32
      %convert_element_type3A_335 = arith.extui %lt3A_334 : i1 to i32
      %cond3A_336 = arith.constant 0 : i32
      %cond3A_337 = arith.cmpi ne, %convert_element_type3A_335, %cond3A_336 : i32
      scf.if %cond3A_337 {
        %add3A_564 = arith.constant 2 : i32
        %add3A_565 = arith.addi %add3A_328, %add3A_564 : i32
        %add3A_566 = arith.addi %select_n3A, %add3A_565 : i32
        %mul3A_567 = arith.constant 16 : i32
        %mul3A_568 = arith.muli %add3A_566, %mul3A_567 : i32
        %mul3A_569 = arith.constant 8 : i32
        %mul3A_570 = arith.muli %mul3A_568, %mul3A_569 : i32
        %dma_start3A_571 = tpu.memref_slice %arg2[%mul3A_570] : memref<401408xi32, #tpu.memory_space<hbm>> -> memref<128xi32, #tpu.memory_space<hbm>>
        %dma_start3A_572 = tpu.memref_slice %arg2[%mul3A_570] : memref<401408xi32, #tpu.memory_space<hbm>> -> memref<128xi32, #tpu.memory_space<hbm>>
        tpu.enqueue_dma source(%dma_start3A_572 : memref<128xi32, #tpu.memory_space<hbm>>) target(%arg8 : memref<128xi32, #tpu.memory_space<vmem>>) target_semaphore(%arg14 : memref<!tpu.dma_semaphore, #tpu.memory_space<semaphore_mem>>)
      } else {
      }
      %sub3A_338 = arith.constant 1 : i32
      %sub3A_339 = arith.subi %select_n3A_26, %sub3A_338 : i32
      %lt3A_340 = arith.cmpi slt, %while3A_85, %sub3A_339 : i32
      %convert_element_type3A_341 = arith.extui %lt3A_340 : i1 to i32
      %cond3A_342 = arith.constant 0 : i32
      %cond3A_343 = arith.cmpi ne, %convert_element_type3A_341, %cond3A_342 : i32
      scf.if %cond3A_343 {
        %add3A_564 = arith.constant 1 : i32
        %add3A_565 = arith.addi %add3A_328, %add3A_564 : i32
        %add3A_566 = arith.addi %select_n3A, %add3A_565 : i32
        %mul3A_567 = arith.constant 16 : i32
        %mul3A_568 = arith.muli %add3A_566, %mul3A_567 : i32
        %mul3A_569 = arith.constant 8 : i32
        %mul3A_570 = arith.muli %mul3A_568, %mul3A_569 : i32
        %dma_wait3A_571 = tpu.memref_slice %arg2[%mul3A_570] : memref<401408xi32, #tpu.memory_space<hbm>> -> memref<128xi32, #tpu.memory_space<hbm>>
        %dma_wait3A_572 = tpu.memref_slice %arg2[%mul3A_570] : memref<401408xi32, #tpu.memory_space<hbm>> -> memref<128xi32, #tpu.memory_space<hbm>>
        tpu.wait_dma2 semaphore(%arg13 : memref<!tpu.dma_semaphore, #tpu.memory_space<semaphore_mem>>) src(%dma_wait3A_572 : memref<128xi32, #tpu.memory_space<hbm>>) dst(%arg7 : memref<128xi32, #tpu.memory_space<vmem>>)
        %dma_start3A_573 = arith.constant 0 : i32
        %dma_start3A_574 = arith.constant 0 : i32
        %dma_start3A_575 = tpu.memref_slice %arg4[%dma_start3A_573, %dma_start3A_574] : memref<50000x128xf32, #tpu.memory_space<hbm>> -> memref<50000x128xf32, #tpu.memory_space<hbm>>
        tpu.enqueue_indirect_dma source(%dma_start3A_575 : memref<50000x128xf32, #tpu.memory_space<hbm>>) target(%arg9 : memref<128x128xf32, #tpu.memory_space<vmem>>) offsets(%arg7 : memref<128xi32, #tpu.memory_space<vmem>>) semaphore(%arg15 : memref<!tpu.dma_semaphore, #tpu.memory_space<semaphore_mem>>)
      } else {
      }
      %gt3A_344 = arith.constant 0 : i32
      %gt3A_345 = arith.cmpi sgt, %while3A_85, %gt3A_344 : i32
      %convert_element_type3A_346 = arith.extui %gt3A_345 : i1 to i32
      %cond3A_347 = arith.constant 0 : i32
      %cond3A_348 = arith.cmpi ne, %convert_element_type3A_346, %cond3A_347 : i32
      scf.if %cond3A_348 {
        %sub3A_564 = arith.constant 2 : i32
        %sub3A_565 = arith.subi %add3A_328, %sub3A_564 : i32
        %mul3A_566 = arith.constant 16 : i32
        %mul3A_567 = arith.muli %sub3A_565, %mul3A_566 : i32
        %add3A_568 = arith.addi %mul3A_28, %mul3A_567 : i32
        %dma_wait3A_569 = arith.constant 0 : i32
        %dma_wait3A_570 = tpu.memref_slice %arg5[%add3A_568, %dma_wait3A_569] : memref<50176x128xf32, #tpu.memory_space<hbm>> -> memref<16x128xf32, #tpu.memory_space<hbm>>
        %dma_wait3A_571 = arith.constant 0 : i32
        %dma_wait3A_572 = tpu.memref_slice %arg5[%add3A_568, %dma_wait3A_571] : memref<50176x128xf32, #tpu.memory_space<hbm>> -> memref<16x128xf32, #tpu.memory_space<hbm>>
        tpu.wait_dma2 semaphore(%arg17 : memref<!tpu.dma_semaphore, #tpu.memory_space<semaphore_mem>>) src(%arg12 : memref<16x128xf32, #tpu.memory_space<vmem>>) dst(%dma_wait3A_572 : memref<16x128xf32, #tpu.memory_space<hbm>>)
      } else {
      }
      %get3A_349 = arith.constant 0 : i32
      %get3A_350 = arith.index_cast %get3A_349 : i32 to index
      %get3A_351 = arith.constant 0 : index
      %get3A_352 = tpu.vector_load %arg6[%get3A_350, %get3A_351] {strides = array<i32>} : memref<4x128xf32, #tpu.memory_space<vmem>>, vector<1x16xf32>,
      %get3A_353 = vector.shape_cast %get3A_352 : vector<1x16xf32> to vector<16xf32>
      %get3A_354 = arith.constant 1 : i32
      %get3A_355 = arith.index_cast %get3A_354 : i32 to index
      %get3A_356 = arith.constant 0 : index
      %get3A_357 = tpu.vector_load %arg6[%get3A_355, %get3A_356] {strides = array<i32>} : memref<4x128xf32, #tpu.memory_space<vmem>>, vector<1x16xf32>,
      %get3A_358 = vector.shape_cast %get3A_357 : vector<1x16xf32> to vector<16xf32>
      %get3A_359 = arith.constant 2 : i32
      %get3A_360 = arith.index_cast %get3A_359 : i32 to index
      %get3A_361 = arith.constant 0 : index
      %get3A_362 = tpu.vector_load %arg6[%get3A_360, %get3A_361] {strides = array<i32>} : memref<4x128xf32, #tpu.memory_space<vmem>>, vector<1x16xf32>,
      %get3A_363 = vector.shape_cast %get3A_362 : vector<1x16xf32> to vector<16xf32>
      %get3A_364 = arith.constant 3 : i32
      %get3A_365 = arith.index_cast %get3A_364 : i32 to index
      %get3A_366 = arith.constant 0 : index
      %get3A_367 = tpu.vector_load %arg6[%get3A_365, %get3A_366] {strides = array<i32>} : memref<4x128xf32, #tpu.memory_space<vmem>>, vector<1x16xf32>,
      %get3A_368 = vector.shape_cast %get3A_367 : vector<1x16xf32> to vector<16xf32>
      %scan3A_369 = arith.constant 0 : i32
      %scan3A_370 = arith.constant 0 : i32
      %scan3A_371 = arith.constant 16 : i32
      %scan3A_372 = arith.addi %scan3A_370, %scan3A_371 : i32
      %scan3A_373 = arith.constant 1 : i32
      scf.for %scan3A_564 = %scan3A_370 to %scan3A_372 step %scan3A_373  : i32 {
        %mul3A_565 = arith.constant 8 : i32
        %mul3A_566 = arith.muli %scan3A_564, %mul3A_565 : i32
        %get3A_567 = arith.index_cast %mul3A_566 : i32 to index
        %get3A_568 = arith.constant 0 : index
        %get3A_569 = tpu.vector_load %arg10[%get3A_567, %get3A_568] {strides = array<i32>} : memref<128x128xf32, #tpu.memory_space<vmem>>, vector<1x16xf32>,
        %get3A_570 = vector.shape_cast %get3A_569 : vector<1x16xf32> to vector<16xf32>
        %mul3A_571 = arith.mulf %get3A_570, %get3A_353 : vector<16xf32>
        %add3A_572 = arith.constant 1 : i32
        %add3A_573 = arith.addi %mul3A_566, %add3A_572 : i32
        %get3A_574 = arith.index_cast %add3A_573 : i32 to index
        %get3A_575 = arith.constant 0 : index
        %get3A_576 = tpu.vector_load %arg10[%get3A_574, %get3A_575] {strides = array<i32>} : memref<128x128xf32, #tpu.memory_space<vmem>>, vector<1x16xf32>,
        %get3A_577 = vector.shape_cast %get3A_576 : vector<1x16xf32> to vector<16xf32>
        %mul3A_578 = arith.mulf %get3A_577, %get3A_358 : vector<16xf32>
        %add3A_579 = arith.addf %mul3A_571, %mul3A_578 : vector<16xf32>
        %add3A_580 = arith.constant 2 : i32
        %add3A_581 = arith.addi %mul3A_566, %add3A_580 : i32
        %get3A_582 = arith.index_cast %add3A_581 : i32 to index
        %get3A_583 = arith.constant 0 : index
        %get3A_584 = tpu.vector_load %arg10[%get3A_582, %get3A_583] {strides = array<i32>} : memref<128x128xf32, #tpu.memory_space<vmem>>, vector<1x16xf32>,
        %get3A_585 = vector.shape_cast %get3A_584 : vector<1x16xf32> to vector<16xf32>
        %mul3A_586 = arith.mulf %get3A_585, %get3A_363 : vector<16xf32>
        %add3A_587 = arith.addf %add3A_579, %mul3A_586 : vector<16xf32>
        %add3A_588 = arith.constant 3 : i32
        %add3A_589 = arith.addi %mul3A_566, %add3A_588 : i32
        %get3A_590 = arith.index_cast %add3A_589 : i32 to index
        %get3A_591 = arith.constant 0 : index
        %get3A_592 = tpu.vector_load %arg10[%get3A_590, %get3A_591] {strides = array<i32>} : memref<128x128xf32, #tpu.memory_space<vmem>>, vector<1x16xf32>,
        %get3A_593 = vector.shape_cast %get3A_592 : vector<1x16xf32> to vector<16xf32>
        %mul3A_594 = arith.mulf %get3A_593, %get3A_368 : vector<16xf32>
        %add3A_595 = arith.addf %add3A_587, %mul3A_594 : vector<16xf32>
        %add3A_596 = arith.constant 4 : i32
        %add3A_597 = arith.addi %mul3A_566, %add3A_596 : i32
        %get3A_598 = arith.index_cast %add3A_597 : i32 to index
        %get3A_599 = arith.constant 0 : index
        %get3A_600 = tpu.vector_load %arg10[%get3A_598, %get3A_599] {strides = array<i32>} : memref<128x128xf32, #tpu.memory_space<vmem>>, vector<1x16xf32>,
        %get3A_601 = vector.shape_cast %get3A_600 : vector<1x16xf32> to vector<16xf32>
        %mul3A_602 = arith.mulf %get3A_601, %get3A_353 : vector<16xf32>
        %add3A_603 = arith.addf %add3A_595, %mul3A_602 : vector<16xf32>
        %add3A_604 = arith.constant 5 : i32
        %add3A_605 = arith.addi %mul3A_566, %add3A_604 : i32
        %get3A_606 = arith.index_cast %add3A_605 : i32 to index
        %get3A_607 = arith.constant 0 : index
        %get3A_608 = tpu.vector_load %arg10[%get3A_606, %get3A_607] {strides = array<i32>} : memref<128x128xf32, #tpu.memory_space<vmem>>, vector<1x16xf32>,
        %get3A_609 = vector.shape_cast %get3A_608 : vector<1x16xf32> to vector<16xf32>
        %mul3A_610 = arith.mulf %get3A_609, %get3A_358 : vector<16xf32>
        %add3A_611 = arith.addf %add3A_603, %mul3A_610 : vector<16xf32>
        %add3A_612 = arith.constant 6 : i32
        %add3A_613 = arith.addi %mul3A_566, %add3A_612 : i32
        %get3A_614 = arith.index_cast %add3A_613 : i32 to index
        %get3A_615 = arith.constant 0 : index
        %get3A_616 = tpu.vector_load %arg10[%get3A_614, %get3A_615] {strides = array<i32>} : memref<128x128xf32, #tpu.memory_space<vmem>>, vector<1x16xf32>,
        %get3A_617 = vector.shape_cast %get3A_616 : vector<1x16xf32> to vector<16xf32>
        %mul3A_618 = arith.mulf %get3A_617, %get3A_363 : vector<16xf32>
        %add3A_619 = arith.addf %add3A_611, %mul3A_618 : vector<16xf32>
        %add3A_620 = arith.constant 7 : i32
        %add3A_621 = arith.addi %mul3A_566, %add3A_620 : i32
        %get3A_622 = arith.index_cast %add3A_621 : i32 to index
        %get3A_623 = arith.constant 0 : index
        %get3A_624 = tpu.vector_load %arg10[%get3A_622, %get3A_623] {strides = array<i32>} : memref<128x128xf32, #tpu.memory_space<vmem>>, vector<1x16xf32>,
        %get3A_625 = vector.shape_cast %get3A_624 : vector<1x16xf32> to vector<16xf32>
        %mul3A_626 = arith.mulf %get3A_625, %get3A_368 : vector<16xf32>
        %add3A_627 = arith.addf %add3A_619, %mul3A_626 : vector<16xf32>
        %swap3A = arith.index_cast %scan3A_564 : i32 to index
        %swap3A_628 = arith.constant 0 : index
        %swap3A_629 = tpu.vector_load %arg12[%swap3A, %swap3A_628] {strides = array<i32>} : memref<16x128xf32, #tpu.memory_space<vmem>>, vector<1x16xf32>,
        %swap3A_630 = vector.shape_cast %swap3A_629 : vector<1x16xf32> to vector<16xf32>
        %swap3A_631 = vector.shape_cast %add3A_627 : vector<16xf32> to vector<1x16xf32>
        tpu.vector_store %arg12[%swap3A, %swap3A_628], %swap3A_631 {strides = array<i32>} : memref<16x128xf32, #tpu.memory_space<vmem>>, vector<1x16xf32>,
      }
      %scan3A_374 = arith.constant 16 : i32
      %get3A_375 = arith.constant 0 : i32
      %get3A_376 = arith.index_cast %get3A_375 : i32 to index
      %get3A_377 = arith.constant 16 : index
      %get3A_378 = tpu.vector_load %arg6[%get3A_376, %get3A_377] {strides = array<i32>} : memref<4x128xf32, #tpu.memory_space<vmem>>, vector<1x16xf32>,
      %get3A_379 = vector.shape_cast %get3A_378 : vector<1x16xf32> to vector<16xf32>
      %get3A_380 = arith.constant 1 : i32
      %get3A_381 = arith.index_cast %get3A_380 : i32 to index
      %get3A_382 = arith.constant 16 : index
      %get3A_383 = tpu.vector_load %arg6[%get3A_381, %get3A_382] {strides = array<i32>} : memref<4x128xf32, #tpu.memory_space<vmem>>, vector<1x16xf32>,
      %get3A_384 = vector.shape_cast %get3A_383 : vector<1x16xf32> to vector<16xf32>
      %get3A_385 = arith.constant 2 : i32
      %get3A_386 = arith.index_cast %get3A_385 : i32 to index
      %get3A_387 = arith.constant 16 : index
      %get3A_388 = tpu.vector_load %arg6[%get3A_386, %get3A_387] {strides = array<i32>} : memref<4x128xf32, #tpu.memory_space<vmem>>, vector<1x16xf32>,
      %get3A_389 = vector.shape_cast %get3A_388 : vector<1x16xf32> to vector<16xf32>
      %get3A_390 = arith.constant 3 : i32
      %get3A_391 = arith.index_cast %get3A_390 : i32 to index
      %get3A_392 = arith.constant 16 : index
      %get3A_393 = tpu.vector_load %arg6[%get3A_391, %get3A_392] {strides = array<i32>} : memref<4x128xf32, #tpu.memory_space<vmem>>, vector<1x16xf32>,
      %get3A_394 = vector.shape_cast %get3A_393 : vector<1x16xf32> to vector<16xf32>
      %scan3A_395 = arith.constant 0 : i32
      %scan3A_396 = arith.constant 0 : i32
      %scan3A_397 = arith.constant 16 : i32
      %scan3A_398 = arith.addi %scan3A_396, %scan3A_397 : i32
      %scan3A_399 = arith.constant 1 : i32
      scf.for %scan3A_564 = %scan3A_396 to %scan3A_398 step %scan3A_399  : i32 {
        %mul3A_565 = arith.constant 8 : i32
        %mul3A_566 = arith.muli %scan3A_564, %mul3A_565 : i32
        %get3A_567 = arith.index_cast %mul3A_566 : i32 to index
        %get3A_568 = arith.constant 16 : index
        %get3A_569 = tpu.vector_load %arg10[%get3A_567, %get3A_568] {strides = array<i32>} : memref<128x128xf32, #tpu.memory_space<vmem>>, vector<1x16xf32>,
        %get3A_570 = vector.shape_cast %get3A_569 : vector<1x16xf32> to vector<16xf32>
        %mul3A_571 = arith.mulf %get3A_570, %get3A_379 : vector<16xf32>
        %add3A_572 = arith.constant 1 : i32
        %add3A_573 = arith.addi %mul3A_566, %add3A_572 : i32
        %get3A_574 = arith.index_cast %add3A_573 : i32 to index
        %get3A_575 = arith.constant 16 : index
        %get3A_576 = tpu.vector_load %arg10[%get3A_574, %get3A_575] {strides = array<i32>} : memref<128x128xf32, #tpu.memory_space<vmem>>, vector<1x16xf32>,
        %get3A_577 = vector.shape_cast %get3A_576 : vector<1x16xf32> to vector<16xf32>
        %mul3A_578 = arith.mulf %get3A_577, %get3A_384 : vector<16xf32>
        %add3A_579 = arith.addf %mul3A_571, %mul3A_578 : vector<16xf32>
        %add3A_580 = arith.constant 2 : i32
        %add3A_581 = arith.addi %mul3A_566, %add3A_580 : i32
        %get3A_582 = arith.index_cast %add3A_581 : i32 to index
        %get3A_583 = arith.constant 16 : index
        %get3A_584 = tpu.vector_load %arg10[%get3A_582, %get3A_583] {strides = array<i32>} : memref<128x128xf32, #tpu.memory_space<vmem>>, vector<1x16xf32>,
        %get3A_585 = vector.shape_cast %get3A_584 : vector<1x16xf32> to vector<16xf32>
        %mul3A_586 = arith.mulf %get3A_585, %get3A_389 : vector<16xf32>
        %add3A_587 = arith.addf %add3A_579, %mul3A_586 : vector<16xf32>
        %add3A_588 = arith.constant 3 : i32
        %add3A_589 = arith.addi %mul3A_566, %add3A_588 : i32
        %get3A_590 = arith.index_cast %add3A_589 : i32 to index
        %get3A_591 = arith.constant 16 : index
        %get3A_592 = tpu.vector_load %arg10[%get3A_590, %get3A_591] {strides = array<i32>} : memref<128x128xf32, #tpu.memory_space<vmem>>, vector<1x16xf32>,
        %get3A_593 = vector.shape_cast %get3A_592 : vector<1x16xf32> to vector<16xf32>
        %mul3A_594 = arith.mulf %get3A_593, %get3A_394 : vector<16xf32>
        %add3A_595 = arith.addf %add3A_587, %mul3A_594 : vector<16xf32>
        %add3A_596 = arith.constant 4 : i32
        %add3A_597 = arith.addi %mul3A_566, %add3A_596 : i32
        %get3A_598 = arith.index_cast %add3A_597 : i32 to index
        %get3A_599 = arith.constant 16 : index
        %get3A_600 = tpu.vector_load %arg10[%get3A_598, %get3A_599] {strides = array<i32>} : memref<128x128xf32, #tpu.memory_space<vmem>>, vector<1x16xf32>,
        %get3A_601 = vector.shape_cast %get3A_600 : vector<1x16xf32> to vector<16xf32>
        %mul3A_602 = arith.mulf %get3A_601, %get3A_379 : vector<16xf32>
        %add3A_603 = arith.addf %add3A_595, %mul3A_602 : vector<16xf32>
        %add3A_604 = arith.constant 5 : i32
        %add3A_605 = arith.addi %mul3A_566, %add3A_604 : i32
        %get3A_606 = arith.index_cast %add3A_605 : i32 to index
        %get3A_607 = arith.constant 16 : index
        %get3A_608 = tpu.vector_load %arg10[%get3A_606, %get3A_607] {strides = array<i32>} : memref<128x128xf32, #tpu.memory_space<vmem>>, vector<1x16xf32>,
        %get3A_609 = vector.shape_cast %get3A_608 : vector<1x16xf32> to vector<16xf32>
        %mul3A_610 = arith.mulf %get3A_609, %get3A_384 : vector<16xf32>
        %add3A_611 = arith.addf %add3A_603, %mul3A_610 : vector<16xf32>
        %add3A_612 = arith.constant 6 : i32
        %add3A_613 = arith.addi %mul3A_566, %add3A_612 : i32
        %get3A_614 = arith.index_cast %add3A_613 : i32 to index
        %get3A_615 = arith.constant 16 : index
        %get3A_616 = tpu.vector_load %arg10[%get3A_614, %get3A_615] {strides = array<i32>} : memref<128x128xf32, #tpu.memory_space<vmem>>, vector<1x16xf32>,
        %get3A_617 = vector.shape_cast %get3A_616 : vector<1x16xf32> to vector<16xf32>
        %mul3A_618 = arith.mulf %get3A_617, %get3A_389 : vector<16xf32>
        %add3A_619 = arith.addf %add3A_611, %mul3A_618 : vector<16xf32>
        %add3A_620 = arith.constant 7 : i32
        %add3A_621 = arith.addi %mul3A_566, %add3A_620 : i32
        %get3A_622 = arith.index_cast %add3A_621 : i32 to index
        %get3A_623 = arith.constant 16 : index
        %get3A_624 = tpu.vector_load %arg10[%get3A_622, %get3A_623] {strides = array<i32>} : memref<128x128xf32, #tpu.memory_space<vmem>>, vector<1x16xf32>,
        %get3A_625 = vector.shape_cast %get3A_624 : vector<1x16xf32> to vector<16xf32>
        %mul3A_626 = arith.mulf %get3A_625, %get3A_394 : vector<16xf32>
        %add3A_627 = arith.addf %add3A_619, %mul3A_626 : vector<16xf32>
        %swap3A = arith.index_cast %scan3A_564 : i32 to index
        %swap3A_628 = arith.constant 16 : index
        %swap3A_629 = tpu.vector_load %arg12[%swap3A, %swap3A_628] {strides = array<i32>} : memref<16x128xf32, #tpu.memory_space<vmem>>, vector<1x16xf32>,
        %swap3A_630 = vector.shape_cast %swap3A_629 : vector<1x16xf32> to vector<16xf32>
        %swap3A_631 = vector.shape_cast %add3A_627 : vector<16xf32> to vector<1x16xf32>
        tpu.vector_store %arg12[%swap3A, %swap3A_628], %swap3A_631 {strides = array<i32>} : memref<16x128xf32, #tpu.memory_space<vmem>>, vector<1x16xf32>,
      }
      %scan3A_400 = arith.constant 16 : i32
      %get3A_401 = arith.constant 0 : i32
      %get3A_402 = arith.index_cast %get3A_401 : i32 to index
      %get3A_403 = arith.constant 32 : index
      %get3A_404 = tpu.vector_load %arg6[%get3A_402, %get3A_403] {strides = array<i32>} : memref<4x128xf32, #tpu.memory_space<vmem>>, vector<1x16xf32>,
      %get3A_405 = vector.shape_cast %get3A_404 : vector<1x16xf32> to vector<16xf32>
      %get3A_406 = arith.constant 1 : i32
      %get3A_407 = arith.index_cast %get3A_406 : i32 to index
      %get3A_408 = arith.constant 32 : index
      %get3A_409 = tpu.vector_load %arg6[%get3A_407, %get3A_408] {strides = array<i32>} : memref<4x128xf32, #tpu.memory_space<vmem>>, vector<1x16xf32>,
      %get3A_410 = vector.shape_cast %get3A_409 : vector<1x16xf32> to vector<16xf32>
      %get3A_411 = arith.constant 2 : i32
      %get3A_412 = arith.index_cast %get3A_411 : i32 to index
      %get3A_413 = arith.constant 32 : index
      %get3A_414 = tpu.vector_load %arg6[%get3A_412, %get3A_413] {strides = array<i32>} : memref<4x128xf32, #tpu.memory_space<vmem>>, vector<1x16xf32>,
      %get3A_415 = vector.shape_cast %get3A_414 : vector<1x16xf32> to vector<16xf32>
      %get3A_416 = arith.constant 3 : i32
      %get3A_417 = arith.index_cast %get3A_416 : i32 to index
      %get3A_418 = arith.constant 32 : index
      %get3A_419 = tpu.vector_load %arg6[%get3A_417, %get3A_418] {strides = array<i32>} : memref<4x128xf32, #tpu.memory_space<vmem>>, vector<1x16xf32>,
      %get3A_420 = vector.shape_cast %get3A_419 : vector<1x16xf32> to vector<16xf32>
      %scan3A_421 = arith.constant 0 : i32
      %scan3A_422 = arith.constant 0 : i32
      %scan3A_423 = arith.constant 16 : i32
      %scan3A_424 = arith.addi %scan3A_422, %scan3A_423 : i32
      %scan3A_425 = arith.constant 1 : i32
      scf.for %scan3A_564 = %scan3A_422 to %scan3A_424 step %scan3A_425  : i32 {
        %mul3A_565 = arith.constant 8 : i32
        %mul3A_566 = arith.muli %scan3A_564, %mul3A_565 : i32
        %get3A_567 = arith.index_cast %mul3A_566 : i32 to index
        %get3A_568 = arith.constant 32 : index
        %get3A_569 = tpu.vector_load %arg10[%get3A_567, %get3A_568] {strides = array<i32>} : memref<128x128xf32, #tpu.memory_space<vmem>>, vector<1x16xf32>,
        %get3A_570 = vector.shape_cast %get3A_569 : vector<1x16xf32> to vector<16xf32>
        %mul3A_571 = arith.mulf %get3A_570, %get3A_405 : vector<16xf32>
        %add3A_572 = arith.constant 1 : i32
        %add3A_573 = arith.addi %mul3A_566, %add3A_572 : i32
        %get3A_574 = arith.index_cast %add3A_573 : i32 to index
        %get3A_575 = arith.constant 32 : index
        %get3A_576 = tpu.vector_load %arg10[%get3A_574, %get3A_575] {strides = array<i32>} : memref<128x128xf32, #tpu.memory_space<vmem>>, vector<1x16xf32>,
        %get3A_577 = vector.shape_cast %get3A_576 : vector<1x16xf32> to vector<16xf32>
        %mul3A_578 = arith.mulf %get3A_577, %get3A_410 : vector<16xf32>
        %add3A_579 = arith.addf %mul3A_571, %mul3A_578 : vector<16xf32>
        %add3A_580 = arith.constant 2 : i32
        %add3A_581 = arith.addi %mul3A_566, %add3A_580 : i32
        %get3A_582 = arith.index_cast %add3A_581 : i32 to index
        %get3A_583 = arith.constant 32 : index
        %get3A_584 = tpu.vector_load %arg10[%get3A_582, %get3A_583] {strides = array<i32>} : memref<128x128xf32, #tpu.memory_space<vmem>>, vector<1x16xf32>,
        %get3A_585 = vector.shape_cast %get3A_584 : vector<1x16xf32> to vector<16xf32>
        %mul3A_586 = arith.mulf %get3A_585, %get3A_415 : vector<16xf32>
        %add3A_587 = arith.addf %add3A_579, %mul3A_586 : vector<16xf32>
        %add3A_588 = arith.constant 3 : i32
        %add3A_589 = arith.addi %mul3A_566, %add3A_588 : i32
        %get3A_590 = arith.index_cast %add3A_589 : i32 to index
        %get3A_591 = arith.constant 32 : index
        %get3A_592 = tpu.vector_load %arg10[%get3A_590, %get3A_591] {strides = array<i32>} : memref<128x128xf32, #tpu.memory_space<vmem>>, vector<1x16xf32>,
        %get3A_593 = vector.shape_cast %get3A_592 : vector<1x16xf32> to vector<16xf32>
        %mul3A_594 = arith.mulf %get3A_593, %get3A_420 : vector<16xf32>
        %add3A_595 = arith.addf %add3A_587, %mul3A_594 : vector<16xf32>
        %add3A_596 = arith.constant 4 : i32
        %add3A_597 = arith.addi %mul3A_566, %add3A_596 : i32
        %get3A_598 = arith.index_cast %add3A_597 : i32 to index
        %get3A_599 = arith.constant 32 : index
        %get3A_600 = tpu.vector_load %arg10[%get3A_598, %get3A_599] {strides = array<i32>} : memref<128x128xf32, #tpu.memory_space<vmem>>, vector<1x16xf32>,
        %get3A_601 = vector.shape_cast %get3A_600 : vector<1x16xf32> to vector<16xf32>
        %mul3A_602 = arith.mulf %get3A_601, %get3A_405 : vector<16xf32>
        %add3A_603 = arith.addf %add3A_595, %mul3A_602 : vector<16xf32>
        %add3A_604 = arith.constant 5 : i32
        %add3A_605 = arith.addi %mul3A_566, %add3A_604 : i32
        %get3A_606 = arith.index_cast %add3A_605 : i32 to index
        %get3A_607 = arith.constant 32 : index
        %get3A_608 = tpu.vector_load %arg10[%get3A_606, %get3A_607] {strides = array<i32>} : memref<128x128xf32, #tpu.memory_space<vmem>>, vector<1x16xf32>,
        %get3A_609 = vector.shape_cast %get3A_608 : vector<1x16xf32> to vector<16xf32>
        %mul3A_610 = arith.mulf %get3A_609, %get3A_410 : vector<16xf32>
        %add3A_611 = arith.addf %add3A_603, %mul3A_610 : vector<16xf32>
        %add3A_612 = arith.constant 6 : i32
        %add3A_613 = arith.addi %mul3A_566, %add3A_612 : i32
        %get3A_614 = arith.index_cast %add3A_613 : i32 to index
        %get3A_615 = arith.constant 32 : index
        %get3A_616 = tpu.vector_load %arg10[%get3A_614, %get3A_615] {strides = array<i32>} : memref<128x128xf32, #tpu.memory_space<vmem>>, vector<1x16xf32>,
        %get3A_617 = vector.shape_cast %get3A_616 : vector<1x16xf32> to vector<16xf32>
        %mul3A_618 = arith.mulf %get3A_617, %get3A_415 : vector<16xf32>
        %add3A_619 = arith.addf %add3A_611, %mul3A_618 : vector<16xf32>
        %add3A_620 = arith.constant 7 : i32
        %add3A_621 = arith.addi %mul3A_566, %add3A_620 : i32
        %get3A_622 = arith.index_cast %add3A_621 : i32 to index
        %get3A_623 = arith.constant 32 : index
        %get3A_624 = tpu.vector_load %arg10[%get3A_622, %get3A_623] {strides = array<i32>} : memref<128x128xf32, #tpu.memory_space<vmem>>, vector<1x16xf32>,
        %get3A_625 = vector.shape_cast %get3A_624 : vector<1x16xf32> to vector<16xf32>
        %mul3A_626 = arith.mulf %get3A_625, %get3A_420 : vector<16xf32>
        %add3A_627 = arith.addf %add3A_619, %mul3A_626 : vector<16xf32>
        %swap3A = arith.index_cast %scan3A_564 : i32 to index
        %swap3A_628 = arith.constant 32 : index
        %swap3A_629 = tpu.vector_load %arg12[%swap3A, %swap3A_628] {strides = array<i32>} : memref<16x128xf32, #tpu.memory_space<vmem>>, vector<1x16xf32>,
        %swap3A_630 = vector.shape_cast %swap3A_629 : vector<1x16xf32> to vector<16xf32>
        %swap3A_631 = vector.shape_cast %add3A_627 : vector<16xf32> to vector<1x16xf32>
        tpu.vector_store %arg12[%swap3A, %swap3A_628], %swap3A_631 {strides = array<i32>} : memref<16x128xf32, #tpu.memory_space<vmem>>, vector<1x16xf32>,
      }
      %scan3A_426 = arith.constant 16 : i32
      %get3A_427 = arith.constant 0 : i32
      %get3A_428 = arith.index_cast %get3A_427 : i32 to index
      %get3A_429 = arith.constant 48 : index
      %get3A_430 = tpu.vector_load %arg6[%get3A_428, %get3A_429] {strides = array<i32>} : memref<4x128xf32, #tpu.memory_space<vmem>>, vector<1x16xf32>,
      %get3A_431 = vector.shape_cast %get3A_430 : vector<1x16xf32> to vector<16xf32>
      %get3A_432 = arith.constant 1 : i32
      %get3A_433 = arith.index_cast %get3A_432 : i32 to index
      %get3A_434 = arith.constant 48 : index
      %get3A_435 = tpu.vector_load %arg6[%get3A_433, %get3A_434] {strides = array<i32>} : memref<4x128xf32, #tpu.memory_space<vmem>>, vector<1x16xf32>,
      %get3A_436 = vector.shape_cast %get3A_435 : vector<1x16xf32> to vector<16xf32>
      %get3A_437 = arith.constant 2 : i32
      %get3A_438 = arith.index_cast %get3A_437 : i32 to index
      %get3A_439 = arith.constant 48 : index
      %get3A_440 = tpu.vector_load %arg6[%get3A_438, %get3A_439] {strides = array<i32>} : memref<4x128xf32, #tpu.memory_space<vmem>>, vector<1x16xf32>,
      %get3A_441 = vector.shape_cast %get3A_440 : vector<1x16xf32> to vector<16xf32>
      %get3A_442 = arith.constant 3 : i32
      %get3A_443 = arith.index_cast %get3A_442 : i32 to index
      %get3A_444 = arith.constant 48 : index
      %get3A_445 = tpu.vector_load %arg6[%get3A_443, %get3A_444] {strides = array<i32>} : memref<4x128xf32, #tpu.memory_space<vmem>>, vector<1x16xf32>,
      %get3A_446 = vector.shape_cast %get3A_445 : vector<1x16xf32> to vector<16xf32>
      %scan3A_447 = arith.constant 0 : i32
      %scan3A_448 = arith.constant 0 : i32
      %scan3A_449 = arith.constant 16 : i32
      %scan3A_450 = arith.addi %scan3A_448, %scan3A_449 : i32
      %scan3A_451 = arith.constant 1 : i32
      scf.for %scan3A_564 = %scan3A_448 to %scan3A_450 step %scan3A_451  : i32 {
        %mul3A_565 = arith.constant 8 : i32
        %mul3A_566 = arith.muli %scan3A_564, %mul3A_565 : i32
        %get3A_567 = arith.index_cast %mul3A_566 : i32 to index
        %get3A_568 = arith.constant 48 : index
        %get3A_569 = tpu.vector_load %arg10[%get3A_567, %get3A_568] {strides = array<i32>} : memref<128x128xf32, #tpu.memory_space<vmem>>, vector<1x16xf32>,
        %get3A_570 = vector.shape_cast %get3A_569 : vector<1x16xf32> to vector<16xf32>
        %mul3A_571 = arith.mulf %get3A_570, %get3A_431 : vector<16xf32>
        %add3A_572 = arith.constant 1 : i32
        %add3A_573 = arith.addi %mul3A_566, %add3A_572 : i32
        %get3A_574 = arith.index_cast %add3A_573 : i32 to index
        %get3A_575 = arith.constant 48 : index
        %get3A_576 = tpu.vector_load %arg10[%get3A_574, %get3A_575] {strides = array<i32>} : memref<128x128xf32, #tpu.memory_space<vmem>>, vector<1x16xf32>,
        %get3A_577 = vector.shape_cast %get3A_576 : vector<1x16xf32> to vector<16xf32>
        %mul3A_578 = arith.mulf %get3A_577, %get3A_436 : vector<16xf32>
        %add3A_579 = arith.addf %mul3A_571, %mul3A_578 : vector<16xf32>
        %add3A_580 = arith.constant 2 : i32
        %add3A_581 = arith.addi %mul3A_566, %add3A_580 : i32
        %get3A_582 = arith.index_cast %add3A_581 : i32 to index
        %get3A_583 = arith.constant 48 : index
        %get3A_584 = tpu.vector_load %arg10[%get3A_582, %get3A_583] {strides = array<i32>} : memref<128x128xf32, #tpu.memory_space<vmem>>, vector<1x16xf32>,
        %get3A_585 = vector.shape_cast %get3A_584 : vector<1x16xf32> to vector<16xf32>
        %mul3A_586 = arith.mulf %get3A_585, %get3A_441 : vector<16xf32>
        %add3A_587 = arith.addf %add3A_579, %mul3A_586 : vector<16xf32>
        %add3A_588 = arith.constant 3 : i32
        %add3A_589 = arith.addi %mul3A_566, %add3A_588 : i32
        %get3A_590 = arith.index_cast %add3A_589 : i32 to index
        %get3A_591 = arith.constant 48 : index
        %get3A_592 = tpu.vector_load %arg10[%get3A_590, %get3A_591] {strides = array<i32>} : memref<128x128xf32, #tpu.memory_space<vmem>>, vector<1x16xf32>,
        %get3A_593 = vector.shape_cast %get3A_592 : vector<1x16xf32> to vector<16xf32>
        %mul3A_594 = arith.mulf %get3A_593, %get3A_446 : vector<16xf32>
        %add3A_595 = arith.addf %add3A_587, %mul3A_594 : vector<16xf32>
        %add3A_596 = arith.constant 4 : i32
        %add3A_597 = arith.addi %mul3A_566, %add3A_596 : i32
        %get3A_598 = arith.index_cast %add3A_597 : i32 to index
        %get3A_599 = arith.constant 48 : index
        %get3A_600 = tpu.vector_load %arg10[%get3A_598, %get3A_599] {strides = array<i32>} : memref<128x128xf32, #tpu.memory_space<vmem>>, vector<1x16xf32>,
        %get3A_601 = vector.shape_cast %get3A_600 : vector<1x16xf32> to vector<16xf32>
        %mul3A_602 = arith.mulf %get3A_601, %get3A_431 : vector<16xf32>
        %add3A_603 = arith.addf %add3A_595, %mul3A_602 : vector<16xf32>
        %add3A_604 = arith.constant 5 : i32
        %add3A_605 = arith.addi %mul3A_566, %add3A_604 : i32
        %get3A_606 = arith.index_cast %add3A_605 : i32 to index
        %get3A_607 = arith.constant 48 : index
        %get3A_608 = tpu.vector_load %arg10[%get3A_606, %get3A_607] {strides = array<i32>} : memref<128x128xf32, #tpu.memory_space<vmem>>, vector<1x16xf32>,
        %get3A_609 = vector.shape_cast %get3A_608 : vector<1x16xf32> to vector<16xf32>
        %mul3A_610 = arith.mulf %get3A_609, %get3A_436 : vector<16xf32>
        %add3A_611 = arith.addf %add3A_603, %mul3A_610 : vector<16xf32>
        %add3A_612 = arith.constant 6 : i32
        %add3A_613 = arith.addi %mul3A_566, %add3A_612 : i32
        %get3A_614 = arith.index_cast %add3A_613 : i32 to index
        %get3A_615 = arith.constant 48 : index
        %get3A_616 = tpu.vector_load %arg10[%get3A_614, %get3A_615] {strides = array<i32>} : memref<128x128xf32, #tpu.memory_space<vmem>>, vector<1x16xf32>,
        %get3A_617 = vector.shape_cast %get3A_616 : vector<1x16xf32> to vector<16xf32>
        %mul3A_618 = arith.mulf %get3A_617, %get3A_441 : vector<16xf32>
        %add3A_619 = arith.addf %add3A_611, %mul3A_618 : vector<16xf32>
        %add3A_620 = arith.constant 7 : i32
        %add3A_621 = arith.addi %mul3A_566, %add3A_620 : i32
        %get3A_622 = arith.index_cast %add3A_621 : i32 to index
        %get3A_623 = arith.constant 48 : index
        %get3A_624 = tpu.vector_load %arg10[%get3A_622, %get3A_623] {strides = array<i32>} : memref<128x128xf32, #tpu.memory_space<vmem>>, vector<1x16xf32>,
        %get3A_625 = vector.shape_cast %get3A_624 : vector<1x16xf32> to vector<16xf32>
        %mul3A_626 = arith.mulf %get3A_625, %get3A_446 : vector<16xf32>
        %add3A_627 = arith.addf %add3A_619, %mul3A_626 : vector<16xf32>
        %swap3A = arith.index_cast %scan3A_564 : i32 to index
        %swap3A_628 = arith.constant 48 : index
        %swap3A_629 = tpu.vector_load %arg12[%swap3A, %swap3A_628] {strides = array<i32>} : memref<16x128xf32, #tpu.memory_space<vmem>>, vector<1x16xf32>,
        %swap3A_630 = vector.shape_cast %swap3A_629 : vector<1x16xf32> to vector<16xf32>
        %swap3A_631 = vector.shape_cast %add3A_627 : vector<16xf32> to vector<1x16xf32>
        tpu.vector_store %arg12[%swap3A, %swap3A_628], %swap3A_631 {strides = array<i32>} : memref<16x128xf32, #tpu.memory_space<vmem>>, vector<1x16xf32>,
      }
      %scan3A_452 = arith.constant 16 : i32
      %get3A_453 = arith.constant 0 : i32
      %get3A_454 = arith.index_cast %get3A_453 : i32 to index
      %get3A_455 = arith.constant 64 : index
      %get3A_456 = tpu.vector_load %arg6[%get3A_454, %get3A_455] {strides = array<i32>} : memref<4x128xf32, #tpu.memory_space<vmem>>, vector<1x16xf32>,
      %get3A_457 = vector.shape_cast %get3A_456 : vector<1x16xf32> to vector<16xf32>
      %get3A_458 = arith.constant 1 : i32
      %get3A_459 = arith.index_cast %get3A_458 : i32 to index
      %get3A_460 = arith.constant 64 : index
      %get3A_461 = tpu.vector_load %arg6[%get3A_459, %get3A_460] {strides = array<i32>} : memref<4x128xf32, #tpu.memory_space<vmem>>, vector<1x16xf32>,
      %get3A_462 = vector.shape_cast %get3A_461 : vector<1x16xf32> to vector<16xf32>
      %get3A_463 = arith.constant 2 : i32
      %get3A_464 = arith.index_cast %get3A_463 : i32 to index
      %get3A_465 = arith.constant 64 : index
      %get3A_466 = tpu.vector_load %arg6[%get3A_464, %get3A_465] {strides = array<i32>} : memref<4x128xf32, #tpu.memory_space<vmem>>, vector<1x16xf32>,
      %get3A_467 = vector.shape_cast %get3A_466 : vector<1x16xf32> to vector<16xf32>
      %get3A_468 = arith.constant 3 : i32
      %get3A_469 = arith.index_cast %get3A_468 : i32 to index
      %get3A_470 = arith.constant 64 : index
      %get3A_471 = tpu.vector_load %arg6[%get3A_469, %get3A_470] {strides = array<i32>} : memref<4x128xf32, #tpu.memory_space<vmem>>, vector<1x16xf32>,
      %get3A_472 = vector.shape_cast %get3A_471 : vector<1x16xf32> to vector<16xf32>
      %scan3A_473 = arith.constant 0 : i32
      %scan3A_474 = arith.constant 0 : i32
      %scan3A_475 = arith.constant 16 : i32
      %scan3A_476 = arith.addi %scan3A_474, %scan3A_475 : i32
      %scan3A_477 = arith.constant 1 : i32
      scf.for %scan3A_564 = %scan3A_474 to %scan3A_476 step %scan3A_477  : i32 {
        %mul3A_565 = arith.constant 8 : i32
        %mul3A_566 = arith.muli %scan3A_564, %mul3A_565 : i32
        %get3A_567 = arith.index_cast %mul3A_566 : i32 to index
        %get3A_568 = arith.constant 64 : index
        %get3A_569 = tpu.vector_load %arg10[%get3A_567, %get3A_568] {strides = array<i32>} : memref<128x128xf32, #tpu.memory_space<vmem>>, vector<1x16xf32>,
        %get3A_570 = vector.shape_cast %get3A_569 : vector<1x16xf32> to vector<16xf32>
        %mul3A_571 = arith.mulf %get3A_570, %get3A_457 : vector<16xf32>
        %add3A_572 = arith.constant 1 : i32
        %add3A_573 = arith.addi %mul3A_566, %add3A_572 : i32
        %get3A_574 = arith.index_cast %add3A_573 : i32 to index
        %get3A_575 = arith.constant 64 : index
        %get3A_576 = tpu.vector_load %arg10[%get3A_574, %get3A_575] {strides = array<i32>} : memref<128x128xf32, #tpu.memory_space<vmem>>, vector<1x16xf32>,
        %get3A_577 = vector.shape_cast %get3A_576 : vector<1x16xf32> to vector<16xf32>
        %mul3A_578 = arith.mulf %get3A_577, %get3A_462 : vector<16xf32>
        %add3A_579 = arith.addf %mul3A_571, %mul3A_578 : vector<16xf32>
        %add3A_580 = arith.constant 2 : i32
        %add3A_581 = arith.addi %mul3A_566, %add3A_580 : i32
        %get3A_582 = arith.index_cast %add3A_581 : i32 to index
        %get3A_583 = arith.constant 64 : index
        %get3A_584 = tpu.vector_load %arg10[%get3A_582, %get3A_583] {strides = array<i32>} : memref<128x128xf32, #tpu.memory_space<vmem>>, vector<1x16xf32>,
        %get3A_585 = vector.shape_cast %get3A_584 : vector<1x16xf32> to vector<16xf32>
        %mul3A_586 = arith.mulf %get3A_585, %get3A_467 : vector<16xf32>
        %add3A_587 = arith.addf %add3A_579, %mul3A_586 : vector<16xf32>
        %add3A_588 = arith.constant 3 : i32
        %add3A_589 = arith.addi %mul3A_566, %add3A_588 : i32
        %get3A_590 = arith.index_cast %add3A_589 : i32 to index
        %get3A_591 = arith.constant 64 : index
        %get3A_592 = tpu.vector_load %arg10[%get3A_590, %get3A_591] {strides = array<i32>} : memref<128x128xf32, #tpu.memory_space<vmem>>, vector<1x16xf32>,
        %get3A_593 = vector.shape_cast %get3A_592 : vector<1x16xf32> to vector<16xf32>
        %mul3A_594 = arith.mulf %get3A_593, %get3A_472 : vector<16xf32>
        %add3A_595 = arith.addf %add3A_587, %mul3A_594 : vector<16xf32>
        %add3A_596 = arith.constant 4 : i32
        %add3A_597 = arith.addi %mul3A_566, %add3A_596 : i32
        %get3A_598 = arith.index_cast %add3A_597 : i32 to index
        %get3A_599 = arith.constant 64 : index
        %get3A_600 = tpu.vector_load %arg10[%get3A_598, %get3A_599] {strides = array<i32>} : memref<128x128xf32, #tpu.memory_space<vmem>>, vector<1x16xf32>,
        %get3A_601 = vector.shape_cast %get3A_600 : vector<1x16xf32> to vector<16xf32>
        %mul3A_602 = arith.mulf %get3A_601, %get3A_457 : vector<16xf32>
        %add3A_603 = arith.addf %add3A_595, %mul3A_602 : vector<16xf32>
        %add3A_604 = arith.constant 5 : i32
        %add3A_605 = arith.addi %mul3A_566, %add3A_604 : i32
        %get3A_606 = arith.index_cast %add3A_605 : i32 to index
        %get3A_607 = arith.constant 64 : index
        %get3A_608 = tpu.vector_load %arg10[%get3A_606, %get3A_607] {strides = array<i32>} : memref<128x128xf32, #tpu.memory_space<vmem>>, vector<1x16xf32>,
        %get3A_609 = vector.shape_cast %get3A_608 : vector<1x16xf32> to vector<16xf32>
        %mul3A_610 = arith.mulf %get3A_609, %get3A_462 : vector<16xf32>
        %add3A_611 = arith.addf %add3A_603, %mul3A_610 : vector<16xf32>
        %add3A_612 = arith.constant 6 : i32
        %add3A_613 = arith.addi %mul3A_566, %add3A_612 : i32
        %get3A_614 = arith.index_cast %add3A_613 : i32 to index
        %get3A_615 = arith.constant 64 : index
        %get3A_616 = tpu.vector_load %arg10[%get3A_614, %get3A_615] {strides = array<i32>} : memref<128x128xf32, #tpu.memory_space<vmem>>, vector<1x16xf32>,
        %get3A_617 = vector.shape_cast %get3A_616 : vector<1x16xf32> to vector<16xf32>
        %mul3A_618 = arith.mulf %get3A_617, %get3A_467 : vector<16xf32>
        %add3A_619 = arith.addf %add3A_611, %mul3A_618 : vector<16xf32>
        %add3A_620 = arith.constant 7 : i32
        %add3A_621 = arith.addi %mul3A_566, %add3A_620 : i32
        %get3A_622 = arith.index_cast %add3A_621 : i32 to index
        %get3A_623 = arith.constant 64 : index
        %get3A_624 = tpu.vector_load %arg10[%get3A_622, %get3A_623] {strides = array<i32>} : memref<128x128xf32, #tpu.memory_space<vmem>>, vector<1x16xf32>,
        %get3A_625 = vector.shape_cast %get3A_624 : vector<1x16xf32> to vector<16xf32>
        %mul3A_626 = arith.mulf %get3A_625, %get3A_472 : vector<16xf32>
        %add3A_627 = arith.addf %add3A_619, %mul3A_626 : vector<16xf32>
        %swap3A = arith.index_cast %scan3A_564 : i32 to index
        %swap3A_628 = arith.constant 64 : index
        %swap3A_629 = tpu.vector_load %arg12[%swap3A, %swap3A_628] {strides = array<i32>} : memref<16x128xf32, #tpu.memory_space<vmem>>, vector<1x16xf32>,
        %swap3A_630 = vector.shape_cast %swap3A_629 : vector<1x16xf32> to vector<16xf32>
        %swap3A_631 = vector.shape_cast %add3A_627 : vector<16xf32> to vector<1x16xf32>
        tpu.vector_store %arg12[%swap3A, %swap3A_628], %swap3A_631 {strides = array<i32>} : memref<16x128xf32, #tpu.memory_space<vmem>>, vector<1x16xf32>,
      }
      %scan3A_478 = arith.constant 16 : i32
      %get3A_479 = arith.constant 0 : i32
      %get3A_480 = arith.index_cast %get3A_479 : i32 to index
      %get3A_481 = arith.constant 80 : index
      %get3A_482 = tpu.vector_load %arg6[%get3A_480, %get3A_481] {strides = array<i32>} : memref<4x128xf32, #tpu.memory_space<vmem>>, vector<1x16xf32>,
      %get3A_483 = vector.shape_cast %get3A_482 : vector<1x16xf32> to vector<16xf32>
      %get3A_484 = arith.constant 1 : i32
      %get3A_485 = arith.index_cast %get3A_484 : i32 to index
      %get3A_486 = arith.constant 80 : index
      %get3A_487 = tpu.vector_load %arg6[%get3A_485, %get3A_486] {strides = array<i32>} : memref<4x128xf32, #tpu.memory_space<vmem>>, vector<1x16xf32>,
      %get3A_488 = vector.shape_cast %get3A_487 : vector<1x16xf32> to vector<16xf32>
      %get3A_489 = arith.constant 2 : i32
      %get3A_490 = arith.index_cast %get3A_489 : i32 to index
      %get3A_491 = arith.constant 80 : index
      %get3A_492 = tpu.vector_load %arg6[%get3A_490, %get3A_491] {strides = array<i32>} : memref<4x128xf32, #tpu.memory_space<vmem>>, vector<1x16xf32>,
      %get3A_493 = vector.shape_cast %get3A_492 : vector<1x16xf32> to vector<16xf32>
      %get3A_494 = arith.constant 3 : i32
      %get3A_495 = arith.index_cast %get3A_494 : i32 to index
      %get3A_496 = arith.constant 80 : index
      %get3A_497 = tpu.vector_load %arg6[%get3A_495, %get3A_496] {strides = array<i32>} : memref<4x128xf32, #tpu.memory_space<vmem>>, vector<1x16xf32>,
      %get3A_498 = vector.shape_cast %get3A_497 : vector<1x16xf32> to vector<16xf32>
      %scan3A_499 = arith.constant 0 : i32
      %scan3A_500 = arith.constant 0 : i32
      %scan3A_501 = arith.constant 16 : i32
      %scan3A_502 = arith.addi %scan3A_500, %scan3A_501 : i32
      %scan3A_503 = arith.constant 1 : i32
      scf.for %scan3A_564 = %scan3A_500 to %scan3A_502 step %scan3A_503  : i32 {
        %mul3A_565 = arith.constant 8 : i32
        %mul3A_566 = arith.muli %scan3A_564, %mul3A_565 : i32
        %get3A_567 = arith.index_cast %mul3A_566 : i32 to index
        %get3A_568 = arith.constant 80 : index
        %get3A_569 = tpu.vector_load %arg10[%get3A_567, %get3A_568] {strides = array<i32>} : memref<128x128xf32, #tpu.memory_space<vmem>>, vector<1x16xf32>,
        %get3A_570 = vector.shape_cast %get3A_569 : vector<1x16xf32> to vector<16xf32>
        %mul3A_571 = arith.mulf %get3A_570, %get3A_483 : vector<16xf32>
        %add3A_572 = arith.constant 1 : i32
        %add3A_573 = arith.addi %mul3A_566, %add3A_572 : i32
        %get3A_574 = arith.index_cast %add3A_573 : i32 to index
        %get3A_575 = arith.constant 80 : index
        %get3A_576 = tpu.vector_load %arg10[%get3A_574, %get3A_575] {strides = array<i32>} : memref<128x128xf32, #tpu.memory_space<vmem>>, vector<1x16xf32>,
        %get3A_577 = vector.shape_cast %get3A_576 : vector<1x16xf32> to vector<16xf32>
        %mul3A_578 = arith.mulf %get3A_577, %get3A_488 : vector<16xf32>
        %add3A_579 = arith.addf %mul3A_571, %mul3A_578 : vector<16xf32>
        %add3A_580 = arith.constant 2 : i32
        %add3A_581 = arith.addi %mul3A_566, %add3A_580 : i32
        %get3A_582 = arith.index_cast %add3A_581 : i32 to index
        %get3A_583 = arith.constant 80 : index
        %get3A_584 = tpu.vector_load %arg10[%get3A_582, %get3A_583] {strides = array<i32>} : memref<128x128xf32, #tpu.memory_space<vmem>>, vector<1x16xf32>,
        %get3A_585 = vector.shape_cast %get3A_584 : vector<1x16xf32> to vector<16xf32>
        %mul3A_586 = arith.mulf %get3A_585, %get3A_493 : vector<16xf32>
        %add3A_587 = arith.addf %add3A_579, %mul3A_586 : vector<16xf32>
        %add3A_588 = arith.constant 3 : i32
        %add3A_589 = arith.addi %mul3A_566, %add3A_588 : i32
        %get3A_590 = arith.index_cast %add3A_589 : i32 to index
        %get3A_591 = arith.constant 80 : index
        %get3A_592 = tpu.vector_load %arg10[%get3A_590, %get3A_591] {strides = array<i32>} : memref<128x128xf32, #tpu.memory_space<vmem>>, vector<1x16xf32>,
        %get3A_593 = vector.shape_cast %get3A_592 : vector<1x16xf32> to vector<16xf32>
        %mul3A_594 = arith.mulf %get3A_593, %get3A_498 : vector<16xf32>
        %add3A_595 = arith.addf %add3A_587, %mul3A_594 : vector<16xf32>
        %add3A_596 = arith.constant 4 : i32
        %add3A_597 = arith.addi %mul3A_566, %add3A_596 : i32
        %get3A_598 = arith.index_cast %add3A_597 : i32 to index
        %get3A_599 = arith.constant 80 : index
        %get3A_600 = tpu.vector_load %arg10[%get3A_598, %get3A_599] {strides = array<i32>} : memref<128x128xf32, #tpu.memory_space<vmem>>, vector<1x16xf32>,
        %get3A_601 = vector.shape_cast %get3A_600 : vector<1x16xf32> to vector<16xf32>
        %mul3A_602 = arith.mulf %get3A_601, %get3A_483 : vector<16xf32>
        %add3A_603 = arith.addf %add3A_595, %mul3A_602 : vector<16xf32>
        %add3A_604 = arith.constant 5 : i32
        %add3A_605 = arith.addi %mul3A_566, %add3A_604 : i32
        %get3A_606 = arith.index_cast %add3A_605 : i32 to index
        %get3A_607 = arith.constant 80 : index
        %get3A_608 = tpu.vector_load %arg10[%get3A_606, %get3A_607] {strides = array<i32>} : memref<128x128xf32, #tpu.memory_space<vmem>>, vector<1x16xf32>,
        %get3A_609 = vector.shape_cast %get3A_608 : vector<1x16xf32> to vector<16xf32>
        %mul3A_610 = arith.mulf %get3A_609, %get3A_488 : vector<16xf32>
        %add3A_611 = arith.addf %add3A_603, %mul3A_610 : vector<16xf32>
        %add3A_612 = arith.constant 6 : i32
        %add3A_613 = arith.addi %mul3A_566, %add3A_612 : i32
        %get3A_614 = arith.index_cast %add3A_613 : i32 to index
        %get3A_615 = arith.constant 80 : index
        %get3A_616 = tpu.vector_load %arg10[%get3A_614, %get3A_615] {strides = array<i32>} : memref<128x128xf32, #tpu.memory_space<vmem>>, vector<1x16xf32>,
        %get3A_617 = vector.shape_cast %get3A_616 : vector<1x16xf32> to vector<16xf32>
        %mul3A_618 = arith.mulf %get3A_617, %get3A_493 : vector<16xf32>
        %add3A_619 = arith.addf %add3A_611, %mul3A_618 : vector<16xf32>
        %add3A_620 = arith.constant 7 : i32
        %add3A_621 = arith.addi %mul3A_566, %add3A_620 : i32
        %get3A_622 = arith.index_cast %add3A_621 : i32 to index
        %get3A_623 = arith.constant 80 : index
        %get3A_624 = tpu.vector_load %arg10[%get3A_622, %get3A_623] {strides = array<i32>} : memref<128x128xf32, #tpu.memory_space<vmem>>, vector<1x16xf32>,
        %get3A_625 = vector.shape_cast %get3A_624 : vector<1x16xf32> to vector<16xf32>
        %mul3A_626 = arith.mulf %get3A_625, %get3A_498 : vector<16xf32>
        %add3A_627 = arith.addf %add3A_619, %mul3A_626 : vector<16xf32>
        %swap3A = arith.index_cast %scan3A_564 : i32 to index
        %swap3A_628 = arith.constant 80 : index
        %swap3A_629 = tpu.vector_load %arg12[%swap3A, %swap3A_628] {strides = array<i32>} : memref<16x128xf32, #tpu.memory_space<vmem>>, vector<1x16xf32>,
        %swap3A_630 = vector.shape_cast %swap3A_629 : vector<1x16xf32> to vector<16xf32>
        %swap3A_631 = vector.shape_cast %add3A_627 : vector<16xf32> to vector<1x16xf32>
        tpu.vector_store %arg12[%swap3A, %swap3A_628], %swap3A_631 {strides = array<i32>} : memref<16x128xf32, #tpu.memory_space<vmem>>, vector<1x16xf32>,
      }
      %scan3A_504 = arith.constant 16 : i32
      %get3A_505 = arith.constant 0 : i32
      %get3A_506 = arith.index_cast %get3A_505 : i32 to index
      %get3A_507 = arith.constant 96 : index
      %get3A_508 = tpu.vector_load %arg6[%get3A_506, %get3A_507] {strides = array<i32>} : memref<4x128xf32, #tpu.memory_space<vmem>>, vector<1x16xf32>,
      %get3A_509 = vector.shape_cast %get3A_508 : vector<1x16xf32> to vector<16xf32>
      %get3A_510 = arith.constant 1 : i32
      %get3A_511 = arith.index_cast %get3A_510 : i32 to index
      %get3A_512 = arith.constant 96 : index
      %get3A_513 = tpu.vector_load %arg6[%get3A_511, %get3A_512] {strides = array<i32>} : memref<4x128xf32, #tpu.memory_space<vmem>>, vector<1x16xf32>,
      %get3A_514 = vector.shape_cast %get3A_513 : vector<1x16xf32> to vector<16xf32>
      %get3A_515 = arith.constant 2 : i32
      %get3A_516 = arith.index_cast %get3A_515 : i32 to index
      %get3A_517 = arith.constant 96 : index
      %get3A_518 = tpu.vector_load %arg6[%get3A_516, %get3A_517] {strides = array<i32>} : memref<4x128xf32, #tpu.memory_space<vmem>>, vector<1x16xf32>,
      %get3A_519 = vector.shape_cast %get3A_518 : vector<1x16xf32> to vector<16xf32>
      %get3A_520 = arith.constant 3 : i32
      %get3A_521 = arith.index_cast %get3A_520 : i32 to index
      %get3A_522 = arith.constant 96 : index
      %get3A_523 = tpu.vector_load %arg6[%get3A_521, %get3A_522] {strides = array<i32>} : memref<4x128xf32, #tpu.memory_space<vmem>>, vector<1x16xf32>,
      %get3A_524 = vector.shape_cast %get3A_523 : vector<1x16xf32> to vector<16xf32>
      %scan3A_525 = arith.constant 0 : i32
      %scan3A_526 = arith.constant 0 : i32
      %scan3A_527 = arith.constant 16 : i32
      %scan3A_528 = arith.addi %scan3A_526, %scan3A_527 : i32
      %scan3A_529 = arith.constant 1 : i32
      scf.for %scan3A_564 = %scan3A_526 to %scan3A_528 step %scan3A_529  : i32 {
        %mul3A_565 = arith.constant 8 : i32
        %mul3A_566 = arith.muli %scan3A_564, %mul3A_565 : i32
        %get3A_567 = arith.index_cast %mul3A_566 : i32 to index
        %get3A_568 = arith.constant 96 : index
        %get3A_569 = tpu.vector_load %arg10[%get3A_567, %get3A_568] {strides = array<i32>} : memref<128x128xf32, #tpu.memory_space<vmem>>, vector<1x16xf32>,
        %get3A_570 = vector.shape_cast %get3A_569 : vector<1x16xf32> to vector<16xf32>
        %mul3A_571 = arith.mulf %get3A_570, %get3A_509 : vector<16xf32>
        %add3A_572 = arith.constant 1 : i32
        %add3A_573 = arith.addi %mul3A_566, %add3A_572 : i32
        %get3A_574 = arith.index_cast %add3A_573 : i32 to index
        %get3A_575 = arith.constant 96 : index
        %get3A_576 = tpu.vector_load %arg10[%get3A_574, %get3A_575] {strides = array<i32>} : memref<128x128xf32, #tpu.memory_space<vmem>>, vector<1x16xf32>,
        %get3A_577 = vector.shape_cast %get3A_576 : vector<1x16xf32> to vector<16xf32>
        %mul3A_578 = arith.mulf %get3A_577, %get3A_514 : vector<16xf32>
        %add3A_579 = arith.addf %mul3A_571, %mul3A_578 : vector<16xf32>
        %add3A_580 = arith.constant 2 : i32
        %add3A_581 = arith.addi %mul3A_566, %add3A_580 : i32
        %get3A_582 = arith.index_cast %add3A_581 : i32 to index
        %get3A_583 = arith.constant 96 : index
        %get3A_584 = tpu.vector_load %arg10[%get3A_582, %get3A_583] {strides = array<i32>} : memref<128x128xf32, #tpu.memory_space<vmem>>, vector<1x16xf32>,
        %get3A_585 = vector.shape_cast %get3A_584 : vector<1x16xf32> to vector<16xf32>
        %mul3A_586 = arith.mulf %get3A_585, %get3A_519 : vector<16xf32>
        %add3A_587 = arith.addf %add3A_579, %mul3A_586 : vector<16xf32>
        %add3A_588 = arith.constant 3 : i32
        %add3A_589 = arith.addi %mul3A_566, %add3A_588 : i32
        %get3A_590 = arith.index_cast %add3A_589 : i32 to index
        %get3A_591 = arith.constant 96 : index
        %get3A_592 = tpu.vector_load %arg10[%get3A_590, %get3A_591] {strides = array<i32>} : memref<128x128xf32, #tpu.memory_space<vmem>>, vector<1x16xf32>,
        %get3A_593 = vector.shape_cast %get3A_592 : vector<1x16xf32> to vector<16xf32>
        %mul3A_594 = arith.mulf %get3A_593, %get3A_524 : vector<16xf32>
        %add3A_595 = arith.addf %add3A_587, %mul3A_594 : vector<16xf32>
        %add3A_596 = arith.constant 4 : i32
        %add3A_597 = arith.addi %mul3A_566, %add3A_596 : i32
        %get3A_598 = arith.index_cast %add3A_597 : i32 to index
        %get3A_599 = arith.constant 96 : index
        %get3A_600 = tpu.vector_load %arg10[%get3A_598, %get3A_599] {strides = array<i32>} : memref<128x128xf32, #tpu.memory_space<vmem>>, vector<1x16xf32>,
        %get3A_601 = vector.shape_cast %get3A_600 : vector<1x16xf32> to vector<16xf32>
        %mul3A_602 = arith.mulf %get3A_601, %get3A_509 : vector<16xf32>
        %add3A_603 = arith.addf %add3A_595, %mul3A_602 : vector<16xf32>
        %add3A_604 = arith.constant 5 : i32
        %add3A_605 = arith.addi %mul3A_566, %add3A_604 : i32
        %get3A_606 = arith.index_cast %add3A_605 : i32 to index
        %get3A_607 = arith.constant 96 : index
        %get3A_608 = tpu.vector_load %arg10[%get3A_606, %get3A_607] {strides = array<i32>} : memref<128x128xf32, #tpu.memory_space<vmem>>, vector<1x16xf32>,
        %get3A_609 = vector.shape_cast %get3A_608 : vector<1x16xf32> to vector<16xf32>
        %mul3A_610 = arith.mulf %get3A_609, %get3A_514 : vector<16xf32>
        %add3A_611 = arith.addf %add3A_603, %mul3A_610 : vector<16xf32>
        %add3A_612 = arith.constant 6 : i32
        %add3A_613 = arith.addi %mul3A_566, %add3A_612 : i32
        %get3A_614 = arith.index_cast %add3A_613 : i32 to index
        %get3A_615 = arith.constant 96 : index
        %get3A_616 = tpu.vector_load %arg10[%get3A_614, %get3A_615] {strides = array<i32>} : memref<128x128xf32, #tpu.memory_space<vmem>>, vector<1x16xf32>,
        %get3A_617 = vector.shape_cast %get3A_616 : vector<1x16xf32> to vector<16xf32>
        %mul3A_618 = arith.mulf %get3A_617, %get3A_519 : vector<16xf32>
        %add3A_619 = arith.addf %add3A_611, %mul3A_618 : vector<16xf32>
        %add3A_620 = arith.constant 7 : i32
        %add3A_621 = arith.addi %mul3A_566, %add3A_620 : i32
        %get3A_622 = arith.index_cast %add3A_621 : i32 to index
        %get3A_623 = arith.constant 96 : index
        %get3A_624 = tpu.vector_load %arg10[%get3A_622, %get3A_623] {strides = array<i32>} : memref<128x128xf32, #tpu.memory_space<vmem>>, vector<1x16xf32>,
        %get3A_625 = vector.shape_cast %get3A_624 : vector<1x16xf32> to vector<16xf32>
        %mul3A_626 = arith.mulf %get3A_625, %get3A_524 : vector<16xf32>
        %add3A_627 = arith.addf %add3A_619, %mul3A_626 : vector<16xf32>
        %swap3A = arith.index_cast %scan3A_564 : i32 to index
        %swap3A_628 = arith.constant 96 : index
        %swap3A_629 = tpu.vector_load %arg12[%swap3A, %swap3A_628] {strides = array<i32>} : memref<16x128xf32, #tpu.memory_space<vmem>>, vector<1x16xf32>,
        %swap3A_630 = vector.shape_cast %swap3A_629 : vector<1x16xf32> to vector<16xf32>
        %swap3A_631 = vector.shape_cast %add3A_627 : vector<16xf32> to vector<1x16xf32>
        tpu.vector_store %arg12[%swap3A, %swap3A_628], %swap3A_631 {strides = array<i32>} : memref<16x128xf32, #tpu.memory_space<vmem>>, vector<1x16xf32>,
      }
      %scan3A_530 = arith.constant 16 : i32
      %get3A_531 = arith.constant 0 : i32
      %get3A_532 = arith.index_cast %get3A_531 : i32 to index
      %get3A_533 = arith.constant 112 : index
      %get3A_534 = tpu.vector_load %arg6[%get3A_532, %get3A_533] {strides = array<i32>} : memref<4x128xf32, #tpu.memory_space<vmem>>, vector<1x16xf32>,
      %get3A_535 = vector.shape_cast %get3A_534 : vector<1x16xf32> to vector<16xf32>
      %get3A_536 = arith.constant 1 : i32
      %get3A_537 = arith.index_cast %get3A_536 : i32 to index
      %get3A_538 = arith.constant 112 : index
      %get3A_539 = tpu.vector_load %arg6[%get3A_537, %get3A_538] {strides = array<i32>} : memref<4x128xf32, #tpu.memory_space<vmem>>, vector<1x16xf32>,
      %get3A_540 = vector.shape_cast %get3A_539 : vector<1x16xf32> to vector<16xf32>
      %get3A_541 = arith.constant 2 : i32
      %get3A_542 = arith.index_cast %get3A_541 : i32 to index
      %get3A_543 = arith.constant 112 : index
      %get3A_544 = tpu.vector_load %arg6[%get3A_542, %get3A_543] {strides = array<i32>} : memref<4x128xf32, #tpu.memory_space<vmem>>, vector<1x16xf32>,
      %get3A_545 = vector.shape_cast %get3A_544 : vector<1x16xf32> to vector<16xf32>
      %get3A_546 = arith.constant 3 : i32
      %get3A_547 = arith.index_cast %get3A_546 : i32 to index
      %get3A_548 = arith.constant 112 : index
      %get3A_549 = tpu.vector_load %arg6[%get3A_547, %get3A_548] {strides = array<i32>} : memref<4x128xf32, #tpu.memory_space<vmem>>, vector<1x16xf32>,
      %get3A_550 = vector.shape_cast %get3A_549 : vector<1x16xf32> to vector<16xf32>
      %scan3A_551 = arith.constant 0 : i32
      %scan3A_552 = arith.constant 0 : i32
      %scan3A_553 = arith.constant 16 : i32
      %scan3A_554 = arith.addi %scan3A_552, %scan3A_553 : i32
      %scan3A_555 = arith.constant 1 : i32
      scf.for %scan3A_564 = %scan3A_552 to %scan3A_554 step %scan3A_555  : i32 {
        %mul3A_565 = arith.constant 8 : i32
        %mul3A_566 = arith.muli %scan3A_564, %mul3A_565 : i32
        %get3A_567 = arith.index_cast %mul3A_566 : i32 to index
        %get3A_568 = arith.constant 112 : index
        %get3A_569 = tpu.vector_load %arg10[%get3A_567, %get3A_568] {strides = array<i32>} : memref<128x128xf32, #tpu.memory_space<vmem>>, vector<1x16xf32>,
        %get3A_570 = vector.shape_cast %get3A_569 : vector<1x16xf32> to vector<16xf32>
        %mul3A_571 = arith.mulf %get3A_570, %get3A_535 : vector<16xf32>
        %add3A_572 = arith.constant 1 : i32
        %add3A_573 = arith.addi %mul3A_566, %add3A_572 : i32
        %get3A_574 = arith.index_cast %add3A_573 : i32 to index
        %get3A_575 = arith.constant 112 : index
        %get3A_576 = tpu.vector_load %arg10[%get3A_574, %get3A_575] {strides = array<i32>} : memref<128x128xf32, #tpu.memory_space<vmem>>, vector<1x16xf32>,
        %get3A_577 = vector.shape_cast %get3A_576 : vector<1x16xf32> to vector<16xf32>
        %mul3A_578 = arith.mulf %get3A_577, %get3A_540 : vector<16xf32>
        %add3A_579 = arith.addf %mul3A_571, %mul3A_578 : vector<16xf32>
        %add3A_580 = arith.constant 2 : i32
        %add3A_581 = arith.addi %mul3A_566, %add3A_580 : i32
        %get3A_582 = arith.index_cast %add3A_581 : i32 to index
        %get3A_583 = arith.constant 112 : index
        %get3A_584 = tpu.vector_load %arg10[%get3A_582, %get3A_583] {strides = array<i32>} : memref<128x128xf32, #tpu.memory_space<vmem>>, vector<1x16xf32>,
        %get3A_585 = vector.shape_cast %get3A_584 : vector<1x16xf32> to vector<16xf32>
        %mul3A_586 = arith.mulf %get3A_585, %get3A_545 : vector<16xf32>
        %add3A_587 = arith.addf %add3A_579, %mul3A_586 : vector<16xf32>
        %add3A_588 = arith.constant 3 : i32
        %add3A_589 = arith.addi %mul3A_566, %add3A_588 : i32
        %get3A_590 = arith.index_cast %add3A_589 : i32 to index
        %get3A_591 = arith.constant 112 : index
        %get3A_592 = tpu.vector_load %arg10[%get3A_590, %get3A_591] {strides = array<i32>} : memref<128x128xf32, #tpu.memory_space<vmem>>, vector<1x16xf32>,
        %get3A_593 = vector.shape_cast %get3A_592 : vector<1x16xf32> to vector<16xf32>
        %mul3A_594 = arith.mulf %get3A_593, %get3A_550 : vector<16xf32>
        %add3A_595 = arith.addf %add3A_587, %mul3A_594 : vector<16xf32>
        %add3A_596 = arith.constant 4 : i32
        %add3A_597 = arith.addi %mul3A_566, %add3A_596 : i32
        %get3A_598 = arith.index_cast %add3A_597 : i32 to index
        %get3A_599 = arith.constant 112 : index
        %get3A_600 = tpu.vector_load %arg10[%get3A_598, %get3A_599] {strides = array<i32>} : memref<128x128xf32, #tpu.memory_space<vmem>>, vector<1x16xf32>,
        %get3A_601 = vector.shape_cast %get3A_600 : vector<1x16xf32> to vector<16xf32>
        %mul3A_602 = arith.mulf %get3A_601, %get3A_535 : vector<16xf32>
        %add3A_603 = arith.addf %add3A_595, %mul3A_602 : vector<16xf32>
        %add3A_604 = arith.constant 5 : i32
        %add3A_605 = arith.addi %mul3A_566, %add3A_604 : i32
        %get3A_606 = arith.index_cast %add3A_605 : i32 to index
        %get3A_607 = arith.constant 112 : index
        %get3A_608 = tpu.vector_load %arg10[%get3A_606, %get3A_607] {strides = array<i32>} : memref<128x128xf32, #tpu.memory_space<vmem>>, vector<1x16xf32>,
        %get3A_609 = vector.shape_cast %get3A_608 : vector<1x16xf32> to vector<16xf32>
        %mul3A_610 = arith.mulf %get3A_609, %get3A_540 : vector<16xf32>
        %add3A_611 = arith.addf %add3A_603, %mul3A_610 : vector<16xf32>
        %add3A_612 = arith.constant 6 : i32
        %add3A_613 = arith.addi %mul3A_566, %add3A_612 : i32
        %get3A_614 = arith.index_cast %add3A_613 : i32 to index
        %get3A_615 = arith.constant 112 : index
        %get3A_616 = tpu.vector_load %arg10[%get3A_614, %get3A_615] {strides = array<i32>} : memref<128x128xf32, #tpu.memory_space<vmem>>, vector<1x16xf32>,
        %get3A_617 = vector.shape_cast %get3A_616 : vector<1x16xf32> to vector<16xf32>
        %mul3A_618 = arith.mulf %get3A_617, %get3A_545 : vector<16xf32>
        %add3A_619 = arith.addf %add3A_611, %mul3A_618 : vector<16xf32>
        %add3A_620 = arith.constant 7 : i32
        %add3A_621 = arith.addi %mul3A_566, %add3A_620 : i32
        %get3A_622 = arith.index_cast %add3A_621 : i32 to index
        %get3A_623 = arith.constant 112 : index
        %get3A_624 = tpu.vector_load %arg10[%get3A_622, %get3A_623] {strides = array<i32>} : memref<128x128xf32, #tpu.memory_space<vmem>>, vector<1x16xf32>,
        %get3A_625 = vector.shape_cast %get3A_624 : vector<1x16xf32> to vector<16xf32>
        %mul3A_626 = arith.mulf %get3A_625, %get3A_550 : vector<16xf32>
        %add3A_627 = arith.addf %add3A_619, %mul3A_626 : vector<16xf32>
        %swap3A = arith.index_cast %scan3A_564 : i32 to index
        %swap3A_628 = arith.constant 112 : index
        %swap3A_629 = tpu.vector_load %arg12[%swap3A, %swap3A_628] {strides = array<i32>} : memref<16x128xf32, #tpu.memory_space<vmem>>, vector<1x16xf32>,
        %swap3A_630 = vector.shape_cast %swap3A_629 : vector<1x16xf32> to vector<16xf32>
        %swap3A_631 = vector.shape_cast %add3A_627 : vector<16xf32> to vector<1x16xf32>
        tpu.vector_store %arg12[%swap3A, %swap3A_628], %swap3A_631 {strides = array<i32>} : memref<16x128xf32, #tpu.memory_space<vmem>>, vector<1x16xf32>,
      }
      %scan3A_556 = arith.constant 16 : i32
      %mul3A_557 = arith.constant 16 : i32
      %mul3A_558 = arith.muli %add3A_328, %mul3A_557 : i32
      %add3A_559 = arith.addi %mul3A_28, %mul3A_558 : i32
      %dma_start3A_560 = arith.constant 0 : i32
      %dma_start3A_561 = tpu.memref_slice %arg5[%add3A_559, %dma_start3A_560] : memref<50176x128xf32, #tpu.memory_space<hbm>> -> memref<16x128xf32, #tpu.memory_space<hbm>>
      %dma_start3A_562 = arith.constant 0 : i32
      %dma_start3A_563 = tpu.memref_slice %arg5[%add3A_559, %dma_start3A_562] : memref<50176x128xf32, #tpu.memory_space<hbm>> -> memref<16x128xf32, #tpu.memory_space<hbm>>
      tpu.enqueue_dma source(%arg12 : memref<16x128xf32, #tpu.memory_space<vmem>>) target(%dma_start3A_563 : memref<16x128xf32, #tpu.memory_space<hbm>>) target_semaphore(%arg17 : memref<!tpu.dma_semaphore, #tpu.memory_space<semaphore_mem>>)
    }
    %while3A_62 = arith.constant 1 : i32
    scf.for %while3A_85 = %while3A_60 to %while3A_56 step %while3A_62  : i32 {
      %mul3A_86 = arith.constant 2 : i32
      %mul3A_87 = arith.muli %while3A_85, %mul3A_86 : i32
      %add3A_88 = arith.constant 0 : i32
      %add3A_89 = arith.addi %mul3A_87, %add3A_88 : i32
      %dma_wait3A_90 = arith.constant 0 : i32
      %dma_wait3A_91 = arith.constant 0 : i32
      %dma_wait3A_92 = tpu.memref_slice %arg4[%dma_wait3A_90, %dma_wait3A_91] : memref<50000x128xf32, #tpu.memory_space<hbm>> -> memref<50000x128xf32, #tpu.memory_space<hbm>>
      tpu.wait_indirect_dma semaphore(%arg15 : memref<!tpu.dma_semaphore, #tpu.memory_space<semaphore_mem>>) src(%dma_wait3A_92 : memref<50000x128xf32, #tpu.memory_space<hbm>>) dst(%arg9 : memref<128x128xf32, #tpu.memory_space<vmem>>)
      %sub3A_93 = arith.constant 1 : i32
      %sub3A_94 = arith.subi %select_n3A_26, %sub3A_93 : i32
      %lt3A = arith.cmpi slt, %while3A_85, %sub3A_94 : i32
      %convert_element_type3A = arith.extui %lt3A : i1 to i32
      %cond3A = arith.constant 0 : i32
      %cond3A_95 = arith.cmpi ne, %convert_element_type3A, %cond3A : i32
      scf.if %cond3A_95 {
        %add3A_564 = arith.constant 2 : i32
        %add3A_565 = arith.addi %add3A_89, %add3A_564 : i32
        %add3A_566 = arith.addi %select_n3A, %add3A_565 : i32
        %mul3A_567 = arith.constant 16 : i32
        %mul3A_568 = arith.muli %add3A_566, %mul3A_567 : i32
        %mul3A_569 = arith.constant 8 : i32
        %mul3A_570 = arith.muli %mul3A_568, %mul3A_569 : i32
        %dma_start3A_571 = tpu.memref_slice %arg2[%mul3A_570] : memref<401408xi32, #tpu.memory_space<hbm>> -> memref<128xi32, #tpu.memory_space<hbm>>
        %dma_start3A_572 = tpu.memref_slice %arg2[%mul3A_570] : memref<401408xi32, #tpu.memory_space<hbm>> -> memref<128xi32, #tpu.memory_space<hbm>>
        tpu.enqueue_dma source(%dma_start3A_572 : memref<128xi32, #tpu.memory_space<hbm>>) target(%arg7 : memref<128xi32, #tpu.memory_space<vmem>>) target_semaphore(%arg13 : memref<!tpu.dma_semaphore, #tpu.memory_space<semaphore_mem>>)
      } else {
      }
      %add3A_96 = arith.constant 1 : i32
      %add3A_97 = arith.addi %add3A_89, %add3A_96 : i32
      %add3A_98 = arith.addi %select_n3A, %add3A_97 : i32
      %mul3A_99 = arith.constant 16 : i32
      %mul3A_100 = arith.muli %add3A_98, %mul3A_99 : i32
      %mul3A_101 = arith.constant 8 : i32
      %mul3A_102 = arith.muli %mul3A_100, %mul3A_101 : i32
      %dma_wait3A_103 = tpu.memref_slice %arg2[%mul3A_102] : memref<401408xi32, #tpu.memory_space<hbm>> -> memref<128xi32, #tpu.memory_space<hbm>>
      %dma_wait3A_104 = tpu.memref_slice %arg2[%mul3A_102] : memref<401408xi32, #tpu.memory_space<hbm>> -> memref<128xi32, #tpu.memory_space<hbm>>
      tpu.wait_dma2 semaphore(%arg14 : memref<!tpu.dma_semaphore, #tpu.memory_space<semaphore_mem>>) src(%dma_wait3A_104 : memref<128xi32, #tpu.memory_space<hbm>>) dst(%arg8 : memref<128xi32, #tpu.memory_space<vmem>>)
      %dma_start3A_105 = arith.constant 0 : i32
      %dma_start3A_106 = arith.constant 0 : i32
      %dma_start3A_107 = tpu.memref_slice %arg4[%dma_start3A_105, %dma_start3A_106] : memref<50000x128xf32, #tpu.memory_space<hbm>> -> memref<50000x128xf32, #tpu.memory_space<hbm>>
      tpu.enqueue_indirect_dma source(%dma_start3A_107 : memref<50000x128xf32, #tpu.memory_space<hbm>>) target(%arg10 : memref<128x128xf32, #tpu.memory_space<vmem>>) offsets(%arg8 : memref<128xi32, #tpu.memory_space<vmem>>) semaphore(%arg16 : memref<!tpu.dma_semaphore, #tpu.memory_space<semaphore_mem>>)
      %gt3A = arith.constant 0 : i32
      %gt3A_108 = arith.cmpi sgt, %while3A_85, %gt3A : i32
      %convert_element_type3A_109 = arith.extui %gt3A_108 : i1 to i32
      %cond3A_110 = arith.constant 0 : i32
      %cond3A_111 = arith.cmpi ne, %convert_element_type3A_109, %cond3A_110 : i32
      scf.if %cond3A_111 {
        %sub3A_564 = arith.constant 2 : i32
        %sub3A_565 = arith.subi %add3A_89, %sub3A_564 : i32
        %mul3A_566 = arith.constant 16 : i32
        %mul3A_567 = arith.muli %sub3A_565, %mul3A_566 : i32
        %add3A_568 = arith.addi %mul3A_28, %mul3A_567 : i32
        %dma_wait3A_569 = arith.constant 0 : i32
        %dma_wait3A_570 = tpu.memref_slice %arg5[%add3A_568, %dma_wait3A_569] : memref<50176x128xf32, #tpu.memory_space<hbm>> -> memref<16x128xf32, #tpu.memory_space<hbm>>
        %dma_wait3A_571 = arith.constant 0 : i32
        %dma_wait3A_572 = tpu.memref_slice %arg5[%add3A_568, %dma_wait3A_571] : memref<50176x128xf32, #tpu.memory_space<hbm>> -> memref<16x128xf32, #tpu.memory_space<hbm>>
        tpu.wait_dma2 semaphore(%arg17 : memref<!tpu.dma_semaphore, #tpu.memory_space<semaphore_mem>>) src(%arg11 : memref<16x128xf32, #tpu.memory_space<vmem>>) dst(%dma_wait3A_572 : memref<16x128xf32, #tpu.memory_space<hbm>>)
      } else {
      }
      %get3A = arith.constant 0 : i32
      %get3A_112 = arith.index_cast %get3A : i32 to index
      %get3A_113 = arith.constant 0 : index
      %get3A_114 = tpu.vector_load %arg6[%get3A_112, %get3A_113] {strides = array<i32>} : memref<4x128xf32, #tpu.memory_space<vmem>>, vector<1x16xf32>,
      %get3A_115 = vector.shape_cast %get3A_114 : vector<1x16xf32> to vector<16xf32>
      %get3A_116 = arith.constant 1 : i32
      %get3A_117 = arith.index_cast %get3A_116 : i32 to index
      %get3A_118 = arith.constant 0 : index
      %get3A_119 = tpu.vector_load %arg6[%get3A_117, %get3A_118] {strides = array<i32>} : memref<4x128xf32, #tpu.memory_space<vmem>>, vector<1x16xf32>,
      %get3A_120 = vector.shape_cast %get3A_119 : vector<1x16xf32> to vector<16xf32>
      %get3A_121 = arith.constant 2 : i32
      %get3A_122 = arith.index_cast %get3A_121 : i32 to index
      %get3A_123 = arith.constant 0 : index
      %get3A_124 = tpu.vector_load %arg6[%get3A_122, %get3A_123] {strides = array<i32>} : memref<4x128xf32, #tpu.memory_space<vmem>>, vector<1x16xf32>,
      %get3A_125 = vector.shape_cast %get3A_124 : vector<1x16xf32> to vector<16xf32>
      %get3A_126 = arith.constant 3 : i32
      %get3A_127 = arith.index_cast %get3A_126 : i32 to index
      %get3A_128 = arith.constant 0 : index
      %get3A_129 = tpu.vector_load %arg6[%get3A_127, %get3A_128] {strides = array<i32>} : memref<4x128xf32, #tpu.memory_space<vmem>>, vector<1x16xf32>,
      %get3A_130 = vector.shape_cast %get3A_129 : vector<1x16xf32> to vector<16xf32>
      %scan3A = arith.constant 0 : i32
      %scan3A_131 = arith.constant 0 : i32
      %scan3A_132 = arith.constant 16 : i32
      %scan3A_133 = arith.addi %scan3A_131, %scan3A_132 : i32
      %scan3A_134 = arith.constant 1 : i32
      scf.for %scan3A_564 = %scan3A_131 to %scan3A_133 step %scan3A_134  : i32 {
        %mul3A_565 = arith.constant 8 : i32
        %mul3A_566 = arith.muli %scan3A_564, %mul3A_565 : i32
        %get3A_567 = arith.index_cast %mul3A_566 : i32 to index
        %get3A_568 = arith.constant 0 : index
        %get3A_569 = tpu.vector_load %arg9[%get3A_567, %get3A_568] {strides = array<i32>} : memref<128x128xf32, #tpu.memory_space<vmem>>, vector<1x16xf32>,
        %get3A_570 = vector.shape_cast %get3A_569 : vector<1x16xf32> to vector<16xf32>
        %mul3A_571 = arith.mulf %get3A_570, %get3A_115 : vector<16xf32>
        %add3A_572 = arith.constant 1 : i32
        %add3A_573 = arith.addi %mul3A_566, %add3A_572 : i32
        %get3A_574 = arith.index_cast %add3A_573 : i32 to index
        %get3A_575 = arith.constant 0 : index
        %get3A_576 = tpu.vector_load %arg9[%get3A_574, %get3A_575] {strides = array<i32>} : memref<128x128xf32, #tpu.memory_space<vmem>>, vector<1x16xf32>,
        %get3A_577 = vector.shape_cast %get3A_576 : vector<1x16xf32> to vector<16xf32>
        %mul3A_578 = arith.mulf %get3A_577, %get3A_120 : vector<16xf32>
        %add3A_579 = arith.addf %mul3A_571, %mul3A_578 : vector<16xf32>
        %add3A_580 = arith.constant 2 : i32
        %add3A_581 = arith.addi %mul3A_566, %add3A_580 : i32
        %get3A_582 = arith.index_cast %add3A_581 : i32 to index
        %get3A_583 = arith.constant 0 : index
        %get3A_584 = tpu.vector_load %arg9[%get3A_582, %get3A_583] {strides = array<i32>} : memref<128x128xf32, #tpu.memory_space<vmem>>, vector<1x16xf32>,
        %get3A_585 = vector.shape_cast %get3A_584 : vector<1x16xf32> to vector<16xf32>
        %mul3A_586 = arith.mulf %get3A_585, %get3A_125 : vector<16xf32>
        %add3A_587 = arith.addf %add3A_579, %mul3A_586 : vector<16xf32>
        %add3A_588 = arith.constant 3 : i32
        %add3A_589 = arith.addi %mul3A_566, %add3A_588 : i32
        %get3A_590 = arith.index_cast %add3A_589 : i32 to index
        %get3A_591 = arith.constant 0 : index
        %get3A_592 = tpu.vector_load %arg9[%get3A_590, %get3A_591] {strides = array<i32>} : memref<128x128xf32, #tpu.memory_space<vmem>>, vector<1x16xf32>,
        %get3A_593 = vector.shape_cast %get3A_592 : vector<1x16xf32> to vector<16xf32>
        %mul3A_594 = arith.mulf %get3A_593, %get3A_130 : vector<16xf32>
        %add3A_595 = arith.addf %add3A_587, %mul3A_594 : vector<16xf32>
        %add3A_596 = arith.constant 4 : i32
        %add3A_597 = arith.addi %mul3A_566, %add3A_596 : i32
        %get3A_598 = arith.index_cast %add3A_597 : i32 to index
        %get3A_599 = arith.constant 0 : index
        %get3A_600 = tpu.vector_load %arg9[%get3A_598, %get3A_599] {strides = array<i32>} : memref<128x128xf32, #tpu.memory_space<vmem>>, vector<1x16xf32>,
        %get3A_601 = vector.shape_cast %get3A_600 : vector<1x16xf32> to vector<16xf32>
        %mul3A_602 = arith.mulf %get3A_601, %get3A_115 : vector<16xf32>
        %add3A_603 = arith.addf %add3A_595, %mul3A_602 : vector<16xf32>
        %add3A_604 = arith.constant 5 : i32
        %add3A_605 = arith.addi %mul3A_566, %add3A_604 : i32
        %get3A_606 = arith.index_cast %add3A_605 : i32 to index
        %get3A_607 = arith.constant 0 : index
        %get3A_608 = tpu.vector_load %arg9[%get3A_606, %get3A_607] {strides = array<i32>} : memref<128x128xf32, #tpu.memory_space<vmem>>, vector<1x16xf32>,
        %get3A_609 = vector.shape_cast %get3A_608 : vector<1x16xf32> to vector<16xf32>
        %mul3A_610 = arith.mulf %get3A_609, %get3A_120 : vector<16xf32>
        %add3A_611 = arith.addf %add3A_603, %mul3A_610 : vector<16xf32>
        %add3A_612 = arith.constant 6 : i32
        %add3A_613 = arith.addi %mul3A_566, %add3A_612 : i32
        %get3A_614 = arith.index_cast %add3A_613 : i32 to index
        %get3A_615 = arith.constant 0 : index
        %get3A_616 = tpu.vector_load %arg9[%get3A_614, %get3A_615] {strides = array<i32>} : memref<128x128xf32, #tpu.memory_space<vmem>>, vector<1x16xf32>,
        %get3A_617 = vector.shape_cast %get3A_616 : vector<1x16xf32> to vector<16xf32>
        %mul3A_618 = arith.mulf %get3A_617, %get3A_125 : vector<16xf32>
        %add3A_619 = arith.addf %add3A_611, %mul3A_618 : vector<16xf32>
        %add3A_620 = arith.constant 7 : i32
        %add3A_621 = arith.addi %mul3A_566, %add3A_620 : i32
        %get3A_622 = arith.index_cast %add3A_621 : i32 to index
        %get3A_623 = arith.constant 0 : index
        %get3A_624 = tpu.vector_load %arg9[%get3A_622, %get3A_623] {strides = array<i32>} : memref<128x128xf32, #tpu.memory_space<vmem>>, vector<1x16xf32>,
        %get3A_625 = vector.shape_cast %get3A_624 : vector<1x16xf32> to vector<16xf32>
        %mul3A_626 = arith.mulf %get3A_625, %get3A_130 : vector<16xf32>
        %add3A_627 = arith.addf %add3A_619, %mul3A_626 : vector<16xf32>
        %swap3A = arith.index_cast %scan3A_564 : i32 to index
        %swap3A_628 = arith.constant 0 : index
        %swap3A_629 = tpu.vector_load %arg11[%swap3A, %swap3A_628] {strides = array<i32>} : memref<16x128xf32, #tpu.memory_space<vmem>>, vector<1x16xf32>,
        %swap3A_630 = vector.shape_cast %swap3A_629 : vector<1x16xf32> to vector<16xf32>
        %swap3A_631 = vector.shape_cast %add3A_627 : vector<16xf32> to vector<1x16xf32>
        tpu.vector_store %arg11[%swap3A, %swap3A_628], %swap3A_631 {strides = array<i32>} : memref<16x128xf32, #tpu.memory_space<vmem>>, vector<1x16xf32>,
      }
      %scan3A_135 = arith.constant 16 : i32
      %get3A_136 = arith.constant 0 : i32
      %get3A_137 = arith.index_cast %get3A_136 : i32 to index
      %get3A_138 = arith.constant 16 : index
      %get3A_139 = tpu.vector_load %arg6[%get3A_137, %get3A_138] {strides = array<i32>} : memref<4x128xf32, #tpu.memory_space<vmem>>, vector<1x16xf32>,
      %get3A_140 = vector.shape_cast %get3A_139 : vector<1x16xf32> to vector<16xf32>
      %get3A_141 = arith.constant 1 : i32
      %get3A_142 = arith.index_cast %get3A_141 : i32 to index
      %get3A_143 = arith.constant 16 : index
      %get3A_144 = tpu.vector_load %arg6[%get3A_142, %get3A_143] {strides = array<i32>} : memref<4x128xf32, #tpu.memory_space<vmem>>, vector<1x16xf32>,
      %get3A_145 = vector.shape_cast %get3A_144 : vector<1x16xf32> to vector<16xf32>
      %get3A_146 = arith.constant 2 : i32
      %get3A_147 = arith.index_cast %get3A_146 : i32 to index
      %get3A_148 = arith.constant 16 : index
      %get3A_149 = tpu.vector_load %arg6[%get3A_147, %get3A_148] {strides = array<i32>} : memref<4x128xf32, #tpu.memory_space<vmem>>, vector<1x16xf32>,
      %get3A_150 = vector.shape_cast %get3A_149 : vector<1x16xf32> to vector<16xf32>
      %get3A_151 = arith.constant 3 : i32
      %get3A_152 = arith.index_cast %get3A_151 : i32 to index
      %get3A_153 = arith.constant 16 : index
      %get3A_154 = tpu.vector_load %arg6[%get3A_152, %get3A_153] {strides = array<i32>} : memref<4x128xf32, #tpu.memory_space<vmem>>, vector<1x16xf32>,
      %get3A_155 = vector.shape_cast %get3A_154 : vector<1x16xf32> to vector<16xf32>
      %scan3A_156 = arith.constant 0 : i32
      %scan3A_157 = arith.constant 0 : i32
      %scan3A_158 = arith.constant 16 : i32
      %scan3A_159 = arith.addi %scan3A_157, %scan3A_158 : i32
      %scan3A_160 = arith.constant 1 : i32
      scf.for %scan3A_564 = %scan3A_157 to %scan3A_159 step %scan3A_160  : i32 {
        %mul3A_565 = arith.constant 8 : i32
        %mul3A_566 = arith.muli %scan3A_564, %mul3A_565 : i32
        %get3A_567 = arith.index_cast %mul3A_566 : i32 to index
        %get3A_568 = arith.constant 16 : index
        %get3A_569 = tpu.vector_load %arg9[%get3A_567, %get3A_568] {strides = array<i32>} : memref<128x128xf32, #tpu.memory_space<vmem>>, vector<1x16xf32>,
        %get3A_570 = vector.shape_cast %get3A_569 : vector<1x16xf32> to vector<16xf32>
        %mul3A_571 = arith.mulf %get3A_570, %get3A_140 : vector<16xf32>
        %add3A_572 = arith.constant 1 : i32
        %add3A_573 = arith.addi %mul3A_566, %add3A_572 : i32
        %get3A_574 = arith.index_cast %add3A_573 : i32 to index
        %get3A_575 = arith.constant 16 : index
        %get3A_576 = tpu.vector_load %arg9[%get3A_574, %get3A_575] {strides = array<i32>} : memref<128x128xf32, #tpu.memory_space<vmem>>, vector<1x16xf32>,
        %get3A_577 = vector.shape_cast %get3A_576 : vector<1x16xf32> to vector<16xf32>
        %mul3A_578 = arith.mulf %get3A_577, %get3A_145 : vector<16xf32>
        %add3A_579 = arith.addf %mul3A_571, %mul3A_578 : vector<16xf32>
        %add3A_580 = arith.constant 2 : i32
        %add3A_581 = arith.addi %mul3A_566, %add3A_580 : i32
        %get3A_582 = arith.index_cast %add3A_581 : i32 to index
        %get3A_583 = arith.constant 16 : index
        %get3A_584 = tpu.vector_load %arg9[%get3A_582, %get3A_583] {strides = array<i32>} : memref<128x128xf32, #tpu.memory_space<vmem>>, vector<1x16xf32>,
        %get3A_585 = vector.shape_cast %get3A_584 : vector<1x16xf32> to vector<16xf32>
        %mul3A_586 = arith.mulf %get3A_585, %get3A_150 : vector<16xf32>
        %add3A_587 = arith.addf %add3A_579, %mul3A_586 : vector<16xf32>
        %add3A_588 = arith.constant 3 : i32
        %add3A_589 = arith.addi %mul3A_566, %add3A_588 : i32
        %get3A_590 = arith.index_cast %add3A_589 : i32 to index
        %get3A_591 = arith.constant 16 : index
        %get3A_592 = tpu.vector_load %arg9[%get3A_590, %get3A_591] {strides = array<i32>} : memref<128x128xf32, #tpu.memory_space<vmem>>, vector<1x16xf32>,
        %get3A_593 = vector.shape_cast %get3A_592 : vector<1x16xf32> to vector<16xf32>
        %mul3A_594 = arith.mulf %get3A_593, %get3A_155 : vector<16xf32>
        %add3A_595 = arith.addf %add3A_587, %mul3A_594 : vector<16xf32>
        %add3A_596 = arith.constant 4 : i32
        %add3A_597 = arith.addi %mul3A_566, %add3A_596 : i32
        %get3A_598 = arith.index_cast %add3A_597 : i32 to index
        %get3A_599 = arith.constant 16 : index
        %get3A_600 = tpu.vector_load %arg9[%get3A_598, %get3A_599] {strides = array<i32>} : memref<128x128xf32, #tpu.memory_space<vmem>>, vector<1x16xf32>,
        %get3A_601 = vector.shape_cast %get3A_600 : vector<1x16xf32> to vector<16xf32>
        %mul3A_602 = arith.mulf %get3A_601, %get3A_140 : vector<16xf32>
        %add3A_603 = arith.addf %add3A_595, %mul3A_602 : vector<16xf32>
        %add3A_604 = arith.constant 5 : i32
        %add3A_605 = arith.addi %mul3A_566, %add3A_604 : i32
        %get3A_606 = arith.index_cast %add3A_605 : i32 to index
        %get3A_607 = arith.constant 16 : index
        %get3A_608 = tpu.vector_load %arg9[%get3A_606, %get3A_607] {strides = array<i32>} : memref<128x128xf32, #tpu.memory_space<vmem>>, vector<1x16xf32>,
        %get3A_609 = vector.shape_cast %get3A_608 : vector<1x16xf32> to vector<16xf32>
        %mul3A_610 = arith.mulf %get3A_609, %get3A_145 : vector<16xf32>
        %add3A_611 = arith.addf %add3A_603, %mul3A_610 : vector<16xf32>
        %add3A_612 = arith.constant 6 : i32
        %add3A_613 = arith.addi %mul3A_566, %add3A_612 : i32
        %get3A_614 = arith.index_cast %add3A_613 : i32 to index
        %get3A_615 = arith.constant 16 : index
        %get3A_616 = tpu.vector_load %arg9[%get3A_614, %get3A_615] {strides = array<i32>} : memref<128x128xf32, #tpu.memory_space<vmem>>, vector<1x16xf32>,
        %get3A_617 = vector.shape_cast %get3A_616 : vector<1x16xf32> to vector<16xf32>
        %mul3A_618 = arith.mulf %get3A_617, %get3A_150 : vector<16xf32>
        %add3A_619 = arith.addf %add3A_611, %mul3A_618 : vector<16xf32>
        %add3A_620 = arith.constant 7 : i32
        %add3A_621 = arith.addi %mul3A_566, %add3A_620 : i32
        %get3A_622 = arith.index_cast %add3A_621 : i32 to index
        %get3A_623 = arith.constant 16 : index
        %get3A_624 = tpu.vector_load %arg9[%get3A_622, %get3A_623] {strides = array<i32>} : memref<128x128xf32, #tpu.memory_space<vmem>>, vector<1x16xf32>,
        %get3A_625 = vector.shape_cast %get3A_624 : vector<1x16xf32> to vector<16xf32>
        %mul3A_626 = arith.mulf %get3A_625, %get3A_155 : vector<16xf32>
        %add3A_627 = arith.addf %add3A_619, %mul3A_626 : vector<16xf32>
        %swap3A = arith.index_cast %scan3A_564 : i32 to index
        %swap3A_628 = arith.constant 16 : index
        %swap3A_629 = tpu.vector_load %arg11[%swap3A, %swap3A_628] {strides = array<i32>} : memref<16x128xf32, #tpu.memory_space<vmem>>, vector<1x16xf32>,
        %swap3A_630 = vector.shape_cast %swap3A_629 : vector<1x16xf32> to vector<16xf32>
        %swap3A_631 = vector.shape_cast %add3A_627 : vector<16xf32> to vector<1x16xf32>
        tpu.vector_store %arg11[%swap3A, %swap3A_628], %swap3A_631 {strides = array<i32>} : memref<16x128xf32, #tpu.memory_space<vmem>>, vector<1x16xf32>,
      }
      %scan3A_161 = arith.constant 16 : i32
      %get3A_162 = arith.constant 0 : i32
      %get3A_163 = arith.index_cast %get3A_162 : i32 to index
      %get3A_164 = arith.constant 32 : index
      %get3A_165 = tpu.vector_load %arg6[%get3A_163, %get3A_164] {strides = array<i32>} : memref<4x128xf32, #tpu.memory_space<vmem>>, vector<1x16xf32>,
      %get3A_166 = vector.shape_cast %get3A_165 : vector<1x16xf32> to vector<16xf32>
      %get3A_167 = arith.constant 1 : i32
      %get3A_168 = arith.index_cast %get3A_167 : i32 to index
      %get3A_169 = arith.constant 32 : index
      %get3A_170 = tpu.vector_load %arg6[%get3A_168, %get3A_169] {strides = array<i32>} : memref<4x128xf32, #tpu.memory_space<vmem>>, vector<1x16xf32>,
      %get3A_171 = vector.shape_cast %get3A_170 : vector<1x16xf32> to vector<16xf32>
      %get3A_172 = arith.constant 2 : i32
      %get3A_173 = arith.index_cast %get3A_172 : i32 to index
      %get3A_174 = arith.constant 32 : index
      %get3A_175 = tpu.vector_load %arg6[%get3A_173, %get3A_174] {strides = array<i32>} : memref<4x128xf32, #tpu.memory_space<vmem>>, vector<1x16xf32>,
      %get3A_176 = vector.shape_cast %get3A_175 : vector<1x16xf32> to vector<16xf32>
      %get3A_177 = arith.constant 3 : i32
      %get3A_178 = arith.index_cast %get3A_177 : i32 to index
      %get3A_179 = arith.constant 32 : index
      %get3A_180 = tpu.vector_load %arg6[%get3A_178, %get3A_179] {strides = array<i32>} : memref<4x128xf32, #tpu.memory_space<vmem>>, vector<1x16xf32>,
      %get3A_181 = vector.shape_cast %get3A_180 : vector<1x16xf32> to vector<16xf32>
      %scan3A_182 = arith.constant 0 : i32
      %scan3A_183 = arith.constant 0 : i32
      %scan3A_184 = arith.constant 16 : i32
      %scan3A_185 = arith.addi %scan3A_183, %scan3A_184 : i32
      %scan3A_186 = arith.constant 1 : i32
      scf.for %scan3A_564 = %scan3A_183 to %scan3A_185 step %scan3A_186  : i32 {
        %mul3A_565 = arith.constant 8 : i32
        %mul3A_566 = arith.muli %scan3A_564, %mul3A_565 : i32
        %get3A_567 = arith.index_cast %mul3A_566 : i32 to index
        %get3A_568 = arith.constant 32 : index
        %get3A_569 = tpu.vector_load %arg9[%get3A_567, %get3A_568] {strides = array<i32>} : memref<128x128xf32, #tpu.memory_space<vmem>>, vector<1x16xf32>,
        %get3A_570 = vector.shape_cast %get3A_569 : vector<1x16xf32> to vector<16xf32>
        %mul3A_571 = arith.mulf %get3A_570, %get3A_166 : vector<16xf32>
        %add3A_572 = arith.constant 1 : i32
        %add3A_573 = arith.addi %mul3A_566, %add3A_572 : i32
        %get3A_574 = arith.index_cast %add3A_573 : i32 to index
        %get3A_575 = arith.constant 32 : index
        %get3A_576 = tpu.vector_load %arg9[%get3A_574, %get3A_575] {strides = array<i32>} : memref<128x128xf32, #tpu.memory_space<vmem>>, vector<1x16xf32>,
        %get3A_577 = vector.shape_cast %get3A_576 : vector<1x16xf32> to vector<16xf32>
        %mul3A_578 = arith.mulf %get3A_577, %get3A_171 : vector<16xf32>
        %add3A_579 = arith.addf %mul3A_571, %mul3A_578 : vector<16xf32>
        %add3A_580 = arith.constant 2 : i32
        %add3A_581 = arith.addi %mul3A_566, %add3A_580 : i32
        %get3A_582 = arith.index_cast %add3A_581 : i32 to index
        %get3A_583 = arith.constant 32 : index
        %get3A_584 = tpu.vector_load %arg9[%get3A_582, %get3A_583] {strides = array<i32>} : memref<128x128xf32, #tpu.memory_space<vmem>>, vector<1x16xf32>,
        %get3A_585 = vector.shape_cast %get3A_584 : vector<1x16xf32> to vector<16xf32>
        %mul3A_586 = arith.mulf %get3A_585, %get3A_176 : vector<16xf32>
        %add3A_587 = arith.addf %add3A_579, %mul3A_586 : vector<16xf32>
        %add3A_588 = arith.constant 3 : i32
        %add3A_589 = arith.addi %mul3A_566, %add3A_588 : i32
        %get3A_590 = arith.index_cast %add3A_589 : i32 to index
        %get3A_591 = arith.constant 32 : index
        %get3A_592 = tpu.vector_load %arg9[%get3A_590, %get3A_591] {strides = array<i32>} : memref<128x128xf32, #tpu.memory_space<vmem>>, vector<1x16xf32>,
        %get3A_593 = vector.shape_cast %get3A_592 : vector<1x16xf32> to vector<16xf32>
        %mul3A_594 = arith.mulf %get3A_593, %get3A_181 : vector<16xf32>
        %add3A_595 = arith.addf %add3A_587, %mul3A_594 : vector<16xf32>
        %add3A_596 = arith.constant 4 : i32
        %add3A_597 = arith.addi %mul3A_566, %add3A_596 : i32
        %get3A_598 = arith.index_cast %add3A_597 : i32 to index
        %get3A_599 = arith.constant 32 : index
        %get3A_600 = tpu.vector_load %arg9[%get3A_598, %get3A_599] {strides = array<i32>} : memref<128x128xf32, #tpu.memory_space<vmem>>, vector<1x16xf32>,
        %get3A_601 = vector.shape_cast %get3A_600 : vector<1x16xf32> to vector<16xf32>
        %mul3A_602 = arith.mulf %get3A_601, %get3A_166 : vector<16xf32>
        %add3A_603 = arith.addf %add3A_595, %mul3A_602 : vector<16xf32>
        %add3A_604 = arith.constant 5 : i32
        %add3A_605 = arith.addi %mul3A_566, %add3A_604 : i32
        %get3A_606 = arith.index_cast %add3A_605 : i32 to index
        %get3A_607 = arith.constant 32 : index
        %get3A_608 = tpu.vector_load %arg9[%get3A_606, %get3A_607] {strides = array<i32>} : memref<128x128xf32, #tpu.memory_space<vmem>>, vector<1x16xf32>,
        %get3A_609 = vector.shape_cast %get3A_608 : vector<1x16xf32> to vector<16xf32>
        %mul3A_610 = arith.mulf %get3A_609, %get3A_171 : vector<16xf32>
        %add3A_611 = arith.addf %add3A_603, %mul3A_610 : vector<16xf32>
        %add3A_612 = arith.constant 6 : i32
        %add3A_613 = arith.addi %mul3A_566, %add3A_612 : i32
        %get3A_614 = arith.index_cast %add3A_613 : i32 to index
        %get3A_615 = arith.constant 32 : index
        %get3A_616 = tpu.vector_load %arg9[%get3A_614, %get3A_615] {strides = array<i32>} : memref<128x128xf32, #tpu.memory_space<vmem>>, vector<1x16xf32>,
        %get3A_617 = vector.shape_cast %get3A_616 : vector<1x16xf32> to vector<16xf32>
        %mul3A_618 = arith.mulf %get3A_617, %get3A_176 : vector<16xf32>
        %add3A_619 = arith.addf %add3A_611, %mul3A_618 : vector<16xf32>
        %add3A_620 = arith.constant 7 : i32
        %add3A_621 = arith.addi %mul3A_566, %add3A_620 : i32
        %get3A_622 = arith.index_cast %add3A_621 : i32 to index
        %get3A_623 = arith.constant 32 : index
        %get3A_624 = tpu.vector_load %arg9[%get3A_622, %get3A_623] {strides = array<i32>} : memref<128x128xf32, #tpu.memory_space<vmem>>, vector<1x16xf32>,
        %get3A_625 = vector.shape_cast %get3A_624 : vector<1x16xf32> to vector<16xf32>
        %mul3A_626 = arith.mulf %get3A_625, %get3A_181 : vector<16xf32>
        %add3A_627 = arith.addf %add3A_619, %mul3A_626 : vector<16xf32>
        %swap3A = arith.index_cast %scan3A_564 : i32 to index
        %swap3A_628 = arith.constant 32 : index
        %swap3A_629 = tpu.vector_load %arg11[%swap3A, %swap3A_628] {strides = array<i32>} : memref<16x128xf32, #tpu.memory_space<vmem>>, vector<1x16xf32>,
        %swap3A_630 = vector.shape_cast %swap3A_629 : vector<1x16xf32> to vector<16xf32>
        %swap3A_631 = vector.shape_cast %add3A_627 : vector<16xf32> to vector<1x16xf32>
        tpu.vector_store %arg11[%swap3A, %swap3A_628], %swap3A_631 {strides = array<i32>} : memref<16x128xf32, #tpu.memory_space<vmem>>, vector<1x16xf32>,
      }
      %scan3A_187 = arith.constant 16 : i32
      %get3A_188 = arith.constant 0 : i32
      %get3A_189 = arith.index_cast %get3A_188 : i32 to index
      %get3A_190 = arith.constant 48 : index
      %get3A_191 = tpu.vector_load %arg6[%get3A_189, %get3A_190] {strides = array<i32>} : memref<4x128xf32, #tpu.memory_space<vmem>>, vector<1x16xf32>,
      %get3A_192 = vector.shape_cast %get3A_191 : vector<1x16xf32> to vector<16xf32>
      %get3A_193 = arith.constant 1 : i32
      %get3A_194 = arith.index_cast %get3A_193 : i32 to index
      %get3A_195 = arith.constant 48 : index
      %get3A_196 = tpu.vector_load %arg6[%get3A_194, %get3A_195] {strides = array<i32>} : memref<4x128xf32, #tpu.memory_space<vmem>>, vector<1x16xf32>,
      %get3A_197 = vector.shape_cast %get3A_196 : vector<1x16xf32> to vector<16xf32>
      %get3A_198 = arith.constant 2 : i32
      %get3A_199 = arith.index_cast %get3A_198 : i32 to index
      %get3A_200 = arith.constant 48 : index
      %get3A_201 = tpu.vector_load %arg6[%get3A_199, %get3A_200] {strides = array<i32>} : memref<4x128xf32, #tpu.memory_space<vmem>>, vector<1x16xf32>,
      %get3A_202 = vector.shape_cast %get3A_201 : vector<1x16xf32> to vector<16xf32>
      %get3A_203 = arith.constant 3 : i32
      %get3A_204 = arith.index_cast %get3A_203 : i32 to index
      %get3A_205 = arith.constant 48 : index
      %get3A_206 = tpu.vector_load %arg6[%get3A_204, %get3A_205] {strides = array<i32>} : memref<4x128xf32, #tpu.memory_space<vmem>>, vector<1x16xf32>,
      %get3A_207 = vector.shape_cast %get3A_206 : vector<1x16xf32> to vector<16xf32>
      %scan3A_208 = arith.constant 0 : i32
      %scan3A_209 = arith.constant 0 : i32
      %scan3A_210 = arith.constant 16 : i32
      %scan3A_211 = arith.addi %scan3A_209, %scan3A_210 : i32
      %scan3A_212 = arith.constant 1 : i32
      scf.for %scan3A_564 = %scan3A_209 to %scan3A_211 step %scan3A_212  : i32 {
        %mul3A_565 = arith.constant 8 : i32
        %mul3A_566 = arith.muli %scan3A_564, %mul3A_565 : i32
        %get3A_567 = arith.index_cast %mul3A_566 : i32 to index
        %get3A_568 = arith.constant 48 : index
        %get3A_569 = tpu.vector_load %arg9[%get3A_567, %get3A_568] {strides = array<i32>} : memref<128x128xf32, #tpu.memory_space<vmem>>, vector<1x16xf32>,
        %get3A_570 = vector.shape_cast %get3A_569 : vector<1x16xf32> to vector<16xf32>
        %mul3A_571 = arith.mulf %get3A_570, %get3A_192 : vector<16xf32>
        %add3A_572 = arith.constant 1 : i32
        %add3A_573 = arith.addi %mul3A_566, %add3A_572 : i32
        %get3A_574 = arith.index_cast %add3A_573 : i32 to index
        %get3A_575 = arith.constant 48 : index
        %get3A_576 = tpu.vector_load %arg9[%get3A_574, %get3A_575] {strides = array<i32>} : memref<128x128xf32, #tpu.memory_space<vmem>>, vector<1x16xf32>,
        %get3A_577 = vector.shape_cast %get3A_576 : vector<1x16xf32> to vector<16xf32>
        %mul3A_578 = arith.mulf %get3A_577, %get3A_197 : vector<16xf32>
        %add3A_579 = arith.addf %mul3A_571, %mul3A_578 : vector<16xf32>
        %add3A_580 = arith.constant 2 : i32
        %add3A_581 = arith.addi %mul3A_566, %add3A_580 : i32
        %get3A_582 = arith.index_cast %add3A_581 : i32 to index
        %get3A_583 = arith.constant 48 : index
        %get3A_584 = tpu.vector_load %arg9[%get3A_582, %get3A_583] {strides = array<i32>} : memref<128x128xf32, #tpu.memory_space<vmem>>, vector<1x16xf32>,
        %get3A_585 = vector.shape_cast %get3A_584 : vector<1x16xf32> to vector<16xf32>
        %mul3A_586 = arith.mulf %get3A_585, %get3A_202 : vector<16xf32>
        %add3A_587 = arith.addf %add3A_579, %mul3A_586 : vector<16xf32>
        %add3A_588 = arith.constant 3 : i32
        %add3A_589 = arith.addi %mul3A_566, %add3A_588 : i32
        %get3A_590 = arith.index_cast %add3A_589 : i32 to index
        %get3A_591 = arith.constant 48 : index
        %get3A_592 = tpu.vector_load %arg9[%get3A_590, %get3A_591] {strides = array<i32>} : memref<128x128xf32, #tpu.memory_space<vmem>>, vector<1x16xf32>,
        %get3A_593 = vector.shape_cast %get3A_592 : vector<1x16xf32> to vector<16xf32>
        %mul3A_594 = arith.mulf %get3A_593, %get3A_207 : vector<16xf32>
        %add3A_595 = arith.addf %add3A_587, %mul3A_594 : vector<16xf32>
        %add3A_596 = arith.constant 4 : i32
        %add3A_597 = arith.addi %mul3A_566, %add3A_596 : i32
        %get3A_598 = arith.index_cast %add3A_597 : i32 to index
        %get3A_599 = arith.constant 48 : index
        %get3A_600 = tpu.vector_load %arg9[%get3A_598, %get3A_599] {strides = array<i32>} : memref<128x128xf32, #tpu.memory_space<vmem>>, vector<1x16xf32>,
        %get3A_601 = vector.shape_cast %get3A_600 : vector<1x16xf32> to vector<16xf32>
        %mul3A_602 = arith.mulf %get3A_601, %get3A_192 : vector<16xf32>
        %add3A_603 = arith.addf %add3A_595, %mul3A_602 : vector<16xf32>
        %add3A_604 = arith.constant 5 : i32
        %add3A_605 = arith.addi %mul3A_566, %add3A_604 : i32
        %get3A_606 = arith.index_cast %add3A_605 : i32 to index
        %get3A_607 = arith.constant 48 : index
        %get3A_608 = tpu.vector_load %arg9[%get3A_606, %get3A_607] {strides = array<i32>} : memref<128x128xf32, #tpu.memory_space<vmem>>, vector<1x16xf32>,
        %get3A_609 = vector.shape_cast %get3A_608 : vector<1x16xf32> to vector<16xf32>
        %mul3A_610 = arith.mulf %get3A_609, %get3A_197 : vector<16xf32>
        %add3A_611 = arith.addf %add3A_603, %mul3A_610 : vector<16xf32>
        %add3A_612 = arith.constant 6 : i32
        %add3A_613 = arith.addi %mul3A_566, %add3A_612 : i32
        %get3A_614 = arith.index_cast %add3A_613 : i32 to index
        %get3A_615 = arith.constant 48 : index
        %get3A_616 = tpu.vector_load %arg9[%get3A_614, %get3A_615] {strides = array<i32>} : memref<128x128xf32, #tpu.memory_space<vmem>>, vector<1x16xf32>,
        %get3A_617 = vector.shape_cast %get3A_616 : vector<1x16xf32> to vector<16xf32>
        %mul3A_618 = arith.mulf %get3A_617, %get3A_202 : vector<16xf32>
        %add3A_619 = arith.addf %add3A_611, %mul3A_618 : vector<16xf32>
        %add3A_620 = arith.constant 7 : i32
        %add3A_621 = arith.addi %mul3A_566, %add3A_620 : i32
        %get3A_622 = arith.index_cast %add3A_621 : i32 to index
        %get3A_623 = arith.constant 48 : index
        %get3A_624 = tpu.vector_load %arg9[%get3A_622, %get3A_623] {strides = array<i32>} : memref<128x128xf32, #tpu.memory_space<vmem>>, vector<1x16xf32>,
        %get3A_625 = vector.shape_cast %get3A_624 : vector<1x16xf32> to vector<16xf32>
        %mul3A_626 = arith.mulf %get3A_625, %get3A_207 : vector<16xf32>
        %add3A_627 = arith.addf %add3A_619, %mul3A_626 : vector<16xf32>
        %swap3A = arith.index_cast %scan3A_564 : i32 to index
        %swap3A_628 = arith.constant 48 : index
        %swap3A_629 = tpu.vector_load %arg11[%swap3A, %swap3A_628] {strides = array<i32>} : memref<16x128xf32, #tpu.memory_space<vmem>>, vector<1x16xf32>,
        %swap3A_630 = vector.shape_cast %swap3A_629 : vector<1x16xf32> to vector<16xf32>
        %swap3A_631 = vector.shape_cast %add3A_627 : vector<16xf32> to vector<1x16xf32>
        tpu.vector_store %arg11[%swap3A, %swap3A_628], %swap3A_631 {strides = array<i32>} : memref<16x128xf32, #tpu.memory_space<vmem>>, vector<1x16xf32>,
      }
      %scan3A_213 = arith.constant 16 : i32
      %get3A_214 = arith.constant 0 : i32
      %get3A_215 = arith.index_cast %get3A_214 : i32 to index
      %get3A_216 = arith.constant 64 : index
      %get3A_217 = tpu.vector_load %arg6[%get3A_215, %get3A_216] {strides = array<i32>} : memref<4x128xf32, #tpu.memory_space<vmem>>, vector<1x16xf32>,
      %get3A_218 = vector.shape_cast %get3A_217 : vector<1x16xf32> to vector<16xf32>
      %get3A_219 = arith.constant 1 : i32
      %get3A_220 = arith.index_cast %get3A_219 : i32 to index
      %get3A_221 = arith.constant 64 : index
      %get3A_222 = tpu.vector_load %arg6[%get3A_220, %get3A_221] {strides = array<i32>} : memref<4x128xf32, #tpu.memory_space<vmem>>, vector<1x16xf32>,
      %get3A_223 = vector.shape_cast %get3A_222 : vector<1x16xf32> to vector<16xf32>
      %get3A_224 = arith.constant 2 : i32
      %get3A_225 = arith.index_cast %get3A_224 : i32 to index
      %get3A_226 = arith.constant 64 : index
      %get3A_227 = tpu.vector_load %arg6[%get3A_225, %get3A_226] {strides = array<i32>} : memref<4x128xf32, #tpu.memory_space<vmem>>, vector<1x16xf32>,
      %get3A_228 = vector.shape_cast %get3A_227 : vector<1x16xf32> to vector<16xf32>
      %get3A_229 = arith.constant 3 : i32
      %get3A_230 = arith.index_cast %get3A_229 : i32 to index
      %get3A_231 = arith.constant 64 : index
      %get3A_232 = tpu.vector_load %arg6[%get3A_230, %get3A_231] {strides = array<i32>} : memref<4x128xf32, #tpu.memory_space<vmem>>, vector<1x16xf32>,
      %get3A_233 = vector.shape_cast %get3A_232 : vector<1x16xf32> to vector<16xf32>
      %scan3A_234 = arith.constant 0 : i32
      %scan3A_235 = arith.constant 0 : i32
      %scan3A_236 = arith.constant 16 : i32
      %scan3A_237 = arith.addi %scan3A_235, %scan3A_236 : i32
      %scan3A_238 = arith.constant 1 : i32
      scf.for %scan3A_564 = %scan3A_235 to %scan3A_237 step %scan3A_238  : i32 {
        %mul3A_565 = arith.constant 8 : i32
        %mul3A_566 = arith.muli %scan3A_564, %mul3A_565 : i32
        %get3A_567 = arith.index_cast %mul3A_566 : i32 to index
        %get3A_568 = arith.constant 64 : index
        %get3A_569 = tpu.vector_load %arg9[%get3A_567, %get3A_568] {strides = array<i32>} : memref<128x128xf32, #tpu.memory_space<vmem>>, vector<1x16xf32>,
        %get3A_570 = vector.shape_cast %get3A_569 : vector<1x16xf32> to vector<16xf32>
        %mul3A_571 = arith.mulf %get3A_570, %get3A_218 : vector<16xf32>
        %add3A_572 = arith.constant 1 : i32
        %add3A_573 = arith.addi %mul3A_566, %add3A_572 : i32
        %get3A_574 = arith.index_cast %add3A_573 : i32 to index
        %get3A_575 = arith.constant 64 : index
        %get3A_576 = tpu.vector_load %arg9[%get3A_574, %get3A_575] {strides = array<i32>} : memref<128x128xf32, #tpu.memory_space<vmem>>, vector<1x16xf32>,
        %get3A_577 = vector.shape_cast %get3A_576 : vector<1x16xf32> to vector<16xf32>
        %mul3A_578 = arith.mulf %get3A_577, %get3A_223 : vector<16xf32>
        %add3A_579 = arith.addf %mul3A_571, %mul3A_578 : vector<16xf32>
        %add3A_580 = arith.constant 2 : i32
        %add3A_581 = arith.addi %mul3A_566, %add3A_580 : i32
        %get3A_582 = arith.index_cast %add3A_581 : i32 to index
        %get3A_583 = arith.constant 64 : index
        %get3A_584 = tpu.vector_load %arg9[%get3A_582, %get3A_583] {strides = array<i32>} : memref<128x128xf32, #tpu.memory_space<vmem>>, vector<1x16xf32>,
        %get3A_585 = vector.shape_cast %get3A_584 : vector<1x16xf32> to vector<16xf32>
        %mul3A_586 = arith.mulf %get3A_585, %get3A_228 : vector<16xf32>
        %add3A_587 = arith.addf %add3A_579, %mul3A_586 : vector<16xf32>
        %add3A_588 = arith.constant 3 : i32
        %add3A_589 = arith.addi %mul3A_566, %add3A_588 : i32
        %get3A_590 = arith.index_cast %add3A_589 : i32 to index
        %get3A_591 = arith.constant 64 : index
        %get3A_592 = tpu.vector_load %arg9[%get3A_590, %get3A_591] {strides = array<i32>} : memref<128x128xf32, #tpu.memory_space<vmem>>, vector<1x16xf32>,
        %get3A_593 = vector.shape_cast %get3A_592 : vector<1x16xf32> to vector<16xf32>
        %mul3A_594 = arith.mulf %get3A_593, %get3A_233 : vector<16xf32>
        %add3A_595 = arith.addf %add3A_587, %mul3A_594 : vector<16xf32>
        %add3A_596 = arith.constant 4 : i32
        %add3A_597 = arith.addi %mul3A_566, %add3A_596 : i32
        %get3A_598 = arith.index_cast %add3A_597 : i32 to index
        %get3A_599 = arith.constant 64 : index
        %get3A_600 = tpu.vector_load %arg9[%get3A_598, %get3A_599] {strides = array<i32>} : memref<128x128xf32, #tpu.memory_space<vmem>>, vector<1x16xf32>,
        %get3A_601 = vector.shape_cast %get3A_600 : vector<1x16xf32> to vector<16xf32>
        %mul3A_602 = arith.mulf %get3A_601, %get3A_218 : vector<16xf32>
        %add3A_603 = arith.addf %add3A_595, %mul3A_602 : vector<16xf32>
        %add3A_604 = arith.constant 5 : i32
        %add3A_605 = arith.addi %mul3A_566, %add3A_604 : i32
        %get3A_606 = arith.index_cast %add3A_605 : i32 to index
        %get3A_607 = arith.constant 64 : index
        %get3A_608 = tpu.vector_load %arg9[%get3A_606, %get3A_607] {strides = array<i32>} : memref<128x128xf32, #tpu.memory_space<vmem>>, vector<1x16xf32>,
        %get3A_609 = vector.shape_cast %get3A_608 : vector<1x16xf32> to vector<16xf32>
        %mul3A_610 = arith.mulf %get3A_609, %get3A_223 : vector<16xf32>
        %add3A_611 = arith.addf %add3A_603, %mul3A_610 : vector<16xf32>
        %add3A_612 = arith.constant 6 : i32
        %add3A_613 = arith.addi %mul3A_566, %add3A_612 : i32
        %get3A_614 = arith.index_cast %add3A_613 : i32 to index
        %get3A_615 = arith.constant 64 : index
        %get3A_616 = tpu.vector_load %arg9[%get3A_614, %get3A_615] {strides = array<i32>} : memref<128x128xf32, #tpu.memory_space<vmem>>, vector<1x16xf32>,
        %get3A_617 = vector.shape_cast %get3A_616 : vector<1x16xf32> to vector<16xf32>
        %mul3A_618 = arith.mulf %get3A_617, %get3A_228 : vector<16xf32>
        %add3A_619 = arith.addf %add3A_611, %mul3A_618 : vector<16xf32>
        %add3A_620 = arith.constant 7 : i32
        %add3A_621 = arith.addi %mul3A_566, %add3A_620 : i32
        %get3A_622 = arith.index_cast %add3A_621 : i32 to index
        %get3A_623 = arith.constant 64 : index
        %get3A_624 = tpu.vector_load %arg9[%get3A_622, %get3A_623] {strides = array<i32>} : memref<128x128xf32, #tpu.memory_space<vmem>>, vector<1x16xf32>,
        %get3A_625 = vector.shape_cast %get3A_624 : vector<1x16xf32> to vector<16xf32>
        %mul3A_626 = arith.mulf %get3A_625, %get3A_233 : vector<16xf32>
        %add3A_627 = arith.addf %add3A_619, %mul3A_626 : vector<16xf32>
        %swap3A = arith.index_cast %scan3A_564 : i32 to index
        %swap3A_628 = arith.constant 64 : index
        %swap3A_629 = tpu.vector_load %arg11[%swap3A, %swap3A_628] {strides = array<i32>} : memref<16x128xf32, #tpu.memory_space<vmem>>, vector<1x16xf32>,
        %swap3A_630 = vector.shape_cast %swap3A_629 : vector<1x16xf32> to vector<16xf32>
        %swap3A_631 = vector.shape_cast %add3A_627 : vector<16xf32> to vector<1x16xf32>
        tpu.vector_store %arg11[%swap3A, %swap3A_628], %swap3A_631 {strides = array<i32>} : memref<16x128xf32, #tpu.memory_space<vmem>>, vector<1x16xf32>,
      }
      %scan3A_239 = arith.constant 16 : i32
      %get3A_240 = arith.constant 0 : i32
      %get3A_241 = arith.index_cast %get3A_240 : i32 to index
      %get3A_242 = arith.constant 80 : index
      %get3A_243 = tpu.vector_load %arg6[%get3A_241, %get3A_242] {strides = array<i32>} : memref<4x128xf32, #tpu.memory_space<vmem>>, vector<1x16xf32>,
      %get3A_244 = vector.shape_cast %get3A_243 : vector<1x16xf32> to vector<16xf32>
      %get3A_245 = arith.constant 1 : i32
      %get3A_246 = arith.index_cast %get3A_245 : i32 to index
      %get3A_247 = arith.constant 80 : index
      %get3A_248 = tpu.vector_load %arg6[%get3A_246, %get3A_247] {strides = array<i32>} : memref<4x128xf32, #tpu.memory_space<vmem>>, vector<1x16xf32>,
      %get3A_249 = vector.shape_cast %get3A_248 : vector<1x16xf32> to vector<16xf32>
      %get3A_250 = arith.constant 2 : i32
      %get3A_251 = arith.index_cast %get3A_250 : i32 to index
      %get3A_252 = arith.constant 80 : index
      %get3A_253 = tpu.vector_load %arg6[%get3A_251, %get3A_252] {strides = array<i32>} : memref<4x128xf32, #tpu.memory_space<vmem>>, vector<1x16xf32>,
      %get3A_254 = vector.shape_cast %get3A_253 : vector<1x16xf32> to vector<16xf32>
      %get3A_255 = arith.constant 3 : i32
      %get3A_256 = arith.index_cast %get3A_255 : i32 to index
      %get3A_257 = arith.constant 80 : index
      %get3A_258 = tpu.vector_load %arg6[%get3A_256, %get3A_257] {strides = array<i32>} : memref<4x128xf32, #tpu.memory_space<vmem>>, vector<1x16xf32>,
      %get3A_259 = vector.shape_cast %get3A_258 : vector<1x16xf32> to vector<16xf32>
      %scan3A_260 = arith.constant 0 : i32
      %scan3A_261 = arith.constant 0 : i32
      %scan3A_262 = arith.constant 16 : i32
      %scan3A_263 = arith.addi %scan3A_261, %scan3A_262 : i32
      %scan3A_264 = arith.constant 1 : i32
      scf.for %scan3A_564 = %scan3A_261 to %scan3A_263 step %scan3A_264  : i32 {
        %mul3A_565 = arith.constant 8 : i32
        %mul3A_566 = arith.muli %scan3A_564, %mul3A_565 : i32
        %get3A_567 = arith.index_cast %mul3A_566 : i32 to index
        %get3A_568 = arith.constant 80 : index
        %get3A_569 = tpu.vector_load %arg9[%get3A_567, %get3A_568] {strides = array<i32>} : memref<128x128xf32, #tpu.memory_space<vmem>>, vector<1x16xf32>,
        %get3A_570 = vector.shape_cast %get3A_569 : vector<1x16xf32> to vector<16xf32>
        %mul3A_571 = arith.mulf %get3A_570, %get3A_244 : vector<16xf32>
        %add3A_572 = arith.constant 1 : i32
        %add3A_573 = arith.addi %mul3A_566, %add3A_572 : i32
        %get3A_574 = arith.index_cast %add3A_573 : i32 to index
        %get3A_575 = arith.constant 80 : index
        %get3A_576 = tpu.vector_load %arg9[%get3A_574, %get3A_575] {strides = array<i32>} : memref<128x128xf32, #tpu.memory_space<vmem>>, vector<1x16xf32>,
        %get3A_577 = vector.shape_cast %get3A_576 : vector<1x16xf32> to vector<16xf32>
        %mul3A_578 = arith.mulf %get3A_577, %get3A_249 : vector<16xf32>
        %add3A_579 = arith.addf %mul3A_571, %mul3A_578 : vector<16xf32>
        %add3A_580 = arith.constant 2 : i32
        %add3A_581 = arith.addi %mul3A_566, %add3A_580 : i32
        %get3A_582 = arith.index_cast %add3A_581 : i32 to index
        %get3A_583 = arith.constant 80 : index
        %get3A_584 = tpu.vector_load %arg9[%get3A_582, %get3A_583] {strides = array<i32>} : memref<128x128xf32, #tpu.memory_space<vmem>>, vector<1x16xf32>,
        %get3A_585 = vector.shape_cast %get3A_584 : vector<1x16xf32> to vector<16xf32>
        %mul3A_586 = arith.mulf %get3A_585, %get3A_254 : vector<16xf32>
        %add3A_587 = arith.addf %add3A_579, %mul3A_586 : vector<16xf32>
        %add3A_588 = arith.constant 3 : i32
        %add3A_589 = arith.addi %mul3A_566, %add3A_588 : i32
        %get3A_590 = arith.index_cast %add3A_589 : i32 to index
        %get3A_591 = arith.constant 80 : index
        %get3A_592 = tpu.vector_load %arg9[%get3A_590, %get3A_591] {strides = array<i32>} : memref<128x128xf32, #tpu.memory_space<vmem>>, vector<1x16xf32>,
        %get3A_593 = vector.shape_cast %get3A_592 : vector<1x16xf32> to vector<16xf32>
        %mul3A_594 = arith.mulf %get3A_593, %get3A_259 : vector<16xf32>
        %add3A_595 = arith.addf %add3A_587, %mul3A_594 : vector<16xf32>
        %add3A_596 = arith.constant 4 : i32
        %add3A_597 = arith.addi %mul3A_566, %add3A_596 : i32
        %get3A_598 = arith.index_cast %add3A_597 : i32 to index
        %get3A_599 = arith.constant 80 : index
        %get3A_600 = tpu.vector_load %arg9[%get3A_598, %get3A_599] {strides = array<i32>} : memref<128x128xf32, #tpu.memory_space<vmem>>, vector<1x16xf32>,
        %get3A_601 = vector.shape_cast %get3A_600 : vector<1x16xf32> to vector<16xf32>
        %mul3A_602 = arith.mulf %get3A_601, %get3A_244 : vector<16xf32>
        %add3A_603 = arith.addf %add3A_595, %mul3A_602 : vector<16xf32>
        %add3A_604 = arith.constant 5 : i32
        %add3A_605 = arith.addi %mul3A_566, %add3A_604 : i32
        %get3A_606 = arith.index_cast %add3A_605 : i32 to index
        %get3A_607 = arith.constant 80 : index
        %get3A_608 = tpu.vector_load %arg9[%get3A_606, %get3A_607] {strides = array<i32>} : memref<128x128xf32, #tpu.memory_space<vmem>>, vector<1x16xf32>,
        %get3A_609 = vector.shape_cast %get3A_608 : vector<1x16xf32> to vector<16xf32>
        %mul3A_610 = arith.mulf %get3A_609, %get3A_249 : vector<16xf32>
        %add3A_611 = arith.addf %add3A_603, %mul3A_610 : vector<16xf32>
        %add3A_612 = arith.constant 6 : i32
        %add3A_613 = arith.addi %mul3A_566, %add3A_612 : i32
        %get3A_614 = arith.index_cast %add3A_613 : i32 to index
        %get3A_615 = arith.constant 80 : index
        %get3A_616 = tpu.vector_load %arg9[%get3A_614, %get3A_615] {strides = array<i32>} : memref<128x128xf32, #tpu.memory_space<vmem>>, vector<1x16xf32>,
        %get3A_617 = vector.shape_cast %get3A_616 : vector<1x16xf32> to vector<16xf32>
        %mul3A_618 = arith.mulf %get3A_617, %get3A_254 : vector<16xf32>
        %add3A_619 = arith.addf %add3A_611, %mul3A_618 : vector<16xf32>
        %add3A_620 = arith.constant 7 : i32
        %add3A_621 = arith.addi %mul3A_566, %add3A_620 : i32
        %get3A_622 = arith.index_cast %add3A_621 : i32 to index
        %get3A_623 = arith.constant 80 : index
        %get3A_624 = tpu.vector_load %arg9[%get3A_622, %get3A_623] {strides = array<i32>} : memref<128x128xf32, #tpu.memory_space<vmem>>, vector<1x16xf32>,
        %get3A_625 = vector.shape_cast %get3A_624 : vector<1x16xf32> to vector<16xf32>
        %mul3A_626 = arith.mulf %get3A_625, %get3A_259 : vector<16xf32>
        %add3A_627 = arith.addf %add3A_619, %mul3A_626 : vector<16xf32>
        %swap3A = arith.index_cast %scan3A_564 : i32 to index
        %swap3A_628 = arith.constant 80 : index
        %swap3A_629 = tpu.vector_load %arg11[%swap3A, %swap3A_628] {strides = array<i32>} : memref<16x128xf32, #tpu.memory_space<vmem>>, vector<1x16xf32>,
        %swap3A_630 = vector.shape_cast %swap3A_629 : vector<1x16xf32> to vector<16xf32>
        %swap3A_631 = vector.shape_cast %add3A_627 : vector<16xf32> to vector<1x16xf32>
        tpu.vector_store %arg11[%swap3A, %swap3A_628], %swap3A_631 {strides = array<i32>} : memref<16x128xf32, #tpu.memory_space<vmem>>, vector<1x16xf32>,
      }
      %scan3A_265 = arith.constant 16 : i32
      %get3A_266 = arith.constant 0 : i32
      %get3A_267 = arith.index_cast %get3A_266 : i32 to index
      %get3A_268 = arith.constant 96 : index
      %get3A_269 = tpu.vector_load %arg6[%get3A_267, %get3A_268] {strides = array<i32>} : memref<4x128xf32, #tpu.memory_space<vmem>>, vector<1x16xf32>,
      %get3A_270 = vector.shape_cast %get3A_269 : vector<1x16xf32> to vector<16xf32>
      %get3A_271 = arith.constant 1 : i32
      %get3A_272 = arith.index_cast %get3A_271 : i32 to index
      %get3A_273 = arith.constant 96 : index
      %get3A_274 = tpu.vector_load %arg6[%get3A_272, %get3A_273] {strides = array<i32>} : memref<4x128xf32, #tpu.memory_space<vmem>>, vector<1x16xf32>,
      %get3A_275 = vector.shape_cast %get3A_274 : vector<1x16xf32> to vector<16xf32>
      %get3A_276 = arith.constant 2 : i32
      %get3A_277 = arith.index_cast %get3A_276 : i32 to index
      %get3A_278 = arith.constant 96 : index
      %get3A_279 = tpu.vector_load %arg6[%get3A_277, %get3A_278] {strides = array<i32>} : memref<4x128xf32, #tpu.memory_space<vmem>>, vector<1x16xf32>,
      %get3A_280 = vector.shape_cast %get3A_279 : vector<1x16xf32> to vector<16xf32>
      %get3A_281 = arith.constant 3 : i32
      %get3A_282 = arith.index_cast %get3A_281 : i32 to index
      %get3A_283 = arith.constant 96 : index
      %get3A_284 = tpu.vector_load %arg6[%get3A_282, %get3A_283] {strides = array<i32>} : memref<4x128xf32, #tpu.memory_space<vmem>>, vector<1x16xf32>,
      %get3A_285 = vector.shape_cast %get3A_284 : vector<1x16xf32> to vector<16xf32>
      %scan3A_286 = arith.constant 0 : i32
      %scan3A_287 = arith.constant 0 : i32
      %scan3A_288 = arith.constant 16 : i32
      %scan3A_289 = arith.addi %scan3A_287, %scan3A_288 : i32
      %scan3A_290 = arith.constant 1 : i32
      scf.for %scan3A_564 = %scan3A_287 to %scan3A_289 step %scan3A_290  : i32 {
        %mul3A_565 = arith.constant 8 : i32
        %mul3A_566 = arith.muli %scan3A_564, %mul3A_565 : i32
        %get3A_567 = arith.index_cast %mul3A_566 : i32 to index
        %get3A_568 = arith.constant 96 : index
        %get3A_569 = tpu.vector_load %arg9[%get3A_567, %get3A_568] {strides = array<i32>} : memref<128x128xf32, #tpu.memory_space<vmem>>, vector<1x16xf32>,
        %get3A_570 = vector.shape_cast %get3A_569 : vector<1x16xf32> to vector<16xf32>
        %mul3A_571 = arith.mulf %get3A_570, %get3A_270 : vector<16xf32>
        %add3A_572 = arith.constant 1 : i32
        %add3A_573 = arith.addi %mul3A_566, %add3A_572 : i32
        %get3A_574 = arith.index_cast %add3A_573 : i32 to index
        %get3A_575 = arith.constant 96 : index
        %get3A_576 = tpu.vector_load %arg9[%get3A_574, %get3A_575] {strides = array<i32>} : memref<128x128xf32, #tpu.memory_space<vmem>>, vector<1x16xf32>,
        %get3A_577 = vector.shape_cast %get3A_576 : vector<1x16xf32> to vector<16xf32>
        %mul3A_578 = arith.mulf %get3A_577, %get3A_275 : vector<16xf32>
        %add3A_579 = arith.addf %mul3A_571, %mul3A_578 : vector<16xf32>
        %add3A_580 = arith.constant 2 : i32
        %add3A_581 = arith.addi %mul3A_566, %add3A_580 : i32
        %get3A_582 = arith.index_cast %add3A_581 : i32 to index
        %get3A_583 = arith.constant 96 : index
        %get3A_584 = tpu.vector_load %arg9[%get3A_582, %get3A_583] {strides = array<i32>} : memref<128x128xf32, #tpu.memory_space<vmem>>, vector<1x16xf32>,
        %get3A_585 = vector.shape_cast %get3A_584 : vector<1x16xf32> to vector<16xf32>
        %mul3A_586 = arith.mulf %get3A_585, %get3A_280 : vector<16xf32>
        %add3A_587 = arith.addf %add3A_579, %mul3A_586 : vector<16xf32>
        %add3A_588 = arith.constant 3 : i32
        %add3A_589 = arith.addi %mul3A_566, %add3A_588 : i32
        %get3A_590 = arith.index_cast %add3A_589 : i32 to index
        %get3A_591 = arith.constant 96 : index
        %get3A_592 = tpu.vector_load %arg9[%get3A_590, %get3A_591] {strides = array<i32>} : memref<128x128xf32, #tpu.memory_space<vmem>>, vector<1x16xf32>,
        %get3A_593 = vector.shape_cast %get3A_592 : vector<1x16xf32> to vector<16xf32>
        %mul3A_594 = arith.mulf %get3A_593, %get3A_285 : vector<16xf32>
        %add3A_595 = arith.addf %add3A_587, %mul3A_594 : vector<16xf32>
        %add3A_596 = arith.constant 4 : i32
        %add3A_597 = arith.addi %mul3A_566, %add3A_596 : i32
        %get3A_598 = arith.index_cast %add3A_597 : i32 to index
        %get3A_599 = arith.constant 96 : index
        %get3A_600 = tpu.vector_load %arg9[%get3A_598, %get3A_599] {strides = array<i32>} : memref<128x128xf32, #tpu.memory_space<vmem>>, vector<1x16xf32>,
        %get3A_601 = vector.shape_cast %get3A_600 : vector<1x16xf32> to vector<16xf32>
        %mul3A_602 = arith.mulf %get3A_601, %get3A_270 : vector<16xf32>
        %add3A_603 = arith.addf %add3A_595, %mul3A_602 : vector<16xf32>
        %add3A_604 = arith.constant 5 : i32
        %add3A_605 = arith.addi %mul3A_566, %add3A_604 : i32
        %get3A_606 = arith.index_cast %add3A_605 : i32 to index
        %get3A_607 = arith.constant 96 : index
        %get3A_608 = tpu.vector_load %arg9[%get3A_606, %get3A_607] {strides = array<i32>} : memref<128x128xf32, #tpu.memory_space<vmem>>, vector<1x16xf32>,
        %get3A_609 = vector.shape_cast %get3A_608 : vector<1x16xf32> to vector<16xf32>
        %mul3A_610 = arith.mulf %get3A_609, %get3A_275 : vector<16xf32>
        %add3A_611 = arith.addf %add3A_603, %mul3A_610 : vector<16xf32>
        %add3A_612 = arith.constant 6 : i32
        %add3A_613 = arith.addi %mul3A_566, %add3A_612 : i32
        %get3A_614 = arith.index_cast %add3A_613 : i32 to index
        %get3A_615 = arith.constant 96 : index
        %get3A_616 = tpu.vector_load %arg9[%get3A_614, %get3A_615] {strides = array<i32>} : memref<128x128xf32, #tpu.memory_space<vmem>>, vector<1x16xf32>,
        %get3A_617 = vector.shape_cast %get3A_616 : vector<1x16xf32> to vector<16xf32>
        %mul3A_618 = arith.mulf %get3A_617, %get3A_280 : vector<16xf32>
        %add3A_619 = arith.addf %add3A_611, %mul3A_618 : vector<16xf32>
        %add3A_620 = arith.constant 7 : i32
        %add3A_621 = arith.addi %mul3A_566, %add3A_620 : i32
        %get3A_622 = arith.index_cast %add3A_621 : i32 to index
        %get3A_623 = arith.constant 96 : index
        %get3A_624 = tpu.vector_load %arg9[%get3A_622, %get3A_623] {strides = array<i32>} : memref<128x128xf32, #tpu.memory_space<vmem>>, vector<1x16xf32>,
        %get3A_625 = vector.shape_cast %get3A_624 : vector<1x16xf32> to vector<16xf32>
        %mul3A_626 = arith.mulf %get3A_625, %get3A_285 : vector<16xf32>
        %add3A_627 = arith.addf %add3A_619, %mul3A_626 : vector<16xf32>
        %swap3A = arith.index_cast %scan3A_564 : i32 to index
        %swap3A_628 = arith.constant 96 : index
        %swap3A_629 = tpu.vector_load %arg11[%swap3A, %swap3A_628] {strides = array<i32>} : memref<16x128xf32, #tpu.memory_space<vmem>>, vector<1x16xf32>,
        %swap3A_630 = vector.shape_cast %swap3A_629 : vector<1x16xf32> to vector<16xf32>
        %swap3A_631 = vector.shape_cast %add3A_627 : vector<16xf32> to vector<1x16xf32>
        tpu.vector_store %arg11[%swap3A, %swap3A_628], %swap3A_631 {strides = array<i32>} : memref<16x128xf32, #tpu.memory_space<vmem>>, vector<1x16xf32>,
      }
      %scan3A_291 = arith.constant 16 : i32
      %get3A_292 = arith.constant 0 : i32
      %get3A_293 = arith.index_cast %get3A_292 : i32 to index
      %get3A_294 = arith.constant 112 : index
      %get3A_295 = tpu.vector_load %arg6[%get3A_293, %get3A_294] {strides = array<i32>} : memref<4x128xf32, #tpu.memory_space<vmem>>, vector<1x16xf32>,
      %get3A_296 = vector.shape_cast %get3A_295 : vector<1x16xf32> to vector<16xf32>
      %get3A_297 = arith.constant 1 : i32
      %get3A_298 = arith.index_cast %get3A_297 : i32 to index
      %get3A_299 = arith.constant 112 : index
      %get3A_300 = tpu.vector_load %arg6[%get3A_298, %get3A_299] {strides = array<i32>} : memref<4x128xf32, #tpu.memory_space<vmem>>, vector<1x16xf32>,
      %get3A_301 = vector.shape_cast %get3A_300 : vector<1x16xf32> to vector<16xf32>
      %get3A_302 = arith.constant 2 : i32
      %get3A_303 = arith.index_cast %get3A_302 : i32 to index
      %get3A_304 = arith.constant 112 : index
      %get3A_305 = tpu.vector_load %arg6[%get3A_303, %get3A_304] {strides = array<i32>} : memref<4x128xf32, #tpu.memory_space<vmem>>, vector<1x16xf32>,
      %get3A_306 = vector.shape_cast %get3A_305 : vector<1x16xf32> to vector<16xf32>
      %get3A_307 = arith.constant 3 : i32
      %get3A_308 = arith.index_cast %get3A_307 : i32 to index
      %get3A_309 = arith.constant 112 : index
      %get3A_310 = tpu.vector_load %arg6[%get3A_308, %get3A_309] {strides = array<i32>} : memref<4x128xf32, #tpu.memory_space<vmem>>, vector<1x16xf32>,
      %get3A_311 = vector.shape_cast %get3A_310 : vector<1x16xf32> to vector<16xf32>
      %scan3A_312 = arith.constant 0 : i32
      %scan3A_313 = arith.constant 0 : i32
      %scan3A_314 = arith.constant 16 : i32
      %scan3A_315 = arith.addi %scan3A_313, %scan3A_314 : i32
      %scan3A_316 = arith.constant 1 : i32
      scf.for %scan3A_564 = %scan3A_313 to %scan3A_315 step %scan3A_316  : i32 {
        %mul3A_565 = arith.constant 8 : i32
        %mul3A_566 = arith.muli %scan3A_564, %mul3A_565 : i32
        %get3A_567 = arith.index_cast %mul3A_566 : i32 to index
        %get3A_568 = arith.constant 112 : index
        %get3A_569 = tpu.vector_load %arg9[%get3A_567, %get3A_568] {strides = array<i32>} : memref<128x128xf32, #tpu.memory_space<vmem>>, vector<1x16xf32>,
        %get3A_570 = vector.shape_cast %get3A_569 : vector<1x16xf32> to vector<16xf32>
        %mul3A_571 = arith.mulf %get3A_570, %get3A_296 : vector<16xf32>
        %add3A_572 = arith.constant 1 : i32
        %add3A_573 = arith.addi %mul3A_566, %add3A_572 : i32
        %get3A_574 = arith.index_cast %add3A_573 : i32 to index
        %get3A_575 = arith.constant 112 : index
        %get3A_576 = tpu.vector_load %arg9[%get3A_574, %get3A_575] {strides = array<i32>} : memref<128x128xf32, #tpu.memory_space<vmem>>, vector<1x16xf32>,
        %get3A_577 = vector.shape_cast %get3A_576 : vector<1x16xf32> to vector<16xf32>
        %mul3A_578 = arith.mulf %get3A_577, %get3A_301 : vector<16xf32>
        %add3A_579 = arith.addf %mul3A_571, %mul3A_578 : vector<16xf32>
        %add3A_580 = arith.constant 2 : i32
        %add3A_581 = arith.addi %mul3A_566, %add3A_580 : i32
        %get3A_582 = arith.index_cast %add3A_581 : i32 to index
        %get3A_583 = arith.constant 112 : index
        %get3A_584 = tpu.vector_load %arg9[%get3A_582, %get3A_583] {strides = array<i32>} : memref<128x128xf32, #tpu.memory_space<vmem>>, vector<1x16xf32>,
        %get3A_585 = vector.shape_cast %get3A_584 : vector<1x16xf32> to vector<16xf32>
        %mul3A_586 = arith.mulf %get3A_585, %get3A_306 : vector<16xf32>
        %add3A_587 = arith.addf %add3A_579, %mul3A_586 : vector<16xf32>
        %add3A_588 = arith.constant 3 : i32
        %add3A_589 = arith.addi %mul3A_566, %add3A_588 : i32
        %get3A_590 = arith.index_cast %add3A_589 : i32 to index
        %get3A_591 = arith.constant 112 : index
        %get3A_592 = tpu.vector_load %arg9[%get3A_590, %get3A_591] {strides = array<i32>} : memref<128x128xf32, #tpu.memory_space<vmem>>, vector<1x16xf32>,
        %get3A_593 = vector.shape_cast %get3A_592 : vector<1x16xf32> to vector<16xf32>
        %mul3A_594 = arith.mulf %get3A_593, %get3A_311 : vector<16xf32>
        %add3A_595 = arith.addf %add3A_587, %mul3A_594 : vector<16xf32>
        %add3A_596 = arith.constant 4 : i32
        %add3A_597 = arith.addi %mul3A_566, %add3A_596 : i32
        %get3A_598 = arith.index_cast %add3A_597 : i32 to index
        %get3A_599 = arith.constant 112 : index
        %get3A_600 = tpu.vector_load %arg9[%get3A_598, %get3A_599] {strides = array<i32>} : memref<128x128xf32, #tpu.memory_space<vmem>>, vector<1x16xf32>,
        %get3A_601 = vector.shape_cast %get3A_600 : vector<1x16xf32> to vector<16xf32>
        %mul3A_602 = arith.mulf %get3A_601, %get3A_296 : vector<16xf32>
        %add3A_603 = arith.addf %add3A_595, %mul3A_602 : vector<16xf32>
        %add3A_604 = arith.constant 5 : i32
        %add3A_605 = arith.addi %mul3A_566, %add3A_604 : i32
        %get3A_606 = arith.index_cast %add3A_605 : i32 to index
        %get3A_607 = arith.constant 112 : index
        %get3A_608 = tpu.vector_load %arg9[%get3A_606, %get3A_607] {strides = array<i32>} : memref<128x128xf32, #tpu.memory_space<vmem>>, vector<1x16xf32>,
        %get3A_609 = vector.shape_cast %get3A_608 : vector<1x16xf32> to vector<16xf32>
        %mul3A_610 = arith.mulf %get3A_609, %get3A_301 : vector<16xf32>
        %add3A_611 = arith.addf %add3A_603, %mul3A_610 : vector<16xf32>
        %add3A_612 = arith.constant 6 : i32
        %add3A_613 = arith.addi %mul3A_566, %add3A_612 : i32
        %get3A_614 = arith.index_cast %add3A_613 : i32 to index
        %get3A_615 = arith.constant 112 : index
        %get3A_616 = tpu.vector_load %arg9[%get3A_614, %get3A_615] {strides = array<i32>} : memref<128x128xf32, #tpu.memory_space<vmem>>, vector<1x16xf32>,
        %get3A_617 = vector.shape_cast %get3A_616 : vector<1x16xf32> to vector<16xf32>
        %mul3A_618 = arith.mulf %get3A_617, %get3A_306 : vector<16xf32>
        %add3A_619 = arith.addf %add3A_611, %mul3A_618 : vector<16xf32>
        %add3A_620 = arith.constant 7 : i32
        %add3A_621 = arith.addi %mul3A_566, %add3A_620 : i32
        %get3A_622 = arith.index_cast %add3A_621 : i32 to index
        %get3A_623 = arith.constant 112 : index
        %get3A_624 = tpu.vector_load %arg9[%get3A_622, %get3A_623] {strides = array<i32>} : memref<128x128xf32, #tpu.memory_space<vmem>>, vector<1x16xf32>,
        %get3A_625 = vector.shape_cast %get3A_624 : vector<1x16xf32> to vector<16xf32>
        %mul3A_626 = arith.mulf %get3A_625, %get3A_311 : vector<16xf32>
        %add3A_627 = arith.addf %add3A_619, %mul3A_626 : vector<16xf32>
        %swap3A = arith.index_cast %scan3A_564 : i32 to index
        %swap3A_628 = arith.constant 112 : index
        %swap3A_629 = tpu.vector_load %arg11[%swap3A, %swap3A_628] {strides = array<i32>} : memref<16x128xf32, #tpu.memory_space<vmem>>, vector<1x16xf32>,
        %swap3A_630 = vector.shape_cast %swap3A_629 : vector<1x16xf32> to vector<16xf32>
        %swap3A_631 = vector.shape_cast %add3A_627 : vector<16xf32> to vector<1x16xf32>
        tpu.vector_store %arg11[%swap3A, %swap3A_628], %swap3A_631 {strides = array<i32>} : memref<16x128xf32, #tpu.memory_space<vmem>>, vector<1x16xf32>,
      }
      %scan3A_317 = arith.constant 16 : i32
      %mul3A_318 = arith.constant 16 : i32
      %mul3A_319 = arith.muli %add3A_89, %mul3A_318 : i32
      %add3A_320 = arith.addi %mul3A_28, %mul3A_319 : i32
      %dma_start3A_321 = arith.constant 0 : i32
      %dma_start3A_322 = tpu.memref_slice %arg5[%add3A_320, %dma_start3A_321] : memref<50176x128xf32, #tpu.memory_space<hbm>> -> memref<16x128xf32, #tpu.memory_space<hbm>>
      %dma_start3A_323 = arith.constant 0 : i32
      %dma_start3A_324 = tpu.memref_slice %arg5[%add3A_320, %dma_start3A_323] : memref<50176x128xf32, #tpu.memory_space<hbm>> -> memref<16x128xf32, #tpu.memory_space<hbm>>
      tpu.enqueue_dma source(%arg11 : memref<16x128xf32, #tpu.memory_space<vmem>>) target(%dma_start3A_324 : memref<16x128xf32, #tpu.memory_space<hbm>>) target_semaphore(%arg17 : memref<!tpu.dma_semaphore, #tpu.memory_space<semaphore_mem>>)
      %mul3A_325 = arith.constant 2 : i32
      %mul3A_326 = arith.muli %while3A_85, %mul3A_325 : i32
      %add3A_327 = arith.constant 1 : i32
      %add3A_328 = arith.addi %mul3A_326, %add3A_327 : i32
      %dma_wait3A_329 = arith.constant 0 : i32
      %dma_wait3A_330 = arith.constant 0 : i32
      %dma_wait3A_331 = tpu.memref_slice %arg4[%dma_wait3A_329, %dma_wait3A_330] : memref<50000x128xf32, #tpu.memory_space<hbm>> -> memref<50000x128xf32, #tpu.memory_space<hbm>>
      tpu.wait_indirect_dma semaphore(%arg16 : memref<!tpu.dma_semaphore, #tpu.memory_space<semaphore_mem>>) src(%dma_wait3A_331 : memref<50000x128xf32, #tpu.memory_space<hbm>>) dst(%arg10 : memref<128x128xf32, #tpu.memory_space<vmem>>)
      %sub3A_332 = arith.constant 1 : i32
      %sub3A_333 = arith.subi %select_n3A_26, %sub3A_332 : i32
      %lt3A_334 = arith.cmpi slt, %while3A_85, %sub3A_333 : i32
      %convert_element_type3A_335 = arith.extui %lt3A_334 : i1 to i32
      %cond3A_336 = arith.constant 0 : i32
      %cond3A_337 = arith.cmpi ne, %convert_element_type3A_335, %cond3A_336 : i32
      scf.if %cond3A_337 {
        %add3A_564 = arith.constant 2 : i32
        %add3A_565 = arith.addi %add3A_328, %add3A_564 : i32
        %add3A_566 = arith.addi %select_n3A, %add3A_565 : i32
        %mul3A_567 = arith.constant 16 : i32
        %mul3A_568 = arith.muli %add3A_566, %mul3A_567 : i32
        %mul3A_569 = arith.constant 8 : i32
        %mul3A_570 = arith.muli %mul3A_568, %mul3A_569 : i32
        %dma_start3A_571 = tpu.memref_slice %arg2[%mul3A_570] : memref<401408xi32, #tpu.memory_space<hbm>> -> memref<128xi32, #tpu.memory_space<hbm>>
        %dma_start3A_572 = tpu.memref_slice %arg2[%mul3A_570] : memref<401408xi32, #tpu.memory_space<hbm>> -> memref<128xi32, #tpu.memory_space<hbm>>
        tpu.enqueue_dma source(%dma_start3A_572 : memref<128xi32, #tpu.memory_space<hbm>>) target(%arg8 : memref<128xi32, #tpu.memory_space<vmem>>) target_semaphore(%arg14 : memref<!tpu.dma_semaphore, #tpu.memory_space<semaphore_mem>>)
      } else {
      }
      %sub3A_338 = arith.constant 1 : i32
      %sub3A_339 = arith.subi %select_n3A_26, %sub3A_338 : i32
      %lt3A_340 = arith.cmpi slt, %while3A_85, %sub3A_339 : i32
      %convert_element_type3A_341 = arith.extui %lt3A_340 : i1 to i32
      %cond3A_342 = arith.constant 0 : i32
      %cond3A_343 = arith.cmpi ne, %convert_element_type3A_341, %cond3A_342 : i32
      scf.if %cond3A_343 {
        %add3A_564 = arith.constant 1 : i32
        %add3A_565 = arith.addi %add3A_328, %add3A_564 : i32
        %add3A_566 = arith.addi %select_n3A, %add3A_565 : i32
        %mul3A_567 = arith.constant 16 : i32
        %mul3A_568 = arith.muli %add3A_566, %mul3A_567 : i32
        %mul3A_569 = arith.constant 8 : i32
        %mul3A_570 = arith.muli %mul3A_568, %mul3A_569 : i32
        %dma_wait3A_571 = tpu.memref_slice %arg2[%mul3A_570] : memref<401408xi32, #tpu.memory_space<hbm>> -> memref<128xi32, #tpu.memory_space<hbm>>
        %dma_wait3A_572 = tpu.memref_slice %arg2[%mul3A_570] : memref<401408xi32, #tpu.memory_space<hbm>> -> memref<128xi32, #tpu.memory_space<hbm>>
        tpu.wait_dma2 semaphore(%arg13 : memref<!tpu.dma_semaphore, #tpu.memory_space<semaphore_mem>>) src(%dma_wait3A_572 : memref<128xi32, #tpu.memory_space<hbm>>) dst(%arg7 : memref<128xi32, #tpu.memory_space<vmem>>)
        %dma_start3A_573 = arith.constant 0 : i32
        %dma_start3A_574 = arith.constant 0 : i32
        %dma_start3A_575 = tpu.memref_slice %arg4[%dma_start3A_573, %dma_start3A_574] : memref<50000x128xf32, #tpu.memory_space<hbm>> -> memref<50000x128xf32, #tpu.memory_space<hbm>>
        tpu.enqueue_indirect_dma source(%dma_start3A_575 : memref<50000x128xf32, #tpu.memory_space<hbm>>) target(%arg9 : memref<128x128xf32, #tpu.memory_space<vmem>>) offsets(%arg7 : memref<128xi32, #tpu.memory_space<vmem>>) semaphore(%arg15 : memref<!tpu.dma_semaphore, #tpu.memory_space<semaphore_mem>>)
      } else {
      }
      %gt3A_344 = arith.constant 0 : i32
      %gt3A_345 = arith.cmpi sgt, %while3A_85, %gt3A_344 : i32
      %convert_element_type3A_346 = arith.extui %gt3A_345 : i1 to i32
      %cond3A_347 = arith.constant 0 : i32
      %cond3A_348 = arith.cmpi ne, %convert_element_type3A_346, %cond3A_347 : i32
      scf.if %cond3A_348 {
        %sub3A_564 = arith.constant 2 : i32
        %sub3A_565 = arith.subi %add3A_328, %sub3A_564 : i32
        %mul3A_566 = arith.constant 16 : i32
        %mul3A_567 = arith.muli %sub3A_565, %mul3A_566 : i32
        %add3A_568 = arith.addi %mul3A_28, %mul3A_567 : i32
        %dma_wait3A_569 = arith.constant 0 : i32
        %dma_wait3A_570 = tpu.memref_slice %arg5[%add3A_568, %dma_wait3A_569] : memref<50176x128xf32, #tpu.memory_space<hbm>> -> memref<16x128xf32, #tpu.memory_space<hbm>>
        %dma_wait3A_571 = arith.constant 0 : i32
        %dma_wait3A_572 = tpu.memref_slice %arg5[%add3A_568, %dma_wait3A_571] : memref<50176x128xf32, #tpu.memory_space<hbm>> -> memref<16x128xf32, #tpu.memory_space<hbm>>
        tpu.wait_dma2 semaphore(%arg17 : memref<!tpu.dma_semaphore, #tpu.memory_space<semaphore_mem>>) src(%arg12 : memref<16x128xf32, #tpu.memory_space<vmem>>) dst(%dma_wait3A_572 : memref<16x128xf32, #tpu.memory_space<hbm>>)
      } else {
      }
      %get3A_349 = arith.constant 0 : i32
      %get3A_350 = arith.index_cast %get3A_349 : i32 to index
      %get3A_351 = arith.constant 0 : index
      %get3A_352 = tpu.vector_load %arg6[%get3A_350, %get3A_351] {strides = array<i32>} : memref<4x128xf32, #tpu.memory_space<vmem>>, vector<1x16xf32>,
      %get3A_353 = vector.shape_cast %get3A_352 : vector<1x16xf32> to vector<16xf32>
      %get3A_354 = arith.constant 1 : i32
      %get3A_355 = arith.index_cast %get3A_354 : i32 to index
      %get3A_356 = arith.constant 0 : index
      %get3A_357 = tpu.vector_load %arg6[%get3A_355, %get3A_356] {strides = array<i32>} : memref<4x128xf32, #tpu.memory_space<vmem>>, vector<1x16xf32>,
      %get3A_358 = vector.shape_cast %get3A_357 : vector<1x16xf32> to vector<16xf32>
      %get3A_359 = arith.constant 2 : i32
      %get3A_360 = arith.index_cast %get3A_359 : i32 to index
      %get3A_361 = arith.constant 0 : index
      %get3A_362 = tpu.vector_load %arg6[%get3A_360, %get3A_361] {strides = array<i32>} : memref<4x128xf32, #tpu.memory_space<vmem>>, vector<1x16xf32>,
      %get3A_363 = vector.shape_cast %get3A_362 : vector<1x16xf32> to vector<16xf32>
      %get3A_364 = arith.constant 3 : i32
      %get3A_365 = arith.index_cast %get3A_364 : i32 to index
      %get3A_366 = arith.constant 0 : index
      %get3A_367 = tpu.vector_load %arg6[%get3A_365, %get3A_366] {strides = array<i32>} : memref<4x128xf32, #tpu.memory_space<vmem>>, vector<1x16xf32>,
      %get3A_368 = vector.shape_cast %get3A_367 : vector<1x16xf32> to vector<16xf32>
      %scan3A_369 = arith.constant 0 : i32
      %scan3A_370 = arith.constant 0 : i32
      %scan3A_371 = arith.constant 16 : i32
      %scan3A_372 = arith.addi %scan3A_370, %scan3A_371 : i32
      %scan3A_373 = arith.constant 1 : i32
      scf.for %scan3A_564 = %scan3A_370 to %scan3A_372 step %scan3A_373  : i32 {
        %mul3A_565 = arith.constant 8 : i32
        %mul3A_566 = arith.muli %scan3A_564, %mul3A_565 : i32
        %get3A_567 = arith.index_cast %mul3A_566 : i32 to index
        %get3A_568 = arith.constant 0 : index
        %get3A_569 = tpu.vector_load %arg10[%get3A_567, %get3A_568] {strides = array<i32>} : memref<128x128xf32, #tpu.memory_space<vmem>>, vector<1x16xf32>,
        %get3A_570 = vector.shape_cast %get3A_569 : vector<1x16xf32> to vector<16xf32>
        %mul3A_571 = arith.mulf %get3A_570, %get3A_353 : vector<16xf32>
        %add3A_572 = arith.constant 1 : i32
        %add3A_573 = arith.addi %mul3A_566, %add3A_572 : i32
        %get3A_574 = arith.index_cast %add3A_573 : i32 to index
        %get3A_575 = arith.constant 0 : index
        %get3A_576 = tpu.vector_load %arg10[%get3A_574, %get3A_575] {strides = array<i32>} : memref<128x128xf32, #tpu.memory_space<vmem>>, vector<1x16xf32>,
        %get3A_577 = vector.shape_cast %get3A_576 : vector<1x16xf32> to vector<16xf32>
        %mul3A_578 = arith.mulf %get3A_577, %get3A_358 : vector<16xf32>
        %add3A_579 = arith.addf %mul3A_571, %mul3A_578 : vector<16xf32>
        %add3A_580 = arith.constant 2 : i32
        %add3A_581 = arith.addi %mul3A_566, %add3A_580 : i32
        %get3A_582 = arith.index_cast %add3A_581 : i32 to index
        %get3A_583 = arith.constant 0 : index
        %get3A_584 = tpu.vector_load %arg10[%get3A_582, %get3A_583] {strides = array<i32>} : memref<128x128xf32, #tpu.memory_space<vmem>>, vector<1x16xf32>,
        %get3A_585 = vector.shape_cast %get3A_584 : vector<1x16xf32> to vector<16xf32>
        %mul3A_586 = arith.mulf %get3A_585, %get3A_363 : vector<16xf32>
        %add3A_587 = arith.addf %add3A_579, %mul3A_586 : vector<16xf32>
        %add3A_588 = arith.constant 3 : i32
        %add3A_589 = arith.addi %mul3A_566, %add3A_588 : i32
        %get3A_590 = arith.index_cast %add3A_589 : i32 to index
        %get3A_591 = arith.constant 0 : index
        %get3A_592 = tpu.vector_load %arg10[%get3A_590, %get3A_591] {strides = array<i32>} : memref<128x128xf32, #tpu.memory_space<vmem>>, vector<1x16xf32>,
        %get3A_593 = vector.shape_cast %get3A_592 : vector<1x16xf32> to vector<16xf32>
        %mul3A_594 = arith.mulf %get3A_593, %get3A_368 : vector<16xf32>
        %add3A_595 = arith.addf %add3A_587, %mul3A_594 : vector<16xf32>
        %add3A_596 = arith.constant 4 : i32
        %add3A_597 = arith.addi %mul3A_566, %add3A_596 : i32
        %get3A_598 = arith.index_cast %add3A_597 : i32 to index
        %get3A_599 = arith.constant 0 : index
        %get3A_600 = tpu.vector_load %arg10[%get3A_598, %get3A_599] {strides = array<i32>} : memref<128x128xf32, #tpu.memory_space<vmem>>, vector<1x16xf32>,
        %get3A_601 = vector.shape_cast %get3A_600 : vector<1x16xf32> to vector<16xf32>
        %mul3A_602 = arith.mulf %get3A_601, %get3A_353 : vector<16xf32>
        %add3A_603 = arith.addf %add3A_595, %mul3A_602 : vector<16xf32>
        %add3A_604 = arith.constant 5 : i32
        %add3A_605 = arith.addi %mul3A_566, %add3A_604 : i32
        %get3A_606 = arith.index_cast %add3A_605 : i32 to index
        %get3A_607 = arith.constant 0 : index
        %get3A_608 = tpu.vector_load %arg10[%get3A_606, %get3A_607] {strides = array<i32>} : memref<128x128xf32, #tpu.memory_space<vmem>>, vector<1x16xf32>,
        %get3A_609 = vector.shape_cast %get3A_608 : vector<1x16xf32> to vector<16xf32>
        %mul3A_610 = arith.mulf %get3A_609, %get3A_358 : vector<16xf32>
        %add3A_611 = arith.addf %add3A_603, %mul3A_610 : vector<16xf32>
        %add3A_612 = arith.constant 6 : i32
        %add3A_613 = arith.addi %mul3A_566, %add3A_612 : i32
        %get3A_614 = arith.index_cast %add3A_613 : i32 to index
        %get3A_615 = arith.constant 0 : index
        %get3A_616 = tpu.vector_load %arg10[%get3A_614, %get3A_615] {strides = array<i32>} : memref<128x128xf32, #tpu.memory_space<vmem>>, vector<1x16xf32>,
        %get3A_617 = vector.shape_cast %get3A_616 : vector<1x16xf32> to vector<16xf32>
        %mul3A_618 = arith.mulf %get3A_617, %get3A_363 : vector<16xf32>
        %add3A_619 = arith.addf %add3A_611, %mul3A_618 : vector<16xf32>
        %add3A_620 = arith.constant 7 : i32
        %add3A_621 = arith.addi %mul3A_566, %add3A_620 : i32
        %get3A_622 = arith.index_cast %add3A_621 : i32 to index
        %get3A_623 = arith.constant 0 : index
        %get3A_624 = tpu.vector_load %arg10[%get3A_622, %get3A_623] {strides = array<i32>} : memref<128x128xf32, #tpu.memory_space<vmem>>, vector<1x16xf32>,
        %get3A_625 = vector.shape_cast %get3A_624 : vector<1x16xf32> to vector<16xf32>
        %mul3A_626 = arith.mulf %get3A_625, %get3A_368 : vector<16xf32>
        %add3A_627 = arith.addf %add3A_619, %mul3A_626 : vector<16xf32>
        %swap3A = arith.index_cast %scan3A_564 : i32 to index
        %swap3A_628 = arith.constant 0 : index
        %swap3A_629 = tpu.vector_load %arg12[%swap3A, %swap3A_628] {strides = array<i32>} : memref<16x128xf32, #tpu.memory_space<vmem>>, vector<1x16xf32>,
        %swap3A_630 = vector.shape_cast %swap3A_629 : vector<1x16xf32> to vector<16xf32>
        %swap3A_631 = vector.shape_cast %add3A_627 : vector<16xf32> to vector<1x16xf32>
        tpu.vector_store %arg12[%swap3A, %swap3A_628], %swap3A_631 {strides = array<i32>} : memref<16x128xf32, #tpu.memory_space<vmem>>, vector<1x16xf32>,
      }
      %scan3A_374 = arith.constant 16 : i32
      %get3A_375 = arith.constant 0 : i32
      %get3A_376 = arith.index_cast %get3A_375 : i32 to index
      %get3A_377 = arith.constant 16 : index
      %get3A_378 = tpu.vector_load %arg6[%get3A_376, %get3A_377] {strides = array<i32>} : memref<4x128xf32, #tpu.memory_space<vmem>>, vector<1x16xf32>,
      %get3A_379 = vector.shape_cast %get3A_378 : vector<1x16xf32> to vector<16xf32>
      %get3A_380 = arith.constant 1 : i32
      %get3A_381 = arith.index_cast %get3A_380 : i32 to index
      %get3A_382 = arith.constant 16 : index
      %get3A_383 = tpu.vector_load %arg6[%get3A_381, %get3A_382] {strides = array<i32>} : memref<4x128xf32, #tpu.memory_space<vmem>>, vector<1x16xf32>,
      %get3A_384 = vector.shape_cast %get3A_383 : vector<1x16xf32> to vector<16xf32>
      %get3A_385 = arith.constant 2 : i32
      %get3A_386 = arith.index_cast %get3A_385 : i32 to index
      %get3A_387 = arith.constant 16 : index
      %get3A_388 = tpu.vector_load %arg6[%get3A_386, %get3A_387] {strides = array<i32>} : memref<4x128xf32, #tpu.memory_space<vmem>>, vector<1x16xf32>,
      %get3A_389 = vector.shape_cast %get3A_388 : vector<1x16xf32> to vector<16xf32>
      %get3A_390 = arith.constant 3 : i32
      %get3A_391 = arith.index_cast %get3A_390 : i32 to index
      %get3A_392 = arith.constant 16 : index
      %get3A_393 = tpu.vector_load %arg6[%get3A_391, %get3A_392] {strides = array<i32>} : memref<4x128xf32, #tpu.memory_space<vmem>>, vector<1x16xf32>,
      %get3A_394 = vector.shape_cast %get3A_393 : vector<1x16xf32> to vector<16xf32>
      %scan3A_395 = arith.constant 0 : i32
      %scan3A_396 = arith.constant 0 : i32
      %scan3A_397 = arith.constant 16 : i32
      %scan3A_398 = arith.addi %scan3A_396, %scan3A_397 : i32
      %scan3A_399 = arith.constant 1 : i32
      scf.for %scan3A_564 = %scan3A_396 to %scan3A_398 step %scan3A_399  : i32 {
        %mul3A_565 = arith.constant 8 : i32
        %mul3A_566 = arith.muli %scan3A_564, %mul3A_565 : i32
        %get3A_567 = arith.index_cast %mul3A_566 : i32 to index
        %get3A_568 = arith.constant 16 : index
        %get3A_569 = tpu.vector_load %arg10[%get3A_567, %get3A_568] {strides = array<i32>} : memref<128x128xf32, #tpu.memory_space<vmem>>, vector<1x16xf32>,
        %get3A_570 = vector.shape_cast %get3A_569 : vector<1x16xf32> to vector<16xf32>
        %mul3A_571 = arith.mulf %get3A_570, %get3A_379 : vector<16xf32>
        %add3A_572 = arith.constant 1 : i32
        %add3A_573 = arith.addi %mul3A_566, %add3A_572 : i32
        %get3A_574 = arith.index_cast %add3A_573 : i32 to index
        %get3A_575 = arith.constant 16 : index
        %get3A_576 = tpu.vector_load %arg10[%get3A_574, %get3A_575] {strides = array<i32>} : memref<128x128xf32, #tpu.memory_space<vmem>>, vector<1x16xf32>,
        %get3A_577 = vector.shape_cast %get3A_576 : vector<1x16xf32> to vector<16xf32>
        %mul3A_578 = arith.mulf %get3A_577, %get3A_384 : vector<16xf32>
        %add3A_579 = arith.addf %mul3A_571, %mul3A_578 : vector<16xf32>
        %add3A_580 = arith.constant 2 : i32
        %add3A_581 = arith.addi %mul3A_566, %add3A_580 : i32
        %get3A_582 = arith.index_cast %add3A_581 : i32 to index
        %get3A_583 = arith.constant 16 : index
        %get3A_584 = tpu.vector_load %arg10[%get3A_582, %get3A_583] {strides = array<i32>} : memref<128x128xf32, #tpu.memory_space<vmem>>, vector<1x16xf32>,
        %get3A_585 = vector.shape_cast %get3A_584 : vector<1x16xf32> to vector<16xf32>
        %mul3A_586 = arith.mulf %get3A_585, %get3A_389 : vector<16xf32>
        %add3A_587 = arith.addf %add3A_579, %mul3A_586 : vector<16xf32>
        %add3A_588 = arith.constant 3 : i32
        %add3A_589 = arith.addi %mul3A_566, %add3A_588 : i32
        %get3A_590 = arith.index_cast %add3A_589 : i32 to index
        %get3A_591 = arith.constant 16 : index
        %get3A_592 = tpu.vector_load %arg10[%get3A_590, %get3A_591] {strides = array<i32>} : memref<128x128xf32, #tpu.memory_space<vmem>>, vector<1x16xf32>,
        %get3A_593 = vector.shape_cast %get3A_592 : vector<1x16xf32> to vector<16xf32>
        %mul3A_594 = arith.mulf %get3A_593, %get3A_394 : vector<16xf32>
        %add3A_595 = arith.addf %add3A_587, %mul3A_594 : vector<16xf32>
        %add3A_596 = arith.constant 4 : i32
        %add3A_597 = arith.addi %mul3A_566, %add3A_596 : i32
        %get3A_598 = arith.index_cast %add3A_597 : i32 to index
        %get3A_599 = arith.constant 16 : index
        %get3A_600 = tpu.vector_load %arg10[%get3A_598, %get3A_599] {strides = array<i32>} : memref<128x128xf32, #tpu.memory_space<vmem>>, vector<1x16xf32>,
        %get3A_601 = vector.shape_cast %get3A_600 : vector<1x16xf32> to vector<16xf32>
        %mul3A_602 = arith.mulf %get3A_601, %get3A_379 : vector<16xf32>
        %add3A_603 = arith.addf %add3A_595, %mul3A_602 : vector<16xf32>
        %add3A_604 = arith.constant 5 : i32
        %add3A_605 = arith.addi %mul3A_566, %add3A_604 : i32
        %get3A_606 = arith.index_cast %add3A_605 : i32 to index
        %get3A_607 = arith.constant 16 : index
        %get3A_608 = tpu.vector_load %arg10[%get3A_606, %get3A_607] {strides = array<i32>} : memref<128x128xf32, #tpu.memory_space<vmem>>, vector<1x16xf32>,
        %get3A_609 = vector.shape_cast %get3A_608 : vector<1x16xf32> to vector<16xf32>
        %mul3A_610 = arith.mulf %get3A_609, %get3A_384 : vector<16xf32>
        %add3A_611 = arith.addf %add3A_603, %mul3A_610 : vector<16xf32>
        %add3A_612 = arith.constant 6 : i32
        %add3A_613 = arith.addi %mul3A_566, %add3A_612 : i32
        %get3A_614 = arith.index_cast %add3A_613 : i32 to index
        %get3A_615 = arith.constant 16 : index
        %get3A_616 = tpu.vector_load %arg10[%get3A_614, %get3A_615] {strides = array<i32>} : memref<128x128xf32, #tpu.memory_space<vmem>>, vector<1x16xf32>,
        %get3A_617 = vector.shape_cast %get3A_616 : vector<1x16xf32> to vector<16xf32>
        %mul3A_618 = arith.mulf %get3A_617, %get3A_389 : vector<16xf32>
        %add3A_619 = arith.addf %add3A_611, %mul3A_618 : vector<16xf32>
        %add3A_620 = arith.constant 7 : i32
        %add3A_621 = arith.addi %mul3A_566, %add3A_620 : i32
        %get3A_622 = arith.index_cast %add3A_621 : i32 to index
        %get3A_623 = arith.constant 16 : index
        %get3A_624 = tpu.vector_load %arg10[%get3A_622, %get3A_623] {strides = array<i32>} : memref<128x128xf32, #tpu.memory_space<vmem>>, vector<1x16xf32>,
        %get3A_625 = vector.shape_cast %get3A_624 : vector<1x16xf32> to vector<16xf32>
        %mul3A_626 = arith.mulf %get3A_625, %get3A_394 : vector<16xf32>
        %add3A_627 = arith.addf %add3A_619, %mul3A_626 : vector<16xf32>
        %swap3A = arith.index_cast %scan3A_564 : i32 to index
        %swap3A_628 = arith.constant 16 : index
        %swap3A_629 = tpu.vector_load %arg12[%swap3A, %swap3A_628] {strides = array<i32>} : memref<16x128xf32, #tpu.memory_space<vmem>>, vector<1x16xf32>,
        %swap3A_630 = vector.shape_cast %swap3A_629 : vector<1x16xf32> to vector<16xf32>
        %swap3A_631 = vector.shape_cast %add3A_627 : vector<16xf32> to vector<1x16xf32>
        tpu.vector_store %arg12[%swap3A, %swap3A_628], %swap3A_631 {strides = array<i32>} : memref<16x128xf32, #tpu.memory_space<vmem>>, vector<1x16xf32>,
      }
      %scan3A_400 = arith.constant 16 : i32
      %get3A_401 = arith.constant 0 : i32
      %get3A_402 = arith.index_cast %get3A_401 : i32 to index
      %get3A_403 = arith.constant 32 : index
      %get3A_404 = tpu.vector_load %arg6[%get3A_402, %get3A_403] {strides = array<i32>} : memref<4x128xf32, #tpu.memory_space<vmem>>, vector<1x16xf32>,
      %get3A_405 = vector.shape_cast %get3A_404 : vector<1x16xf32> to vector<16xf32>
      %get3A_406 = arith.constant 1 : i32
      %get3A_407 = arith.index_cast %get3A_406 : i32 to index
      %get3A_408 = arith.constant 32 : index
      %get3A_409 = tpu.vector_load %arg6[%get3A_407, %get3A_408] {strides = array<i32>} : memref<4x128xf32, #tpu.memory_space<vmem>>, vector<1x16xf32>,
      %get3A_410 = vector.shape_cast %get3A_409 : vector<1x16xf32> to vector<16xf32>
      %get3A_411 = arith.constant 2 : i32
      %get3A_412 = arith.index_cast %get3A_411 : i32 to index
      %get3A_413 = arith.constant 32 : index
      %get3A_414 = tpu.vector_load %arg6[%get3A_412, %get3A_413] {strides = array<i32>} : memref<4x128xf32, #tpu.memory_space<vmem>>, vector<1x16xf32>,
      %get3A_415 = vector.shape_cast %get3A_414 : vector<1x16xf32> to vector<16xf32>
      %get3A_416 = arith.constant 3 : i32
      %get3A_417 = arith.index_cast %get3A_416 : i32 to index
      %get3A_418 = arith.constant 32 : index
      %get3A_419 = tpu.vector_load %arg6[%get3A_417, %get3A_418] {strides = array<i32>} : memref<4x128xf32, #tpu.memory_space<vmem>>, vector<1x16xf32>,
      %get3A_420 = vector.shape_cast %get3A_419 : vector<1x16xf32> to vector<16xf32>
      %scan3A_421 = arith.constant 0 : i32
      %scan3A_422 = arith.constant 0 : i32
      %scan3A_423 = arith.constant 16 : i32
      %scan3A_424 = arith.addi %scan3A_422, %scan3A_423 : i32
      %scan3A_425 = arith.constant 1 : i32
      scf.for %scan3A_564 = %scan3A_422 to %scan3A_424 step %scan3A_425  : i32 {
        %mul3A_565 = arith.constant 8 : i32
        %mul3A_566 = arith.muli %scan3A_564, %mul3A_565 : i32
        %get3A_567 = arith.index_cast %mul3A_566 : i32 to index
        %get3A_568 = arith.constant 32 : index
        %get3A_569 = tpu.vector_load %arg10[%get3A_567, %get3A_568] {strides = array<i32>} : memref<128x128xf32, #tpu.memory_space<vmem>>, vector<1x16xf32>,
        %get3A_570 = vector.shape_cast %get3A_569 : vector<1x16xf32> to vector<16xf32>
        %mul3A_571 = arith.mulf %get3A_570, %get3A_405 : vector<16xf32>
        %add3A_572 = arith.constant 1 : i32
        %add3A_573 = arith.addi %mul3A_566, %add3A_572 : i32
        %get3A_574 = arith.index_cast %add3A_573 : i32 to index
        %get3A_575 = arith.constant 32 : index
        %get3A_576 = tpu.vector_load %arg10[%get3A_574, %get3A_575] {strides = array<i32>} : memref<128x128xf32, #tpu.memory_space<vmem>>, vector<1x16xf32>,
        %get3A_577 = vector.shape_cast %get3A_576 : vector<1x16xf32> to vector<16xf32>
        %mul3A_578 = arith.mulf %get3A_577, %get3A_410 : vector<16xf32>
        %add3A_579 = arith.addf %mul3A_571, %mul3A_578 : vector<16xf32>
        %add3A_580 = arith.constant 2 : i32
        %add3A_581 = arith.addi %mul3A_566, %add3A_580 : i32
        %get3A_582 = arith.index_cast %add3A_581 : i32 to index
        %get3A_583 = arith.constant 32 : index
        %get3A_584 = tpu.vector_load %arg10[%get3A_582, %get3A_583] {strides = array<i32>} : memref<128x128xf32, #tpu.memory_space<vmem>>, vector<1x16xf32>,
        %get3A_585 = vector.shape_cast %get3A_584 : vector<1x16xf32> to vector<16xf32>
        %mul3A_586 = arith.mulf %get3A_585, %get3A_415 : vector<16xf32>
        %add3A_587 = arith.addf %add3A_579, %mul3A_586 : vector<16xf32>
        %add3A_588 = arith.constant 3 : i32
        %add3A_589 = arith.addi %mul3A_566, %add3A_588 : i32
        %get3A_590 = arith.index_cast %add3A_589 : i32 to index
        %get3A_591 = arith.constant 32 : index
        %get3A_592 = tpu.vector_load %arg10[%get3A_590, %get3A_591] {strides = array<i32>} : memref<128x128xf32, #tpu.memory_space<vmem>>, vector<1x16xf32>,
        %get3A_593 = vector.shape_cast %get3A_592 : vector<1x16xf32> to vector<16xf32>
        %mul3A_594 = arith.mulf %get3A_593, %get3A_420 : vector<16xf32>
        %add3A_595 = arith.addf %add3A_587, %mul3A_594 : vector<16xf32>
        %add3A_596 = arith.constant 4 : i32
        %add3A_597 = arith.addi %mul3A_566, %add3A_596 : i32
        %get3A_598 = arith.index_cast %add3A_597 : i32 to index
        %get3A_599 = arith.constant 32 : index
        %get3A_600 = tpu.vector_load %arg10[%get3A_598, %get3A_599] {strides = array<i32>} : memref<128x128xf32, #tpu.memory_space<vmem>>, vector<1x16xf32>,
        %get3A_601 = vector.shape_cast %get3A_600 : vector<1x16xf32> to vector<16xf32>
        %mul3A_602 = arith.mulf %get3A_601, %get3A_405 : vector<16xf32>
        %add3A_603 = arith.addf %add3A_595, %mul3A_602 : vector<16xf32>
        %add3A_604 = arith.constant 5 : i32
        %add3A_605 = arith.addi %mul3A_566, %add3A_604 : i32
        %get3A_606 = arith.index_cast %add3A_605 : i32 to index
        %get3A_607 = arith.constant 32 : index
        %get3A_608 = tpu.vector_load %arg10[%get3A_606, %get3A_607] {strides = array<i32>} : memref<128x128xf32, #tpu.memory_space<vmem>>, vector<1x16xf32>,
        %get3A_609 = vector.shape_cast %get3A_608 : vector<1x16xf32> to vector<16xf32>
        %mul3A_610 = arith.mulf %get3A_609, %get3A_410 : vector<16xf32>
        %add3A_611 = arith.addf %add3A_603, %mul3A_610 : vector<16xf32>
        %add3A_612 = arith.constant 6 : i32
        %add3A_613 = arith.addi %mul3A_566, %add3A_612 : i32
        %get3A_614 = arith.index_cast %add3A_613 : i32 to index
        %get3A_615 = arith.constant 32 : index
        %get3A_616 = tpu.vector_load %arg10[%get3A_614, %get3A_615] {strides = array<i32>} : memref<128x128xf32, #tpu.memory_space<vmem>>, vector<1x16xf32>,
        %get3A_617 = vector.shape_cast %get3A_616 : vector<1x16xf32> to vector<16xf32>
        %mul3A_618 = arith.mulf %get3A_617, %get3A_415 : vector<16xf32>
        %add3A_619 = arith.addf %add3A_611, %mul3A_618 : vector<16xf32>
        %add3A_620 = arith.constant 7 : i32
        %add3A_621 = arith.addi %mul3A_566, %add3A_620 : i32
        %get3A_622 = arith.index_cast %add3A_621 : i32 to index
        %get3A_623 = arith.constant 32 : index
        %get3A_624 = tpu.vector_load %arg10[%get3A_622, %get3A_623] {strides = array<i32>} : memref<128x128xf32, #tpu.memory_space<vmem>>, vector<1x16xf32>,
        %get3A_625 = vector.shape_cast %get3A_624 : vector<1x16xf32> to vector<16xf32>
        %mul3A_626 = arith.mulf %get3A_625, %get3A_420 : vector<16xf32>
        %add3A_627 = arith.addf %add3A_619, %mul3A_626 : vector<16xf32>
        %swap3A = arith.index_cast %scan3A_564 : i32 to index
        %swap3A_628 = arith.constant 32 : index
        %swap3A_629 = tpu.vector_load %arg12[%swap3A, %swap3A_628] {strides = array<i32>} : memref<16x128xf32, #tpu.memory_space<vmem>>, vector<1x16xf32>,
        %swap3A_630 = vector.shape_cast %swap3A_629 : vector<1x16xf32> to vector<16xf32>
        %swap3A_631 = vector.shape_cast %add3A_627 : vector<16xf32> to vector<1x16xf32>
        tpu.vector_store %arg12[%swap3A, %swap3A_628], %swap3A_631 {strides = array<i32>} : memref<16x128xf32, #tpu.memory_space<vmem>>, vector<1x16xf32>,
      }
      %scan3A_426 = arith.constant 16 : i32
      %get3A_427 = arith.constant 0 : i32
      %get3A_428 = arith.index_cast %get3A_427 : i32 to index
      %get3A_429 = arith.constant 48 : index
      %get3A_430 = tpu.vector_load %arg6[%get3A_428, %get3A_429] {strides = array<i32>} : memref<4x128xf32, #tpu.memory_space<vmem>>, vector<1x16xf32>,
      %get3A_431 = vector.shape_cast %get3A_430 : vector<1x16xf32> to vector<16xf32>
      %get3A_432 = arith.constant 1 : i32
      %get3A_433 = arith.index_cast %get3A_432 : i32 to index
      %get3A_434 = arith.constant 48 : index
      %get3A_435 = tpu.vector_load %arg6[%get3A_433, %get3A_434] {strides = array<i32>} : memref<4x128xf32, #tpu.memory_space<vmem>>, vector<1x16xf32>,
      %get3A_436 = vector.shape_cast %get3A_435 : vector<1x16xf32> to vector<16xf32>
      %get3A_437 = arith.constant 2 : i32
      %get3A_438 = arith.index_cast %get3A_437 : i32 to index
      %get3A_439 = arith.constant 48 : index
      %get3A_440 = tpu.vector_load %arg6[%get3A_438, %get3A_439] {strides = array<i32>} : memref<4x128xf32, #tpu.memory_space<vmem>>, vector<1x16xf32>,
      %get3A_441 = vector.shape_cast %get3A_440 : vector<1x16xf32> to vector<16xf32>
      %get3A_442 = arith.constant 3 : i32
      %get3A_443 = arith.index_cast %get3A_442 : i32 to index
      %get3A_444 = arith.constant 48 : index
      %get3A_445 = tpu.vector_load %arg6[%get3A_443, %get3A_444] {strides = array<i32>} : memref<4x128xf32, #tpu.memory_space<vmem>>, vector<1x16xf32>,
      %get3A_446 = vector.shape_cast %get3A_445 : vector<1x16xf32> to vector<16xf32>
      %scan3A_447 = arith.constant 0 : i32
      %scan3A_448 = arith.constant 0 : i32
      %scan3A_449 = arith.constant 16 : i32
      %scan3A_450 = arith.addi %scan3A_448, %scan3A_449 : i32
      %scan3A_451 = arith.constant 1 : i32
      scf.for %scan3A_564 = %scan3A_448 to %scan3A_450 step %scan3A_451  : i32 {
        %mul3A_565 = arith.constant 8 : i32
        %mul3A_566 = arith.muli %scan3A_564, %mul3A_565 : i32
        %get3A_567 = arith.index_cast %mul3A_566 : i32 to index
        %get3A_568 = arith.constant 48 : index
        %get3A_569 = tpu.vector_load %arg10[%get3A_567, %get3A_568] {strides = array<i32>} : memref<128x128xf32, #tpu.memory_space<vmem>>, vector<1x16xf32>,
        %get3A_570 = vector.shape_cast %get3A_569 : vector<1x16xf32> to vector<16xf32>
        %mul3A_571 = arith.mulf %get3A_570, %get3A_431 : vector<16xf32>
        %add3A_572 = arith.constant 1 : i32
        %add3A_573 = arith.addi %mul3A_566, %add3A_572 : i32
        %get3A_574 = arith.index_cast %add3A_573 : i32 to index
        %get3A_575 = arith.constant 48 : index
        %get3A_576 = tpu.vector_load %arg10[%get3A_574, %get3A_575] {strides = array<i32>} : memref<128x128xf32, #tpu.memory_space<vmem>>, vector<1x16xf32>,
        %get3A_577 = vector.shape_cast %get3A_576 : vector<1x16xf32> to vector<16xf32>
        %mul3A_578 = arith.mulf %get3A_577, %get3A_436 : vector<16xf32>
        %add3A_579 = arith.addf %mul3A_571, %mul3A_578 : vector<16xf32>
        %add3A_580 = arith.constant 2 : i32
        %add3A_581 = arith.addi %mul3A_566, %add3A_580 : i32
        %get3A_582 = arith.index_cast %add3A_581 : i32 to index
        %get3A_583 = arith.constant 48 : index
        %get3A_584 = tpu.vector_load %arg10[%get3A_582, %get3A_583] {strides = array<i32>} : memref<128x128xf32, #tpu.memory_space<vmem>>, vector<1x16xf32>,
        %get3A_585 = vector.shape_cast %get3A_584 : vector<1x16xf32> to vector<16xf32>
        %mul3A_586 = arith.mulf %get3A_585, %get3A_441 : vector<16xf32>
        %add3A_587 = arith.addf %add3A_579, %mul3A_586 : vector<16xf32>
        %add3A_588 = arith.constant 3 : i32
        %add3A_589 = arith.addi %mul3A_566, %add3A_588 : i32
        %get3A_590 = arith.index_cast %add3A_589 : i32 to index
        %get3A_591 = arith.constant 48 : index
        %get3A_592 = tpu.vector_load %arg10[%get3A_590, %get3A_591] {strides = array<i32>} : memref<128x128xf32, #tpu.memory_space<vmem>>, vector<1x16xf32>,
        %get3A_593 = vector.shape_cast %get3A_592 : vector<1x16xf32> to vector<16xf32>
        %mul3A_594 = arith.mulf %get3A_593, %get3A_446 : vector<16xf32>
        %add3A_595 = arith.addf %add3A_587, %mul3A_594 : vector<16xf32>
        %add3A_596 = arith.constant 4 : i32
        %add3A_597 = arith.addi %mul3A_566, %add3A_596 : i32
        %get3A_598 = arith.index_cast %add3A_597 : i32 to index
        %get3A_599 = arith.constant 48 : index
        %get3A_600 = tpu.vector_load %arg10[%get3A_598, %get3A_599] {strides = array<i32>} : memref<128x128xf32, #tpu.memory_space<vmem>>, vector<1x16xf32>,
        %get3A_601 = vector.shape_cast %get3A_600 : vector<1x16xf32> to vector<16xf32>
        %mul3A_602 = arith.mulf %get3A_601, %get3A_431 : vector<16xf32>
        %add3A_603 = arith.addf %add3A_595, %mul3A_602 : vector<16xf32>
        %add3A_604 = arith.constant 5 : i32
        %add3A_605 = arith.addi %mul3A_566, %add3A_604 : i32
        %get3A_606 = arith.index_cast %add3A_605 : i32 to index
        %get3A_607 = arith.constant 48 : index
        %get3A_608 = tpu.vector_load %arg10[%get3A_606, %get3A_607] {strides = array<i32>} : memref<128x128xf32, #tpu.memory_space<vmem>>, vector<1x16xf32>,
        %get3A_609 = vector.shape_cast %get3A_608 : vector<1x16xf32> to vector<16xf32>
        %mul3A_610 = arith.mulf %get3A_609, %get3A_436 : vector<16xf32>
        %add3A_611 = arith.addf %add3A_603, %mul3A_610 : vector<16xf32>
        %add3A_612 = arith.constant 6 : i32
        %add3A_613 = arith.addi %mul3A_566, %add3A_612 : i32
        %get3A_614 = arith.index_cast %add3A_613 : i32 to index
        %get3A_615 = arith.constant 48 : index
        %get3A_616 = tpu.vector_load %arg10[%get3A_614, %get3A_615] {strides = array<i32>} : memref<128x128xf32, #tpu.memory_space<vmem>>, vector<1x16xf32>,
        %get3A_617 = vector.shape_cast %get3A_616 : vector<1x16xf32> to vector<16xf32>
        %mul3A_618 = arith.mulf %get3A_617, %get3A_441 : vector<16xf32>
        %add3A_619 = arith.addf %add3A_611, %mul3A_618 : vector<16xf32>
        %add3A_620 = arith.constant 7 : i32
        %add3A_621 = arith.addi %mul3A_566, %add3A_620 : i32
        %get3A_622 = arith.index_cast %add3A_621 : i32 to index
        %get3A_623 = arith.constant 48 : index
        %get3A_624 = tpu.vector_load %arg10[%get3A_622, %get3A_623] {strides = array<i32>} : memref<128x128xf32, #tpu.memory_space<vmem>>, vector<1x16xf32>,
        %get3A_625 = vector.shape_cast %get3A_624 : vector<1x16xf32> to vector<16xf32>
        %mul3A_626 = arith.mulf %get3A_625, %get3A_446 : vector<16xf32>
        %add3A_627 = arith.addf %add3A_619, %mul3A_626 : vector<16xf32>
        %swap3A = arith.index_cast %scan3A_564 : i32 to index
        %swap3A_628 = arith.constant 48 : index
        %swap3A_629 = tpu.vector_load %arg12[%swap3A, %swap3A_628] {strides = array<i32>} : memref<16x128xf32, #tpu.memory_space<vmem>>, vector<1x16xf32>,
        %swap3A_630 = vector.shape_cast %swap3A_629 : vector<1x16xf32> to vector<16xf32>
        %swap3A_631 = vector.shape_cast %add3A_627 : vector<16xf32> to vector<1x16xf32>
        tpu.vector_store %arg12[%swap3A, %swap3A_628], %swap3A_631 {strides = array<i32>} : memref<16x128xf32, #tpu.memory_space<vmem>>, vector<1x16xf32>,
      }
      %scan3A_452 = arith.constant 16 : i32
      %get3A_453 = arith.constant 0 : i32
      %get3A_454 = arith.index_cast %get3A_453 : i32 to index
      %get3A_455 = arith.constant 64 : index
      %get3A_456 = tpu.vector_load %arg6[%get3A_454, %get3A_455] {strides = array<i32>} : memref<4x128xf32, #tpu.memory_space<vmem>>, vector<1x16xf32>,
      %get3A_457 = vector.shape_cast %get3A_456 : vector<1x16xf32> to vector<16xf32>
      %get3A_458 = arith.constant 1 : i32
      %get3A_459 = arith.index_cast %get3A_458 : i32 to index
      %get3A_460 = arith.constant 64 : index
      %get3A_461 = tpu.vector_load %arg6[%get3A_459, %get3A_460] {strides = array<i32>} : memref<4x128xf32, #tpu.memory_space<vmem>>, vector<1x16xf32>,
      %get3A_462 = vector.shape_cast %get3A_461 : vector<1x16xf32> to vector<16xf32>
      %get3A_463 = arith.constant 2 : i32
      %get3A_464 = arith.index_cast %get3A_463 : i32 to index
      %get3A_465 = arith.constant 64 : index
      %get3A_466 = tpu.vector_load %arg6[%get3A_464, %get3A_465] {strides = array<i32>} : memref<4x128xf32, #tpu.memory_space<vmem>>, vector<1x16xf32>,
      %get3A_467 = vector.shape_cast %get3A_466 : vector<1x16xf32> to vector<16xf32>
      %get3A_468 = arith.constant 3 : i32
      %get3A_469 = arith.index_cast %get3A_468 : i32 to index
      %get3A_470 = arith.constant 64 : index
      %get3A_471 = tpu.vector_load %arg6[%get3A_469, %get3A_470] {strides = array<i32>} : memref<4x128xf32, #tpu.memory_space<vmem>>, vector<1x16xf32>,
      %get3A_472 = vector.shape_cast %get3A_471 : vector<1x16xf32> to vector<16xf32>
      %scan3A_473 = arith.constant 0 : i32
      %scan3A_474 = arith.constant 0 : i32
      %scan3A_475 = arith.constant 16 : i32
      %scan3A_476 = arith.addi %scan3A_474, %scan3A_475 : i32
      %scan3A_477 = arith.constant 1 : i32
      scf.for %scan3A_564 = %scan3A_474 to %scan3A_476 step %scan3A_477  : i32 {
        %mul3A_565 = arith.constant 8 : i32
        %mul3A_566 = arith.muli %scan3A_564, %mul3A_565 : i32
        %get3A_567 = arith.index_cast %mul3A_566 : i32 to index
        %get3A_568 = arith.constant 64 : index
        %get3A_569 = tpu.vector_load %arg10[%get3A_567, %get3A_568] {strides = array<i32>} : memref<128x128xf32, #tpu.memory_space<vmem>>, vector<1x16xf32>,
        %get3A_570 = vector.shape_cast %get3A_569 : vector<1x16xf32> to vector<16xf32>
        %mul3A_571 = arith.mulf %get3A_570, %get3A_457 : vector<16xf32>
        %add3A_572 = arith.constant 1 : i32
        %add3A_573 = arith.addi %mul3A_566, %add3A_572 : i32
        %get3A_574 = arith.index_cast %add3A_573 : i32 to index
        %get3A_575 = arith.constant 64 : index
        %get3A_576 = tpu.vector_load %arg10[%get3A_574, %get3A_575] {strides = array<i32>} : memref<128x128xf32, #tpu.memory_space<vmem>>, vector<1x16xf32>,
        %get3A_577 = vector.shape_cast %get3A_576 : vector<1x16xf32> to vector<16xf32>
        %mul3A_578 = arith.mulf %get3A_577, %get3A_462 : vector<16xf32>
        %add3A_579 = arith.addf %mul3A_571, %mul3A_578 : vector<16xf32>
        %add3A_580 = arith.constant 2 : i32
        %add3A_581 = arith.addi %mul3A_566, %add3A_580 : i32
        %get3A_582 = arith.index_cast %add3A_581 : i32 to index
        %get3A_583 = arith.constant 64 : index
        %get3A_584 = tpu.vector_load %arg10[%get3A_582, %get3A_583] {strides = array<i32>} : memref<128x128xf32, #tpu.memory_space<vmem>>, vector<1x16xf32>,
        %get3A_585 = vector.shape_cast %get3A_584 : vector<1x16xf32> to vector<16xf32>
        %mul3A_586 = arith.mulf %get3A_585, %get3A_467 : vector<16xf32>
        %add3A_587 = arith.addf %add3A_579, %mul3A_586 : vector<16xf32>
        %add3A_588 = arith.constant 3 : i32
        %add3A_589 = arith.addi %mul3A_566, %add3A_588 : i32
        %get3A_590 = arith.index_cast %add3A_589 : i32 to index
        %get3A_591 = arith.constant 64 : index
        %get3A_592 = tpu.vector_load %arg10[%get3A_590, %get3A_591] {strides = array<i32>} : memref<128x128xf32, #tpu.memory_space<vmem>>, vector<1x16xf32>,
        %get3A_593 = vector.shape_cast %get3A_592 : vector<1x16xf32> to vector<16xf32>
        %mul3A_594 = arith.mulf %get3A_593, %get3A_472 : vector<16xf32>
        %add3A_595 = arith.addf %add3A_587, %mul3A_594 : vector<16xf32>
        %add3A_596 = arith.constant 4 : i32
        %add3A_597 = arith.addi %mul3A_566, %add3A_596 : i32
        %get3A_598 = arith.index_cast %add3A_597 : i32 to index
        %get3A_599 = arith.constant 64 : index
        %get3A_600 = tpu.vector_load %arg10[%get3A_598, %get3A_599] {strides = array<i32>} : memref<128x128xf32, #tpu.memory_space<vmem>>, vector<1x16xf32>,
        %get3A_601 = vector.shape_cast %get3A_600 : vector<1x16xf32> to vector<16xf32>
        %mul3A_602 = arith.mulf %get3A_601, %get3A_457 : vector<16xf32>
        %add3A_603 = arith.addf %add3A_595, %mul3A_602 : vector<16xf32>
        %add3A_604 = arith.constant 5 : i32
        %add3A_605 = arith.addi %mul3A_566, %add3A_604 : i32
        %get3A_606 = arith.index_cast %add3A_605 : i32 to index
        %get3A_607 = arith.constant 64 : index
        %get3A_608 = tpu.vector_load %arg10[%get3A_606, %get3A_607] {strides = array<i32>} : memref<128x128xf32, #tpu.memory_space<vmem>>, vector<1x16xf32>,
        %get3A_609 = vector.shape_cast %get3A_608 : vector<1x16xf32> to vector<16xf32>
        %mul3A_610 = arith.mulf %get3A_609, %get3A_462 : vector<16xf32>
        %add3A_611 = arith.addf %add3A_603, %mul3A_610 : vector<16xf32>
        %add3A_612 = arith.constant 6 : i32
        %add3A_613 = arith.addi %mul3A_566, %add3A_612 : i32
        %get3A_614 = arith.index_cast %add3A_613 : i32 to index
        %get3A_615 = arith.constant 64 : index
        %get3A_616 = tpu.vector_load %arg10[%get3A_614, %get3A_615] {strides = array<i32>} : memref<128x128xf32, #tpu.memory_space<vmem>>, vector<1x16xf32>,
        %get3A_617 = vector.shape_cast %get3A_616 : vector<1x16xf32> to vector<16xf32>
        %mul3A_618 = arith.mulf %get3A_617, %get3A_467 : vector<16xf32>
        %add3A_619 = arith.addf %add3A_611, %mul3A_618 : vector<16xf32>
        %add3A_620 = arith.constant 7 : i32
        %add3A_621 = arith.addi %mul3A_566, %add3A_620 : i32
        %get3A_622 = arith.index_cast %add3A_621 : i32 to index
        %get3A_623 = arith.constant 64 : index
        %get3A_624 = tpu.vector_load %arg10[%get3A_622, %get3A_623] {strides = array<i32>} : memref<128x128xf32, #tpu.memory_space<vmem>>, vector<1x16xf32>,
        %get3A_625 = vector.shape_cast %get3A_624 : vector<1x16xf32> to vector<16xf32>
        %mul3A_626 = arith.mulf %get3A_625, %get3A_472 : vector<16xf32>
        %add3A_627 = arith.addf %add3A_619, %mul3A_626 : vector<16xf32>
        %swap3A = arith.index_cast %scan3A_564 : i32 to index
        %swap3A_628 = arith.constant 64 : index
        %swap3A_629 = tpu.vector_load %arg12[%swap3A, %swap3A_628] {strides = array<i32>} : memref<16x128xf32, #tpu.memory_space<vmem>>, vector<1x16xf32>,
        %swap3A_630 = vector.shape_cast %swap3A_629 : vector<1x16xf32> to vector<16xf32>
        %swap3A_631 = vector.shape_cast %add3A_627 : vector<16xf32> to vector<1x16xf32>
        tpu.vector_store %arg12[%swap3A, %swap3A_628], %swap3A_631 {strides = array<i32>} : memref<16x128xf32, #tpu.memory_space<vmem>>, vector<1x16xf32>,
      }
      %scan3A_478 = arith.constant 16 : i32
      %get3A_479 = arith.constant 0 : i32
      %get3A_480 = arith.index_cast %get3A_479 : i32 to index
      %get3A_481 = arith.constant 80 : index
      %get3A_482 = tpu.vector_load %arg6[%get3A_480, %get3A_481] {strides = array<i32>} : memref<4x128xf32, #tpu.memory_space<vmem>>, vector<1x16xf32>,
      %get3A_483 = vector.shape_cast %get3A_482 : vector<1x16xf32> to vector<16xf32>
      %get3A_484 = arith.constant 1 : i32
      %get3A_485 = arith.index_cast %get3A_484 : i32 to index
      %get3A_486 = arith.constant 80 : index
      %get3A_487 = tpu.vector_load %arg6[%get3A_485, %get3A_486] {strides = array<i32>} : memref<4x128xf32, #tpu.memory_space<vmem>>, vector<1x16xf32>,
      %get3A_488 = vector.shape_cast %get3A_487 : vector<1x16xf32> to vector<16xf32>
      %get3A_489 = arith.constant 2 : i32
      %get3A_490 = arith.index_cast %get3A_489 : i32 to index
      %get3A_491 = arith.constant 80 : index
      %get3A_492 = tpu.vector_load %arg6[%get3A_490, %get3A_491] {strides = array<i32>} : memref<4x128xf32, #tpu.memory_space<vmem>>, vector<1x16xf32>,
      %get3A_493 = vector.shape_cast %get3A_492 : vector<1x16xf32> to vector<16xf32>
      %get3A_494 = arith.constant 3 : i32
      %get3A_495 = arith.index_cast %get3A_494 : i32 to index
      %get3A_496 = arith.constant 80 : index
      %get3A_497 = tpu.vector_load %arg6[%get3A_495, %get3A_496] {strides = array<i32>} : memref<4x128xf32, #tpu.memory_space<vmem>>, vector<1x16xf32>,
      %get3A_498 = vector.shape_cast %get3A_497 : vector<1x16xf32> to vector<16xf32>
      %scan3A_499 = arith.constant 0 : i32
      %scan3A_500 = arith.constant 0 : i32
      %scan3A_501 = arith.constant 16 : i32
      %scan3A_502 = arith.addi %scan3A_500, %scan3A_501 : i32
      %scan3A_503 = arith.constant 1 : i32
      scf.for %scan3A_564 = %scan3A_500 to %scan3A_502 step %scan3A_503  : i32 {
        %mul3A_565 = arith.constant 8 : i32
        %mul3A_566 = arith.muli %scan3A_564, %mul3A_565 : i32
        %get3A_567 = arith.index_cast %mul3A_566 : i32 to index
        %get3A_568 = arith.constant 80 : index
        %get3A_569 = tpu.vector_load %arg10[%get3A_567, %get3A_568] {strides = array<i32>} : memref<128x128xf32, #tpu.memory_space<vmem>>, vector<1x16xf32>,
        %get3A_570 = vector.shape_cast %get3A_569 : vector<1x16xf32> to vector<16xf32>
        %mul3A_571 = arith.mulf %get3A_570, %get3A_483 : vector<16xf32>
        %add3A_572 = arith.constant 1 : i32
        %add3A_573 = arith.addi %mul3A_566, %add3A_572 : i32
        %get3A_574 = arith.index_cast %add3A_573 : i32 to index
        %get3A_575 = arith.constant 80 : index
        %get3A_576 = tpu.vector_load %arg10[%get3A_574, %get3A_575] {strides = array<i32>} : memref<128x128xf32, #tpu.memory_space<vmem>>, vector<1x16xf32>,
        %get3A_577 = vector.shape_cast %get3A_576 : vector<1x16xf32> to vector<16xf32>
        %mul3A_578 = arith.mulf %get3A_577, %get3A_488 : vector<16xf32>
        %add3A_579 = arith.addf %mul3A_571, %mul3A_578 : vector<16xf32>
        %add3A_580 = arith.constant 2 : i32
        %add3A_581 = arith.addi %mul3A_566, %add3A_580 : i32
        %get3A_582 = arith.index_cast %add3A_581 : i32 to index
        %get3A_583 = arith.constant 80 : index
        %get3A_584 = tpu.vector_load %arg10[%get3A_582, %get3A_583] {strides = array<i32>} : memref<128x128xf32, #tpu.memory_space<vmem>>, vector<1x16xf32>,
        %get3A_585 = vector.shape_cast %get3A_584 : vector<1x16xf32> to vector<16xf32>
        %mul3A_586 = arith.mulf %get3A_585, %get3A_493 : vector<16xf32>
        %add3A_587 = arith.addf %add3A_579, %mul3A_586 : vector<16xf32>
        %add3A_588 = arith.constant 3 : i32
        %add3A_589 = arith.addi %mul3A_566, %add3A_588 : i32
        %get3A_590 = arith.index_cast %add3A_589 : i32 to index
        %get3A_591 = arith.constant 80 : index
        %get3A_592 = tpu.vector_load %arg10[%get3A_590, %get3A_591] {strides = array<i32>} : memref<128x128xf32, #tpu.memory_space<vmem>>, vector<1x16xf32>,
        %get3A_593 = vector.shape_cast %get3A_592 : vector<1x16xf32> to vector<16xf32>
        %mul3A_594 = arith.mulf %get3A_593, %get3A_498 : vector<16xf32>
        %add3A_595 = arith.addf %add3A_587, %mul3A_594 : vector<16xf32>
        %add3A_596 = arith.constant 4 : i32
        %add3A_597 = arith.addi %mul3A_566, %add3A_596 : i32
        %get3A_598 = arith.index_cast %add3A_597 : i32 to index
        %get3A_599 = arith.constant 80 : index
        %get3A_600 = tpu.vector_load %arg10[%get3A_598, %get3A_599] {strides = array<i32>} : memref<128x128xf32, #tpu.memory_space<vmem>>, vector<1x16xf32>,
        %get3A_601 = vector.shape_cast %get3A_600 : vector<1x16xf32> to vector<16xf32>
        %mul3A_602 = arith.mulf %get3A_601, %get3A_483 : vector<16xf32>
        %add3A_603 = arith.addf %add3A_595, %mul3A_602 : vector<16xf32>
        %add3A_604 = arith.constant 5 : i32
        %add3A_605 = arith.addi %mul3A_566, %add3A_604 : i32
        %get3A_606 = arith.index_cast %add3A_605 : i32 to index
        %get3A_607 = arith.constant 80 : index
        %get3A_608 = tpu.vector_load %arg10[%get3A_606, %get3A_607] {strides = array<i32>} : memref<128x128xf32, #tpu.memory_space<vmem>>, vector<1x16xf32>,
        %get3A_609 = vector.shape_cast %get3A_608 : vector<1x16xf32> to vector<16xf32>
        %mul3A_610 = arith.mulf %get3A_609, %get3A_488 : vector<16xf32>
        %add3A_611 = arith.addf %add3A_603, %mul3A_610 : vector<16xf32>
        %add3A_612 = arith.constant 6 : i32
        %add3A_613 = arith.addi %mul3A_566, %add3A_612 : i32
        %get3A_614 = arith.index_cast %add3A_613 : i32 to index
        %get3A_615 = arith.constant 80 : index
        %get3A_616 = tpu.vector_load %arg10[%get3A_614, %get3A_615] {strides = array<i32>} : memref<128x128xf32, #tpu.memory_space<vmem>>, vector<1x16xf32>,
        %get3A_617 = vector.shape_cast %get3A_616 : vector<1x16xf32> to vector<16xf32>
        %mul3A_618 = arith.mulf %get3A_617, %get3A_493 : vector<16xf32>
        %add3A_619 = arith.addf %add3A_611, %mul3A_618 : vector<16xf32>
        %add3A_620 = arith.constant 7 : i32
        %add3A_621 = arith.addi %mul3A_566, %add3A_620 : i32
        %get3A_622 = arith.index_cast %add3A_621 : i32 to index
        %get3A_623 = arith.constant 80 : index
        %get3A_624 = tpu.vector_load %arg10[%get3A_622, %get3A_623] {strides = array<i32>} : memref<128x128xf32, #tpu.memory_space<vmem>>, vector<1x16xf32>,
        %get3A_625 = vector.shape_cast %get3A_624 : vector<1x16xf32> to vector<16xf32>
        %mul3A_626 = arith.mulf %get3A_625, %get3A_498 : vector<16xf32>
        %add3A_627 = arith.addf %add3A_619, %mul3A_626 : vector<16xf32>
        %swap3A = arith.index_cast %scan3A_564 : i32 to index
        %swap3A_628 = arith.constant 80 : index
        %swap3A_629 = tpu.vector_load %arg12[%swap3A, %swap3A_628] {strides = array<i32>} : memref<16x128xf32, #tpu.memory_space<vmem>>, vector<1x16xf32>,
        %swap3A_630 = vector.shape_cast %swap3A_629 : vector<1x16xf32> to vector<16xf32>
        %swap3A_631 = vector.shape_cast %add3A_627 : vector<16xf32> to vector<1x16xf32>
        tpu.vector_store %arg12[%swap3A, %swap3A_628], %swap3A_631 {strides = array<i32>} : memref<16x128xf32, #tpu.memory_space<vmem>>, vector<1x16xf32>,
      }
      %scan3A_504 = arith.constant 16 : i32
      %get3A_505 = arith.constant 0 : i32
      %get3A_506 = arith.index_cast %get3A_505 : i32 to index
      %get3A_507 = arith.constant 96 : index
      %get3A_508 = tpu.vector_load %arg6[%get3A_506, %get3A_507] {strides = array<i32>} : memref<4x128xf32, #tpu.memory_space<vmem>>, vector<1x16xf32>,
      %get3A_509 = vector.shape_cast %get3A_508 : vector<1x16xf32> to vector<16xf32>
      %get3A_510 = arith.constant 1 : i32
      %get3A_511 = arith.index_cast %get3A_510 : i32 to index
      %get3A_512 = arith.constant 96 : index
      %get3A_513 = tpu.vector_load %arg6[%get3A_511, %get3A_512] {strides = array<i32>} : memref<4x128xf32, #tpu.memory_space<vmem>>, vector<1x16xf32>,
      %get3A_514 = vector.shape_cast %get3A_513 : vector<1x16xf32> to vector<16xf32>
      %get3A_515 = arith.constant 2 : i32
      %get3A_516 = arith.index_cast %get3A_515 : i32 to index
      %get3A_517 = arith.constant 96 : index
      %get3A_518 = tpu.vector_load %arg6[%get3A_516, %get3A_517] {strides = array<i32>} : memref<4x128xf32, #tpu.memory_space<vmem>>, vector<1x16xf32>,
      %get3A_519 = vector.shape_cast %get3A_518 : vector<1x16xf32> to vector<16xf32>
      %get3A_520 = arith.constant 3 : i32
      %get3A_521 = arith.index_cast %get3A_520 : i32 to index
      %get3A_522 = arith.constant 96 : index
      %get3A_523 = tpu.vector_load %arg6[%get3A_521, %get3A_522] {strides = array<i32>} : memref<4x128xf32, #tpu.memory_space<vmem>>, vector<1x16xf32>,
      %get3A_524 = vector.shape_cast %get3A_523 : vector<1x16xf32> to vector<16xf32>
      %scan3A_525 = arith.constant 0 : i32
      %scan3A_526 = arith.constant 0 : i32
      %scan3A_527 = arith.constant 16 : i32
      %scan3A_528 = arith.addi %scan3A_526, %scan3A_527 : i32
      %scan3A_529 = arith.constant 1 : i32
      scf.for %scan3A_564 = %scan3A_526 to %scan3A_528 step %scan3A_529  : i32 {
        %mul3A_565 = arith.constant 8 : i32
        %mul3A_566 = arith.muli %scan3A_564, %mul3A_565 : i32
        %get3A_567 = arith.index_cast %mul3A_566 : i32 to index
        %get3A_568 = arith.constant 96 : index
        %get3A_569 = tpu.vector_load %arg10[%get3A_567, %get3A_568] {strides = array<i32>} : memref<128x128xf32, #tpu.memory_space<vmem>>, vector<1x16xf32>,
        %get3A_570 = vector.shape_cast %get3A_569 : vector<1x16xf32> to vector<16xf32>
        %mul3A_571 = arith.mulf %get3A_570, %get3A_509 : vector<16xf32>
        %add3A_572 = arith.constant 1 : i32
        %add3A_573 = arith.addi %mul3A_566, %add3A_572 : i32
        %get3A_574 = arith.index_cast %add3A_573 : i32 to index
        %get3A_575 = arith.constant 96 : index
        %get3A_576 = tpu.vector_load %arg10[%get3A_574, %get3A_575] {strides = array<i32>} : memref<128x128xf32, #tpu.memory_space<vmem>>, vector<1x16xf32>,
        %get3A_577 = vector.shape_cast %get3A_576 : vector<1x16xf32> to vector<16xf32>
        %mul3A_578 = arith.mulf %get3A_577, %get3A_514 : vector<16xf32>
        %add3A_579 = arith.addf %mul3A_571, %mul3A_578 : vector<16xf32>
        %add3A_580 = arith.constant 2 : i32
        %add3A_581 = arith.addi %mul3A_566, %add3A_580 : i32
        %get3A_582 = arith.index_cast %add3A_581 : i32 to index
        %get3A_583 = arith.constant 96 : index
        %get3A_584 = tpu.vector_load %arg10[%get3A_582, %get3A_583] {strides = array<i32>} : memref<128x128xf32, #tpu.memory_space<vmem>>, vector<1x16xf32>,
        %get3A_585 = vector.shape_cast %get3A_584 : vector<1x16xf32> to vector<16xf32>
        %mul3A_586 = arith.mulf %get3A_585, %get3A_519 : vector<16xf32>
        %add3A_587 = arith.addf %add3A_579, %mul3A_586 : vector<16xf32>
        %add3A_588 = arith.constant 3 : i32
        %add3A_589 = arith.addi %mul3A_566, %add3A_588 : i32
        %get3A_590 = arith.index_cast %add3A_589 : i32 to index
        %get3A_591 = arith.constant 96 : index
        %get3A_592 = tpu.vector_load %arg10[%get3A_590, %get3A_591] {strides = array<i32>} : memref<128x128xf32, #tpu.memory_space<vmem>>, vector<1x16xf32>,
        %get3A_593 = vector.shape_cast %get3A_592 : vector<1x16xf32> to vector<16xf32>
        %mul3A_594 = arith.mulf %get3A_593, %get3A_524 : vector<16xf32>
        %add3A_595 = arith.addf %add3A_587, %mul3A_594 : vector<16xf32>
        %add3A_596 = arith.constant 4 : i32
        %add3A_597 = arith.addi %mul3A_566, %add3A_596 : i32
        %get3A_598 = arith.index_cast %add3A_597 : i32 to index
        %get3A_599 = arith.constant 96 : index
        %get3A_600 = tpu.vector_load %arg10[%get3A_598, %get3A_599] {strides = array<i32>} : memref<128x128xf32, #tpu.memory_space<vmem>>, vector<1x16xf32>,
        %get3A_601 = vector.shape_cast %get3A_600 : vector<1x16xf32> to vector<16xf32>
        %mul3A_602 = arith.mulf %get3A_601, %get3A_509 : vector<16xf32>
        %add3A_603 = arith.addf %add3A_595, %mul3A_602 : vector<16xf32>
        %add3A_604 = arith.constant 5 : i32
        %add3A_605 = arith.addi %mul3A_566, %add3A_604 : i32
        %get3A_606 = arith.index_cast %add3A_605 : i32 to index
        %get3A_607 = arith.constant 96 : index
        %get3A_608 = tpu.vector_load %arg10[%get3A_606, %get3A_607] {strides = array<i32>} : memref<128x128xf32, #tpu.memory_space<vmem>>, vector<1x16xf32>,
        %get3A_609 = vector.shape_cast %get3A_608 : vector<1x16xf32> to vector<16xf32>
        %mul3A_610 = arith.mulf %get3A_609, %get3A_514 : vector<16xf32>
        %add3A_611 = arith.addf %add3A_603, %mul3A_610 : vector<16xf32>
        %add3A_612 = arith.constant 6 : i32
        %add3A_613 = arith.addi %mul3A_566, %add3A_612 : i32
        %get3A_614 = arith.index_cast %add3A_613 : i32 to index
        %get3A_615 = arith.constant 96 : index
        %get3A_616 = tpu.vector_load %arg10[%get3A_614, %get3A_615] {strides = array<i32>} : memref<128x128xf32, #tpu.memory_space<vmem>>, vector<1x16xf32>,
        %get3A_617 = vector.shape_cast %get3A_616 : vector<1x16xf32> to vector<16xf32>
        %mul3A_618 = arith.mulf %get3A_617, %get3A_519 : vector<16xf32>
        %add3A_619 = arith.addf %add3A_611, %mul3A_618 : vector<16xf32>
        %add3A_620 = arith.constant 7 : i32
        %add3A_621 = arith.addi %mul3A_566, %add3A_620 : i32
        %get3A_622 = arith.index_cast %add3A_621 : i32 to index
        %get3A_623 = arith.constant 96 : index
        %get3A_624 = tpu.vector_load %arg10[%get3A_622, %get3A_623] {strides = array<i32>} : memref<128x128xf32, #tpu.memory_space<vmem>>, vector<1x16xf32>,
        %get3A_625 = vector.shape_cast %get3A_624 : vector<1x16xf32> to vector<16xf32>
        %mul3A_626 = arith.mulf %get3A_625, %get3A_524 : vector<16xf32>
        %add3A_627 = arith.addf %add3A_619, %mul3A_626 : vector<16xf32>
        %swap3A = arith.index_cast %scan3A_564 : i32 to index
        %swap3A_628 = arith.constant 96 : index
        %swap3A_629 = tpu.vector_load %arg12[%swap3A, %swap3A_628] {strides = array<i32>} : memref<16x128xf32, #tpu.memory_space<vmem>>, vector<1x16xf32>,
        %swap3A_630 = vector.shape_cast %swap3A_629 : vector<1x16xf32> to vector<16xf32>
        %swap3A_631 = vector.shape_cast %add3A_627 : vector<16xf32> to vector<1x16xf32>
        tpu.vector_store %arg12[%swap3A, %swap3A_628], %swap3A_631 {strides = array<i32>} : memref<16x128xf32, #tpu.memory_space<vmem>>, vector<1x16xf32>,
      }
      %scan3A_530 = arith.constant 16 : i32
      %get3A_531 = arith.constant 0 : i32
      %get3A_532 = arith.index_cast %get3A_531 : i32 to index
      %get3A_533 = arith.constant 112 : index
      %get3A_534 = tpu.vector_load %arg6[%get3A_532, %get3A_533] {strides = array<i32>} : memref<4x128xf32, #tpu.memory_space<vmem>>, vector<1x16xf32>,
      %get3A_535 = vector.shape_cast %get3A_534 : vector<1x16xf32> to vector<16xf32>
      %get3A_536 = arith.constant 1 : i32
      %get3A_537 = arith.index_cast %get3A_536 : i32 to index
      %get3A_538 = arith.constant 112 : index
      %get3A_539 = tpu.vector_load %arg6[%get3A_537, %get3A_538] {strides = array<i32>} : memref<4x128xf32, #tpu.memory_space<vmem>>, vector<1x16xf32>,
      %get3A_540 = vector.shape_cast %get3A_539 : vector<1x16xf32> to vector<16xf32>
      %get3A_541 = arith.constant 2 : i32
      %get3A_542 = arith.index_cast %get3A_541 : i32 to index
      %get3A_543 = arith.constant 112 : index
      %get3A_544 = tpu.vector_load %arg6[%get3A_542, %get3A_543] {strides = array<i32>} : memref<4x128xf32, #tpu.memory_space<vmem>>, vector<1x16xf32>,
      %get3A_545 = vector.shape_cast %get3A_544 : vector<1x16xf32> to vector<16xf32>
      %get3A_546 = arith.constant 3 : i32
      %get3A_547 = arith.index_cast %get3A_546 : i32 to index
      %get3A_548 = arith.constant 112 : index
      %get3A_549 = tpu.vector_load %arg6[%get3A_547, %get3A_548] {strides = array<i32>} : memref<4x128xf32, #tpu.memory_space<vmem>>, vector<1x16xf32>,
      %get3A_550 = vector.shape_cast %get3A_549 : vector<1x16xf32> to vector<16xf32>
      %scan3A_551 = arith.constant 0 : i32
      %scan3A_552 = arith.constant 0 : i32
      %scan3A_553 = arith.constant 16 : i32
      %scan3A_554 = arith.addi %scan3A_552, %scan3A_553 : i32
      %scan3A_555 = arith.constant 1 : i32
      scf.for %scan3A_564 = %scan3A_552 to %scan3A_554 step %scan3A_555  : i32 {
        %mul3A_565 = arith.constant 8 : i32
        %mul3A_566 = arith.muli %scan3A_564, %mul3A_565 : i32
        %get3A_567 = arith.index_cast %mul3A_566 : i32 to index
        %get3A_568 = arith.constant 112 : index
        %get3A_569 = tpu.vector_load %arg10[%get3A_567, %get3A_568] {strides = array<i32>} : memref<128x128xf32, #tpu.memory_space<vmem>>, vector<1x16xf32>,
        %get3A_570 = vector.shape_cast %get3A_569 : vector<1x16xf32> to vector<16xf32>
        %mul3A_571 = arith.mulf %get3A_570, %get3A_535 : vector<16xf32>
        %add3A_572 = arith.constant 1 : i32
        %add3A_573 = arith.addi %mul3A_566, %add3A_572 : i32
        %get3A_574 = arith.index_cast %add3A_573 : i32 to index
        %get3A_575 = arith.constant 112 : index
        %get3A_576 = tpu.vector_load %arg10[%get3A_574, %get3A_575] {strides = array<i32>} : memref<128x128xf32, #tpu.memory_space<vmem>>, vector<1x16xf32>,
        %get3A_577 = vector.shape_cast %get3A_576 : vector<1x16xf32> to vector<16xf32>
        %mul3A_578 = arith.mulf %get3A_577, %get3A_540 : vector<16xf32>
        %add3A_579 = arith.addf %mul3A_571, %mul3A_578 : vector<16xf32>
        %add3A_580 = arith.constant 2 : i32
        %add3A_581 = arith.addi %mul3A_566, %add3A_580 : i32
        %get3A_582 = arith.index_cast %add3A_581 : i32 to index
        %get3A_583 = arith.constant 112 : index
        %get3A_584 = tpu.vector_load %arg10[%get3A_582, %get3A_583] {strides = array<i32>} : memref<128x128xf32, #tpu.memory_space<vmem>>, vector<1x16xf32>,
        %get3A_585 = vector.shape_cast %get3A_584 : vector<1x16xf32> to vector<16xf32>
        %mul3A_586 = arith.mulf %get3A_585, %get3A_545 : vector<16xf32>
        %add3A_587 = arith.addf %add3A_579, %mul3A_586 : vector<16xf32>
        %add3A_588 = arith.constant 3 : i32
        %add3A_589 = arith.addi %mul3A_566, %add3A_588 : i32
        %get3A_590 = arith.index_cast %add3A_589 : i32 to index
        %get3A_591 = arith.constant 112 : index
        %get3A_592 = tpu.vector_load %arg10[%get3A_590, %get3A_591] {strides = array<i32>} : memref<128x128xf32, #tpu.memory_space<vmem>>, vector<1x16xf32>,
        %get3A_593 = vector.shape_cast %get3A_592 : vector<1x16xf32> to vector<16xf32>
        %mul3A_594 = arith.mulf %get3A_593, %get3A_550 : vector<16xf32>
        %add3A_595 = arith.addf %add3A_587, %mul3A_594 : vector<16xf32>
        %add3A_596 = arith.constant 4 : i32
        %add3A_597 = arith.addi %mul3A_566, %add3A_596 : i32
        %get3A_598 = arith.index_cast %add3A_597 : i32 to index
        %get3A_599 = arith.constant 112 : index
        %get3A_600 = tpu.vector_load %arg10[%get3A_598, %get3A_599] {strides = array<i32>} : memref<128x128xf32, #tpu.memory_space<vmem>>, vector<1x16xf32>,
        %get3A_601 = vector.shape_cast %get3A_600 : vector<1x16xf32> to vector<16xf32>
        %mul3A_602 = arith.mulf %get3A_601, %get3A_535 : vector<16xf32>
        %add3A_603 = arith.addf %add3A_595, %mul3A_602 : vector<16xf32>
        %add3A_604 = arith.constant 5 : i32
        %add3A_605 = arith.addi %mul3A_566, %add3A_604 : i32
        %get3A_606 = arith.index_cast %add3A_605 : i32 to index
        %get3A_607 = arith.constant 112 : index
        %get3A_608 = tpu.vector_load %arg10[%get3A_606, %get3A_607] {strides = array<i32>} : memref<128x128xf32, #tpu.memory_space<vmem>>, vector<1x16xf32>,
        %get3A_609 = vector.shape_cast %get3A_608 : vector<1x16xf32> to vector<16xf32>
        %mul3A_610 = arith.mulf %get3A_609, %get3A_540 : vector<16xf32>
        %add3A_611 = arith.addf %add3A_603, %mul3A_610 : vector<16xf32>
        %add3A_612 = arith.constant 6 : i32
        %add3A_613 = arith.addi %mul3A_566, %add3A_612 : i32
        %get3A_614 = arith.index_cast %add3A_613 : i32 to index
        %get3A_615 = arith.constant 112 : index
        %get3A_616 = tpu.vector_load %arg10[%get3A_614, %get3A_615] {strides = array<i32>} : memref<128x128xf32, #tpu.memory_space<vmem>>, vector<1x16xf32>,
        %get3A_617 = vector.shape_cast %get3A_616 : vector<1x16xf32> to vector<16xf32>
        %mul3A_618 = arith.mulf %get3A_617, %get3A_545 : vector<16xf32>
        %add3A_619 = arith.addf %add3A_611, %mul3A_618 : vector<16xf32>
        %add3A_620 = arith.constant 7 : i32
        %add3A_621 = arith.addi %mul3A_566, %add3A_620 : i32
        %get3A_622 = arith.index_cast %add3A_621 : i32 to index
        %get3A_623 = arith.constant 112 : index
        %get3A_624 = tpu.vector_load %arg10[%get3A_622, %get3A_623] {strides = array<i32>} : memref<128x128xf32, #tpu.memory_space<vmem>>, vector<1x16xf32>,
        %get3A_625 = vector.shape_cast %get3A_624 : vector<1x16xf32> to vector<16xf32>
        %mul3A_626 = arith.mulf %get3A_625, %get3A_550 : vector<16xf32>
        %add3A_627 = arith.addf %add3A_619, %mul3A_626 : vector<16xf32>
        %swap3A = arith.index_cast %scan3A_564 : i32 to index
        %swap3A_628 = arith.constant 112 : index
        %swap3A_629 = tpu.vector_load %arg12[%swap3A, %swap3A_628] {strides = array<i32>} : memref<16x128xf32, #tpu.memory_space<vmem>>, vector<1x16xf32>,
        %swap3A_630 = vector.shape_cast %swap3A_629 : vector<1x16xf32> to vector<16xf32>
        %swap3A_631 = vector.shape_cast %add3A_627 : vector<16xf32> to vector<1x16xf32>
        tpu.vector_store %arg12[%swap3A, %swap3A_628], %swap3A_631 {strides = array<i32>} : memref<16x128xf32, #tpu.memory_space<vmem>>, vector<1x16xf32>,
      }
      %scan3A_556 = arith.constant 16 : i32
      %mul3A_557 = arith.constant 16 : i32
      %mul3A_558 = arith.muli %add3A_328, %mul3A_557 : i32
      %add3A_559 = arith.addi %mul3A_28, %mul3A_558 : i32
      %dma_start3A_560 = arith.constant 0 : i32
      %dma_start3A_561 = tpu.memref_slice %arg5[%add3A_559, %dma_start3A_560] : memref<50176x128xf32, #tpu.memory_space<hbm>> -> memref<16x128xf32, #tpu.memory_space<hbm>>
      %dma_start3A_562 = arith.constant 0 : i32
      %dma_start3A_563 = tpu.memref_slice %arg5[%add3A_559, %dma_start3A_562] : memref<50176x128xf32, #tpu.memory_space<hbm>> -> memref<16x128xf32, #tpu.memory_space<hbm>>
      tpu.enqueue_dma source(%arg12 : memref<16x128xf32, #tpu.memory_space<vmem>>) target(%dma_start3A_563 : memref<16x128xf32, #tpu.memory_space<hbm>>) target_semaphore(%arg17 : memref<!tpu.dma_semaphore, #tpu.memory_space<semaphore_mem>>)
    }
    %sub3A_63 = arith.constant 2 : i32
    %sub3A_64 = arith.subi %select_n3A_8, %sub3A_63 : i32
    %add3A_65 = arith.constant 0 : i32
    %add3A_66 = arith.addi %sub3A_64, %add3A_65 : i32
    %mul3A_67 = arith.constant 16 : i32
    %mul3A_68 = arith.muli %add3A_66, %mul3A_67 : i32
    %add3A_69 = arith.addi %mul3A_28, %mul3A_68 : i32
    %dma_wait3A_70 = arith.constant 0 : i32
    %dma_wait3A_71 = tpu.memref_slice %arg5[%add3A_69, %dma_wait3A_70] : memref<50176x128xf32, #tpu.memory_space<hbm>> -> memref<16x128xf32, #tpu.memory_space<hbm>>
    %dma_wait3A_72 = arith.constant 0 : i32
    %dma_wait3A_73 = tpu.memref_slice %arg5[%add3A_69, %dma_wait3A_72] : memref<50176x128xf32, #tpu.memory_space<hbm>> -> memref<16x128xf32, #tpu.memory_space<hbm>>
    tpu.wait_dma2 semaphore(%arg17 : memref<!tpu.dma_semaphore, #tpu.memory_space<semaphore_mem>>) src(%arg11 : memref<16x128xf32, #tpu.memory_space<vmem>>) dst(%dma_wait3A_73 : memref<16x128xf32, #tpu.memory_space<hbm>>)
    %sub3A_74 = arith.constant 2 : i32
    %sub3A_75 = arith.subi %select_n3A_8, %sub3A_74 : i32
    %add3A_76 = arith.constant 1 : i32
    %add3A_77 = arith.addi %sub3A_75, %add3A_76 : i32
    %mul3A_78 = arith.constant 16 : i32
    %mul3A_79 = arith.muli %add3A_77, %mul3A_78 : i32
    %add3A_80 = arith.addi %mul3A_28, %mul3A_79 : i32
    %dma_wait3A_81 = arith.constant 0 : i32
    %dma_wait3A_82 = tpu.memref_slice %arg5[%add3A_80, %dma_wait3A_81] : memref<50176x128xf32, #tpu.memory_space<hbm>> -> memref<16x128xf32, #tpu.memory_space<hbm>>
    %dma_wait3A_83 = arith.constant 0 : i32
    %dma_wait3A_84 = tpu.memref_slice %arg5[%add3A_80, %dma_wait3A_83] : memref<50176x128xf32, #tpu.memory_space<hbm>> -> memref<16x128xf32, #tpu.memory_space<hbm>>
    tpu.wait_dma2 semaphore(%arg17 : memref<!tpu.dma_semaphore, #tpu.memory_space<semaphore_mem>>) src(%arg12 : memref<16x128xf32, #tpu.memory_space<vmem>>) dst(%dma_wait3A_84 : memref<16x128xf32, #tpu.memory_space<hbm>>)
    return
  }
}

module attributes {stable_mosaic.version = 14 : i64} {
  func.func @mm_body(%arg0: i32, %arg1: memref<2000x128xf32, #tpu.memory_space<vmem>>, %arg2: memref<128x128xf32, #tpu.memory_space<vmem>>, %arg3: memref<2000x128xf32, #tpu.memory_space<vmem>>) attributes {dimension_semantics = [#tpu.dimension_semantics<arbitrary>], iteration_bounds = array<i64: 25>, scalar_prefetch = 0 : i64, scratch_operands = 0 : i64, tpu.core_type = #tpu.core_type<tc>, window_params = [{transform_indices = @transform_0, window_bounds = array<i64: 2000, 128>}, {pipeline_mode = #tpu.pipeline_mode<synchronous>, transform_indices = @transform_1, window_bounds = array<i64: 128, 128>}, {transform_indices = @transform_2, window_bounds = array<i64: 2000, 128>}]} {
    %get3A = arith.constant 0 : index
    %get3A_0 = arith.constant 0 : index
    %get3A_1 = vector.load %arg1[%get3A, %get3A_0] : memref<2000x128xf32, #tpu.memory_space<vmem>>, vector<2000x128xf32>
    %get3A_2 = arith.constant 0 : index
    %get3A_3 = arith.constant 0 : index
    %get3A_4 = vector.load %arg2[%get3A_2, %get3A_3] : memref<128x128xf32, #tpu.memory_space<vmem>>, vector<128x128xf32>
    %dot_general3A = arith.constant dense<0.000000e+00> : vector<2000x128xf32>
    %dot_general3A_5 = tpu.matmul %get3A_1, %get3A_4, %dot_general3A {dimension_numbers = #tpu.dot_dimension_numbers<[1], [0], [0], [1], [0, 0, 1, 1], [], []>, transpose_lhs_hint = false} : vector<2000x128xf32>, vector<128x128xf32>, vector<2000x128xf32> -> vector<2000x128xf32>
    %max3A = arith.constant 0.000000e+00 : f32
    %max3A_6 = vector.broadcast %max3A : f32 to vector<2000x128xf32>
    %max3A_7 = arith.maximumf %dot_general3A_5, %max3A_6 : vector<2000x128xf32>
    %swap3A = arith.constant 0 : index
    %swap3A_8 = arith.constant 0 : index
    %swap3A_9 = vector.load %arg3[%swap3A, %swap3A_8] : memref<2000x128xf32, #tpu.memory_space<vmem>>, vector<2000x128xf32>
    tpu.vector_store %arg3[%swap3A, %swap3A_8], %max3A_7 {strides = array<i32>} : memref<2000x128xf32, #tpu.memory_space<vmem>>, vector<2000x128xf32>,
    return
  }
  func.func @transform_0(%arg0: i32) -> (i32, i32) {
    %c0_i32 = arith.constant 0 : i32
    %c0_i32_0 = arith.constant 0 : i32
    return %arg0, %c0_i32 : i32, i32
  }
  func.func @transform_1(%arg0: i32) -> (i32, i32) {
    %c0_i32 = arith.constant 0 : i32
    %c0_i32_0 = arith.constant 0 : i32
    %c0_i32_1 = arith.constant 0 : i32
    return %c0_i32, %c0_i32_0 : i32, i32
  }
  func.func @transform_2(%arg0: i32) -> (i32, i32) {
    %c0_i32 = arith.constant 0 : i32
    %c0_i32_0 = arith.constant 0 : i32
    return %arg0, %c0_i32 : i32, i32
  }
}

</mosaic_0001>

<sc_bundles>
// kernel: kernel.4.cloned.1.call-start
scs
__scs_entry_jumppad:
0x0: {  	(pc) =	sbr.rel $0x88, $3  }
0x1: {  	(tag) =	ssettag $0x0;
	lr =	simm.s32 $0x1  }
0x2: {  	[smem:$0x3F9B] =	sst lr;
	_ =	strace $0xD0000000  }
0x3: {  	_ = 	snop  }
0x4: {  	_ = 	snop  }
0x5: {  	_ = 	snop  }
0x6: {  	_ = 	snop  }
0x7: {  	_ = 	snop  }
__scs_overlays_trampoline_lowered:
0x8: {  	[smem:$0x3FAA] =	sst s0  }
0x9: {  	[smem:$0x3FAB] =	sst s1  }
0xa: {  	[smem:$0x3FAC] =	sst s2  }
0xb: {  	[smem:$0x3FAD] =	sst s3  }
0xc: {  	[smem:$0x3FAE] =	sst s4  }
0xd: {  	[smem:$0x3FAF] =	sst s5  }
0xe: {  	[smem:$0x3FB0] =	sst s6  }
0xf: {  	[smem:$0x3FB1] =	sst s7  }
0x10: {  	[smem:$0x3FB2] =	sst s8  }
0x11: {  	[smem:$0x3FB3] =	sst s9;
	s0 =	simm.s32 @!p0 $0x0  }
0x12: {  	s1 =	sld [smem:$0x3F99];
	s0 =	simm.s32 @p0 $0x1  }
0x13: {  	[smem:$0x3FB4] =	sst s0;
	s0 =	simm.s32 @!p1 $0x0  }
0x14: {  	s2 =	sld [smem:$0x3F98];
	s0 =	simm.s32 @p1 $0x1  }
0x15: {  	[smem:$0x3FB5] =	sst s0;
	s0 =	simm.s32 @!p2 $0x0  }
0x16: {  	s3 =	sld [smem:$0x3FDB];
	s0 =	simm.s32 @p2 $0x1  }
0x17: {  	s4 =	simm.s32 $0x1BF5;
	[smem:$0x3FB7] =	sst s0  }
0x18: {  	s0 =	sld [smem:$0x3F9A];
	_ =	swait.ge [sflag:s4], $0x0  }
0x19: {  	s7 =	sld [smem:$0x3F9B]  }
0x1a: {  	s8 =	sadd.s32 $0xFFFFE003, lr  }
0x1b: {  	s9 =	sadd.s32 $0xFFFFFEF7, lr;
	s5 =	simm.s32 $0xFFFFFFFF;
	p2 =	slt.u32 s8, $0xFFFFF086  }
0x1c: {  	p1 =	slt.u32 s9, $0xF7A;
	s5 =	simm.s32 @!p2 $0x0  }
0x1d: {  	s5 =	simm.s32 @p1 $0x1;
	p0 =	seq.s32 s7, s2  }
0x1e: {  	s7 =	smul.u32 @!p0 $0xF7A, s2;
	p2 =	seq.s32 @!p0 s5, $0x0  }
0x1f: {  	s9 =	smul.u32 $0xF7A, s1;
	s8 =	simm.s32 @!p0 $0x1BF5;
	p2 =	por !p2, p0  }
0x20: {  	[sflag:s8] =	ssyncset.s32 @!p0 $0xFFFFF086;
	s6 =	sadd.s32 @!p0 s3, s7;
	s7 =	simm.s32 @!p0 $0x108  }
0x21: {  	s3 =	sadd.s32 s3, s9;
	s6 =	sadd.s32 @!p0 $0x88, s6;
	s7 =	simm.s32 @p2 $0x1082  }
0x22: {  	[simem:s7], [sflag:s8] =	dma.local @!p0 [hbm:s6], $0xF7A  }
0x23: {  	s9 =	sor.u32 $0xD0000000, s2;
	s6 =	simm.s32 $0x108;
	_ =	swait.ge @!p0 [sflag:s8], $0x0  }
0x24: {  	s3 =	sadd.s32 $0x88, s3;
	s6 =	simm.s32 @!p1 $0x1082;
	[sflag:s4] =	ssyncset.s32 $0xFFFFF086  }
0x25: {  	[simem:s6], [sflag:s4] =	dma.local [hbm:s3], $0xF7A  }
0x26: {  	[smem:$0x3F9B] =	sst s1;
	(tag) =	ssettag s2;
	_ =	strace s9  }
0x27: {  	s1 =	sld [smem:$0x3FAB]  }
0x28: {  	s2 =	sld [smem:$0x3FAC]  }
0x29: {  	s4 =	sld [smem:$0x3FAE]  }
0x2a: {  	p0 =	seq.s32 s5, $0x0;
	s5 =	sld [smem:$0x3FAF]  }
0x2b: {  	s6 =	sld [smem:$0x3FB0]  }
0x2c: {  	s7 =	sld [smem:$0x3FB1]  }
0x2d: {  	s3 =	simm.s32 $0x108;
	s8 =	sld [smem:$0x3FB2]  }
0x2e: {  	s3 =	simm.s32 @!p0 $0x1082;
	s9 =	sld [smem:$0x3FB3]  }
0x2f: {  	lr =	sadd.s32 s0, s3;
	s0 =	sld [smem:$0x3FAA]  }
0x30: {  	s3 =	sld [smem:$0x3FAD]  }
0x31: {  	[smem:$0x3FB6] =	sst s10  }
0x32: {  	s10 =	sld [smem:$0x3FB4];
	_ =	sdelay $0x3  }
0x33: {  	p0 =	seq.s32 s10, $0x1;
	s10 =	sld [smem:$0x3FB6];
	_ =	sdelay $0x3  }
0x34: {  	[smem:$0x3FB6] =	sst s10  }
0x35: {  	s10 =	sld [smem:$0x3FB5];
	_ =	sdelay $0x3  }
0x36: {  	p1 =	seq.s32 s10, $0x1;
	s10 =	sld [smem:$0x3FB6];
	_ =	sdelay $0x3  }
0x37: {  	[smem:$0x3FB6] =	sst s10  }
0x38: {  	s10 =	sld [smem:$0x3FB7]  }
0x39: {  	_ = 	snop;
	(pc) =	sbr.ind lr, $3  }
0x3a: {  	_ = 	snop  }
0x3b: {  	_ = 	snop  }
0x3c: {  	p2 =	seq.s32 s10, $0x1;
	s10 =	sld [smem:$0x3FB6]  }
0x3d: {  	_ =	shalt  }
0x3e: {  	_ =	shalt  }
0x3f: {  	_ =	shalt  }
0x40: {  	_ =	shalt  }
0x41: {  	_ =	shalt  }
0x42: {  	_ =	shalt  }
0x43: {  	_ =	shalt  }
0x44: {  	_ =	shalt  }
0x45: {  	_ =	shalt  }
0x46: {  	_ =	shalt  }
0x47: {  	_ =	shalt  }
0x48: {  	_ =	shalt  }
0x49: {  	_ =	shalt  }
0x4a: {  	_ =	shalt  }
0x4b: {  	_ =	shalt  }
0x4c: {  	_ =	shalt  }
0x4d: {  	_ =	shalt  }
0x4e: {  	_ =	shalt  }
0x4f: {  	_ =	shalt  }
0x50: {  	_ =	shalt  }
0x51: {  	_ =	shalt  }
0x52: {  	_ =	shalt  }
0x53: {  	_ =	shalt  }
0x54: {  	_ =	shalt  }
0x55: {  	_ =	shalt  }
0x56: {  	_ =	shalt  }
0x57: {  	_ =	shalt  }
0x58: {  	_ =	shalt  }
0x59: {  	_ =	shalt  }
0x5a: {  	_ =	shalt  }
0x5b: {  	_ =	shalt  }
0x5c: {  	_ =	shalt  }
0x5d: {  	_ =	shalt  }
0x5e: {  	_ =	shalt  }
0x5f: {  	_ =	shalt  }
0x60: {  	_ =	shalt  }
0x61: {  	_ =	shalt  }
0x62: {  	_ =	shalt  }
0x63: {  	_ =	shalt  }
0x64: {  	_ =	shalt  }
0x65: {  	_ =	shalt  }
0x66: {  	_ =	shalt  }
0x67: {  	_ =	shalt  }
0x68: {  	_ =	shalt  }
0x69: {  	_ =	shalt  }
0x6a: {  	_ =	shalt  }
0x6b: {  	_ =	shalt  }
0x6c: {  	_ =	shalt  }
0x6d: {  	_ =	shalt  }
0x6e: {  	_ =	shalt  }
0x6f: {  	_ =	shalt  }
0x70: {  	_ =	shalt  }
0x71: {  	_ =	shalt  }
0x72: {  	_ =	shalt  }
0x73: {  	_ =	shalt  }
0x74: {  	_ =	shalt  }
0x75: {  	_ =	shalt  }
0x76: {  	_ =	shalt  }
0x77: {  	_ =	shalt  }
0x78: {  	_ =	shalt  }
0x79: {  	_ =	shalt  }
0x7a: {  	_ =	shalt  }
0x7b: {  	_ =	shalt  }
0x7c: {  	_ =	shalt  }
0x7d: {  	_ =	shalt  }
0x7e: {  	_ =	shalt  }
0x7f: {  	_ =	shalt  }
0x80: {  	_ =	shalt  }
0x81: {  	_ =	shalt  }
0x82: {  	_ =	shalt  }
0x83: {  	_ =	shalt  }
0x84: {  	_ =	shalt  }
0x85: {  	_ =	shalt  }
0x86: {  	_ =	shalt  }
0x87: {  	_ =	shalt  }
.Lfunc_end0:
.L_simem_size_0:
called_computation_lowered:
.L_overlay_start_0:
0x88: {  	s2 =	sld [smem:$0x3FD9]  }
0x89: {  	s3 =	sld [smem:$0x3FFE];
	_ =	sdelay $0x1  }
0x8a: {  	s1 =	srdreg.scid  }
0x8b: {  	s0 =	sand.u32 $0x1, s1  }
0x8c: {  	s17 =	sshll.u32 s0, $0xA;
	s2 =	sadd.s32 s3, s2  }
0x8d: {  	s2 =	sadd.s32 s2, s17  }
0x8e: {  	[smem:$0x3FC2] =	sst s2  }
0x8f: {  	_ = 	snop  }
0x90: {  	s2 =	sld [smem:$0x3FC9]  }
0x91: {  	s18 =	sld [smem:$0x3FD0];
	(tm) =	ssettm $0x1  }
0x92: {  	s4 =	sld [smem:$0x3FFB];
	_ =	sdelay $0x3  }
0x93: {  	_ =	strace s4  }
0x94: {  	s4 =	sld [smem:$0x3FFC];
	_ =	sdelay $0x3  }
0x95: {  	_ =	strace s4  }
0x96: {  	s4 =	sld [smem:$0x3FFD];
	_ =	sdelay $0x3  }
0x97: {  	_ =	strace s4  }
0x98: {  	_ =	strace $0x8FFFFFFF  }
0x99: {  	s19 =	sld [smem:$0x3FDB];
	_ =	sdelay $0x1  }
0x9a: {  	s5 =	simm.s32 $_scs_section_size  }
0x9b: {  	s6 =	simm.s32 $_size__tile_overlayer_lowered;
	s7 =	simm.s32 $_tile_overlayer_lowered  }
0x9c: {  	s22 =	simm.s32 $0x1BFF;
	s21 =	sshll.u32 s7, $0x1;
	s4 =	sadd.s32 s5, s19  }
0x9d: {  	s8 =	simm.s32 $0x0;
	s20 =	sshll.u32 s6, $0x1;
	s6 =	sadd.s32 s21, s4  }
0x9e: {  	[timem:s8], [sflag:s22] =	dma.local [hbm:s6], s20  }
0x9f: {  	_ =	swait.ge [sflag:s22], s20  }
0xa0: {  	s5 =	ssub.s32 $0x0, s20;
	[sflag:s22] =	ssyncset.done $0x0  }
0xa1: {  	[sflag:s22] =	ssyncadd.s32 s5;
	_ =	sdelay $0x1  }
0xa2: {  	s23 =	simm.s32 $0x1B8B  }
0xa3: {  	_ =	swait.ge [sflag:s23], $0x1  }
0xa4: {  	[sflag:s23] =	ssyncset.done $0x0  }
0xa5: {  	s25 =	simm.s32 $0x1B8E;
	s24 =	sld [smem:$0x3FFE];
	[sflag:s23] =	ssyncadd.s32 $0xFFFFFFFF  }
0xa6: {  	s26 =	simm.s32 $execute0_lowered;
	[smem:$0x3FD2] =	sst s25  }
0xa7: {  	s6 =	sshll.u32 s26, $0x1;
	_ =	strace $0x80000046;
	[dreg:$0x1] =	wrdreg $0xFFFFFFFF  }
0xa8: {  	s28 =	simm.s32 $_size_execute0_lowered;
	s4 =	sadd.s32 s4, s6;
	[dreg:$0x0] =	wrdreg $0x0  }
0xa9: {  	s6 =	sshll.u32 s28, $0x1;
	[dreg:$0x2] =	wrdreg s4  }
0xaa: {  	[dreg:$0x3] =	wrdreg s6  }
0xab: {  	[dreg:$0x4] =	wrdreg $0xC0  }
0xac: {  	_ =	task [dreg:s8], $0x5FFFF  }
0xad: {  	[dreg:$0x1] =	wrdreg $0xFFFFFFFF  }
0xae: {  	[dreg:$0x0] =	wrdreg $0x60  }
0xaf: {  	[dreg:$0x2] =	wrdreg s18  }
0xb0: {  	[dreg:$0x3] =	wrdreg s24  }
0xb1: {  	[dreg:$0x4] =	wrdreg s2  }
0xb2: {  	[dreg:$0x5] =	wrdreg $0x9  }
0xb3: {  	_ =	task.clear_ibuf [dreg:s8], $0x6FFFF;
	_ =	strace $0x90000046  }
0xb4: {  	s29 =	simm.s32 $0x9;
	_ =	strace $0x80000048  }
0xb5: {  	_ =	swait.ge [sflag:s29], $0x1  }
0xb6: {  	[sflag:s29] =	ssyncadd.s32 $0xFFFFFFFF  }
0xb7: {  	_ =	strace $0x90000048  }
0xb8: {  	_ =	sfence  }
0xb9: {  	s30 =	sld [smem:$0x0];
	_ =	sdelay $0x2  }
0xba: {  	s31 =	sshll.u32 s1, $0xD;
	s1 =	sshrl.u32 s1, $0x2  }
0xbb: {  	s3 =	sand.u32 $0x4000, s31;
	s1 =	sadd.s32 s1, s30  }
0xbc: {  	s0 =	sor.u32 s3, s0;
	s1 =	sshll.u32 s1, $0x11  }
0xbd: {  	s0 =	sor.u32 s1, s0  }
0xbe: {  	s0 =	sadd.s32 $0x8F2B, s0  }
0xbf: {  	[sflag:s0] =	ssyncadd.remote.s32 $0x1  }
0xc0: {  	_ =	sfence.sel $0xFFFF  }
0xc1: {  	[dreg:$0x0] =	wrdreg $0xFFFFFFFF;
	(pc) =	sbr.abs _section_cstart, $3  }
0xc2: {  	[dreg:$0x1] =	wrdreg $0xFFFFFFFF  }
0xc3: {  	_ =	task.clear_ibuf [dreg:s8], $0x2FFFF;
	_ =	strace $0x9FFFFFFF  }
0xc4: {  	(tm) =	ssettm $0x7FFFFFFF  }
0xc5: {  	_ =	shalt  }
tec
execute0_lowered:
.L_overlay_start_1:
0x0: {  	(tag) =	ssettag $0x1  }
0x1: {  	s1 =	rddreg [dreg:$0x0]  }
0x2: {  	s0 =	rddreg [dreg:$0x1]  }
0x3: {  	s3 =	rddreg [dreg:$0x2];
	s4 =	simm.s32 $0x0  }
0x4: {  	s5 =	stileid.u32;
	s2 =	srdreg.scid;
	s16 =	simm.s32 $0x6  }
0x5: {  	s18 =	simm.s32 $0x280;
	s19 =	simm.s32 $0x1;
	s20 =	simm.s32 $0x80  }
0x6: {  	s22 =	simm.s32 $0x3;
	s23 =	simm.s32 $0x2;
	s24 =	simm.s32 $0x4300  }
0x7: {  	s25 =	simm.s32 $0x8300;
	s28 =	simm.s32 $0x8B00;
	s29 =	simm.s32 $0x5  }
0x8: {  	s30 =	simm.s32 $0x0;
	[smem:$0x7FF] =	sst s4;
	s6 =	smul.u32 $0x50, s5  }
0x9: {  	s2 =	sand.u32 $0x1, s2;
	s7 =	smul.u32 $0x74, s5;
	s26 =	sadd.s32 $0x600, s0  }
0xa: {  	_ =	strace $0x80000047;
	[dreg:$0x4] =	wrdreg s26;
	p0 =	seq.s32 s2, $0x0  }
0xb: {  	s31 =	ssub.s32 $0x2, s2;
	s26 =	simm.s32 $0x4;
	s13 =	sadd.s32 $0x740, s6  }
0xc: {  	s6 =	sadd.s32 $0x800, s0;
	s2 =	sshrl.u32 s31, $0x1;
	s13 =	smov.u32 @p0 s7  }
0xd: {  	s7 =	simm.s32 $0x3A;
	s0 =	ssub.s32 s31, s2;
	s8 =	sshll.u32 s13, $0x4  }
0xe: {  	s7 =	simm.s32 @!p0 $0x28;
	s10 =	sshll.u32 s13, $0xB;
	s12 =	sor.u32 $0x2, s13  }
0xf: {  	s13 =	sor.u32 $0x3, s13;
	s15 =	smax.u32 s0, $0x1;
	s8 =	sadd.s32 s1, s8  }
0x10: {  	s9 =	sadd.s32 $0xFFFFFFFF, s7;
	s14 =	sor.u32 $0x800, s10;
	s11 =	sadd.s32 $0x10, s8  }
.LBB2_1:
0x11: {  	s0 =	rddreg [dreg:$0x4]  }
0x12: {  	[tilespmem:s4], [sflag:$0x6] =	stream.linear.gather [hbm4b:s0+s4], $0x200, $0x38;
	[tilespmem:$0x9300] =	vst v63  }
0x13: {  	_ =	swait.ge [sflag:s16], $0x200  }
0x14: {  	[sflag:s16] =	ssyncset.done $0x0  }
0x15: {  	s21 =	simm.s32 $0x200;
	[sflag:s16] =	ssyncadd.s32 $0xFFFFFE00  }
0x16: {  	[tilespmem:s21], [sflag:$0x1] =	stream.linear.gather [hbm4b:s8+s4], $0x80, $0x38;
	[tilespmem:$0x9300] =	vst v63  }
0x17: {  	_ = 	snop  }
0x18: {  	[tilespmem:s18], [sflag:$0x2] =	stream.linear.gather [hbm4b:s11+s4], $0x80, $0x38;
	[tilespmem:$0x9300] =	vst v63  }
0x19: {  	_ =	swait.ge [sflag:s19], $0x80  }
0x1a: {  	[sflag:s19] =	ssyncset.done $0x0  }
0x1b: {  	s2 =	simm.s32 $0x300;
	s31 =	simm.s32 $0x0;
	[sflag:s19] =	ssyncadd.s32 $0xFFFFFF80  }
0x1c: {  	[tilespmem:s2], [sflag:$0x3] =	stream.indirect.gather [hbm4b:s3+s20], $0x80, s21, s20, $0xb8;
	[tilespmem:$0x9300] =	vst v63  }
.LBB2_2:
0x1d: {  	s0 =	sshll.u32 s31, $0x1;
	p0 =	sge.u32 s31, s9  }
0x1e: {  	_ =	swait.ge [sflag:s22], $0x4000;
	s2 =	sadd.s32 @!p0 s0, s12  }
0x1f: {  	[sflag:s22] =	ssyncset.done $0x0;
	s17 =	simm.s32 @!p0 $0x0;
	s2 =	sshll.u32 @!p0 s2, $0x4  }
0x20: {  	s21 =	simm.s32 @!p0 $0x200;
	[sflag:s22] =	ssyncadd.s32 $0xFFFFC000;
	s2 =	sadd.s32 @!p0 s1, s2  }
0x21: {  	[tilespmem:s21], [sflag:$0x1] =	stream.linear.gather @!p0 [hbm4b:s2+s17], $0x80, $0x38;
	[tilespmem:$0x9300] =	vst v63  }
0x22: {  	_ =	swait.ge [sflag:s23], $0x80  }
0x23: {  	p1 =	seq.s32 s31, $0x0;
	[sflag:s23] =	ssyncset.done $0x0  }
0x24: {  	s2 =	simm.s32 @!p1 $0x5;
	[sflag:s23] =	ssyncadd.s32 $0xFFFFFF80  }
0x25: {  	[tilespmem:s24], [sflag:$0x4] =	stream.indirect.gather [hbm4b:s3+s20], $0x80, s18, s20, $0xb8;
	[tilespmem:$0x9300] =	vst v63  }
0x26: {  	_ =	swait.ge @!p1 [sflag:s2], $0x800  }
0x27: {  	[sflag:s2] =	ssyncset.done @!p1 $0x0  }
0x28: {  	[sflag:s2] =	ssyncadd.s32 @!p1 $0xFFFFF800  }
0x29: {  	v3 =	vld [tilespmem:$0x0]  }
0x2a: {  	v2 =	vld [tilespmem:$0x80]  }
0x2b: {  	v0 =	vld [tilespmem:$0x100]  }
0x2c: {  	s21 =	simm.s32 $0x500;
	v1 =	vld [tilespmem:$0x180]  }
0x2d: {  	v4 =	vld [tilespmem:s21+$0xFFFFFE00]  }
0x2e: {  	s17 =	simm.s32 $0x200;
	s2 =	simm.s32 $0x0;
	v5 =	vld [tilespmem:s21+$0xFFFFFE80]  }
.LBB2_3:
0x2f: {  	p2 =	sne.s32 s17, $0x1E00  }
0x30: {  	v6 =	vld [tilespmem:s21+$0xFFFFFF00];
	_ =	sdelay $0x1  }
0x31: {  	v7 =	vld [tilespmem:s21+$0xFFFFFF80]  }
0x32: {  	v4 =	vmul.f32 v4, v3;
	v5 =	vmul.f32 v5, v2  }
0x33: {  	v8 =	vld [tilespmem:s21+$0x0]  }
0x34: {  	v4 =	vadd.f32 v5, v4;
	v5 =	vmul.f32 v6, v0  }
0x35: {  	v6 =	vld [tilespmem:s21+$0x80]  }
0x36: {  	v4 =	vadd.f32 v5, v4;
	v5 =	vmul.f32 v7, v1  }
0x37: {  	v7 =	vld [tilespmem:s21+$0x100]  }
0x38: {  	v4 =	vadd.f32 v5, v4;
	v5 =	vmul.f32 v8, v3  }
0x39: {  	v8 =	vld [tilespmem:s21+$0x180]  }
0x3a: {  	v4 =	vadd.f32 v5, v4;
	v5 =	vmul.f32 v6, v2;
	_ =	sdelay $0x1  }
0x3b: {  	v4 =	vadd.f32 v5, v4;
	v5 =	vmul.f32 v7, v0;
	_ =	sdelay $0x1  }
0x3c: {  	v4 =	vadd.f32 v5, v4;
	v5 =	vmul.f32 v8, v1;
	_ =	sdelay $0x1  }
.Ltmp0:
0x3d: {  	v4 =	vadd.f32 v5, v4;
	(pc) =	sbr.rel @p2 .LBB2_3-.Ltmp0, $4  }
0x3e: {  	s5 =	sshra.s32 s2, $0x2;
	s2 =	smov.u32 s17  }
0x3f: {  	s21 =	sadd.s32 $0x400, s21;
	[tilespmem:s5+$0x8300] =	vst v4  }
0x40: {  	v4 =	vld [tilespmem:s21+$0xFFFFFE00]  }
0x41: {  	s17 =	sadd.s32 $0x200, s17;
	v5 =	vld [tilespmem:s21+$0xFFFFFE80]  }
0x42: {  	_ = 	snop  }
0x43: {  	v6 =	vld [tilespmem:s21+$0xFFFFFF00];
	_ =	sdelay $0x1  }
0x44: {  	v7 =	vld [tilespmem:s21+$0xFFFFFF80]  }
0x45: {  	v4 =	vmul.f32 v4, v3;
	v5 =	vmul.f32 v5, v2  }
0x46: {  	v8 =	vld [tilespmem:s21+$0x0]  }
0x47: {  	v4 =	vadd.f32 v5, v4;
	v5 =	vmul.f32 v6, v0  }
0x48: {  	v6 =	vld [tilespmem:s21+$0x80]  }
0x49: {  	v4 =	vadd.f32 v5, v4;
	v5 =	vmul.f32 v7, v1  }
0x4a: {  	v7 =	vld [tilespmem:s21+$0x100]  }
0x4b: {  	v3 =	vmul.f32 v8, v3;
	v4 =	vadd.f32 v5, v4  }
0x4c: {  	v5 =	vld [tilespmem:s21+$0x180]  }
0x4d: {  	v2 =	vmul.f32 v6, v2;
	v3 =	vadd.f32 v3, v4;
	_ =	sdelay $0x1  }
0x4e: {  	v0 =	vmul.f32 v7, v0;
	v2 =	vadd.f32 v2, v3;
	_ =	sdelay $0x1  }
0x4f: {  	v1 =	vmul.f32 v5, v1;
	v0 =	vadd.f32 v0, v2;
	_ =	sdelay $0x1  }
0x50: {  	v0 =	vadd.f32 v1, v0  }
0x51: {  	s2 =	sshra.s32 s2, $0x2  }
0x52: {  	[tilespmem:s2+$0x8300] =	vst v0  }
0x53: {  	v3 =	vld [tilespmem:$0x10]  }
0x54: {  	v2 =	vld [tilespmem:$0x90]  }
0x55: {  	v0 =	vld [tilespmem:$0x110]  }
0x56: {  	s21 =	simm.s32 $0x510;
	v1 =	vld [tilespmem:$0x190]  }
0x57: {  	v4 =	vld [tilespmem:s21+$0xFFFFFE00]  }
0x58: {  	s17 =	simm.s32 $0x200;
	s2 =	simm.s32 $0x0;
	v5 =	vld [tilespmem:s21+$0xFFFFFE80]  }
.LBB2_5:
0x59: {  	p2 =	sne.s32 s17, $0x1E00  }
0x5a: {  	v6 =	vld [tilespmem:s21+$0xFFFFFF00];
	_ =	sdelay $0x1  }
0x5b: {  	v7 =	vld [tilespmem:s21+$0xFFFFFF80]  }
0x5c: {  	v4 =	vmul.f32 v4, v3;
	v5 =	vmul.f32 v5, v2  }
0x5d: {  	v8 =	vld [tilespmem:s21+$0x0]  }
0x5e: {  	v4 =	vadd.f32 v5, v4;
	v5 =	vmul.f32 v6, v0  }
0x5f: {  	v6 =	vld [tilespmem:s21+$0x80]  }
0x60: {  	v4 =	vadd.f32 v5, v4;
	v5 =	vmul.f32 v7, v1  }
0x61: {  	v7 =	vld [tilespmem:s21+$0x100]  }
0x62: {  	v4 =	vadd.f32 v5, v4;
	v5 =	vmul.f32 v8, v3  }
0x63: {  	v8 =	vld [tilespmem:s21+$0x180]  }
0x64: {  	v4 =	vadd.f32 v5, v4;
	v5 =	vmul.f32 v6, v2;
	_ =	sdelay $0x1  }
0x65: {  	v4 =	vadd.f32 v5, v4;
	v5 =	vmul.f32 v7, v0;
	_ =	sdelay $0x1  }
0x66: {  	v4 =	vadd.f32 v5, v4;
	v5 =	vmul.f32 v8, v1;
	_ =	sdelay $0x1  }
.Ltmp1:
0x67: {  	v4 =	vadd.f32 v5, v4;
	(pc) =	sbr.rel @p2 .LBB2_5-.Ltmp1, $4  }
0x68: {  	s5 =	sshra.s32 s2, $0x2;
	s2 =	smov.u32 s17  }
0x69: {  	s21 =	sadd.s32 $0x400, s21;
	[tilespmem:s5+$0x8310] =	vst v4  }
0x6a: {  	v4 =	vld [tilespmem:s21+$0xFFFFFE00]  }
0x6b: {  	s17 =	sadd.s32 $0x200, s17;
	v5 =	vld [tilespmem:s21+$0xFFFFFE80]  }
0x6c: {  	_ = 	snop  }
0x6d: {  	v6 =	vld [tilespmem:s21+$0xFFFFFF00];
	_ =	sdelay $0x1  }
0x6e: {  	v7 =	vld [tilespmem:s21+$0xFFFFFF80]  }
0x6f: {  	v4 =	vmul.f32 v4, v3;
	v5 =	vmul.f32 v5, v2  }
0x70: {  	v8 =	vld [tilespmem:s21+$0x0]  }
0x71: {  	v4 =	vadd.f32 v5, v4;
	v5 =	vmul.f32 v6, v0  }
0x72: {  	v6 =	vld [tilespmem:s21+$0x80]  }
0x73: {  	v4 =	vadd.f32 v5, v4;
	v5 =	vmul.f32 v7, v1  }
0x74: {  	v7 =	vld [tilespmem:s21+$0x100]  }
0x75: {  	v3 =	vmul.f32 v8, v3;
	v4 =	vadd.f32 v5, v4  }
0x76: {  	v5 =	vld [tilespmem:s21+$0x180]  }
0x77: {  	v2 =	vmul.f32 v6, v2;
	v3 =	vadd.f32 v3, v4;
	_ =	sdelay $0x1  }
0x78: {  	v0 =	vmul.f32 v7, v0;
	v2 =	vadd.f32 v2, v3;
	_ =	sdelay $0x1  }
0x79: {  	v1 =	vmul.f32 v5, v1;
	v0 =	vadd.f32 v0, v2;
	_ =	sdelay $0x1  }
0x7a: {  	v0 =	vadd.f32 v1, v0  }
0x7b: {  	s2 =	sshra.s32 s2, $0x2  }
0x7c: {  	[tilespmem:s2+$0x8310] =	vst v0  }
0x7d: {  	v3 =	vld [tilespmem:$0x20]  }
0x7e: {  	v2 =	vld [tilespmem:$0xA0]  }
0x7f: {  	v0 =	vld [tilespmem:$0x120]  }
0x80: {  	s21 =	simm.s32 $0x520;
	v1 =	vld [tilespmem:$0x1A0]  }
0x81: {  	v4 =	vld [tilespmem:s21+$0xFFFFFE00]  }
0x82: {  	s17 =	simm.s32 $0x200;
	s2 =	simm.s32 $0x0;
	v5 =	vld [tilespmem:s21+$0xFFFFFE80]  }
.LBB2_7:
0x83: {  	p2 =	sne.s32 s17, $0x1E00  }
0x84: {  	v6 =	vld [tilespmem:s21+$0xFFFFFF00];
	_ =	sdelay $0x1  }
0x85: {  	v7 =	vld [tilespmem:s21+$0xFFFFFF80]  }
0x86: {  	v4 =	vmul.f32 v4, v3;
	v5 =	vmul.f32 v5, v2  }
0x87: {  	v8 =	vld [tilespmem:s21+$0x0]  }
0x88: {  	v4 =	vadd.f32 v5, v4;
	v5 =	vmul.f32 v6, v0  }
0x89: {  	v6 =	vld [tilespmem:s21+$0x80]  }
0x8a: {  	v4 =	vadd.f32 v5, v4;
	v5 =	vmul.f32 v7, v1  }
0x8b: {  	v7 =	vld [tilespmem:s21+$0x100]  }
0x8c: {  	v4 =	vadd.f32 v5, v4;
	v5 =	vmul.f32 v8, v3  }
0x8d: {  	v8 =	vld [tilespmem:s21+$0x180]  }
0x8e: {  	v4 =	vadd.f32 v5, v4;
	v5 =	vmul.f32 v6, v2;
	_ =	sdelay $0x1  }
0x8f: {  	v4 =	vadd.f32 v5, v4;
	v5 =	vmul.f32 v7, v0;
	_ =	sdelay $0x1  }
0x90: {  	v4 =	vadd.f32 v5, v4;
	v5 =	vmul.f32 v8, v1;
	_ =	sdelay $0x1  }
.Ltmp2:
0x91: {  	v4 =	vadd.f32 v5, v4;
	(pc) =	sbr.rel @p2 .LBB2_7-.Ltmp2, $4  }
0x92: {  	s5 =	sshra.s32 s2, $0x2;
	s2 =	smov.u32 s17  }
0x93: {  	s21 =	sadd.s32 $0x400, s21;
	[tilespmem:s5+$0x8320] =	vst v4  }
0x94: {  	v4 =	vld [tilespmem:s21+$0xFFFFFE00]  }
0x95: {  	s17 =	sadd.s32 $0x200, s17;
	v5 =	vld [tilespmem:s21+$0xFFFFFE80]  }
0x96: {  	_ = 	snop  }
0x97: {  	v6 =	vld [tilespmem:s21+$0xFFFFFF00];
	_ =	sdelay $0x1  }
0x98: {  	v7 =	vld [tilespmem:s21+$0xFFFFFF80]  }
0x99: {  	v4 =	vmul.f32 v4, v3;
	v5 =	vmul.f32 v5, v2  }
0x9a: {  	v8 =	vld [tilespmem:s21+$0x0]  }
0x9b: {  	v4 =	vadd.f32 v5, v4;
	v5 =	vmul.f32 v6, v0  }
0x9c: {  	v6 =	vld [tilespmem:s21+$0x80]  }
0x9d: {  	v4 =	vadd.f32 v5, v4;
	v5 =	vmul.f32 v7, v1  }
0x9e: {  	v7 =	vld [tilespmem:s21+$0x100]  }
0x9f: {  	v3 =	vmul.f32 v8, v3;
	v4 =	vadd.f32 v5, v4  }
0xa0: {  	v5 =	vld [tilespmem:s21+$0x180]  }
0xa1: {  	v2 =	vmul.f32 v6, v2;
	v3 =	vadd.f32 v3, v4;
	_ =	sdelay $0x1  }
0xa2: {  	v0 =	vmul.f32 v7, v0;
	v2 =	vadd.f32 v2, v3;
	_ =	sdelay $0x1  }
0xa3: {  	v1 =	vmul.f32 v5, v1;
	v0 =	vadd.f32 v0, v2;
	_ =	sdelay $0x1  }
0xa4: {  	v0 =	vadd.f32 v1, v0  }
0xa5: {  	s2 =	sshra.s32 s2, $0x2  }
0xa6: {  	[tilespmem:s2+$0x8320] =	vst v0  }
0xa7: {  	v3 =	vld [tilespmem:$0x30]  }
0xa8: {  	v2 =	vld [tilespmem:$0xB0]  }
0xa9: {  	v0 =	vld [tilespmem:$0x130]  }
0xaa: {  	s21 =	simm.s32 $0x530;
	v1 =	vld [tilespmem:$0x1B0]  }
0xab: {  	v4 =	vld [tilespmem:s21+$0xFFFFFE00]  }
0xac: {  	s17 =	simm.s32 $0x200;
	s2 =	simm.s32 $0x0;
	v5 =	vld [tilespmem:s21+$0xFFFFFE80]  }
.LBB2_9:
0xad: {  	p2 =	sne.s32 s17, $0x1E00  }
0xae: {  	v6 =	vld [tilespmem:s21+$0xFFFFFF00];
	_ =	sdelay $0x1  }
0xaf: {  	v7 =	vld [tilespmem:s21+$0xFFFFFF80]  }
0xb0: {  	v4 =	vmul.f32 v4, v3;
	v5 =	vmul.f32 v5, v2  }
0xb1: {  	v8 =	vld [tilespmem:s21+$0x0]  }
0xb2: {  	v4 =	vadd.f32 v5, v4;
	v5 =	vmul.f32 v6, v0  }
0xb3: {  	v6 =	vld [tilespmem:s21+$0x80]  }
0xb4: {  	v4 =	vadd.f32 v5, v4;
	v5 =	vmul.f32 v7, v1  }
0xb5: {  	v7 =	vld [tilespmem:s21+$0x100]  }
0xb6: {  	v4 =	vadd.f32 v5, v4;
	v5 =	vmul.f32 v8, v3  }
0xb7: {  	v8 =	vld [tilespmem:s21+$0x180]  }
0xb8: {  	v4 =	vadd.f32 v5, v4;
	v5 =	vmul.f32 v6, v2;
	_ =	sdelay $0x1  }
0xb9: {  	v4 =	vadd.f32 v5, v4;
	v5 =	vmul.f32 v7, v0;
	_ =	sdelay $0x1  }
0xba: {  	v4 =	vadd.f32 v5, v4;
	v5 =	vmul.f32 v8, v1;
	_ =	sdelay $0x1  }
.Ltmp3:
0xbb: {  	v4 =	vadd.f32 v5, v4;
	(pc) =	sbr.rel @p2 .LBB2_9-.Ltmp3, $4  }
0xbc: {  	s5 =	sshra.s32 s2, $0x2;
	s2 =	smov.u32 s17  }
0xbd: {  	s21 =	sadd.s32 $0x400, s21;
	[tilespmem:s5+$0x8330] =	vst v4  }
0xbe: {  	v4 =	vld [tilespmem:s21+$0xFFFFFE00]  }
0xbf: {  	s17 =	sadd.s32 $0x200, s17;
	v5 =	vld [tilespmem:s21+$0xFFFFFE80]  }
0xc0: {  	_ = 	snop  }
0xc1: {  	v6 =	vld [tilespmem:s21+$0xFFFFFF00];
	_ =	sdelay $0x1  }
0xc2: {  	v7 =	vld [tilespmem:s21+$0xFFFFFF80]  }
0xc3: {  	v4 =	vmul.f32 v4, v3;
	v5 =	vmul.f32 v5, v2  }
0xc4: {  	v8 =	vld [tilespmem:s21+$0x0]  }
0xc5: {  	v4 =	vadd.f32 v5, v4;
	v5 =	vmul.f32 v6, v0  }
0xc6: {  	v6 =	vld [tilespmem:s21+$0x80]  }
0xc7: {  	v4 =	vadd.f32 v5, v4;
	v5 =	vmul.f32 v7, v1  }
0xc8: {  	v7 =	vld [tilespmem:s21+$0x100]  }
0xc9: {  	v3 =	vmul.f32 v8, v3;
	v4 =	vadd.f32 v5, v4  }
0xca: {  	v5 =	vld [tilespmem:s21+$0x180]  }
0xcb: {  	v2 =	vmul.f32 v6, v2;
	v3 =	vadd.f32 v3, v4;
	_ =	sdelay $0x1  }
0xcc: {  	v0 =	vmul.f32 v7, v0;
	v2 =	vadd.f32 v2, v3;
	_ =	sdelay $0x1  }
0xcd: {  	v1 =	vmul.f32 v5, v1;
	v0 =	vadd.f32 v0, v2;
	_ =	sdelay $0x1  }
0xce: {  	v0 =	vadd.f32 v1, v0  }
0xcf: {  	s2 =	sshra.s32 s2, $0x2  }
0xd0: {  	[tilespmem:s2+$0x8330] =	vst v0  }
0xd1: {  	v3 =	vld [tilespmem:$0x40]  }
0xd2: {  	v2 =	vld [tilespmem:$0xC0]  }
0xd3: {  	v0 =	vld [tilespmem:$0x140]  }
0xd4: {  	s21 =	simm.s32 $0x540;
	v1 =	vld [tilespmem:$0x1C0]  }
0xd5: {  	v4 =	vld [tilespmem:s21+$0xFFFFFE00]  }
0xd6: {  	s17 =	simm.s32 $0x200;
	s2 =	simm.s32 $0x0;
	v5 =	vld [tilespmem:s21+$0xFFFFFE80]  }
.LBB2_11:
0xd7: {  	p2 =	sne.s32 s17, $0x1E00  }
0xd8: {  	v6 =	vld [tilespmem:s21+$0xFFFFFF00];
	_ =	sdelay $0x1  }
0xd9: {  	v7 =	vld [tilespmem:s21+$0xFFFFFF80]  }
0xda: {  	v4 =	vmul.f32 v4, v3;
	v5 =	vmul.f32 v5, v2  }
0xdb: {  	v8 =	vld [tilespmem:s21+$0x0]  }
0xdc: {  	v4 =	vadd.f32 v5, v4;
	v5 =	vmul.f32 v6, v0  }
0xdd: {  	v6 =	vld [tilespmem:s21+$0x80]  }
0xde: {  	v4 =	vadd.f32 v5, v4;
	v5 =	vmul.f32 v7, v1  }
0xdf: {  	v7 =	vld [tilespmem:s21+$0x100]  }
0xe0: {  	v4 =	vadd.f32 v5, v4;
	v5 =	vmul.f32 v8, v3  }
0xe1: {  	v8 =	vld [tilespmem:s21+$0x180]  }
0xe2: {  	v4 =	vadd.f32 v5, v4;
	v5 =	vmul.f32 v6, v2;
	_ =	sdelay $0x1  }
0xe3: {  	v4 =	vadd.f32 v5, v4;
	v5 =	vmul.f32 v7, v0;
	_ =	sdelay $0x1  }
0xe4: {  	v4 =	vadd.f32 v5, v4;
	v5 =	vmul.f32 v8, v1;
	_ =	sdelay $0x1  }
.Ltmp4:
0xe5: {  	v4 =	vadd.f32 v5, v4;
	(pc) =	sbr.rel @p2 .LBB2_11-.Ltmp4, $4  }
0xe6: {  	s5 =	sshra.s32 s2, $0x2;
	s2 =	smov.u32 s17  }
0xe7: {  	s21 =	sadd.s32 $0x400, s21;
	[tilespmem:s5+$0x8340] =	vst v4  }
0xe8: {  	v4 =	vld [tilespmem:s21+$0xFFFFFE00]  }
0xe9: {  	s17 =	sadd.s32 $0x200, s17;
	v5 =	vld [tilespmem:s21+$0xFFFFFE80]  }
0xea: {  	_ = 	snop  }
0xeb: {  	v6 =	vld [tilespmem:s21+$0xFFFFFF00];
	_ =	sdelay $0x1  }
0xec: {  	v7 =	vld [tilespmem:s21+$0xFFFFFF80]  }
0xed: {  	v4 =	vmul.f32 v4, v3;
	v5 =	vmul.f32 v5, v2  }
0xee: {  	v8 =	vld [tilespmem:s21+$0x0]  }
0xef: {  	v4 =	vadd.f32 v5, v4;
	v5 =	vmul.f32 v6, v0  }
0xf0: {  	v6 =	vld [tilespmem:s21+$0x80]  }
0xf1: {  	v4 =	vadd.f32 v5, v4;
	v5 =	vmul.f32 v7, v1  }
0xf2: {  	v7 =	vld [tilespmem:s21+$0x100]  }
0xf3: {  	v3 =	vmul.f32 v8, v3;
	v4 =	vadd.f32 v5, v4  }
0xf4: {  	v5 =	vld [tilespmem:s21+$0x180]  }
0xf5: {  	v2 =	vmul.f32 v6, v2;
	v3 =	vadd.f32 v3, v4;
	_ =	sdelay $0x1  }
0xf6: {  	v0 =	vmul.f32 v7, v0;
	v2 =	vadd.f32 v2, v3;
	_ =	sdelay $0x1  }
0xf7: {  	v1 =	vmul.f32 v5, v1;
	v0 =	vadd.f32 v0, v2;
	_ =	sdelay $0x1  }
0xf8: {  	v0 =	vadd.f32 v1, v0  }
0xf9: {  	s2 =	sshra.s32 s2, $0x2  }
0xfa: {  	[tilespmem:s2+$0x8340] =	vst v0  }
0xfb: {  	v3 =	vld [tilespmem:$0x50]  }
0xfc: {  	v2 =	vld [tilespmem:$0xD0]  }
0xfd: {  	v0 =	vld [tilespmem:$0x150]  }
0xfe: {  	s21 =	simm.s32 $0x550;
	v1 =	vld [tilespmem:$0x1D0]  }
0xff: {  	v4 =	vld [tilespmem:s21+$0xFFFFFE00]  }
0x100: {  	s17 =	simm.s32 $0x200;
	s2 =	simm.s32 $0x0;
	v5 =	vld [tilespmem:s21+$0xFFFFFE80]  }
.LBB2_13:
0x101: {  	p2 =	sne.s32 s17, $0x1E00  }
0x102: {  	v6 =	vld [tilespmem:s21+$0xFFFFFF00];
	_ =	sdelay $0x1  }
0x103: {  	v7 =	vld [tilespmem:s21+$0xFFFFFF80]  }
0x104: {  	v4 =	vmul.f32 v4, v3;
	v5 =	vmul.f32 v5, v2  }
0x105: {  	v8 =	vld [tilespmem:s21+$0x0]  }
0x106: {  	v4 =	vadd.f32 v5, v4;
	v5 =	vmul.f32 v6, v0  }
0x107: {  	v6 =	vld [tilespmem:s21+$0x80]  }
0x108: {  	v4 =	vadd.f32 v5, v4;
	v5 =	vmul.f32 v7, v1  }
0x109: {  	v7 =	vld [tilespmem:s21+$0x100]  }
0x10a: {  	v4 =	vadd.f32 v5, v4;
	v5 =	vmul.f32 v8, v3  }
0x10b: {  	v8 =	vld [tilespmem:s21+$0x180]  }
0x10c: {  	v4 =	vadd.f32 v5, v4;
	v5 =	vmul.f32 v6, v2;
	_ =	sdelay $0x1  }
0x10d: {  	v4 =	vadd.f32 v5, v4;
	v5 =	vmul.f32 v7, v0;
	_ =	sdelay $0x1  }
0x10e: {  	v4 =	vadd.f32 v5, v4;
	v5 =	vmul.f32 v8, v1;
	_ =	sdelay $0x1  }
.Ltmp5:
0x10f: {  	v4 =	vadd.f32 v5, v4;
	(pc) =	sbr.rel @p2 .LBB2_13-.Ltmp5, $4  }
0x110: {  	s5 =	sshra.s32 s2, $0x2;
	s2 =	smov.u32 s17  }
0x111: {  	s21 =	sadd.s32 $0x400, s21;
	[tilespmem:s5+$0x8350] =	vst v4  }
0x112: {  	v4 =	vld [tilespmem:s21+$0xFFFFFE00]  }
0x113: {  	s17 =	sadd.s32 $0x200, s17;
	v5 =	vld [tilespmem:s21+$0xFFFFFE80]  }
0x114: {  	_ = 	snop  }
0x115: {  	v6 =	vld [tilespmem:s21+$0xFFFFFF00];
	_ =	sdelay $0x1  }
0x116: {  	v7 =	vld [tilespmem:s21+$0xFFFFFF80]  }
0x117: {  	v4 =	vmul.f32 v4, v3;
	v5 =	vmul.f32 v5, v2  }
0x118: {  	v8 =	vld [tilespmem:s21+$0x0]  }
0x119: {  	v4 =	vadd.f32 v5, v4;
	v5 =	vmul.f32 v6, v0  }
0x11a: {  	v6 =	vld [tilespmem:s21+$0x80]  }
0x11b: {  	v4 =	vadd.f32 v5, v4;
	v5 =	vmul.f32 v7, v1  }
0x11c: {  	v7 =	vld [tilespmem:s21+$0x100]  }
0x11d: {  	v3 =	vmul.f32 v8, v3;
	v4 =	vadd.f32 v5, v4  }
0x11e: {  	v5 =	vld [tilespmem:s21+$0x180]  }
0x11f: {  	v2 =	vmul.f32 v6, v2;
	v3 =	vadd.f32 v3, v4;
	_ =	sdelay $0x1  }
0x120: {  	v0 =	vmul.f32 v7, v0;
	v2 =	vadd.f32 v2, v3;
	_ =	sdelay $0x1  }
0x121: {  	v1 =	vmul.f32 v5, v1;
	v0 =	vadd.f32 v0, v2;
	_ =	sdelay $0x1  }
0x122: {  	v0 =	vadd.f32 v1, v0  }
0x123: {  	s2 =	sshra.s32 s2, $0x2  }
0x124: {  	[tilespmem:s2+$0x8350] =	vst v0  }
0x125: {  	v3 =	vld [tilespmem:$0x60]  }
0x126: {  	v2 =	vld [tilespmem:$0xE0]  }
0x127: {  	v0 =	vld [tilespmem:$0x160]  }
0x128: {  	s21 =	simm.s32 $0x560;
	v1 =	vld [tilespmem:$0x1E0]  }
0x129: {  	v4 =	vld [tilespmem:s21+$0xFFFFFE00]  }
0x12a: {  	s17 =	simm.s32 $0x200;
	s2 =	simm.s32 $0x0;
	v5 =	vld [tilespmem:s21+$0xFFFFFE80]  }
.LBB2_15:
0x12b: {  	p2 =	sne.s32 s17, $0x1E00  }
0x12c: {  	v6 =	vld [tilespmem:s21+$0xFFFFFF00];
	_ =	sdelay $0x1  }
0x12d: {  	v7 =	vld [tilespmem:s21+$0xFFFFFF80]  }
0x12e: {  	v4 =	vmul.f32 v4, v3;
	v5 =	vmul.f32 v5, v2  }
0x12f: {  	v8 =	vld [tilespmem:s21+$0x0]  }
0x130: {  	v4 =	vadd.f32 v5, v4;
	v5 =	vmul.f32 v6, v0  }
0x131: {  	v6 =	vld [tilespmem:s21+$0x80]  }
0x132: {  	v4 =	vadd.f32 v5, v4;
	v5 =	vmul.f32 v7, v1  }
0x133: {  	v7 =	vld [tilespmem:s21+$0x100]  }
0x134: {  	v4 =	vadd.f32 v5, v4;
	v5 =	vmul.f32 v8, v3  }
0x135: {  	v8 =	vld [tilespmem:s21+$0x180]  }
0x136: {  	v4 =	vadd.f32 v5, v4;
	v5 =	vmul.f32 v6, v2;
	_ =	sdelay $0x1  }
0x137: {  	v4 =	vadd.f32 v5, v4;
	v5 =	vmul.f32 v7, v0;
	_ =	sdelay $0x1  }
0x138: {  	v4 =	vadd.f32 v5, v4;
	v5 =	vmul.f32 v8, v1;
	_ =	sdelay $0x1  }
.Ltmp6:
0x139: {  	v4 =	vadd.f32 v5, v4;
	(pc) =	sbr.rel @p2 .LBB2_15-.Ltmp6, $4  }
0x13a: {  	s5 =	sshra.s32 s2, $0x2;
	s2 =	smov.u32 s17  }
0x13b: {  	s21 =	sadd.s32 $0x400, s21;
	[tilespmem:s5+$0x8360] =	vst v4  }
0x13c: {  	v4 =	vld [tilespmem:s21+$0xFFFFFE00]  }
0x13d: {  	s17 =	sadd.s32 $0x200, s17;
	v5 =	vld [tilespmem:s21+$0xFFFFFE80]  }
0x13e: {  	_ = 	snop  }
0x13f: {  	v6 =	vld [tilespmem:s21+$0xFFFFFF00];
	_ =	sdelay $0x1  }
0x140: {  	v7 =	vld [tilespmem:s21+$0xFFFFFF80]  }
0x141: {  	v4 =	vmul.f32 v4, v3;
	v5 =	vmul.f32 v5, v2  }
0x142: {  	v8 =	vld [tilespmem:s21+$0x0]  }
0x143: {  	v4 =	vadd.f32 v5, v4;
	v5 =	vmul.f32 v6, v0  }
0x144: {  	v6 =	vld [tilespmem:s21+$0x80]  }
0x145: {  	v4 =	vadd.f32 v5, v4;
	v5 =	vmul.f32 v7, v1  }
0x146: {  	v7 =	vld [tilespmem:s21+$0x100]  }
0x147: {  	v3 =	vmul.f32 v8, v3;
	v4 =	vadd.f32 v5, v4  }
0x148: {  	v5 =	vld [tilespmem:s21+$0x180]  }
0x149: {  	v2 =	vmul.f32 v6, v2;
	v3 =	vadd.f32 v3, v4;
	_ =	sdelay $0x1  }
0x14a: {  	v0 =	vmul.f32 v7, v0;
	v2 =	vadd.f32 v2, v3;
	_ =	sdelay $0x1  }
0x14b: {  	v1 =	vmul.f32 v5, v1;
	v0 =	vadd.f32 v0, v2;
	_ =	sdelay $0x1  }
0x14c: {  	v0 =	vadd.f32 v1, v0  }
0x14d: {  	s2 =	sshra.s32 s2, $0x2  }
0x14e: {  	[tilespmem:s2+$0x8360] =	vst v0  }
0x14f: {  	v3 =	vld [tilespmem:$0x70]  }
0x150: {  	v2 =	vld [tilespmem:$0xF0]  }
0x151: {  	v0 =	vld [tilespmem:$0x170]  }
0x152: {  	s2 =	simm.s32 $0x570;
	v1 =	vld [tilespmem:$0x1F0]  }
0x153: {  	v4 =	vld [tilespmem:s2+$0xFFFFFE00]  }
0x154: {  	s17 =	simm.s32 $0x200;
	s21 =	simm.s32 $0x0;
	v5 =	vld [tilespmem:s2+$0xFFFFFE80]  }
.LBB2_17:
0x155: {  	p2 =	sne.s32 s17, $0x1E00  }
0x156: {  	v6 =	vld [tilespmem:s2+$0xFFFFFF00];
	_ =	sdelay $0x1  }
0x157: {  	v7 =	vld [tilespmem:s2+$0xFFFFFF80]  }
0x158: {  	v4 =	vmul.f32 v4, v3;
	v5 =	vmul.f32 v5, v2  }
0x159: {  	v8 =	vld [tilespmem:s2+$0x0]  }
0x15a: {  	v4 =	vadd.f32 v5, v4;
	v5 =	vmul.f32 v6, v0  }
0x15b: {  	v6 =	vld [tilespmem:s2+$0x80]  }
0x15c: {  	v4 =	vadd.f32 v5, v4;
	v5 =	vmul.f32 v7, v1  }
0x15d: {  	v7 =	vld [tilespmem:s2+$0x100]  }
0x15e: {  	v4 =	vadd.f32 v5, v4;
	v5 =	vmul.f32 v8, v3  }
0x15f: {  	v8 =	vld [tilespmem:s2+$0x180]  }
0x160: {  	v4 =	vadd.f32 v5, v4;
	v5 =	vmul.f32 v6, v2;
	_ =	sdelay $0x1  }
0x161: {  	v4 =	vadd.f32 v5, v4;
	v5 =	vmul.f32 v7, v0;
	_ =	sdelay $0x1  }
0x162: {  	v4 =	vadd.f32 v5, v4;
	v5 =	vmul.f32 v8, v1;
	_ =	sdelay $0x1  }
.Ltmp7:
0x163: {  	v4 =	vadd.f32 v5, v4;
	(pc) =	sbr.rel @p2 .LBB2_17-.Ltmp7, $4  }
0x164: {  	s5 =	sshra.s32 s21, $0x2;
	s21 =	smov.u32 s17  }
0x165: {  	s2 =	sadd.s32 $0x400, s2;
	[tilespmem:s5+$0x8370] =	vst v4  }
0x166: {  	v4 =	vld [tilespmem:s2+$0xFFFFFE00]  }
0x167: {  	s17 =	sadd.s32 $0x200, s17;
	v5 =	vld [tilespmem:s2+$0xFFFFFE80]  }
0x168: {  	_ = 	snop  }
0x169: {  	v6 =	vld [tilespmem:s2+$0xFFFFFF00];
	_ =	sdelay $0x1  }
0x16a: {  	v7 =	vld [tilespmem:s2+$0xFFFFFF80]  }
0x16b: {  	v4 =	vmul.f32 v4, v3;
	v5 =	vmul.f32 v5, v2  }
0x16c: {  	v8 =	vld [tilespmem:s2+$0x0]  }
0x16d: {  	v4 =	vadd.f32 v5, v4;
	v5 =	vmul.f32 v6, v0  }
0x16e: {  	v6 =	vld [tilespmem:s2+$0x80]  }
0x16f: {  	v4 =	vadd.f32 v5, v4;
	v5 =	vmul.f32 v7, v1  }
0x170: {  	v7 =	vld [tilespmem:s2+$0x100]  }
0x171: {  	v3 =	vmul.f32 v8, v3;
	v4 =	vadd.f32 v5, v4  }
0x172: {  	v5 =	vld [tilespmem:s2+$0x180]  }
0x173: {  	v2 =	vmul.f32 v6, v2;
	v3 =	vadd.f32 v3, v4;
	_ =	sdelay $0x1  }
0x174: {  	v0 =	vmul.f32 v7, v0;
	v2 =	vadd.f32 v2, v3;
	_ =	sdelay $0x1  }
0x175: {  	v1 =	vmul.f32 v5, v1;
	v0 =	vadd.f32 v0, v2  }
0x176: {  	s2 =	sshll.u32 s31, $0xC  }
0x177: {  	s5 =	sadd.s32 s10, s2;
	v0 =	vadd.f32 v1, v0  }
0x178: {  	s17 =	sshra.s32 s21, $0x2;
	s5 =	sshrl.u32 s5, $0x3  }
0x179: {  	s0 =	sadd.s32 @!p0 s0, s13;
	s5 =	sadd.s32 s6, s5;
	[tilespmem:s17+$0x8370] =	vst v0  }
0x17a: {  	[hbm4b:s5+s4] =	stream.linear.scatter [tilespmem:s25], [sflag:$0x5], $0x800, $0x38;
	[tilespmem:$0x9300] =	vst v63  }
0x17b: {  	s0 =	sshll.u32 @!p0 s0, $0x4;
	_ =	swait.ge [sflag:s26], $0x4000  }
0x17c: {  	s0 =	sadd.s32 @!p0 s1, s0;
	[sflag:s26] =	ssyncset.done $0x0  }
0x17d: {  	s17 =	simm.s32 @!p0 $0x280;
	s5 =	simm.s32 @!p0 $0x0;
	[sflag:s26] =	ssyncadd.s32 $0xFFFFC000  }
0x17e: {  	[tilespmem:s17], [sflag:$0x2] =	stream.linear.gather @!p0 [hbm4b:s0+s5], $0x80, $0x38;
	[tilespmem:$0x9300] =	vst v63  }
0x17f: {  	s0 =	simm.s32 @!p0 $0x1  }
0x180: {  	_ =	swait.ge @!p0 [sflag:s0], $0x80  }
0x181: {  	s5 =	simm.s32 @!p0 $0x200;
	[sflag:s0] =	ssyncset.done @!p0 $0x0  }
0x182: {  	s17 =	simm.s32 @!p0 $0x300;
	[sflag:s0] =	ssyncadd.s32 @!p0 $0xFFFFFF80;
	s0 =	simm.s32 @!p0 $0x80  }
0x183: {  	[tilespmem:s17], [sflag:$0x3] =	stream.indirect.gather @!p0 [hbm4b:s3+s0], $0x80, s5, s0, $0xb8;
	[tilespmem:$0x9300] =	vst v63  }
0x184: {  	s0 =	simm.s32 @!p1 $0x5  }
0x185: {  	_ =	swait.ge @!p1 [sflag:s0], $0x800  }
0x186: {  	[sflag:s0] =	ssyncset.done @!p1 $0x0  }
0x187: {  	[sflag:s0] =	ssyncadd.s32 @!p1 $0xFFFFF800  }
0x188: {  	v3 =	vld [tilespmem:$0x0]  }
0x189: {  	v2 =	vld [tilespmem:$0x80]  }
0x18a: {  	v0 =	vld [tilespmem:$0x100]  }
0x18b: {  	s21 =	simm.s32 $0x4500;
	v1 =	vld [tilespmem:$0x180]  }
0x18c: {  	v4 =	vld [tilespmem:s21+$0xFFFFFE00]  }
0x18d: {  	s17 =	simm.s32 $0x200;
	s0 =	simm.s32 $0x0;
	v5 =	vld [tilespmem:s21+$0xFFFFFE80]  }
.LBB2_19:
0x18e: {  	p0 =	sne.s32 s17, $0x1E00  }
0x18f: {  	v6 =	vld [tilespmem:s21+$0xFFFFFF00];
	_ =	sdelay $0x1  }
0x190: {  	v7 =	vld [tilespmem:s21+$0xFFFFFF80]  }
0x191: {  	v4 =	vmul.f32 v4, v3;
	v5 =	vmul.f32 v5, v2  }
0x192: {  	v8 =	vld [tilespmem:s21+$0x0]  }
0x193: {  	v4 =	vadd.f32 v5, v4;
	v5 =	vmul.f32 v6, v0  }
0x194: {  	v6 =	vld [tilespmem:s21+$0x80]  }
0x195: {  	v4 =	vadd.f32 v5, v4;
	v5 =	vmul.f32 v7, v1  }
0x196: {  	v7 =	vld [tilespmem:s21+$0x100]  }
0x197: {  	v4 =	vadd.f32 v5, v4;
	v5 =	vmul.f32 v8, v3  }
0x198: {  	v8 =	vld [tilespmem:s21+$0x180]  }
0x199: {  	v4 =	vadd.f32 v5, v4;
	v5 =	vmul.f32 v6, v2;
	_ =	sdelay $0x1  }
0x19a: {  	v4 =	vadd.f32 v5, v4;
	v5 =	vmul.f32 v7, v0;
	_ =	sdelay $0x1  }
0x19b: {  	v4 =	vadd.f32 v5, v4;
	v5 =	vmul.f32 v8, v1;
	_ =	sdelay $0x1  }
.Ltmp8:
0x19c: {  	v4 =	vadd.f32 v5, v4;
	(pc) =	sbr.rel @p0 .LBB2_19-.Ltmp8, $4  }
0x19d: {  	s5 =	sshra.s32 s0, $0x2;
	s0 =	smov.u32 s17  }
0x19e: {  	s21 =	sadd.s32 $0x400, s21;
	[tilespmem:s5+$0x8B00] =	vst v4  }
0x19f: {  	v4 =	vld [tilespmem:s21+$0xFFFFFE00]  }
0x1a0: {  	s17 =	sadd.s32 $0x200, s17;
	v5 =	vld [tilespmem:s21+$0xFFFFFE80]  }
0x1a1: {  	_ = 	snop  }
0x1a2: {  	v6 =	vld [tilespmem:s21+$0xFFFFFF00];
	_ =	sdelay $0x1  }
0x1a3: {  	v7 =	vld [tilespmem:s21+$0xFFFFFF80]  }
0x1a4: {  	v4 =	vmul.f32 v4, v3;
	v5 =	vmul.f32 v5, v2  }
0x1a5: {  	v8 =	vld [tilespmem:s21+$0x0]  }
0x1a6: {  	v4 =	vadd.f32 v5, v4;
	v5 =	vmul.f32 v6, v0  }
0x1a7: {  	v6 =	vld [tilespmem:s21+$0x80]  }
0x1a8: {  	v4 =	vadd.f32 v5, v4;
	v5 =	vmul.f32 v7, v1  }
0x1a9: {  	v7 =	vld [tilespmem:s21+$0x100]  }
0x1aa: {  	v3 =	vmul.f32 v8, v3;
	v4 =	vadd.f32 v5, v4  }
0x1ab: {  	v5 =	vld [tilespmem:s21+$0x180]  }
0x1ac: {  	v2 =	vmul.f32 v6, v2;
	v3 =	vadd.f32 v3, v4;
	_ =	sdelay $0x1  }
0x1ad: {  	v0 =	vmul.f32 v7, v0;
	v2 =	vadd.f32 v2, v3;
	_ =	sdelay $0x1  }
0x1ae: {  	v1 =	vmul.f32 v5, v1;
	v0 =	vadd.f32 v0, v2;
	_ =	sdelay $0x1  }
0x1af: {  	v0 =	vadd.f32 v1, v0  }
0x1b0: {  	s0 =	sshra.s32 s0, $0x2  }
0x1b1: {  	[tilespmem:s0+$0x8B00] =	vst v0  }
0x1b2: {  	v3 =	vld [tilespmem:$0x10]  }
0x1b3: {  	v2 =	vld [tilespmem:$0x90]  }
0x1b4: {  	v0 =	vld [tilespmem:$0x110]  }
0x1b5: {  	s21 =	simm.s32 $0x4510;
	v1 =	vld [tilespmem:$0x190]  }
0x1b6: {  	v4 =	vld [tilespmem:s21+$0xFFFFFE00]  }
0x1b7: {  	s17 =	simm.s32 $0x200;
	s0 =	simm.s32 $0x0;
	v5 =	vld [tilespmem:s21+$0xFFFFFE80]  }
.LBB2_21:
0x1b8: {  	p0 =	sne.s32 s17, $0x1E00  }
0x1b9: {  	v6 =	vld [tilespmem:s21+$0xFFFFFF00];
	_ =	sdelay $0x1  }
0x1ba: {  	v7 =	vld [tilespmem:s21+$0xFFFFFF80]  }
0x1bb: {  	v4 =	vmul.f32 v4, v3;
	v5 =	vmul.f32 v5, v2  }
0x1bc: {  	v8 =	vld [tilespmem:s21+$0x0]  }
0x1bd: {  	v4 =	vadd.f32 v5, v4;
	v5 =	vmul.f32 v6, v0  }
0x1be: {  	v6 =	vld [tilespmem:s21+$0x80]  }
0x1bf: {  	v4 =	vadd.f32 v5, v4;
	v5 =	vmul.f32 v7, v1  }
0x1c0: {  	v7 =	vld [tilespmem:s21+$0x100]  }
0x1c1: {  	v4 =	vadd.f32 v5, v4;
	v5 =	vmul.f32 v8, v3  }
0x1c2: {  	v8 =	vld [tilespmem:s21+$0x180]  }
0x1c3: {  	v4 =	vadd.f32 v5, v4;
	v5 =	vmul.f32 v6, v2;
	_ =	sdelay $0x1  }
0x1c4: {  	v4 =	vadd.f32 v5, v4;
	v5 =	vmul.f32 v7, v0;
	_ =	sdelay $0x1  }
0x1c5: {  	v4 =	vadd.f32 v5, v4;
	v5 =	vmul.f32 v8, v1;
	_ =	sdelay $0x1  }
.Ltmp9:
0x1c6: {  	v4 =	vadd.f32 v5, v4;
	(pc) =	sbr.rel @p0 .LBB2_21-.Ltmp9, $4  }
0x1c7: {  	s5 =	sshra.s32 s0, $0x2;
	s0 =	smov.u32 s17  }
0x1c8: {  	s21 =	sadd.s32 $0x400, s21;
	[tilespmem:s5+$0x8B10] =	vst v4  }
0x1c9: {  	v4 =	vld [tilespmem:s21+$0xFFFFFE00]  }
0x1ca: {  	s17 =	sadd.s32 $0x200, s17;
	v5 =	vld [tilespmem:s21+$0xFFFFFE80]  }
0x1cb: {  	_ = 	snop  }
0x1cc: {  	v6 =	vld [tilespmem:s21+$0xFFFFFF00];
	_ =	sdelay $0x1  }
0x1cd: {  	v7 =	vld [tilespmem:s21+$0xFFFFFF80]  }
0x1ce: {  	v4 =	vmul.f32 v4, v3;
	v5 =	vmul.f32 v5, v2  }
0x1cf: {  	v8 =	vld [tilespmem:s21+$0x0]  }
0x1d0: {  	v4 =	vadd.f32 v5, v4;
	v5 =	vmul.f32 v6, v0  }
0x1d1: {  	v6 =	vld [tilespmem:s21+$0x80]  }
0x1d2: {  	v4 =	vadd.f32 v5, v4;
	v5 =	vmul.f32 v7, v1  }
0x1d3: {  	v7 =	vld [tilespmem:s21+$0x100]  }
0x1d4: {  	v3 =	vmul.f32 v8, v3;
	v4 =	vadd.f32 v5, v4  }
0x1d5: {  	v5 =	vld [tilespmem:s21+$0x180]  }
0x1d6: {  	v2 =	vmul.f32 v6, v2;
	v3 =	vadd.f32 v3, v4;
	_ =	sdelay $0x1  }
0x1d7: {  	v0 =	vmul.f32 v7, v0;
	v2 =	vadd.f32 v2, v3;
	_ =	sdelay $0x1  }
0x1d8: {  	v1 =	vmul.f32 v5, v1;
	v0 =	vadd.f32 v0, v2;
	_ =	sdelay $0x1  }
0x1d9: {  	v0 =	vadd.f32 v1, v0  }
0x1da: {  	s0 =	sshra.s32 s0, $0x2  }
0x1db: {  	[tilespmem:s0+$0x8B10] =	vst v0  }
0x1dc: {  	v3 =	vld [tilespmem:$0x20]  }
0x1dd: {  	v2 =	vld [tilespmem:$0xA0]  }
0x1de: {  	v0 =	vld [tilespmem:$0x120]  }
0x1df: {  	s21 =	simm.s32 $0x4520;
	v1 =	vld [tilespmem:$0x1A0]  }
0x1e0: {  	v4 =	vld [tilespmem:s21+$0xFFFFFE00]  }
0x1e1: {  	s17 =	simm.s32 $0x200;
	s0 =	simm.s32 $0x0;
	v5 =	vld [tilespmem:s21+$0xFFFFFE80]  }
.LBB2_23:
0x1e2: {  	p0 =	sne.s32 s17, $0x1E00  }
0x1e3: {  	v6 =	vld [tilespmem:s21+$0xFFFFFF00];
	_ =	sdelay $0x1  }
0x1e4: {  	v7 =	vld [tilespmem:s21+$0xFFFFFF80]  }
0x1e5: {  	v4 =	vmul.f32 v4, v3;
	v5 =	vmul.f32 v5, v2  }
0x1e6: {  	v8 =	vld [tilespmem:s21+$0x0]  }
0x1e7: {  	v4 =	vadd.f32 v5, v4;
	v5 =	vmul.f32 v6, v0  }
0x1e8: {  	v6 =	vld [tilespmem:s21+$0x80]  }
0x1e9: {  	v4 =	vadd.f32 v5, v4;
	v5 =	vmul.f32 v7, v1  }
0x1ea: {  	v7 =	vld [tilespmem:s21+$0x100]  }
0x1eb: {  	v4 =	vadd.f32 v5, v4;
	v5 =	vmul.f32 v8, v3  }
0x1ec: {  	v8 =	vld [tilespmem:s21+$0x180]  }
0x1ed: {  	v4 =	vadd.f32 v5, v4;
	v5 =	vmul.f32 v6, v2;
	_ =	sdelay $0x1  }
0x1ee: {  	v4 =	vadd.f32 v5, v4;
	v5 =	vmul.f32 v7, v0;
	_ =	sdelay $0x1  }
0x1ef: {  	v4 =	vadd.f32 v5, v4;
	v5 =	vmul.f32 v8, v1;
	_ =	sdelay $0x1  }
.Ltmp10:
0x1f0: {  	v4 =	vadd.f32 v5, v4;
	(pc) =	sbr.rel @p0 .LBB2_23-.Ltmp10, $4  }
0x1f1: {  	s5 =	sshra.s32 s0, $0x2;
	s0 =	smov.u32 s17  }
0x1f2: {  	s21 =	sadd.s32 $0x400, s21;
	[tilespmem:s5+$0x8B20] =	vst v4  }
0x1f3: {  	v4 =	vld [tilespmem:s21+$0xFFFFFE00]  }
0x1f4: {  	s17 =	sadd.s32 $0x200, s17;
	v5 =	vld [tilespmem:s21+$0xFFFFFE80]  }
0x1f5: {  	_ = 	snop  }
0x1f6: {  	v6 =	vld [tilespmem:s21+$0xFFFFFF00];
	_ =	sdelay $0x1  }
0x1f7: {  	v7 =	vld [tilespmem:s21+$0xFFFFFF80]  }
0x1f8: {  	v4 =	vmul.f32 v4, v3;
	v5 =	vmul.f32 v5, v2  }
0x1f9: {  	v8 =	vld [tilespmem:s21+$0x0]  }
0x1fa: {  	v4 =	vadd.f32 v5, v4;
	v5 =	vmul.f32 v6, v0  }
0x1fb: {  	v6 =	vld [tilespmem:s21+$0x80]  }
0x1fc: {  	v4 =	vadd.f32 v5, v4;
	v5 =	vmul.f32 v7, v1  }
0x1fd: {  	v7 =	vld [tilespmem:s21+$0x100]  }
0x1fe: {  	v3 =	vmul.f32 v8, v3;
	v4 =	vadd.f32 v5, v4  }
0x1ff: {  	v5 =	vld [tilespmem:s21+$0x180]  }
0x200: {  	v2 =	vmul.f32 v6, v2;
	v3 =	vadd.f32 v3, v4;
	_ =	sdelay $0x1  }
0x201: {  	v0 =	vmul.f32 v7, v0;
	v2 =	vadd.f32 v2, v3;
	_ =	sdelay $0x1  }
0x202: {  	v1 =	vmul.f32 v5, v1;
	v0 =	vadd.f32 v0, v2;
	_ =	sdelay $0x1  }
0x203: {  	v0 =	vadd.f32 v1, v0  }
0x204: {  	s0 =	sshra.s32 s0, $0x2  }
0x205: {  	[tilespmem:s0+$0x8B20] =	vst v0  }
0x206: {  	v3 =	vld [tilespmem:$0x30]  }
0x207: {  	v2 =	vld [tilespmem:$0xB0]  }
0x208: {  	v0 =	vld [tilespmem:$0x130]  }
0x209: {  	s21 =	simm.s32 $0x4530;
	v1 =	vld [tilespmem:$0x1B0]  }
0x20a: {  	v4 =	vld [tilespmem:s21+$0xFFFFFE00]  }
0x20b: {  	s17 =	simm.s32 $0x200;
	s0 =	simm.s32 $0x0;
	v5 =	vld [tilespmem:s21+$0xFFFFFE80]  }
.LBB2_25:
0x20c: {  	p0 =	sne.s32 s17, $0x1E00  }
0x20d: {  	v6 =	vld [tilespmem:s21+$0xFFFFFF00];
	_ =	sdelay $0x1  }
0x20e: {  	v7 =	vld [tilespmem:s21+$0xFFFFFF80]  }
0x20f: {  	v4 =	vmul.f32 v4, v3;
	v5 =	vmul.f32 v5, v2  }
0x210: {  	v8 =	vld [tilespmem:s21+$0x0]  }
0x211: {  	v4 =	vadd.f32 v5, v4;
	v5 =	vmul.f32 v6, v0  }
0x212: {  	v6 =	vld [tilespmem:s21+$0x80]  }
0x213: {  	v4 =	vadd.f32 v5, v4;
	v5 =	vmul.f32 v7, v1  }
0x214: {  	v7 =	vld [tilespmem:s21+$0x100]  }
0x215: {  	v4 =	vadd.f32 v5, v4;
	v5 =	vmul.f32 v8, v3  }
0x216: {  	v8 =	vld [tilespmem:s21+$0x180]  }
0x217: {  	v4 =	vadd.f32 v5, v4;
	v5 =	vmul.f32 v6, v2;
	_ =	sdelay $0x1  }
0x218: {  	v4 =	vadd.f32 v5, v4;
	v5 =	vmul.f32 v7, v0;
	_ =	sdelay $0x1  }
0x219: {  	v4 =	vadd.f32 v5, v4;
	v5 =	vmul.f32 v8, v1;
	_ =	sdelay $0x1  }
.Ltmp11:
0x21a: {  	v4 =	vadd.f32 v5, v4;
	(pc) =	sbr.rel @p0 .LBB2_25-.Ltmp11, $4  }
0x21b: {  	s5 =	sshra.s32 s0, $0x2;
	s0 =	smov.u32 s17  }
0x21c: {  	s21 =	sadd.s32 $0x400, s21;
	[tilespmem:s5+$0x8B30] =	vst v4  }
0x21d: {  	v4 =	vld [tilespmem:s21+$0xFFFFFE00]  }
0x21e: {  	s17 =	sadd.s32 $0x200, s17;
	v5 =	vld [tilespmem:s21+$0xFFFFFE80]  }
0x21f: {  	_ = 	snop  }
0x220: {  	v6 =	vld [tilespmem:s21+$0xFFFFFF00];
	_ =	sdelay $0x1  }
0x221: {  	v7 =	vld [tilespmem:s21+$0xFFFFFF80]  }
0x222: {  	v4 =	vmul.f32 v4, v3;
	v5 =	vmul.f32 v5, v2  }
0x223: {  	v8 =	vld [tilespmem:s21+$0x0]  }
0x224: {  	v4 =	vadd.f32 v5, v4;
	v5 =	vmul.f32 v6, v0  }
0x225: {  	v6 =	vld [tilespmem:s21+$0x80]  }
0x226: {  	v4 =	vadd.f32 v5, v4;
	v5 =	vmul.f32 v7, v1  }
0x227: {  	v7 =	vld [tilespmem:s21+$0x100]  }
0x228: {  	v3 =	vmul.f32 v8, v3;
	v4 =	vadd.f32 v5, v4  }
0x229: {  	v5 =	vld [tilespmem:s21+$0x180]  }
0x22a: {  	v2 =	vmul.f32 v6, v2;
	v3 =	vadd.f32 v3, v4;
	_ =	sdelay $0x1  }
0x22b: {  	v0 =	vmul.f32 v7, v0;
	v2 =	vadd.f32 v2, v3;
	_ =	sdelay $0x1  }
0x22c: {  	v1 =	vmul.f32 v5, v1;
	v0 =	vadd.f32 v0, v2;
	_ =	sdelay $0x1  }
0x22d: {  	v0 =	vadd.f32 v1, v0  }
0x22e: {  	s0 =	sshra.s32 s0, $0x2  }
0x22f: {  	[tilespmem:s0+$0x8B30] =	vst v0  }
0x230: {  	v3 =	vld [tilespmem:$0x40]  }
0x231: {  	v2 =	vld [tilespmem:$0xC0]  }
0x232: {  	v0 =	vld [tilespmem:$0x140]  }
0x233: {  	s21 =	simm.s32 $0x4540;
	v1 =	vld [tilespmem:$0x1C0]  }
0x234: {  	v4 =	vld [tilespmem:s21+$0xFFFFFE00]  }
0x235: {  	s17 =	simm.s32 $0x200;
	s0 =	simm.s32 $0x0;
	v5 =	vld [tilespmem:s21+$0xFFFFFE80]  }
.LBB2_27:
0x236: {  	p0 =	sne.s32 s17, $0x1E00  }
0x237: {  	v6 =	vld [tilespmem:s21+$0xFFFFFF00];
	_ =	sdelay $0x1  }
0x238: {  	v7 =	vld [tilespmem:s21+$0xFFFFFF80]  }
0x239: {  	v4 =	vmul.f32 v4, v3;
	v5 =	vmul.f32 v5, v2  }
0x23a: {  	v8 =	vld [tilespmem:s21+$0x0]  }
0x23b: {  	v4 =	vadd.f32 v5, v4;
	v5 =	vmul.f32 v6, v0  }
0x23c: {  	v6 =	vld [tilespmem:s21+$0x80]  }
0x23d: {  	v4 =	vadd.f32 v5, v4;
	v5 =	vmul.f32 v7, v1  }
0x23e: {  	v7 =	vld [tilespmem:s21+$0x100]  }
0x23f: {  	v4 =	vadd.f32 v5, v4;
	v5 =	vmul.f32 v8, v3  }
0x240: {  	v8 =	vld [tilespmem:s21+$0x180]  }
0x241: {  	v4 =	vadd.f32 v5, v4;
	v5 =	vmul.f32 v6, v2;
	_ =	sdelay $0x1  }
0x242: {  	v4 =	vadd.f32 v5, v4;
	v5 =	vmul.f32 v7, v0;
	_ =	sdelay $0x1  }
0x243: {  	v4 =	vadd.f32 v5, v4;
	v5 =	vmul.f32 v8, v1;
	_ =	sdelay $0x1  }
.Ltmp12:
0x244: {  	v4 =	vadd.f32 v5, v4;
	(pc) =	sbr.rel @p0 .LBB2_27-.Ltmp12, $4  }
0x245: {  	s5 =	sshra.s32 s0, $0x2;
	s0 =	smov.u32 s17  }
0x246: {  	s21 =	sadd.s32 $0x400, s21;
	[tilespmem:s5+$0x8B40] =	vst v4  }
0x247: {  	v4 =	vld [tilespmem:s21+$0xFFFFFE00]  }
0x248: {  	s17 =	sadd.s32 $0x200, s17;
	v5 =	vld [tilespmem:s21+$0xFFFFFE80]  }
0x249: {  	_ = 	snop  }
0x24a: {  	v6 =	vld [tilespmem:s21+$0xFFFFFF00];
	_ =	sdelay $0x1  }
0x24b: {  	v7 =	vld [tilespmem:s21+$0xFFFFFF80]  }
0x24c: {  	v4 =	vmul.f32 v4, v3;
	v5 =	vmul.f32 v5, v2  }
0x24d: {  	v8 =	vld [tilespmem:s21+$0x0]  }
0x24e: {  	v4 =	vadd.f32 v5, v4;
	v5 =	vmul.f32 v6, v0  }
0x24f: {  	v6 =	vld [tilespmem:s21+$0x80]  }
0x250: {  	v4 =	vadd.f32 v5, v4;
	v5 =	vmul.f32 v7, v1  }
0x251: {  	v7 =	vld [tilespmem:s21+$0x100]  }
0x252: {  	v3 =	vmul.f32 v8, v3;
	v4 =	vadd.f32 v5, v4  }
0x253: {  	v5 =	vld [tilespmem:s21+$0x180]  }
0x254: {  	v2 =	vmul.f32 v6, v2;
	v3 =	vadd.f32 v3, v4;
	_ =	sdelay $0x1  }
0x255: {  	v0 =	vmul.f32 v7, v0;
	v2 =	vadd.f32 v2, v3;
	_ =	sdelay $0x1  }
0x256: {  	v1 =	vmul.f32 v5, v1;
	v0 =	vadd.f32 v0, v2;
	_ =	sdelay $0x1  }
0x257: {  	v0 =	vadd.f32 v1, v0  }
0x258: {  	s0 =	sshra.s32 s0, $0x2  }
0x259: {  	[tilespmem:s0+$0x8B40] =	vst v0  }
0x25a: {  	v3 =	vld [tilespmem:$0x50]  }
0x25b: {  	v2 =	vld [tilespmem:$0xD0]  }
0x25c: {  	v0 =	vld [tilespmem:$0x150]  }
0x25d: {  	s21 =	simm.s32 $0x4550;
	v1 =	vld [tilespmem:$0x1D0]  }
0x25e: {  	v4 =	vld [tilespmem:s21+$0xFFFFFE00]  }
0x25f: {  	s17 =	simm.s32 $0x200;
	s0 =	simm.s32 $0x0;
	v5 =	vld [tilespmem:s21+$0xFFFFFE80]  }
.LBB2_29:
0x260: {  	p0 =	sne.s32 s17, $0x1E00  }
0x261: {  	v6 =	vld [tilespmem:s21+$0xFFFFFF00];
	_ =	sdelay $0x1  }
0x262: {  	v7 =	vld [tilespmem:s21+$0xFFFFFF80]  }
0x263: {  	v4 =	vmul.f32 v4, v3;
	v5 =	vmul.f32 v5, v2  }
0x264: {  	v8 =	vld [tilespmem:s21+$0x0]  }
0x265: {  	v4 =	vadd.f32 v5, v4;
	v5 =	vmul.f32 v6, v0  }
0x266: {  	v6 =	vld [tilespmem:s21+$0x80]  }
0x267: {  	v4 =	vadd.f32 v5, v4;
	v5 =	vmul.f32 v7, v1  }
0x268: {  	v7 =	vld [tilespmem:s21+$0x100]  }
0x269: {  	v4 =	vadd.f32 v5, v4;
	v5 =	vmul.f32 v8, v3  }
0x26a: {  	v8 =	vld [tilespmem:s21+$0x180]  }
0x26b: {  	v4 =	vadd.f32 v5, v4;
	v5 =	vmul.f32 v6, v2;
	_ =	sdelay $0x1  }
0x26c: {  	v4 =	vadd.f32 v5, v4;
	v5 =	vmul.f32 v7, v0;
	_ =	sdelay $0x1  }
0x26d: {  	v4 =	vadd.f32 v5, v4;
	v5 =	vmul.f32 v8, v1;
	_ =	sdelay $0x1  }
.Ltmp13:
0x26e: {  	v4 =	vadd.f32 v5, v4;
	(pc) =	sbr.rel @p0 .LBB2_29-.Ltmp13, $4  }
0x26f: {  	s5 =	sshra.s32 s0, $0x2;
	s0 =	smov.u32 s17  }
0x270: {  	s21 =	sadd.s32 $0x400, s21;
	[tilespmem:s5+$0x8B50] =	vst v4  }
0x271: {  	v4 =	vld [tilespmem:s21+$0xFFFFFE00]  }
0x272: {  	s17 =	sadd.s32 $0x200, s17;
	v5 =	vld [tilespmem:s21+$0xFFFFFE80]  }
0x273: {  	_ = 	snop  }
0x274: {  	v6 =	vld [tilespmem:s21+$0xFFFFFF00];
	_ =	sdelay $0x1  }
0x275: {  	v7 =	vld [tilespmem:s21+$0xFFFFFF80]  }
0x276: {  	v4 =	vmul.f32 v4, v3;
	v5 =	vmul.f32 v5, v2  }
0x277: {  	v8 =	vld [tilespmem:s21+$0x0]  }
0x278: {  	v4 =	vadd.f32 v5, v4;
	v5 =	vmul.f32 v6, v0  }
0x279: {  	v6 =	vld [tilespmem:s21+$0x80]  }
0x27a: {  	v4 =	vadd.f32 v5, v4;
	v5 =	vmul.f32 v7, v1  }
0x27b: {  	v7 =	vld [tilespmem:s21+$0x100]  }
0x27c: {  	v3 =	vmul.f32 v8, v3;
	v4 =	vadd.f32 v5, v4  }
0x27d: {  	v5 =	vld [tilespmem:s21+$0x180]  }
0x27e: {  	v2 =	vmul.f32 v6, v2;
	v3 =	vadd.f32 v3, v4;
	_ =	sdelay $0x1  }
0x27f: {  	v0 =	vmul.f32 v7, v0;
	v2 =	vadd.f32 v2, v3;
	_ =	sdelay $0x1  }
0x280: {  	v1 =	vmul.f32 v5, v1;
	v0 =	vadd.f32 v0, v2;
	_ =	sdelay $0x1  }
0x281: {  	v0 =	vadd.f32 v1, v0  }
0x282: {  	s0 =	sshra.s32 s0, $0x2  }
0x283: {  	[tilespmem:s0+$0x8B50] =	vst v0  }
0x284: {  	v3 =	vld [tilespmem:$0x60]  }
0x285: {  	v2 =	vld [tilespmem:$0xE0]  }
0x286: {  	v0 =	vld [tilespmem:$0x160]  }
0x287: {  	s21 =	simm.s32 $0x4560;
	v1 =	vld [tilespmem:$0x1E0]  }
0x288: {  	v4 =	vld [tilespmem:s21+$0xFFFFFE00]  }
0x289: {  	s17 =	simm.s32 $0x200;
	s0 =	simm.s32 $0x0;
	v5 =	vld [tilespmem:s21+$0xFFFFFE80]  }
.LBB2_31:
0x28a: {  	p0 =	sne.s32 s17, $0x1E00  }
0x28b: {  	v6 =	vld [tilespmem:s21+$0xFFFFFF00];
	_ =	sdelay $0x1  }
0x28c: {  	v7 =	vld [tilespmem:s21+$0xFFFFFF80]  }
0x28d: {  	v4 =	vmul.f32 v4, v3;
	v5 =	vmul.f32 v5, v2  }
0x28e: {  	v8 =	vld [tilespmem:s21+$0x0]  }
0x28f: {  	v4 =	vadd.f32 v5, v4;
	v5 =	vmul.f32 v6, v0  }
0x290: {  	v6 =	vld [tilespmem:s21+$0x80]  }
0x291: {  	v4 =	vadd.f32 v5, v4;
	v5 =	vmul.f32 v7, v1  }
0x292: {  	v7 =	vld [tilespmem:s21+$0x100]  }
0x293: {  	v4 =	vadd.f32 v5, v4;
	v5 =	vmul.f32 v8, v3  }
0x294: {  	v8 =	vld [tilespmem:s21+$0x180]  }
0x295: {  	v4 =	vadd.f32 v5, v4;
	v5 =	vmul.f32 v6, v2;
	_ =	sdelay $0x1  }
0x296: {  	v4 =	vadd.f32 v5, v4;
	v5 =	vmul.f32 v7, v0;
	_ =	sdelay $0x1  }
0x297: {  	v4 =	vadd.f32 v5, v4;
	v5 =	vmul.f32 v8, v1;
	_ =	sdelay $0x1  }
.Ltmp14:
0x298: {  	v4 =	vadd.f32 v5, v4;
	(pc) =	sbr.rel @p0 .LBB2_31-.Ltmp14, $4  }
0x299: {  	s5 =	sshra.s32 s0, $0x2;
	s0 =	smov.u32 s17  }
0x29a: {  	s21 =	sadd.s32 $0x400, s21;
	[tilespmem:s5+$0x8B60] =	vst v4  }
0x29b: {  	v4 =	vld [tilespmem:s21+$0xFFFFFE00]  }
0x29c: {  	s17 =	sadd.s32 $0x200, s17;
	v5 =	vld [tilespmem:s21+$0xFFFFFE80]  }
0x29d: {  	_ = 	snop  }
0x29e: {  	v6 =	vld [tilespmem:s21+$0xFFFFFF00];
	_ =	sdelay $0x1  }
0x29f: {  	v7 =	vld [tilespmem:s21+$0xFFFFFF80]  }
0x2a0: {  	v4 =	vmul.f32 v4, v3;
	v5 =	vmul.f32 v5, v2  }
0x2a1: {  	v8 =	vld [tilespmem:s21+$0x0]  }
0x2a2: {  	v4 =	vadd.f32 v5, v4;
	v5 =	vmul.f32 v6, v0  }
0x2a3: {  	v6 =	vld [tilespmem:s21+$0x80]  }
0x2a4: {  	v4 =	vadd.f32 v5, v4;
	v5 =	vmul.f32 v7, v1  }
0x2a5: {  	v7 =	vld [tilespmem:s21+$0x100]  }
0x2a6: {  	v3 =	vmul.f32 v8, v3;
	v4 =	vadd.f32 v5, v4  }
0x2a7: {  	v5 =	vld [tilespmem:s21+$0x180]  }
0x2a8: {  	v2 =	vmul.f32 v6, v2;
	v3 =	vadd.f32 v3, v4;
	_ =	sdelay $0x1  }
0x2a9: {  	v0 =	vmul.f32 v7, v0;
	v2 =	vadd.f32 v2, v3;
	_ =	sdelay $0x1  }
0x2aa: {  	v1 =	vmul.f32 v5, v1;
	v0 =	vadd.f32 v0, v2;
	_ =	sdelay $0x1  }
0x2ab: {  	v0 =	vadd.f32 v1, v0  }
0x2ac: {  	s0 =	sshra.s32 s0, $0x2  }
0x2ad: {  	[tilespmem:s0+$0x8B60] =	vst v0  }
0x2ae: {  	v3 =	vld [tilespmem:$0x70]  }
0x2af: {  	v2 =	vld [tilespmem:$0xF0]  }
0x2b0: {  	v0 =	vld [tilespmem:$0x170]  }
0x2b1: {  	s21 =	simm.s32 $0x4570;
	v1 =	vld [tilespmem:$0x1F0]  }
0x2b2: {  	v4 =	vld [tilespmem:s21+$0xFFFFFE00]  }
0x2b3: {  	s17 =	simm.s32 $0x200;
	s0 =	simm.s32 $0x0;
	v5 =	vld [tilespmem:s21+$0xFFFFFE80]  }
.LBB2_33:
0x2b4: {  	p0 =	sne.s32 s17, $0x1E00  }
0x2b5: {  	v6 =	vld [tilespmem:s21+$0xFFFFFF00];
	_ =	sdelay $0x1  }
0x2b6: {  	v7 =	vld [tilespmem:s21+$0xFFFFFF80]  }
0x2b7: {  	v4 =	vmul.f32 v4, v3;
	v5 =	vmul.f32 v5, v2  }
0x2b8: {  	v8 =	vld [tilespmem:s21+$0x0]  }
0x2b9: {  	v4 =	vadd.f32 v5, v4;
	v5 =	vmul.f32 v6, v0  }
0x2ba: {  	v6 =	vld [tilespmem:s21+$0x80]  }
0x2bb: {  	v4 =	vadd.f32 v5, v4;
	v5 =	vmul.f32 v7, v1  }
0x2bc: {  	v7 =	vld [tilespmem:s21+$0x100]  }
0x2bd: {  	v4 =	vadd.f32 v5, v4;
	v5 =	vmul.f32 v8, v3  }
0x2be: {  	v8 =	vld [tilespmem:s21+$0x180]  }
0x2bf: {  	v4 =	vadd.f32 v5, v4;
	v5 =	vmul.f32 v6, v2;
	_ =	sdelay $0x1  }
0x2c0: {  	v4 =	vadd.f32 v5, v4;
	v5 =	vmul.f32 v7, v0;
	_ =	sdelay $0x1  }
0x2c1: {  	v4 =	vadd.f32 v5, v4;
	v5 =	vmul.f32 v8, v1;
	_ =	sdelay $0x1  }
.Ltmp15:
0x2c2: {  	v4 =	vadd.f32 v5, v4;
	(pc) =	sbr.rel @p0 .LBB2_33-.Ltmp15, $4  }
0x2c3: {  	s5 =	sshra.s32 s0, $0x2;
	s0 =	smov.u32 s17  }
0x2c4: {  	s21 =	sadd.s32 $0x400, s21;
	[tilespmem:s5+$0x8B70] =	vst v4  }
0x2c5: {  	v4 =	vld [tilespmem:s21+$0xFFFFFE00]  }
0x2c6: {  	s17 =	sadd.s32 $0x200, s17;
	v5 =	vld [tilespmem:s21+$0xFFFFFE80]  }
0x2c7: {  	_ = 	snop  }
0x2c8: {  	v6 =	vld [tilespmem:s21+$0xFFFFFF00];
	_ =	sdelay $0x1  }
0x2c9: {  	v7 =	vld [tilespmem:s21+$0xFFFFFF80]  }
0x2ca: {  	v4 =	vmul.f32 v4, v3;
	v5 =	vmul.f32 v5, v2  }
0x2cb: {  	v8 =	vld [tilespmem:s21+$0x0]  }
0x2cc: {  	v55 =	vmul.f32 v6, v0;
	v4 =	vadd.f32 v5, v4  }
0x2cd: {  	v56 =	vld [tilespmem:s21+$0x80]  }
0x2ce: {  	v57 =	vmul.f32 v7, v1;
	v4 =	vadd.f32 v55, v4  }
0x2cf: {  	v58 =	vld [tilespmem:s21+$0x100]  }
0x2d0: {  	v59 =	vmul.f32 v8, v3;
	v4 =	vadd.f32 v57, v4  }
0x2d1: {  	v60 =	vld [tilespmem:s21+$0x180]  }
0x2d2: {  	v61 =	vmul.f32 v56, v2;
	v3 =	vadd.f32 v59, v4;
	_ =	sdelay $0x1  }
0x2d3: {  	v62 =	vmul.f32 v58, v0;
	v2 =	vadd.f32 v61, v3  }
0x2d4: {  	s31 =	sadd.s32 $0x1, s31  }
0x2d5: {  	p0 =	sne.s32 s31, s7;
	v63 =	vmul.f32 v60, v1;
	v0 =	vadd.f32 v62, v2  }
.Ltmp16:
0x2d6: {  	_ = 	snop;
	(pc) =	sbr.rel @p0 .LBB2_2-.Ltmp16, $4  }
0x2d7: {  	s2 =	sadd.s32 s2, s14;
	v0 =	vadd.f32 v63, v0  }
0x2d8: {  	s0 =	sshra.s32 s0, $0x2;
	s2 =	sshrl.u32 s2, $0x3  }
0x2d9: {  	s21 =	sadd.s32 s6, s2;
	[tilespmem:s0+$0x8B70] =	vst v0  }
0x2da: {  	[hbm4b:s21+s4] =	stream.linear.scatter [tilespmem:s28], [sflag:$0x5], $0x800, $0x38;
	[tilespmem:$0x9300] =	vst v63  }
0x2db: {  	s30 =	sadd.s32 $0x1, s30  }
0x2dc: {  	_ =	swait.ge [sflag:s29], $0x800;
	p0 =	sne.s32 s30, s15  }
.Ltmp17:
0x2dd: {  	[sflag:s29] =	ssyncset.done $0x0;
	(pc) =	sbr.rel @p0 .LBB2_1-.Ltmp17, $4  }
0x2de: {  	[sflag:s29] =	ssyncadd.s32 $0xFFFFF800  }
0x2df: {  	_ =	swait.ge [sflag:s29], $0x800  }
0x2e0: {  	[sflag:s29] =	ssyncset.done $0x0  }
0x2e1: {  	[sflag:s29] =	ssyncadd.s32 $0xFFFFF800  }
0x2e2: {  	_ =	sfence.sel $0x180000  }
0x2e3: {  	[bflag:$0x0] =	sbarrier.arrive $0xFFFF  }
0x2e4: {  	_ =	strace $0x90000047  }
0x2e5: {  	s0 =	stileid.u32;
	[bflag:$0x2] =	sbarrier.arrive $0xFFFF  }
0x2e6: {  	p0 =	sne.s32 s0, $0x0;
	s0 =	rddreg [dreg:$0x3]  }
0x2e7: {  	s0 =	sadd.s32 @!p0 $0x100000, s0  }
0x2e8: {  	[sflag:s0] =	ssyncadd.tile.s32 @!p0 $0x1;
	_ =	shalt  }
.Lfunc_end2:
_tile_overlayer_lowered:
.L_overlay_start_2:
0x2e9: {  	(tag) =	ssettag $0x2  }
0x2ea: {  	s0 =	rddreg [dreg:$0x0];
	s2 =	stileid.u32  }
0x2eb: {  	s1 =	rddreg [dreg:$0x1];
	p0 =	sne.s32 s2, $0x0  }
0x2ec: {  	s3 =	rddreg [dreg:$0x2];
	[bflag:$0x3] =	sbarrier.arrive $0xFFFF;
	s2 =	simm.s32 @!p0 $0x1C06  }
0x2ed: {  	[timem:s3], [sflag:s2] =	dma.local @!p0 [hbm:s0], s1  }
0x2ee: {  	s0 =	simm.s32 @!p0 $0x6  }
0x2ef: {  	_ =	swait.ge @!p0 [sflag:s0], s1  }
0x2f0: {  	s1 =	ssub.s32 @!p0 $0x0, s1;
	[sflag:s0] =	ssyncset.done @!p0 $0x0  }
0x2f1: {  	[sflag:s0] =	ssyncadd.s32 @!p0 s1  }
0x2f2: {  	[bflag:$0x3] =	sbarrier.arrive $0xFFFF  }
0x2f3: {  	_ =	shalt  }

</sc_bundles>
